<compile_context>
chip_gen: v7x
topology: tpu7x:2x2x1
jax: 0.10.2.dev20260603
libtpu: 0.0.44.dev20260713+nightly
codegen_flags: <defaults>
</compile_context>

<pallas_src>
import functools

import numpy as np

import jax
import jax.numpy as jnp
from jax import lax
from jax.experimental import pallas as pl
from jax.experimental.pallas import tpu as pltpu
from jax.experimental.pallas import tpu_sc as plsc

ROWS = 128
COLS = 32768
TOPK = 512
NLANES = 16
NV = COLS // NLANES
NUM_CORES = 2
NUM_SUBCORES = 16
NW = NUM_CORES * NUM_SUBCORES
ROWS_PER_W = ROWS // NW

SAMPLE_STRIDE = COLS // NLANES
SAMPLE_NV = NLANES
SAMPLE_RANK = 16

CBUF = COLS

_SIGN = np.uint32(0x80000000)
_M31 = np.int32(0x7FFFFFFF)


def _keys_u32(xv):
    b = plsc.bitcast(xv, jnp.int32)
    m = lax.shift_right_arithmetic(b, 31)
    s = lax.bitwise_xor(b, lax.bitwise_and(m, _M31))
    return lax.bitwise_xor(plsc.bitcast(s, jnp.uint32), _SIGN)


def _inv_key_f32(tvec_u32):
    s = plsc.bitcast(lax.bitwise_xor(tvec_u32, _SIGN), jnp.int32)
    m = lax.shift_right_arithmetic(s, 31)
    b = lax.bitwise_xor(s, lax.bitwise_and(m, _M31))
    return plsc.bitcast(b, jnp.float32)


def _splat(t):
    return jnp.broadcast_to(t, (NLANES,))


def _count_ge_sample(ref, t, active):
    tv = _splat(t)
    n = jnp.where(active, SAMPLE_NV, 0)

    def body(i, a):
        ku = _keys_u32(ref[pl.ds(i * SAMPLE_STRIDE, NLANES)])
        return a + plsc.all_reduce_population_count(ku >= tv)

    acc = plsc.parallel_loop(0, n, carry=jnp.zeros((NLANES,), jnp.int32))(
        body)
    return jnp.max(acc)


def _count_ge4(ref, n4, t, transform):
    tv = _splat(t)
    zero = jnp.zeros((NLANES,), jnp.int32)

    def body(q, accs):
        a0, a1 = accs
        base = q * (4 * NLANES)
        for j in range(4):
            v = ref[pl.ds(base + j * NLANES, NLANES)]
            ku = _keys_u32(v) if transform else plsc.bitcast(v, jnp.uint32)
            p = plsc.all_reduce_population_count(ku >= tv)
            if j % 2 == 0:
                a0 = a0 + p
            else:
                a1 = a1 + p
        return a0, a1

    a0, a1 = plsc.parallel_loop(0, n4, carry=(zero, zero))(body)
    return jnp.max(a0 + a1)


def _bisect(count_fn, k, lo0=None, hi0=None):
    if lo0 is None:
        lo0 = jnp.uint32(0)
    if hi0 is None:
        hi0 = jnp.uint32(0xFFFFFFFF)

    def body(_, st):
        lo, hi, done, t = st
        active = jnp.logical_and(lo < hi, jnp.logical_not(done))
        d = hi - lo
        mid = lo + lax.shift_right_logical(d, jnp.uint32(1)) + (
            d & jnp.uint32(1))
        c = count_fn(mid, active)
        eq = jnp.logical_and(active, c == k)
        ge = c >= k
        lo2 = jnp.where(active, jnp.where(ge, mid, lo), lo)
        hi2 = jnp.where(active, jnp.where(ge, hi, mid - jnp.uint32(1)), hi)
        return lo2, hi2, jnp.logical_or(done, eq), jnp.where(eq, mid, t)

    lo, _, done, t = lax.fori_loop(
        0, 32, body, (lo0, hi0, False, lo0))
    return jnp.where(done, t, lo)


def _topk_body(z_hbm, delta_hbm, out_hbm, xa, xb, cbuf, dbuf,
               sin_a, sin_b, sout_a, sout_b):
    wid = lax.axis_index("c") * NUM_SUBCORES + lax.axis_index("s")
    row0 = wid * ROWS_PER_W
    pltpu.sync_copy(delta_hbm, dbuf)
    dv = dbuf[...]
    lane = lax.iota(jnp.int32, NLANES)

    bufs = (xa, xb)
    sins = (sin_a, sin_b)
    souts = (sout_a, sout_b)
    h_in = [None] * ROWS_PER_W
    h_out = [None] * ROWS_PER_W
    h_in[0] = pltpu.async_copy(z_hbm.at[row0], xa, sin_a)

    for r in range(ROWS_PER_W):
        cur = bufs[r % 2]
        h_in[r].wait()

        pivot = _bisect(functools.partial(_count_ge_sample, cur),
                        jnp.int32(SAMPLE_RANK))
        pivot_f = _inv_key_f32(_splat(pivot))

        def cbody(i, carry):
            ca, cb = carry
            xva = cur[pl.ds((2 * i) * NLANES, NLANES)]
            xvb = cur[pl.ds((2 * i + 1) * NLANES, NLANES)]
            ma = xva >= pivot_f
            mb = xvb >= pivot_f
            plsc.store_scatter(cbuf, [ca * (2 * NLANES) + lane], xva,
                               mask=ma)
            plsc.store_scatter(cbuf, [cb * (2 * NLANES) + NLANES + lane],
                               xvb, mask=mb)
            return (ca + lax.convert_element_type(ma, jnp.int32),
                    cb + lax.convert_element_type(mb, jnp.int32))

        zc = jnp.zeros((NLANES,), jnp.int32)
        cnt_a, cnt_b = plsc.parallel_loop(
            0, NV // 2, carry=(zc, zc))(cbody)

        if r + 1 < ROWS_PER_W:
            if r >= 1:
                h_out[r - 1].wait()
            h_in[r + 1] = pltpu.async_copy(
                z_hbm.at[row0 + r + 1], bufs[(r + 1) % 2], sins[(r + 1) % 2])

        n1 = jnp.sum(cnt_a) + jnp.sum(cnt_b)
        rmax = jnp.maximum(jnp.max(cnt_a), jnp.max(cnt_b))
        ok = n1 >= TOPK
        ng = lax.shift_right_logical(rmax + 1, 1)

        def cand_path():
            def tbody(g, kmax):
                for j in range(4):
                    cvec = cnt_a if j % 2 == 0 else cnt_b
                    c = 2 * g + j // 2
                    s = pl.ds((4 * g + j) * NLANES, NLANES)
                    ku = _keys_u32(cbuf[s])
                    valid = cvec > _splat(c)
                    kz = jnp.where(valid, ku, jnp.uint32(0))
                    cbuf[s] = plsc.bitcast(kz, jnp.float32)
                    kmax = jnp.maximum(kmax, kz)
                return kmax

            kmax = plsc.parallel_loop(
                0, ng, carry=jnp.zeros((NLANES,), jnp.uint32))(tbody)
            return _bisect(
                lambda t, a: _count_ge4(
                    cbuf, jnp.where(a, ng, 0), t, False),
                jnp.int32(TOPK), lo0=pivot, hi0=jnp.max(kmax))

        def full_path():
            return _bisect(
                lambda t, a: _count_ge4(
                    cur, jnp.where(a, NV // 4, 0), t, True),
                jnp.int32(TOPK))

        thr = lax.cond(ok, cand_path, full_path)
        tf = _inv_key_f32(_splat(thr))

        def mbody(i):
            s = pl.ds(i * NLANES, NLANES)
            xv = cur[s]
            cur[s] = jnp.where(xv >= tf, xv + dv, dv)

        plsc.parallel_loop(0, NV, unroll=4)(mbody)
        h_out[r] = pltpu.async_copy(cur, out_hbm.at[row0 + r],
                                    souts[r % 2])

    h_out[ROWS_PER_W - 2].wait()
    h_out[ROWS_PER_W - 1].wait()


_topk_sc = functools.partial(
    pl.kernel,
    out_type=jax.ShapeDtypeStruct((ROWS, COLS), jnp.float32),
    mesh=plsc.VectorSubcoreMesh(core_axis_name="c", subcore_axis_name="s"),
    scratch_types=[
        pltpu.VMEM((COLS,), jnp.float32),
        pltpu.VMEM((COLS,), jnp.float32),
        pltpu.VMEM((CBUF,), jnp.float32),
        pltpu.VMEM((NLANES,), jnp.float32),
        pltpu.SemaphoreType.DMA,
        pltpu.SemaphoreType.DMA,
        pltpu.SemaphoreType.DMA,
        pltpu.SemaphoreType.DMA,
    ],
    compiler_params=pltpu.CompilerParams(needs_layout_passes=False),
)(_topk_body)


def kernel(z, k):
    delta = (jnp.asarray(k) - TOPK).astype(jnp.float32)
    dvec = jnp.broadcast_to(delta, (NLANES,))
    return _topk_sc(z, dvec)

# --- scband reference (transcript-rebuilt; emitter-appended) ---
"""Pipeline reference for scband-top-kactivation-26551487824726 (READ-ONLY COPY).

The authoritative reference and input builder live on the scoring server;
editing this copy changes nothing except your own understanding.
"""

import jax, jax.numpy as jnp
import numpy as np

K = 512

def setup_inputs(seed: int = 0) -> dict:
    key = jax.random.key(seed)
    z = jax.random.normal(key, (128, 32768), dtype=jnp.float32)
    return {"z": z, "k": K}

def reference(z, k):
    # top-k along last dim
    topk_values, topk_indices = jax.lax.top_k(z, K)
    # scatter top-k values back into a zero tensor of the same shape
    batch_idx = jnp.arange(z.shape[0])[:, None]
    output = jnp.zeros_like(z).at[batch_idx, topk_indices].set(topk_values)
    return output + (jnp.asarray(k) - K).astype(z.dtype)

if __name__ == "__main__":
    import jax
    _d = setup_inputs()
    print(jax.jit(kernel)(*tuple(_d.values())))

</pallas_src>

<mosaic_0001>
#map = affine_map<(d0, d1) -> (0, 0)>
#map1 = affine_map<(d0, d1) -> (0)>
module attributes {stable_mosaic.version = 14 : i64} {
  func.func @_topk_body(%arg0: i32, %arg1: i32, %arg2: memref<128x32768xf32, #tpu.memory_space<hbm>>, %arg3: memref<16xf32, #tpu.memory_space<hbm>>, %arg4: memref<128x32768xf32, #tpu.memory_space<hbm>>, %arg5: memref<32768xf32, #tpu.memory_space<vmem>>, %arg6: memref<32768xf32, #tpu.memory_space<vmem>>, %arg7: memref<32768xf32, #tpu.memory_space<vmem>>, %arg8: memref<16xf32, #tpu.memory_space<vmem>>, %arg9: memref<!tpu.dma_semaphore, #tpu.memory_space<semaphore_mem>>, %arg10: memref<!tpu.dma_semaphore, #tpu.memory_space<semaphore_mem>>, %arg11: memref<!tpu.dma_semaphore, #tpu.memory_space<semaphore_mem>>, %arg12: memref<!tpu.dma_semaphore, #tpu.memory_space<semaphore_mem>>) attributes {dimension_semantics = [#tpu.dimension_semantics<core_parallel>, #tpu.dimension_semantics<subcore_parallel>], iteration_bounds = array<i64: 2, 16>, scalar_prefetch = 0 : i64, scratch_operands = 8 : i64, tpu.core_type = #tpu.core_type<sc_vector_subcore>, window_params = [{transform_indices = #map}, {transform_indices = #map1}, {transform_indices = #map}]} {
    %mul3A = arith.constant 16 : i32
    %mul3A_0 = arith.muli %arg0, %mul3A : i32
    %add3A = arith.addi %mul3A_0, %arg1 : i32
    %mul3A_1 = arith.constant 4 : i32
    %mul3A_2 = arith.muli %add3A, %mul3A_1 : i32
    "tpu.region"() ({
      %run_scoped3A = tpu.sem_alloc : memref<!tpu.dma_semaphore, #tpu.memory_space<semaphore_mem>>
      tpu.enqueue_dma source(%arg3 : memref<16xf32, #tpu.memory_space<hbm>>) target(%arg8 : memref<16xf32, #tpu.memory_space<vmem>>) target_semaphore(%run_scoped3A : memref<!tpu.dma_semaphore, #tpu.memory_space<semaphore_mem>>)
      tpu.wait_dma2 semaphore(%run_scoped3A : memref<!tpu.dma_semaphore, #tpu.memory_space<semaphore_mem>>) src(%arg3 : memref<16xf32, #tpu.memory_space<hbm>>) dst(%arg8 : memref<16xf32, #tpu.memory_space<vmem>>)
      tpu.yield
    }) : () -> ()
    %get3A = arith.constant 0 : index
    %get3A_3 = tpu.vector_load %arg8[%get3A] {strides = array<i32>} : memref<16xf32, #tpu.memory_space<vmem>>, vector<16xf32>,
    %iota3A = tpu.iota {dimensions = array<i32: 0>} : vector<16xi32>
    %dma_start3A = arith.constant 0 : i32
    %dma_start3A_4 = tpu.memref_slice %arg2[%mul3A_2, %dma_start3A] : memref<128x32768xf32, #tpu.memory_space<hbm>> -> memref<1x32768xf32, #tpu.memory_space<hbm>>
    %dma_start3A_5 = tpu.memref_squeeze %dma_start3A_4 : memref<1x32768xf32, #tpu.memory_space<hbm>> -> memref<32768xf32, #tpu.memory_space<hbm>>
    %dma_start3A_6 = arith.constant 0 : i32
    %dma_start3A_7 = tpu.memref_slice %arg2[%mul3A_2, %dma_start3A_6] : memref<128x32768xf32, #tpu.memory_space<hbm>> -> memref<1x32768xf32, #tpu.memory_space<hbm>>
    %dma_start3A_8 = tpu.memref_squeeze %dma_start3A_7 : memref<1x32768xf32, #tpu.memory_space<hbm>> -> memref<32768xf32, #tpu.memory_space<hbm>>
    tpu.enqueue_dma source(%dma_start3A_8 : memref<32768xf32, #tpu.memory_space<hbm>>) target(%arg5 : memref<32768xf32, #tpu.memory_space<vmem>>) target_semaphore(%arg9 : memref<!tpu.dma_semaphore, #tpu.memory_space<semaphore_mem>>)
    %dma_wait3A = arith.constant 0 : i32
    %dma_wait3A_9 = tpu.memref_slice %arg2[%mul3A_2, %dma_wait3A] : memref<128x32768xf32, #tpu.memory_space<hbm>> -> memref<1x32768xf32, #tpu.memory_space<hbm>>
    %dma_wait3A_10 = tpu.memref_squeeze %dma_wait3A_9 : memref<1x32768xf32, #tpu.memory_space<hbm>> -> memref<32768xf32, #tpu.memory_space<hbm>>
    %dma_wait3A_11 = arith.constant 0 : i32
    %dma_wait3A_12 = tpu.memref_slice %arg2[%mul3A_2, %dma_wait3A_11] : memref<128x32768xf32, #tpu.memory_space<hbm>> -> memref<1x32768xf32, #tpu.memory_space<hbm>>
    %dma_wait3A_13 = tpu.memref_squeeze %dma_wait3A_12 : memref<1x32768xf32, #tpu.memory_space<hbm>> -> memref<32768xf32, #tpu.memory_space<hbm>>
    tpu.wait_dma2 semaphore(%arg9 : memref<!tpu.dma_semaphore, #tpu.memory_space<semaphore_mem>>) src(%dma_wait3A_13 : memref<32768xf32, #tpu.memory_space<hbm>>) dst(%arg5 : memref<32768xf32, #tpu.memory_space<vmem>>)
    %scan3A = arith.constant 16 : i32
    %scan3A_14 = arith.constant 0 : i32
    %scan3A_15 = arith.constant -1 : i32
    %scan3A_16 = arith.constant false
    %scan3A_17 = arith.constant 0 : i32
    %scan3A_18 = arith.constant 0 : i32
    %scan3A_19 = arith.constant 32 : i32
    %scan3A_20 = arith.addi %scan3A_18, %scan3A_19 : i32
    %scan3A_21 = arith.constant 1 : i32
    %scan3A_22:4 = scf.for %scan3A_435 = %scan3A_18 to %scan3A_20 step %scan3A_21 iter_args(%scan3A_436 = %scan3A_14, %scan3A_437 = %scan3A_15, %scan3A_438 = %scan3A_16, %scan3A_439 = %scan3A_17) -> (i32, i32, i1, i32)  : i32 {
      %lt3A = arith.cmpi ult, %scan3A_436, %scan3A_437 : i32
      %not3A = arith.constant true
      %not3A_440 = arith.xori %scan3A_438, %not3A : i1
      %and3A_441 = arith.andi %lt3A, %not3A_440 : i1
      %sub3A = arith.subi %scan3A_437, %scan3A_436 : i32
      %shift_right_logical3A_442 = arith.constant 1 : i32
      %shift_right_logical3A_443 = arith.shrui %sub3A, %shift_right_logical3A_442 : i32
      %add3A_444 = arith.addi %scan3A_436, %shift_right_logical3A_443 : i32
      %and3A_445 = arith.constant 1 : i32
      %and3A_446 = arith.andi %sub3A, %and3A_445 : i32
      %add3A_447 = arith.addi %add3A_444, %and3A_446 : i32
      %broadcast_in_dim3A_448 = vector.broadcast %add3A_447 : i32 to vector<16xi32>
      %jit3A = arith.constant 16 : i32
      %jit3A_449 = arith.constant 0 : i32
      %select_n3A_450 = arith.select %and3A_441, %jit3A, %jit3A_449 : i32
      %broadcast_in_dim3A_451 = arith.constant 0 : i32
      %broadcast_in_dim3A_452 = vector.broadcast %broadcast_in_dim3A_451 : i32 to vector<16xi32>
      %parallel_loop3A_453 = arith.constant 0 : i32
      %parallel_loop3A_454 = arith.constant 1 : i32
      %parallel_loop3A_455 = scf.for %parallel_loop3A_473 = %parallel_loop3A_453 to %select_n3A_450 step %parallel_loop3A_454 iter_args(%parallel_loop3A_474 = %broadcast_in_dim3A_452) -> (vector<16xi32>)  : i32 {
        %parallel_loop3A_475 = arith.constant 2048 : i32
        %parallel_loop3A_476 = arith.muli %parallel_loop3A_473, %parallel_loop3A_475 : i32
        %parallel_loop3A_477 = arith.index_cast %parallel_loop3A_476 : i32 to index
        %parallel_loop3A_478 = tpu.vector_load %arg5[%parallel_loop3A_477] {strides = array<i32>} : memref<32768xf32, #tpu.memory_space<vmem>>, vector<16xf32>,
        %parallel_loop3A_479 = vector.bitcast %parallel_loop3A_478 : vector<16xf32> to vector<16xi32>
        %parallel_loop3A_480 = arith.constant 31 : i32
        %parallel_loop3A_481 = vector.broadcast %parallel_loop3A_480 : i32 to vector<16xi32>
        %parallel_loop3A_482 = arith.shrsi %parallel_loop3A_479, %parallel_loop3A_481 : vector<16xi32>
        %parallel_loop3A_483 = arith.constant 2147483647 : i32
        %parallel_loop3A_484 = vector.broadcast %parallel_loop3A_483 : i32 to vector<16xi32>
        %parallel_loop3A_485 = arith.andi %parallel_loop3A_482, %parallel_loop3A_484 : vector<16xi32>
        %parallel_loop3A_486 = arith.xori %parallel_loop3A_479, %parallel_loop3A_485 : vector<16xi32>
        %parallel_loop3A_487 = vector.bitcast %parallel_loop3A_486 : vector<16xi32> to vector<16xi32>
        %parallel_loop3A_488 = arith.constant -2147483648 : i32
        %parallel_loop3A_489 = vector.broadcast %parallel_loop3A_488 : i32 to vector<16xi32>
        %parallel_loop3A_490 = arith.xori %parallel_loop3A_487, %parallel_loop3A_489 : vector<16xi32>
        %parallel_loop3A_491 = arith.cmpi uge, %parallel_loop3A_490, %broadcast_in_dim3A_448 : vector<16xi32>
        %parallel_loop3A_492 = tpu.all_reduce %parallel_loop3A_491 {dim = 0 : i64, kind = #tpu.reduction_kind<sum>} : vector<16xi1> -> vector<16xi32>
        %parallel_loop3A_493 = arith.addi %parallel_loop3A_474, %parallel_loop3A_492 : vector<16xi32>
        scf.yield %parallel_loop3A_493 : vector<16xi32>
      } {sc.loop_unroll_factor = 1 : i64, sc.parallel_access}
      %reduce_max3A_456 = arith.constant true
      %reduce_max3A_457 = vector.broadcast %reduce_max3A_456 : i1 to vector<16xi1>
      %reduce_max3A_458 = arith.constant -2147483648 : i32
      %reduce_max3A_459 = vector.broadcast %reduce_max3A_458 : i32 to vector<16xi32>
      %reduce_max3A_460 = arith.xori %parallel_loop3A_455, %reduce_max3A_459 : vector<16xi32>
      %reduce_max3A_461 = tpu.scan <max>, %reduce_max3A_460 masked %reduce_max3A_457 : vector<16xi32>, vector<16xi1> -> vector<16xi32>
      %reduce_max3A_462 = arith.xori %reduce_max3A_461, %reduce_max3A_459 : vector<16xi32>
      %reduce_max3A_463 = vector.extract %reduce_max3A_462[15] : i32 from vector<16xi32>
      %eq3A = arith.cmpi eq, %reduce_max3A_463, %scan3A : i32
      %and3A_464 = arith.andi %and3A_441, %eq3A : i1
      %ge3A_465 = arith.cmpi sge, %reduce_max3A_463, %scan3A : i32
      %select_n3A_466 = arith.select %ge3A_465, %add3A_447, %scan3A_436 : i32
      %select_n3A_467 = arith.select %and3A_441, %select_n3A_466, %scan3A_436 : i32
      %sub3A_468 = arith.constant 1 : i32
      %sub3A_469 = arith.subi %add3A_447, %sub3A_468 : i32
      %select_n3A_470 = arith.select %ge3A_465, %scan3A_437, %sub3A_469 : i32
      %select_n3A_471 = arith.select %and3A_441, %select_n3A_470, %scan3A_437 : i32
      %or3A = arith.ori %scan3A_438, %and3A_464 : i1
      %select_n3A_472 = arith.select %and3A_464, %add3A_447, %scan3A_439 : i32
      scf.yield %select_n3A_467, %select_n3A_471, %or3A, %select_n3A_472 : i32, i32, i1, i32
    }
    %scan3A_23 = arith.constant 32 : i32
    %select_n3A = arith.select %scan3A_22#2, %scan3A_22#3, %scan3A_22#0 : i32
    %broadcast_in_dim3A = vector.broadcast %select_n3A : i32 to vector<16xi32>
    %xor3A = arith.constant -2147483648 : i32
    %xor3A_24 = vector.broadcast %xor3A : i32 to vector<16xi32>
    %xor3A_25 = arith.xori %broadcast_in_dim3A, %xor3A_24 : vector<16xi32>
    %bitcast3A = vector.bitcast %xor3A_25 : vector<16xi32> to vector<16xi32>
    %shift_right_arithmetic3A = arith.constant 31 : i32
    %shift_right_arithmetic3A_26 = vector.broadcast %shift_right_arithmetic3A : i32 to vector<16xi32>
    %shift_right_arithmetic3A_27 = arith.shrsi %bitcast3A, %shift_right_arithmetic3A_26 : vector<16xi32>
    %and3A = arith.constant 2147483647 : i32
    %and3A_28 = vector.broadcast %and3A : i32 to vector<16xi32>
    %and3A_29 = arith.andi %shift_right_arithmetic3A_27, %and3A_28 : vector<16xi32>
    %xor3A_30 = arith.xori %bitcast3A, %and3A_29 : vector<16xi32>
    %bitcast3A_31 = vector.bitcast %xor3A_30 : vector<16xi32> to vector<16xf32>
    %broadcast_in_dim3A_32 = arith.constant 0 : i32
    %broadcast_in_dim3A_33 = vector.broadcast %broadcast_in_dim3A_32 : i32 to vector<16xi32>
    %parallel_loop3A = arith.constant 0 : i32
    %parallel_loop3A_34 = arith.constant 1024 : i32
    %parallel_loop3A_35 = arith.constant 1 : i32
    %parallel_loop3A_36:2 = scf.for %parallel_loop3A_435 = %parallel_loop3A to %parallel_loop3A_34 step %parallel_loop3A_35 iter_args(%parallel_loop3A_436 = %broadcast_in_dim3A_33, %parallel_loop3A_437 = %broadcast_in_dim3A_33) -> (vector<16xi32>, vector<16xi32>)  : i32 {
      %parallel_loop3A_438 = arith.constant 2 : i32
      %parallel_loop3A_439 = arith.muli %parallel_loop3A_438, %parallel_loop3A_435 : i32
      %parallel_loop3A_440 = arith.constant 16 : i32
      %parallel_loop3A_441 = arith.muli %parallel_loop3A_439, %parallel_loop3A_440 : i32
      %parallel_loop3A_442 = arith.index_cast %parallel_loop3A_441 : i32 to index
      %parallel_loop3A_443 = tpu.vector_load %arg5[%parallel_loop3A_442] {strides = array<i32>} : memref<32768xf32, #tpu.memory_space<vmem>>, vector<16xf32>,
      %parallel_loop3A_444 = arith.constant 2 : i32
      %parallel_loop3A_445 = arith.muli %parallel_loop3A_444, %parallel_loop3A_435 : i32
      %parallel_loop3A_446 = arith.constant 1 : i32
      %parallel_loop3A_447 = arith.addi %parallel_loop3A_445, %parallel_loop3A_446 : i32
      %parallel_loop3A_448 = arith.constant 16 : i32
      %parallel_loop3A_449 = arith.muli %parallel_loop3A_447, %parallel_loop3A_448 : i32
      %parallel_loop3A_450 = arith.index_cast %parallel_loop3A_449 : i32 to index
      %parallel_loop3A_451 = tpu.vector_load %arg5[%parallel_loop3A_450] {strides = array<i32>} : memref<32768xf32, #tpu.memory_space<vmem>>, vector<16xf32>,
      %parallel_loop3A_452 = arith.cmpf oge, %parallel_loop3A_443, %bitcast3A_31 : vector<16xf32>
      %parallel_loop3A_453 = arith.cmpf oge, %parallel_loop3A_451, %bitcast3A_31 : vector<16xf32>
      %parallel_loop3A_454 = arith.constant 32 : i32
      %parallel_loop3A_455 = vector.broadcast %parallel_loop3A_454 : i32 to vector<16xi32>
      %parallel_loop3A_456 = arith.muli %parallel_loop3A_436, %parallel_loop3A_455 : vector<16xi32>
      %parallel_loop3A_457 = arith.addi %parallel_loop3A_456, %iota3A : vector<16xi32>
      tpu.vector_store_idx %arg7[%parallel_loop3A_457], %parallel_loop3A_443 masked %parallel_loop3A_452 : memref<32768xf32, #tpu.memory_space<vmem>>[vector<16xi32>], vector<16xf32>, vector<16xi1>
      %parallel_loop3A_458 = arith.constant 32 : i32
      %parallel_loop3A_459 = vector.broadcast %parallel_loop3A_458 : i32 to vector<16xi32>
      %parallel_loop3A_460 = arith.muli %parallel_loop3A_437, %parallel_loop3A_459 : vector<16xi32>
      %parallel_loop3A_461 = arith.constant 16 : i32
      %parallel_loop3A_462 = vector.broadcast %parallel_loop3A_461 : i32 to vector<16xi32>
      %parallel_loop3A_463 = arith.addi %parallel_loop3A_460, %parallel_loop3A_462 : vector<16xi32>
      %parallel_loop3A_464 = arith.addi %parallel_loop3A_463, %iota3A : vector<16xi32>
      tpu.vector_store_idx %arg7[%parallel_loop3A_464], %parallel_loop3A_451 masked %parallel_loop3A_453 : memref<32768xf32, #tpu.memory_space<vmem>>[vector<16xi32>], vector<16xf32>, vector<16xi1>
      %parallel_loop3A_465 = arith.extui %parallel_loop3A_452 : vector<16xi1> to vector<16xi32>
      %parallel_loop3A_466 = arith.addi %parallel_loop3A_436, %parallel_loop3A_465 : vector<16xi32>
      %parallel_loop3A_467 = arith.extui %parallel_loop3A_453 : vector<16xi1> to vector<16xi32>
      %parallel_loop3A_468 = arith.addi %parallel_loop3A_437, %parallel_loop3A_467 : vector<16xi32>
      scf.yield %parallel_loop3A_466, %parallel_loop3A_468 : vector<16xi32>, vector<16xi32>
    } {sc.loop_unroll_factor = 1 : i64, sc.parallel_access}
    %add3A_37 = arith.constant 0 : i32
    %add3A_38 = arith.addi %mul3A_2, %add3A_37 : i32
    %add3A_39 = arith.constant 1 : i32
    %add3A_40 = arith.addi %add3A_38, %add3A_39 : i32
    %dma_start3A_41 = arith.constant 0 : i32
    %dma_start3A_42 = tpu.memref_slice %arg2[%add3A_40, %dma_start3A_41] : memref<128x32768xf32, #tpu.memory_space<hbm>> -> memref<1x32768xf32, #tpu.memory_space<hbm>>
    %dma_start3A_43 = tpu.memref_squeeze %dma_start3A_42 : memref<1x32768xf32, #tpu.memory_space<hbm>> -> memref<32768xf32, #tpu.memory_space<hbm>>
    %dma_start3A_44 = arith.constant 0 : i32
    %dma_start3A_45 = tpu.memref_slice %arg2[%add3A_40, %dma_start3A_44] : memref<128x32768xf32, #tpu.memory_space<hbm>> -> memref<1x32768xf32, #tpu.memory_space<hbm>>
    %dma_start3A_46 = tpu.memref_squeeze %dma_start3A_45 : memref<1x32768xf32, #tpu.memory_space<hbm>> -> memref<32768xf32, #tpu.memory_space<hbm>>
    tpu.enqueue_dma source(%dma_start3A_46 : memref<32768xf32, #tpu.memory_space<hbm>>) target(%arg6 : memref<32768xf32, #tpu.memory_space<vmem>>) target_semaphore(%arg10 : memref<!tpu.dma_semaphore, #tpu.memory_space<semaphore_mem>>)
    %reduce_sum3A = arith.constant true
    %reduce_sum3A_47 = vector.broadcast %reduce_sum3A : i1 to vector<16xi1>
    %reduce_sum3A_48 = tpu.scan <sum>, %parallel_loop3A_36#0 masked %reduce_sum3A_47 : vector<16xi32>, vector<16xi1> -> vector<16xi32>
    %reduce_sum3A_49 = vector.extract %reduce_sum3A_48[15] : i32 from vector<16xi32>
    %reduce_sum3A_50 = arith.constant true
    %reduce_sum3A_51 = vector.broadcast %reduce_sum3A_50 : i1 to vector<16xi1>
    %reduce_sum3A_52 = tpu.scan <sum>, %parallel_loop3A_36#1 masked %reduce_sum3A_51 : vector<16xi32>, vector<16xi1> -> vector<16xi32>
    %reduce_sum3A_53 = vector.extract %reduce_sum3A_52[15] : i32 from vector<16xi32>
    %add3A_54 = arith.addi %reduce_sum3A_49, %reduce_sum3A_53 : i32
    %reduce_max3A = arith.constant true
    %reduce_max3A_55 = vector.broadcast %reduce_max3A : i1 to vector<16xi1>
    %reduce_max3A_56 = arith.constant -2147483648 : i32
    %reduce_max3A_57 = vector.broadcast %reduce_max3A_56 : i32 to vector<16xi32>
    %reduce_max3A_58 = arith.xori %parallel_loop3A_36#0, %reduce_max3A_57 : vector<16xi32>
    %reduce_max3A_59 = tpu.scan <max>, %reduce_max3A_58 masked %reduce_max3A_55 : vector<16xi32>, vector<16xi1> -> vector<16xi32>
    %reduce_max3A_60 = arith.xori %reduce_max3A_59, %reduce_max3A_57 : vector<16xi32>
    %reduce_max3A_61 = vector.extract %reduce_max3A_60[15] : i32 from vector<16xi32>
    %reduce_max3A_62 = arith.constant true
    %reduce_max3A_63 = vector.broadcast %reduce_max3A_62 : i1 to vector<16xi1>
    %reduce_max3A_64 = arith.constant -2147483648 : i32
    %reduce_max3A_65 = vector.broadcast %reduce_max3A_64 : i32 to vector<16xi32>
    %reduce_max3A_66 = arith.xori %parallel_loop3A_36#1, %reduce_max3A_65 : vector<16xi32>
    %reduce_max3A_67 = tpu.scan <max>, %reduce_max3A_66 masked %reduce_max3A_63 : vector<16xi32>, vector<16xi1> -> vector<16xi32>
    %reduce_max3A_68 = arith.xori %reduce_max3A_67, %reduce_max3A_65 : vector<16xi32>
    %reduce_max3A_69 = vector.extract %reduce_max3A_68[15] : i32 from vector<16xi32>
    %max3A = arith.maxsi %reduce_max3A_61, %reduce_max3A_69 : i32
    %ge3A = arith.constant 512 : i32
    %ge3A_70 = arith.cmpi sge, %add3A_54, %ge3A : i32
    %add3A_71 = arith.constant 1 : i32
    %add3A_72 = arith.addi %max3A, %add3A_71 : i32
    %shift_right_logical3A = arith.constant 1 : i32
    %shift_right_logical3A_73 = arith.shrui %add3A_72, %shift_right_logical3A : i32
    %convert_element_type3A = arith.extui %ge3A_70 : i1 to i32
    %cond3A = arith.constant 0 : i32
    %cond3A_74 = arith.cmpi ne, %convert_element_type3A, %cond3A : i32
    %cond3A_75 = scf.if %cond3A_74 -> (i32) {
      %broadcast_in_dim3A_435 = arith.constant 0 : i32
      %broadcast_in_dim3A_436 = vector.broadcast %broadcast_in_dim3A_435 : i32 to vector<16xi32>
      %parallel_loop3A_437 = arith.constant 0 : i32
      %parallel_loop3A_438 = arith.constant 1 : i32
      %parallel_loop3A_439 = scf.for %parallel_loop3A_453 = %parallel_loop3A_437 to %shift_right_logical3A_73 step %parallel_loop3A_438 iter_args(%parallel_loop3A_454 = %broadcast_in_dim3A_436) -> (vector<16xi32>)  : i32 {
        %parallel_loop3A_455 = arith.constant 2 : i32
        %parallel_loop3A_456 = arith.muli %parallel_loop3A_455, %parallel_loop3A_453 : i32
        %parallel_loop3A_457 = arith.constant 0 : i32
        %parallel_loop3A_458 = arith.addi %parallel_loop3A_456, %parallel_loop3A_457 : i32
        %parallel_loop3A_459 = arith.constant 4 : i32
        %parallel_loop3A_460 = arith.muli %parallel_loop3A_459, %parallel_loop3A_453 : i32
        %parallel_loop3A_461 = arith.constant 0 : i32
        %parallel_loop3A_462 = arith.addi %parallel_loop3A_460, %parallel_loop3A_461 : i32
        %parallel_loop3A_463 = arith.constant 16 : i32
        %parallel_loop3A_464 = arith.muli %parallel_loop3A_462, %parallel_loop3A_463 : i32
        %parallel_loop3A_465 = arith.index_cast %parallel_loop3A_464 : i32 to index
        %parallel_loop3A_466 = tpu.vector_load %arg7[%parallel_loop3A_465] {strides = array<i32>} : memref<32768xf32, #tpu.memory_space<vmem>>, vector<16xf32>,
        %parallel_loop3A_467 = vector.bitcast %parallel_loop3A_466 : vector<16xf32> to vector<16xi32>
        %parallel_loop3A_468 = arith.constant 31 : i32
        %parallel_loop3A_469 = vector.broadcast %parallel_loop3A_468 : i32 to vector<16xi32>
        %parallel_loop3A_470 = arith.shrsi %parallel_loop3A_467, %parallel_loop3A_469 : vector<16xi32>
        %parallel_loop3A_471 = arith.constant 2147483647 : i32
        %parallel_loop3A_472 = vector.broadcast %parallel_loop3A_471 : i32 to vector<16xi32>
        %parallel_loop3A_473 = arith.andi %parallel_loop3A_470, %parallel_loop3A_472 : vector<16xi32>
        %parallel_loop3A_474 = arith.xori %parallel_loop3A_467, %parallel_loop3A_473 : vector<16xi32>
        %parallel_loop3A_475 = vector.bitcast %parallel_loop3A_474 : vector<16xi32> to vector<16xi32>
        %parallel_loop3A_476 = arith.constant -2147483648 : i32
        %parallel_loop3A_477 = vector.broadcast %parallel_loop3A_476 : i32 to vector<16xi32>
        %parallel_loop3A_478 = arith.xori %parallel_loop3A_475, %parallel_loop3A_477 : vector<16xi32>
        %parallel_loop3A_479 = vector.broadcast %parallel_loop3A_458 : i32 to vector<16xi32>
        %parallel_loop3A_480 = arith.cmpi sgt, %parallel_loop3A_36#0, %parallel_loop3A_479 : vector<16xi32>
        %parallel_loop3A_481 = arith.constant 0 : i32
        %parallel_loop3A_482 = vector.broadcast %parallel_loop3A_481 : i32 to vector<16xi32>
        %parallel_loop3A_483 = arith.select %parallel_loop3A_480, %parallel_loop3A_478, %parallel_loop3A_482 : vector<16xi1>, vector<16xi32>
        %parallel_loop3A_484 = vector.bitcast %parallel_loop3A_483 : vector<16xi32> to vector<16xf32>
        %parallel_loop3A_485 = arith.index_cast %parallel_loop3A_464 : i32 to index
        %parallel_loop3A_486 = tpu.vector_load %arg7[%parallel_loop3A_485] {strides = array<i32>} : memref<32768xf32, #tpu.memory_space<vmem>>, vector<16xf32>,
        tpu.vector_store %arg7[%parallel_loop3A_485], %parallel_loop3A_484 {strides = array<i32>} : memref<32768xf32, #tpu.memory_space<vmem>>, vector<16xf32>,
        %parallel_loop3A_487 = arith.maxui %parallel_loop3A_454, %parallel_loop3A_483 : vector<16xi32>
        %parallel_loop3A_488 = arith.constant 2 : i32
        %parallel_loop3A_489 = arith.muli %parallel_loop3A_488, %parallel_loop3A_453 : i32
        %parallel_loop3A_490 = arith.constant 0 : i32
        %parallel_loop3A_491 = arith.addi %parallel_loop3A_489, %parallel_loop3A_490 : i32
        %parallel_loop3A_492 = arith.constant 4 : i32
        %parallel_loop3A_493 = arith.muli %parallel_loop3A_492, %parallel_loop3A_453 : i32
        %parallel_loop3A_494 = arith.constant 1 : i32
        %parallel_loop3A_495 = arith.addi %parallel_loop3A_493, %parallel_loop3A_494 : i32
        %parallel_loop3A_496 = arith.constant 16 : i32
        %parallel_loop3A_497 = arith.muli %parallel_loop3A_495, %parallel_loop3A_496 : i32
        %parallel_loop3A_498 = arith.index_cast %parallel_loop3A_497 : i32 to index
        %parallel_loop3A_499 = tpu.vector_load %arg7[%parallel_loop3A_498] {strides = array<i32>} : memref<32768xf32, #tpu.memory_space<vmem>>, vector<16xf32>,
        %parallel_loop3A_500 = vector.bitcast %parallel_loop3A_499 : vector<16xf32> to vector<16xi32>
        %parallel_loop3A_501 = arith.constant 31 : i32
        %parallel_loop3A_502 = vector.broadcast %parallel_loop3A_501 : i32 to vector<16xi32>
        %parallel_loop3A_503 = arith.shrsi %parallel_loop3A_500, %parallel_loop3A_502 : vector<16xi32>
        %parallel_loop3A_504 = arith.constant 2147483647 : i32
        %parallel_loop3A_505 = vector.broadcast %parallel_loop3A_504 : i32 to vector<16xi32>
        %parallel_loop3A_506 = arith.andi %parallel_loop3A_503, %parallel_loop3A_505 : vector<16xi32>
        %parallel_loop3A_507 = arith.xori %parallel_loop3A_500, %parallel_loop3A_506 : vector<16xi32>
        %parallel_loop3A_508 = vector.bitcast %parallel_loop3A_507 : vector<16xi32> to vector<16xi32>
        %parallel_loop3A_509 = arith.constant -2147483648 : i32
        %parallel_loop3A_510 = vector.broadcast %parallel_loop3A_509 : i32 to vector<16xi32>
        %parallel_loop3A_511 = arith.xori %parallel_loop3A_508, %parallel_loop3A_510 : vector<16xi32>
        %parallel_loop3A_512 = vector.broadcast %parallel_loop3A_491 : i32 to vector<16xi32>
        %parallel_loop3A_513 = arith.cmpi sgt, %parallel_loop3A_36#1, %parallel_loop3A_512 : vector<16xi32>
        %parallel_loop3A_514 = arith.constant 0 : i32
        %parallel_loop3A_515 = vector.broadcast %parallel_loop3A_514 : i32 to vector<16xi32>
        %parallel_loop3A_516 = arith.select %parallel_loop3A_513, %parallel_loop3A_511, %parallel_loop3A_515 : vector<16xi1>, vector<16xi32>
        %parallel_loop3A_517 = vector.bitcast %parallel_loop3A_516 : vector<16xi32> to vector<16xf32>
        %parallel_loop3A_518 = arith.index_cast %parallel_loop3A_497 : i32 to index
        %parallel_loop3A_519 = tpu.vector_load %arg7[%parallel_loop3A_518] {strides = array<i32>} : memref<32768xf32, #tpu.memory_space<vmem>>, vector<16xf32>,
        tpu.vector_store %arg7[%parallel_loop3A_518], %parallel_loop3A_517 {strides = array<i32>} : memref<32768xf32, #tpu.memory_space<vmem>>, vector<16xf32>,
        %parallel_loop3A_520 = arith.maxui %parallel_loop3A_487, %parallel_loop3A_516 : vector<16xi32>
        %parallel_loop3A_521 = arith.constant 2 : i32
        %parallel_loop3A_522 = arith.muli %parallel_loop3A_521, %parallel_loop3A_453 : i32
        %parallel_loop3A_523 = arith.constant 1 : i32
        %parallel_loop3A_524 = arith.addi %parallel_loop3A_522, %parallel_loop3A_523 : i32
        %parallel_loop3A_525 = arith.constant 4 : i32
        %parallel_loop3A_526 = arith.muli %parallel_loop3A_525, %parallel_loop3A_453 : i32
        %parallel_loop3A_527 = arith.constant 2 : i32
        %parallel_loop3A_528 = arith.addi %parallel_loop3A_526, %parallel_loop3A_527 : i32
        %parallel_loop3A_529 = arith.constant 16 : i32
        %parallel_loop3A_530 = arith.muli %parallel_loop3A_528, %parallel_loop3A_529 : i32
        %parallel_loop3A_531 = arith.index_cast %parallel_loop3A_530 : i32 to index
        %parallel_loop3A_532 = tpu.vector_load %arg7[%parallel_loop3A_531] {strides = array<i32>} : memref<32768xf32, #tpu.memory_space<vmem>>, vector<16xf32>,
        %parallel_loop3A_533 = vector.bitcast %parallel_loop3A_532 : vector<16xf32> to vector<16xi32>
        %parallel_loop3A_534 = arith.constant 31 : i32
        %parallel_loop3A_535 = vector.broadcast %parallel_loop3A_534 : i32 to vector<16xi32>
        %parallel_loop3A_536 = arith.shrsi %parallel_loop3A_533, %parallel_loop3A_535 : vector<16xi32>
        %parallel_loop3A_537 = arith.constant 2147483647 : i32
        %parallel_loop3A_538 = vector.broadcast %parallel_loop3A_537 : i32 to vector<16xi32>
        %parallel_loop3A_539 = arith.andi %parallel_loop3A_536, %parallel_loop3A_538 : vector<16xi32>
        %parallel_loop3A_540 = arith.xori %parallel_loop3A_533, %parallel_loop3A_539 : vector<16xi32>
        %parallel_loop3A_541 = vector.bitcast %parallel_loop3A_540 : vector<16xi32> to vector<16xi32>
        %parallel_loop3A_542 = arith.constant -2147483648 : i32
        %parallel_loop3A_543 = vector.broadcast %parallel_loop3A_542 : i32 to vector<16xi32>
        %parallel_loop3A_544 = arith.xori %parallel_loop3A_541, %parallel_loop3A_543 : vector<16xi32>
        %parallel_loop3A_545 = vector.broadcast %parallel_loop3A_524 : i32 to vector<16xi32>
        %parallel_loop3A_546 = arith.cmpi sgt, %parallel_loop3A_36#0, %parallel_loop3A_545 : vector<16xi32>
        %parallel_loop3A_547 = arith.constant 0 : i32
        %parallel_loop3A_548 = vector.broadcast %parallel_loop3A_547 : i32 to vector<16xi32>
        %parallel_loop3A_549 = arith.select %parallel_loop3A_546, %parallel_loop3A_544, %parallel_loop3A_548 : vector<16xi1>, vector<16xi32>
        %parallel_loop3A_550 = vector.bitcast %parallel_loop3A_549 : vector<16xi32> to vector<16xf32>
        %parallel_loop3A_551 = arith.index_cast %parallel_loop3A_530 : i32 to index
        %parallel_loop3A_552 = tpu.vector_load %arg7[%parallel_loop3A_551] {strides = array<i32>} : memref<32768xf32, #tpu.memory_space<vmem>>, vector<16xf32>,
        tpu.vector_store %arg7[%parallel_loop3A_551], %parallel_loop3A_550 {strides = array<i32>} : memref<32768xf32, #tpu.memory_space<vmem>>, vector<16xf32>,
        %parallel_loop3A_553 = arith.maxui %parallel_loop3A_520, %parallel_loop3A_549 : vector<16xi32>
        %parallel_loop3A_554 = arith.constant 2 : i32
        %parallel_loop3A_555 = arith.muli %parallel_loop3A_554, %parallel_loop3A_453 : i32
        %parallel_loop3A_556 = arith.constant 1 : i32
        %parallel_loop3A_557 = arith.addi %parallel_loop3A_555, %parallel_loop3A_556 : i32
        %parallel_loop3A_558 = arith.constant 4 : i32
        %parallel_loop3A_559 = arith.muli %parallel_loop3A_558, %parallel_loop3A_453 : i32
        %parallel_loop3A_560 = arith.constant 3 : i32
        %parallel_loop3A_561 = arith.addi %parallel_loop3A_559, %parallel_loop3A_560 : i32
        %parallel_loop3A_562 = arith.constant 16 : i32
        %parallel_loop3A_563 = arith.muli %parallel_loop3A_561, %parallel_loop3A_562 : i32
        %parallel_loop3A_564 = arith.index_cast %parallel_loop3A_563 : i32 to index
        %parallel_loop3A_565 = tpu.vector_load %arg7[%parallel_loop3A_564] {strides = array<i32>} : memref<32768xf32, #tpu.memory_space<vmem>>, vector<16xf32>,
        %parallel_loop3A_566 = vector.bitcast %parallel_loop3A_565 : vector<16xf32> to vector<16xi32>
        %parallel_loop3A_567 = arith.constant 31 : i32
        %parallel_loop3A_568 = vector.broadcast %parallel_loop3A_567 : i32 to vector<16xi32>
        %parallel_loop3A_569 = arith.shrsi %parallel_loop3A_566, %parallel_loop3A_568 : vector<16xi32>
        %parallel_loop3A_570 = arith.constant 2147483647 : i32
        %parallel_loop3A_571 = vector.broadcast %parallel_loop3A_570 : i32 to vector<16xi32>
        %parallel_loop3A_572 = arith.andi %parallel_loop3A_569, %parallel_loop3A_571 : vector<16xi32>
        %parallel_loop3A_573 = arith.xori %parallel_loop3A_566, %parallel_loop3A_572 : vector<16xi32>
        %parallel_loop3A_574 = vector.bitcast %parallel_loop3A_573 : vector<16xi32> to vector<16xi32>
        %parallel_loop3A_575 = arith.constant -2147483648 : i32
        %parallel_loop3A_576 = vector.broadcast %parallel_loop3A_575 : i32 to vector<16xi32>
        %parallel_loop3A_577 = arith.xori %parallel_loop3A_574, %parallel_loop3A_576 : vector<16xi32>
        %parallel_loop3A_578 = vector.broadcast %parallel_loop3A_557 : i32 to vector<16xi32>
        %parallel_loop3A_579 = arith.cmpi sgt, %parallel_loop3A_36#1, %parallel_loop3A_578 : vector<16xi32>
        %parallel_loop3A_580 = arith.constant 0 : i32
        %parallel_loop3A_581 = vector.broadcast %parallel_loop3A_580 : i32 to vector<16xi32>
        %parallel_loop3A_582 = arith.select %parallel_loop3A_579, %parallel_loop3A_577, %parallel_loop3A_581 : vector<16xi1>, vector<16xi32>
        %parallel_loop3A_583 = vector.bitcast %parallel_loop3A_582 : vector<16xi32> to vector<16xf32>
        %parallel_loop3A_584 = arith.index_cast %parallel_loop3A_563 : i32 to index
        %parallel_loop3A_585 = tpu.vector_load %arg7[%parallel_loop3A_584] {strides = array<i32>} : memref<32768xf32, #tpu.memory_space<vmem>>, vector<16xf32>,
        tpu.vector_store %arg7[%parallel_loop3A_584], %parallel_loop3A_583 {strides = array<i32>} : memref<32768xf32, #tpu.memory_space<vmem>>, vector<16xf32>,
        %parallel_loop3A_586 = arith.maxui %parallel_loop3A_553, %parallel_loop3A_582 : vector<16xi32>
        scf.yield %parallel_loop3A_586 : vector<16xi32>
      } {sc.loop_unroll_factor = 1 : i64, sc.parallel_access}
      %reduce_max3A_440 = arith.constant true
      %reduce_max3A_441 = vector.broadcast %reduce_max3A_440 : i1 to vector<16xi1>
      %reduce_max3A_442 = tpu.scan <max>, %parallel_loop3A_439 masked %reduce_max3A_441 : vector<16xi32>, vector<16xi1> -> vector<16xi32>
      %reduce_max3A_443 = vector.extract %reduce_max3A_442[15] : i32 from vector<16xi32>
      %scan3A_444 = arith.constant 512 : i32
      %scan3A_445 = arith.constant false
      %scan3A_446 = arith.constant 0 : i32
      %scan3A_447 = arith.constant 32 : i32
      %scan3A_448 = arith.addi %scan3A_446, %scan3A_447 : i32
      %scan3A_449 = arith.constant 1 : i32
      %scan3A_450:4 = scf.for %scan3A_453 = %scan3A_446 to %scan3A_448 step %scan3A_449 iter_args(%scan3A_454 = %select_n3A, %scan3A_455 = %reduce_max3A_443, %scan3A_456 = %scan3A_445, %scan3A_457 = %select_n3A) -> (i32, i32, i1, i32)  : i32 {
        %lt3A = arith.cmpi ult, %scan3A_454, %scan3A_455 : i32
        %not3A = arith.constant true
        %not3A_458 = arith.xori %scan3A_456, %not3A : i1
        %and3A_459 = arith.andi %lt3A, %not3A_458 : i1
        %sub3A = arith.subi %scan3A_455, %scan3A_454 : i32
        %shift_right_logical3A_460 = arith.constant 1 : i32
        %shift_right_logical3A_461 = arith.shrui %sub3A, %shift_right_logical3A_460 : i32
        %add3A_462 = arith.addi %scan3A_454, %shift_right_logical3A_461 : i32
        %and3A_463 = arith.constant 1 : i32
        %and3A_464 = arith.andi %sub3A, %and3A_463 : i32
        %add3A_465 = arith.addi %add3A_462, %and3A_464 : i32
        %jit3A = arith.constant 0 : i32
        %select_n3A_466 = arith.select %and3A_459, %shift_right_logical3A_73, %jit3A : i32
        %broadcast_in_dim3A_467 = vector.broadcast %add3A_465 : i32 to vector<16xi32>
        %broadcast_in_dim3A_468 = arith.constant 0 : i32
        %broadcast_in_dim3A_469 = vector.broadcast %broadcast_in_dim3A_468 : i32 to vector<16xi32>
        %parallel_loop3A_470 = arith.constant 0 : i32
        %parallel_loop3A_471 = arith.constant 1 : i32
        %parallel_loop3A_472:2 = scf.for %parallel_loop3A_491 = %parallel_loop3A_470 to %select_n3A_466 step %parallel_loop3A_471 iter_args(%parallel_loop3A_492 = %broadcast_in_dim3A_469, %parallel_loop3A_493 = %broadcast_in_dim3A_469) -> (vector<16xi32>, vector<16xi32>)  : i32 {
          %parallel_loop3A_494 = arith.constant 64 : i32
          %parallel_loop3A_495 = arith.muli %parallel_loop3A_491, %parallel_loop3A_494 : i32
          %parallel_loop3A_496 = arith.constant 0 : i32
          %parallel_loop3A_497 = arith.addi %parallel_loop3A_495, %parallel_loop3A_496 : i32
          %parallel_loop3A_498 = arith.index_cast %parallel_loop3A_497 : i32 to index
          %parallel_loop3A_499 = tpu.vector_load %arg7[%parallel_loop3A_498] {strides = array<i32>} : memref<32768xf32, #tpu.memory_space<vmem>>, vector<16xf32>,
          %parallel_loop3A_500 = vector.bitcast %parallel_loop3A_499 : vector<16xf32> to vector<16xi32>
          %parallel_loop3A_501 = arith.cmpi uge, %parallel_loop3A_500, %broadcast_in_dim3A_467 : vector<16xi32>
          %parallel_loop3A_502 = tpu.all_reduce %parallel_loop3A_501 {dim = 0 : i64, kind = #tpu.reduction_kind<sum>} : vector<16xi1> -> vector<16xi32>
          %parallel_loop3A_503 = arith.addi %parallel_loop3A_492, %parallel_loop3A_502 : vector<16xi32>
          %parallel_loop3A_504 = arith.constant 16 : i32
          %parallel_loop3A_505 = arith.addi %parallel_loop3A_495, %parallel_loop3A_504 : i32
          %parallel_loop3A_506 = arith.index_cast %parallel_loop3A_505 : i32 to index
          %parallel_loop3A_507 = tpu.vector_load %arg7[%parallel_loop3A_506] {strides = array<i32>} : memref<32768xf32, #tpu.memory_space<vmem>>, vector<16xf32>,
          %parallel_loop3A_508 = vector.bitcast %parallel_loop3A_507 : vector<16xf32> to vector<16xi32>
          %parallel_loop3A_509 = arith.cmpi uge, %parallel_loop3A_508, %broadcast_in_dim3A_467 : vector<16xi32>
          %parallel_loop3A_510 = tpu.all_reduce %parallel_loop3A_509 {dim = 0 : i64, kind = #tpu.reduction_kind<sum>} : vector<16xi1> -> vector<16xi32>
          %parallel_loop3A_511 = arith.addi %parallel_loop3A_493, %parallel_loop3A_510 : vector<16xi32>
          %parallel_loop3A_512 = arith.constant 32 : i32
          %parallel_loop3A_513 = arith.addi %parallel_loop3A_495, %parallel_loop3A_512 : i32
          %parallel_loop3A_514 = arith.index_cast %parallel_loop3A_513 : i32 to index
          %parallel_loop3A_515 = tpu.vector_load %arg7[%parallel_loop3A_514] {strides = array<i32>} : memref<32768xf32, #tpu.memory_space<vmem>>, vector<16xf32>,
          %parallel_loop3A_516 = vector.bitcast %parallel_loop3A_515 : vector<16xf32> to vector<16xi32>
          %parallel_loop3A_517 = arith.cmpi uge, %parallel_loop3A_516, %broadcast_in_dim3A_467 : vector<16xi32>
          %parallel_loop3A_518 = tpu.all_reduce %parallel_loop3A_517 {dim = 0 : i64, kind = #tpu.reduction_kind<sum>} : vector<16xi1> -> vector<16xi32>
          %parallel_loop3A_519 = arith.addi %parallel_loop3A_503, %parallel_loop3A_518 : vector<16xi32>
          %parallel_loop3A_520 = arith.constant 48 : i32
          %parallel_loop3A_521 = arith.addi %parallel_loop3A_495, %parallel_loop3A_520 : i32
          %parallel_loop3A_522 = arith.index_cast %parallel_loop3A_521 : i32 to index
          %parallel_loop3A_523 = tpu.vector_load %arg7[%parallel_loop3A_522] {strides = array<i32>} : memref<32768xf32, #tpu.memory_space<vmem>>, vector<16xf32>,
          %parallel_loop3A_524 = vector.bitcast %parallel_loop3A_523 : vector<16xf32> to vector<16xi32>
          %parallel_loop3A_525 = arith.cmpi uge, %parallel_loop3A_524, %broadcast_in_dim3A_467 : vector<16xi32>
          %parallel_loop3A_526 = tpu.all_reduce %parallel_loop3A_525 {dim = 0 : i64, kind = #tpu.reduction_kind<sum>} : vector<16xi1> -> vector<16xi32>
          %parallel_loop3A_527 = arith.addi %parallel_loop3A_511, %parallel_loop3A_526 : vector<16xi32>
          scf.yield %parallel_loop3A_519, %parallel_loop3A_527 : vector<16xi32>, vector<16xi32>
        } {sc.loop_unroll_factor = 1 : i64, sc.parallel_access}
        %add3A_473 = arith.addi %parallel_loop3A_472#0, %parallel_loop3A_472#1 : vector<16xi32>
        %reduce_max3A_474 = arith.constant true
        %reduce_max3A_475 = vector.broadcast %reduce_max3A_474 : i1 to vector<16xi1>
        %reduce_max3A_476 = arith.constant -2147483648 : i32
        %reduce_max3A_477 = vector.broadcast %reduce_max3A_476 : i32 to vector<16xi32>
        %reduce_max3A_478 = arith.xori %add3A_473, %reduce_max3A_477 : vector<16xi32>
        %reduce_max3A_479 = tpu.scan <max>, %reduce_max3A_478 masked %reduce_max3A_475 : vector<16xi32>, vector<16xi1> -> vector<16xi32>
        %reduce_max3A_480 = arith.xori %reduce_max3A_479, %reduce_max3A_477 : vector<16xi32>
        %reduce_max3A_481 = vector.extract %reduce_max3A_480[15] : i32 from vector<16xi32>
        %eq3A = arith.cmpi eq, %reduce_max3A_481, %scan3A_444 : i32
        %and3A_482 = arith.andi %and3A_459, %eq3A : i1
        %ge3A_483 = arith.cmpi sge, %reduce_max3A_481, %scan3A_444 : i32
        %select_n3A_484 = arith.select %ge3A_483, %add3A_465, %scan3A_454 : i32
        %select_n3A_485 = arith.select %and3A_459, %select_n3A_484, %scan3A_454 : i32
        %sub3A_486 = arith.constant 1 : i32
        %sub3A_487 = arith.subi %add3A_465, %sub3A_486 : i32
        %select_n3A_488 = arith.select %ge3A_483, %scan3A_455, %sub3A_487 : i32
        %select_n3A_489 = arith.select %and3A_459, %select_n3A_488, %scan3A_455 : i32
        %or3A = arith.ori %scan3A_456, %and3A_482 : i1
        %select_n3A_490 = arith.select %and3A_482, %add3A_465, %scan3A_457 : i32
        scf.yield %select_n3A_485, %select_n3A_489, %or3A, %select_n3A_490 : i32, i32, i1, i32
      }
      %scan3A_451 = arith.constant 32 : i32
      %select_n3A_452 = arith.select %scan3A_450#2, %scan3A_450#3, %scan3A_450#0 : i32
      scf.yield %select_n3A_452 : i32
    } else {
      %scan3A_435 = arith.constant 512 : i32
      %scan3A_436 = arith.constant 0 : i32
      %scan3A_437 = arith.constant -1 : i32
      %scan3A_438 = arith.constant false
      %scan3A_439 = arith.constant 0 : i32
      %scan3A_440 = arith.constant 0 : i32
      %scan3A_441 = arith.constant 32 : i32
      %scan3A_442 = arith.addi %scan3A_440, %scan3A_441 : i32
      %scan3A_443 = arith.constant 1 : i32
      %scan3A_444:4 = scf.for %scan3A_447 = %scan3A_440 to %scan3A_442 step %scan3A_443 iter_args(%scan3A_448 = %scan3A_436, %scan3A_449 = %scan3A_437, %scan3A_450 = %scan3A_438, %scan3A_451 = %scan3A_439) -> (i32, i32, i1, i32)  : i32 {
        %lt3A = arith.cmpi ult, %scan3A_448, %scan3A_449 : i32
        %not3A = arith.constant true
        %not3A_452 = arith.xori %scan3A_450, %not3A : i1
        %and3A_453 = arith.andi %lt3A, %not3A_452 : i1
        %sub3A = arith.subi %scan3A_449, %scan3A_448 : i32
        %shift_right_logical3A_454 = arith.constant 1 : i32
        %shift_right_logical3A_455 = arith.shrui %sub3A, %shift_right_logical3A_454 : i32
        %add3A_456 = arith.addi %scan3A_448, %shift_right_logical3A_455 : i32
        %and3A_457 = arith.constant 1 : i32
        %and3A_458 = arith.andi %sub3A, %and3A_457 : i32
        %add3A_459 = arith.addi %add3A_456, %and3A_458 : i32
        %jit3A = arith.constant 512 : i32
        %jit3A_460 = arith.constant 0 : i32
        %select_n3A_461 = arith.select %and3A_453, %jit3A, %jit3A_460 : i32
        %broadcast_in_dim3A_462 = vector.broadcast %add3A_459 : i32 to vector<16xi32>
        %broadcast_in_dim3A_463 = arith.constant 0 : i32
        %broadcast_in_dim3A_464 = vector.broadcast %broadcast_in_dim3A_463 : i32 to vector<16xi32>
        %parallel_loop3A_465 = arith.constant 0 : i32
        %parallel_loop3A_466 = arith.constant 1 : i32
        %parallel_loop3A_467:2 = scf.for %parallel_loop3A_486 = %parallel_loop3A_465 to %select_n3A_461 step %parallel_loop3A_466 iter_args(%parallel_loop3A_487 = %broadcast_in_dim3A_464, %parallel_loop3A_488 = %broadcast_in_dim3A_464) -> (vector<16xi32>, vector<16xi32>)  : i32 {
          %parallel_loop3A_489 = arith.constant 64 : i32
          %parallel_loop3A_490 = arith.muli %parallel_loop3A_486, %parallel_loop3A_489 : i32
          %parallel_loop3A_491 = arith.constant 0 : i32
          %parallel_loop3A_492 = arith.addi %parallel_loop3A_490, %parallel_loop3A_491 : i32
          %parallel_loop3A_493 = arith.index_cast %parallel_loop3A_492 : i32 to index
          %parallel_loop3A_494 = tpu.vector_load %arg5[%parallel_loop3A_493] {strides = array<i32>} : memref<32768xf32, #tpu.memory_space<vmem>>, vector<16xf32>,
          %parallel_loop3A_495 = vector.bitcast %parallel_loop3A_494 : vector<16xf32> to vector<16xi32>
          %parallel_loop3A_496 = arith.constant 31 : i32
          %parallel_loop3A_497 = vector.broadcast %parallel_loop3A_496 : i32 to vector<16xi32>
          %parallel_loop3A_498 = arith.shrsi %parallel_loop3A_495, %parallel_loop3A_497 : vector<16xi32>
          %parallel_loop3A_499 = arith.constant 2147483647 : i32
          %parallel_loop3A_500 = vector.broadcast %parallel_loop3A_499 : i32 to vector<16xi32>
          %parallel_loop3A_501 = arith.andi %parallel_loop3A_498, %parallel_loop3A_500 : vector<16xi32>
          %parallel_loop3A_502 = arith.xori %parallel_loop3A_495, %parallel_loop3A_501 : vector<16xi32>
          %parallel_loop3A_503 = vector.bitcast %parallel_loop3A_502 : vector<16xi32> to vector<16xi32>
          %parallel_loop3A_504 = arith.constant -2147483648 : i32
          %parallel_loop3A_505 = vector.broadcast %parallel_loop3A_504 : i32 to vector<16xi32>
          %parallel_loop3A_506 = arith.xori %parallel_loop3A_503, %parallel_loop3A_505 : vector<16xi32>
          %parallel_loop3A_507 = arith.cmpi uge, %parallel_loop3A_506, %broadcast_in_dim3A_462 : vector<16xi32>
          %parallel_loop3A_508 = tpu.all_reduce %parallel_loop3A_507 {dim = 0 : i64, kind = #tpu.reduction_kind<sum>} : vector<16xi1> -> vector<16xi32>
          %parallel_loop3A_509 = arith.addi %parallel_loop3A_487, %parallel_loop3A_508 : vector<16xi32>
          %parallel_loop3A_510 = arith.constant 16 : i32
          %parallel_loop3A_511 = arith.addi %parallel_loop3A_490, %parallel_loop3A_510 : i32
          %parallel_loop3A_512 = arith.index_cast %parallel_loop3A_511 : i32 to index
          %parallel_loop3A_513 = tpu.vector_load %arg5[%parallel_loop3A_512] {strides = array<i32>} : memref<32768xf32, #tpu.memory_space<vmem>>, vector<16xf32>,
          %parallel_loop3A_514 = vector.bitcast %parallel_loop3A_513 : vector<16xf32> to vector<16xi32>
          %parallel_loop3A_515 = arith.constant 31 : i32
          %parallel_loop3A_516 = vector.broadcast %parallel_loop3A_515 : i32 to vector<16xi32>
          %parallel_loop3A_517 = arith.shrsi %parallel_loop3A_514, %parallel_loop3A_516 : vector<16xi32>
          %parallel_loop3A_518 = arith.constant 2147483647 : i32
          %parallel_loop3A_519 = vector.broadcast %parallel_loop3A_518 : i32 to vector<16xi32>
          %parallel_loop3A_520 = arith.andi %parallel_loop3A_517, %parallel_loop3A_519 : vector<16xi32>
          %parallel_loop3A_521 = arith.xori %parallel_loop3A_514, %parallel_loop3A_520 : vector<16xi32>
          %parallel_loop3A_522 = vector.bitcast %parallel_loop3A_521 : vector<16xi32> to vector<16xi32>
          %parallel_loop3A_523 = arith.constant -2147483648 : i32
          %parallel_loop3A_524 = vector.broadcast %parallel_loop3A_523 : i32 to vector<16xi32>
          %parallel_loop3A_525 = arith.xori %parallel_loop3A_522, %parallel_loop3A_524 : vector<16xi32>
          %parallel_loop3A_526 = arith.cmpi uge, %parallel_loop3A_525, %broadcast_in_dim3A_462 : vector<16xi32>
          %parallel_loop3A_527 = tpu.all_reduce %parallel_loop3A_526 {dim = 0 : i64, kind = #tpu.reduction_kind<sum>} : vector<16xi1> -> vector<16xi32>
          %parallel_loop3A_528 = arith.addi %parallel_loop3A_488, %parallel_loop3A_527 : vector<16xi32>
          %parallel_loop3A_529 = arith.constant 32 : i32
          %parallel_loop3A_530 = arith.addi %parallel_loop3A_490, %parallel_loop3A_529 : i32
          %parallel_loop3A_531 = arith.index_cast %parallel_loop3A_530 : i32 to index
          %parallel_loop3A_532 = tpu.vector_load %arg5[%parallel_loop3A_531] {strides = array<i32>} : memref<32768xf32, #tpu.memory_space<vmem>>, vector<16xf32>,
          %parallel_loop3A_533 = vector.bitcast %parallel_loop3A_532 : vector<16xf32> to vector<16xi32>
          %parallel_loop3A_534 = arith.constant 31 : i32
          %parallel_loop3A_535 = vector.broadcast %parallel_loop3A_534 : i32 to vector<16xi32>
          %parallel_loop3A_536 = arith.shrsi %parallel_loop3A_533, %parallel_loop3A_535 : vector<16xi32>
          %parallel_loop3A_537 = arith.constant 2147483647 : i32
          %parallel_loop3A_538 = vector.broadcast %parallel_loop3A_537 : i32 to vector<16xi32>
          %parallel_loop3A_539 = arith.andi %parallel_loop3A_536, %parallel_loop3A_538 : vector<16xi32>
          %parallel_loop3A_540 = arith.xori %parallel_loop3A_533, %parallel_loop3A_539 : vector<16xi32>
          %parallel_loop3A_541 = vector.bitcast %parallel_loop3A_540 : vector<16xi32> to vector<16xi32>
          %parallel_loop3A_542 = arith.constant -2147483648 : i32
          %parallel_loop3A_543 = vector.broadcast %parallel_loop3A_542 : i32 to vector<16xi32>
          %parallel_loop3A_544 = arith.xori %parallel_loop3A_541, %parallel_loop3A_543 : vector<16xi32>
          %parallel_loop3A_545 = arith.cmpi uge, %parallel_loop3A_544, %broadcast_in_dim3A_462 : vector<16xi32>
          %parallel_loop3A_546 = tpu.all_reduce %parallel_loop3A_545 {dim = 0 : i64, kind = #tpu.reduction_kind<sum>} : vector<16xi1> -> vector<16xi32>
          %parallel_loop3A_547 = arith.addi %parallel_loop3A_509, %parallel_loop3A_546 : vector<16xi32>
          %parallel_loop3A_548 = arith.constant 48 : i32
          %parallel_loop3A_549 = arith.addi %parallel_loop3A_490, %parallel_loop3A_548 : i32
          %parallel_loop3A_550 = arith.index_cast %parallel_loop3A_549 : i32 to index
          %parallel_loop3A_551 = tpu.vector_load %arg5[%parallel_loop3A_550] {strides = array<i32>} : memref<32768xf32, #tpu.memory_space<vmem>>, vector<16xf32>,
          %parallel_loop3A_552 = vector.bitcast %parallel_loop3A_551 : vector<16xf32> to vector<16xi32>
          %parallel_loop3A_553 = arith.constant 31 : i32
          %parallel_loop3A_554 = vector.broadcast %parallel_loop3A_553 : i32 to vector<16xi32>
          %parallel_loop3A_555 = arith.shrsi %parallel_loop3A_552, %parallel_loop3A_554 : vector<16xi32>
          %parallel_loop3A_556 = arith.constant 2147483647 : i32
          %parallel_loop3A_557 = vector.broadcast %parallel_loop3A_556 : i32 to vector<16xi32>
          %parallel_loop3A_558 = arith.andi %parallel_loop3A_555, %parallel_loop3A_557 : vector<16xi32>
          %parallel_loop3A_559 = arith.xori %parallel_loop3A_552, %parallel_loop3A_558 : vector<16xi32>
          %parallel_loop3A_560 = vector.bitcast %parallel_loop3A_559 : vector<16xi32> to vector<16xi32>
          %parallel_loop3A_561 = arith.constant -2147483648 : i32
          %parallel_loop3A_562 = vector.broadcast %parallel_loop3A_561 : i32 to vector<16xi32>
          %parallel_loop3A_563 = arith.xori %parallel_loop3A_560, %parallel_loop3A_562 : vector<16xi32>
          %parallel_loop3A_564 = arith.cmpi uge, %parallel_loop3A_563, %broadcast_in_dim3A_462 : vector<16xi32>
          %parallel_loop3A_565 = tpu.all_reduce %parallel_loop3A_564 {dim = 0 : i64, kind = #tpu.reduction_kind<sum>} : vector<16xi1> -> vector<16xi32>
          %parallel_loop3A_566 = arith.addi %parallel_loop3A_528, %parallel_loop3A_565 : vector<16xi32>
          scf.yield %parallel_loop3A_547, %parallel_loop3A_566 : vector<16xi32>, vector<16xi32>
        } {sc.loop_unroll_factor = 1 : i64, sc.parallel_access}
        %add3A_468 = arith.addi %parallel_loop3A_467#0, %parallel_loop3A_467#1 : vector<16xi32>
        %reduce_max3A_469 = arith.constant true
        %reduce_max3A_470 = vector.broadcast %reduce_max3A_469 : i1 to vector<16xi1>
        %reduce_max3A_471 = arith.constant -2147483648 : i32
        %reduce_max3A_472 = vector.broadcast %reduce_max3A_471 : i32 to vector<16xi32>
        %reduce_max3A_473 = arith.xori %add3A_468, %reduce_max3A_472 : vector<16xi32>
        %reduce_max3A_474 = tpu.scan <max>, %reduce_max3A_473 masked %reduce_max3A_470 : vector<16xi32>, vector<16xi1> -> vector<16xi32>
        %reduce_max3A_475 = arith.xori %reduce_max3A_474, %reduce_max3A_472 : vector<16xi32>
        %reduce_max3A_476 = vector.extract %reduce_max3A_475[15] : i32 from vector<16xi32>
        %eq3A = arith.cmpi eq, %reduce_max3A_476, %scan3A_435 : i32
        %and3A_477 = arith.andi %and3A_453, %eq3A : i1
        %ge3A_478 = arith.cmpi sge, %reduce_max3A_476, %scan3A_435 : i32
        %select_n3A_479 = arith.select %ge3A_478, %add3A_459, %scan3A_448 : i32
        %select_n3A_480 = arith.select %and3A_453, %select_n3A_479, %scan3A_448 : i32
        %sub3A_481 = arith.constant 1 : i32
        %sub3A_482 = arith.subi %add3A_459, %sub3A_481 : i32
        %select_n3A_483 = arith.select %ge3A_478, %scan3A_449, %sub3A_482 : i32
        %select_n3A_484 = arith.select %and3A_453, %select_n3A_483, %scan3A_449 : i32
        %or3A = arith.ori %scan3A_450, %and3A_477 : i1
        %select_n3A_485 = arith.select %and3A_477, %add3A_459, %scan3A_451 : i32
        scf.yield %select_n3A_480, %select_n3A_484, %or3A, %select_n3A_485 : i32, i32, i1, i32
      }
      %scan3A_445 = arith.constant 32 : i32
      %select_n3A_446 = arith.select %scan3A_444#2, %scan3A_444#3, %scan3A_444#0 : i32
      scf.yield %select_n3A_446 : i32
    }
    %broadcast_in_dim3A_76 = vector.broadcast %cond3A_75 : i32 to vector<16xi32>
    %xor3A_77 = arith.constant -2147483648 : i32
    %xor3A_78 = vector.broadcast %xor3A_77 : i32 to vector<16xi32>
    %xor3A_79 = arith.xori %broadcast_in_dim3A_76, %xor3A_78 : vector<16xi32>
    %bitcast3A_80 = vector.bitcast %xor3A_79 : vector<16xi32> to vector<16xi32>
    %shift_right_arithmetic3A_81 = arith.constant 31 : i32
    %shift_right_arithmetic3A_82 = vector.broadcast %shift_right_arithmetic3A_81 : i32 to vector<16xi32>
    %shift_right_arithmetic3A_83 = arith.shrsi %bitcast3A_80, %shift_right_arithmetic3A_82 : vector<16xi32>
    %and3A_84 = arith.constant 2147483647 : i32
    %and3A_85 = vector.broadcast %and3A_84 : i32 to vector<16xi32>
    %and3A_86 = arith.andi %shift_right_arithmetic3A_83, %and3A_85 : vector<16xi32>
    %xor3A_87 = arith.xori %bitcast3A_80, %and3A_86 : vector<16xi32>
    %bitcast3A_88 = vector.bitcast %xor3A_87 : vector<16xi32> to vector<16xf32>
    %parallel_loop3A_89 = arith.constant 0 : i32
    %parallel_loop3A_90 = arith.constant 2048 : i32
    %parallel_loop3A_91 = arith.constant 1 : i32
    scf.for %parallel_loop3A_435 = %parallel_loop3A_89 to %parallel_loop3A_90 step %parallel_loop3A_91  : i32 {
      %parallel_loop3A_436 = arith.constant 16 : i32
      %parallel_loop3A_437 = arith.muli %parallel_loop3A_435, %parallel_loop3A_436 : i32
      %parallel_loop3A_438 = arith.index_cast %parallel_loop3A_437 : i32 to index
      %parallel_loop3A_439 = tpu.vector_load %arg5[%parallel_loop3A_438] {strides = array<i32>} : memref<32768xf32, #tpu.memory_space<vmem>>, vector<16xf32>,
      %parallel_loop3A_440 = arith.cmpf oge, %parallel_loop3A_439, %bitcast3A_88 : vector<16xf32>
      %parallel_loop3A_441 = arith.addf %parallel_loop3A_439, %get3A_3 : vector<16xf32>
      %parallel_loop3A_442 = arith.select %parallel_loop3A_440, %parallel_loop3A_441, %get3A_3 : vector<16xi1>, vector<16xf32>
      %parallel_loop3A_443 = arith.index_cast %parallel_loop3A_437 : i32 to index
      %parallel_loop3A_444 = tpu.vector_load %arg5[%parallel_loop3A_443] {strides = array<i32>} : memref<32768xf32, #tpu.memory_space<vmem>>, vector<16xf32>,
      tpu.vector_store %arg5[%parallel_loop3A_443], %parallel_loop3A_442 {strides = array<i32>} : memref<32768xf32, #tpu.memory_space<vmem>>, vector<16xf32>,
    } {sc.loop_unroll_factor = 4 : i64, sc.parallel_access}
    %add3A_92 = arith.constant 0 : i32
    %add3A_93 = arith.addi %mul3A_2, %add3A_92 : i32
    %dma_start3A_94 = arith.constant 0 : i32
    %dma_start3A_95 = tpu.memref_slice %arg4[%add3A_93, %dma_start3A_94] : memref<128x32768xf32, #tpu.memory_space<hbm>> -> memref<1x32768xf32, #tpu.memory_space<hbm>>
    %dma_start3A_96 = tpu.memref_squeeze %dma_start3A_95 : memref<1x32768xf32, #tpu.memory_space<hbm>> -> memref<32768xf32, #tpu.memory_space<hbm>>
    %dma_start3A_97 = arith.constant 0 : i32
    %dma_start3A_98 = tpu.memref_slice %arg4[%add3A_93, %dma_start3A_97] : memref<128x32768xf32, #tpu.memory_space<hbm>> -> memref<1x32768xf32, #tpu.memory_space<hbm>>
    %dma_start3A_99 = tpu.memref_squeeze %dma_start3A_98 : memref<1x32768xf32, #tpu.memory_space<hbm>> -> memref<32768xf32, #tpu.memory_space<hbm>>
    tpu.enqueue_dma source(%arg5 : memref<32768xf32, #tpu.memory_space<vmem>>) target(%dma_start3A_99 : memref<32768xf32, #tpu.memory_space<hbm>>) target_semaphore(%arg11 : memref<!tpu.dma_semaphore, #tpu.memory_space<semaphore_mem>>)
    %dma_wait3A_100 = arith.constant 0 : i32
    %dma_wait3A_101 = tpu.memref_slice %arg2[%add3A_40, %dma_wait3A_100] : memref<128x32768xf32, #tpu.memory_space<hbm>> -> memref<1x32768xf32, #tpu.memory_space<hbm>>
    %dma_wait3A_102 = tpu.memref_squeeze %dma_wait3A_101 : memref<1x32768xf32, #tpu.memory_space<hbm>> -> memref<32768xf32, #tpu.memory_space<hbm>>
    %dma_wait3A_103 = arith.constant 0 : i32
    %dma_wait3A_104 = tpu.memref_slice %arg2[%add3A_40, %dma_wait3A_103] : memref<128x32768xf32, #tpu.memory_space<hbm>> -> memref<1x32768xf32, #tpu.memory_space<hbm>>
    %dma_wait3A_105 = tpu.memref_squeeze %dma_wait3A_104 : memref<1x32768xf32, #tpu.memory_space<hbm>> -> memref<32768xf32, #tpu.memory_space<hbm>>
    tpu.wait_dma2 semaphore(%arg10 : memref<!tpu.dma_semaphore, #tpu.memory_space<semaphore_mem>>) src(%dma_wait3A_105 : memref<32768xf32, #tpu.memory_space<hbm>>) dst(%arg6 : memref<32768xf32, #tpu.memory_space<vmem>>)
    %scan3A_106 = arith.constant 16 : i32
    %scan3A_107 = arith.constant 0 : i32
    %scan3A_108 = arith.constant -1 : i32
    %scan3A_109 = arith.constant false
    %scan3A_110 = arith.constant 0 : i32
    %scan3A_111 = arith.constant 0 : i32
    %scan3A_112 = arith.constant 32 : i32
    %scan3A_113 = arith.addi %scan3A_111, %scan3A_112 : i32
    %scan3A_114 = arith.constant 1 : i32
    %scan3A_115:4 = scf.for %scan3A_435 = %scan3A_111 to %scan3A_113 step %scan3A_114 iter_args(%scan3A_436 = %scan3A_107, %scan3A_437 = %scan3A_108, %scan3A_438 = %scan3A_109, %scan3A_439 = %scan3A_110) -> (i32, i32, i1, i32)  : i32 {
      %lt3A = arith.cmpi ult, %scan3A_436, %scan3A_437 : i32
      %not3A = arith.constant true
      %not3A_440 = arith.xori %scan3A_438, %not3A : i1
      %and3A_441 = arith.andi %lt3A, %not3A_440 : i1
      %sub3A = arith.subi %scan3A_437, %scan3A_436 : i32
      %shift_right_logical3A_442 = arith.constant 1 : i32
      %shift_right_logical3A_443 = arith.shrui %sub3A, %shift_right_logical3A_442 : i32
      %add3A_444 = arith.addi %scan3A_436, %shift_right_logical3A_443 : i32
      %and3A_445 = arith.constant 1 : i32
      %and3A_446 = arith.andi %sub3A, %and3A_445 : i32
      %add3A_447 = arith.addi %add3A_444, %and3A_446 : i32
      %broadcast_in_dim3A_448 = vector.broadcast %add3A_447 : i32 to vector<16xi32>
      %jit3A = arith.constant 16 : i32
      %jit3A_449 = arith.constant 0 : i32
      %select_n3A_450 = arith.select %and3A_441, %jit3A, %jit3A_449 : i32
      %broadcast_in_dim3A_451 = arith.constant 0 : i32
      %broadcast_in_dim3A_452 = vector.broadcast %broadcast_in_dim3A_451 : i32 to vector<16xi32>
      %parallel_loop3A_453 = arith.constant 0 : i32
      %parallel_loop3A_454 = arith.constant 1 : i32
      %parallel_loop3A_455 = scf.for %parallel_loop3A_473 = %parallel_loop3A_453 to %select_n3A_450 step %parallel_loop3A_454 iter_args(%parallel_loop3A_474 = %broadcast_in_dim3A_452) -> (vector<16xi32>)  : i32 {
        %parallel_loop3A_475 = arith.constant 2048 : i32
        %parallel_loop3A_476 = arith.muli %parallel_loop3A_473, %parallel_loop3A_475 : i32
        %parallel_loop3A_477 = arith.index_cast %parallel_loop3A_476 : i32 to index
        %parallel_loop3A_478 = tpu.vector_load %arg6[%parallel_loop3A_477] {strides = array<i32>} : memref<32768xf32, #tpu.memory_space<vmem>>, vector<16xf32>,
        %parallel_loop3A_479 = vector.bitcast %parallel_loop3A_478 : vector<16xf32> to vector<16xi32>
        %parallel_loop3A_480 = arith.constant 31 : i32
        %parallel_loop3A_481 = vector.broadcast %parallel_loop3A_480 : i32 to vector<16xi32>
        %parallel_loop3A_482 = arith.shrsi %parallel_loop3A_479, %parallel_loop3A_481 : vector<16xi32>
        %parallel_loop3A_483 = arith.constant 2147483647 : i32
        %parallel_loop3A_484 = vector.broadcast %parallel_loop3A_483 : i32 to vector<16xi32>
        %parallel_loop3A_485 = arith.andi %parallel_loop3A_482, %parallel_loop3A_484 : vector<16xi32>
        %parallel_loop3A_486 = arith.xori %parallel_loop3A_479, %parallel_loop3A_485 : vector<16xi32>
        %parallel_loop3A_487 = vector.bitcast %parallel_loop3A_486 : vector<16xi32> to vector<16xi32>
        %parallel_loop3A_488 = arith.constant -2147483648 : i32
        %parallel_loop3A_489 = vector.broadcast %parallel_loop3A_488 : i32 to vector<16xi32>
        %parallel_loop3A_490 = arith.xori %parallel_loop3A_487, %parallel_loop3A_489 : vector<16xi32>
        %parallel_loop3A_491 = arith.cmpi uge, %parallel_loop3A_490, %broadcast_in_dim3A_448 : vector<16xi32>
        %parallel_loop3A_492 = tpu.all_reduce %parallel_loop3A_491 {dim = 0 : i64, kind = #tpu.reduction_kind<sum>} : vector<16xi1> -> vector<16xi32>
        %parallel_loop3A_493 = arith.addi %parallel_loop3A_474, %parallel_loop3A_492 : vector<16xi32>
        scf.yield %parallel_loop3A_493 : vector<16xi32>
      } {sc.loop_unroll_factor = 1 : i64, sc.parallel_access}
      %reduce_max3A_456 = arith.constant true
      %reduce_max3A_457 = vector.broadcast %reduce_max3A_456 : i1 to vector<16xi1>
      %reduce_max3A_458 = arith.constant -2147483648 : i32
      %reduce_max3A_459 = vector.broadcast %reduce_max3A_458 : i32 to vector<16xi32>
      %reduce_max3A_460 = arith.xori %parallel_loop3A_455, %reduce_max3A_459 : vector<16xi32>
      %reduce_max3A_461 = tpu.scan <max>, %reduce_max3A_460 masked %reduce_max3A_457 : vector<16xi32>, vector<16xi1> -> vector<16xi32>
      %reduce_max3A_462 = arith.xori %reduce_max3A_461, %reduce_max3A_459 : vector<16xi32>
      %reduce_max3A_463 = vector.extract %reduce_max3A_462[15] : i32 from vector<16xi32>
      %eq3A = arith.cmpi eq, %reduce_max3A_463, %scan3A_106 : i32
      %and3A_464 = arith.andi %and3A_441, %eq3A : i1
      %ge3A_465 = arith.cmpi sge, %reduce_max3A_463, %scan3A_106 : i32
      %select_n3A_466 = arith.select %ge3A_465, %add3A_447, %scan3A_436 : i32
      %select_n3A_467 = arith.select %and3A_441, %select_n3A_466, %scan3A_436 : i32
      %sub3A_468 = arith.constant 1 : i32
      %sub3A_469 = arith.subi %add3A_447, %sub3A_468 : i32
      %select_n3A_470 = arith.select %ge3A_465, %scan3A_437, %sub3A_469 : i32
      %select_n3A_471 = arith.select %and3A_441, %select_n3A_470, %scan3A_437 : i32
      %or3A = arith.ori %scan3A_438, %and3A_464 : i1
      %select_n3A_472 = arith.select %and3A_464, %add3A_447, %scan3A_439 : i32
      scf.yield %select_n3A_467, %select_n3A_471, %or3A, %select_n3A_472 : i32, i32, i1, i32
    }
    %scan3A_116 = arith.constant 32 : i32
    %select_n3A_117 = arith.select %scan3A_115#2, %scan3A_115#3, %scan3A_115#0 : i32
    %broadcast_in_dim3A_118 = vector.broadcast %select_n3A_117 : i32 to vector<16xi32>
    %xor3A_119 = arith.constant -2147483648 : i32
    %xor3A_120 = vector.broadcast %xor3A_119 : i32 to vector<16xi32>
    %xor3A_121 = arith.xori %broadcast_in_dim3A_118, %xor3A_120 : vector<16xi32>
    %bitcast3A_122 = vector.bitcast %xor3A_121 : vector<16xi32> to vector<16xi32>
    %shift_right_arithmetic3A_123 = arith.constant 31 : i32
    %shift_right_arithmetic3A_124 = vector.broadcast %shift_right_arithmetic3A_123 : i32 to vector<16xi32>
    %shift_right_arithmetic3A_125 = arith.shrsi %bitcast3A_122, %shift_right_arithmetic3A_124 : vector<16xi32>
    %and3A_126 = arith.constant 2147483647 : i32
    %and3A_127 = vector.broadcast %and3A_126 : i32 to vector<16xi32>
    %and3A_128 = arith.andi %shift_right_arithmetic3A_125, %and3A_127 : vector<16xi32>
    %xor3A_129 = arith.xori %bitcast3A_122, %and3A_128 : vector<16xi32>
    %bitcast3A_130 = vector.bitcast %xor3A_129 : vector<16xi32> to vector<16xf32>
    %broadcast_in_dim3A_131 = arith.constant 0 : i32
    %broadcast_in_dim3A_132 = vector.broadcast %broadcast_in_dim3A_131 : i32 to vector<16xi32>
    %parallel_loop3A_133 = arith.constant 0 : i32
    %parallel_loop3A_134 = arith.constant 1024 : i32
    %parallel_loop3A_135 = arith.constant 1 : i32
    %parallel_loop3A_136:2 = scf.for %parallel_loop3A_435 = %parallel_loop3A_133 to %parallel_loop3A_134 step %parallel_loop3A_135 iter_args(%parallel_loop3A_436 = %broadcast_in_dim3A_132, %parallel_loop3A_437 = %broadcast_in_dim3A_132) -> (vector<16xi32>, vector<16xi32>)  : i32 {
      %parallel_loop3A_438 = arith.constant 2 : i32
      %parallel_loop3A_439 = arith.muli %parallel_loop3A_438, %parallel_loop3A_435 : i32
      %parallel_loop3A_440 = arith.constant 16 : i32
      %parallel_loop3A_441 = arith.muli %parallel_loop3A_439, %parallel_loop3A_440 : i32
      %parallel_loop3A_442 = arith.index_cast %parallel_loop3A_441 : i32 to index
      %parallel_loop3A_443 = tpu.vector_load %arg6[%parallel_loop3A_442] {strides = array<i32>} : memref<32768xf32, #tpu.memory_space<vmem>>, vector<16xf32>,
      %parallel_loop3A_444 = arith.constant 2 : i32
      %parallel_loop3A_445 = arith.muli %parallel_loop3A_444, %parallel_loop3A_435 : i32
      %parallel_loop3A_446 = arith.constant 1 : i32
      %parallel_loop3A_447 = arith.addi %parallel_loop3A_445, %parallel_loop3A_446 : i32
      %parallel_loop3A_448 = arith.constant 16 : i32
      %parallel_loop3A_449 = arith.muli %parallel_loop3A_447, %parallel_loop3A_448 : i32
      %parallel_loop3A_450 = arith.index_cast %parallel_loop3A_449 : i32 to index
      %parallel_loop3A_451 = tpu.vector_load %arg6[%parallel_loop3A_450] {strides = array<i32>} : memref<32768xf32, #tpu.memory_space<vmem>>, vector<16xf32>,
      %parallel_loop3A_452 = arith.cmpf oge, %parallel_loop3A_443, %bitcast3A_130 : vector<16xf32>
      %parallel_loop3A_453 = arith.cmpf oge, %parallel_loop3A_451, %bitcast3A_130 : vector<16xf32>
      %parallel_loop3A_454 = arith.constant 32 : i32
      %parallel_loop3A_455 = vector.broadcast %parallel_loop3A_454 : i32 to vector<16xi32>
      %parallel_loop3A_456 = arith.muli %parallel_loop3A_436, %parallel_loop3A_455 : vector<16xi32>
      %parallel_loop3A_457 = arith.addi %parallel_loop3A_456, %iota3A : vector<16xi32>
      tpu.vector_store_idx %arg7[%parallel_loop3A_457], %parallel_loop3A_443 masked %parallel_loop3A_452 : memref<32768xf32, #tpu.memory_space<vmem>>[vector<16xi32>], vector<16xf32>, vector<16xi1>
      %parallel_loop3A_458 = arith.constant 32 : i32
      %parallel_loop3A_459 = vector.broadcast %parallel_loop3A_458 : i32 to vector<16xi32>
      %parallel_loop3A_460 = arith.muli %parallel_loop3A_437, %parallel_loop3A_459 : vector<16xi32>
      %parallel_loop3A_461 = arith.constant 16 : i32
      %parallel_loop3A_462 = vector.broadcast %parallel_loop3A_461 : i32 to vector<16xi32>
      %parallel_loop3A_463 = arith.addi %parallel_loop3A_460, %parallel_loop3A_462 : vector<16xi32>
      %parallel_loop3A_464 = arith.addi %parallel_loop3A_463, %iota3A : vector<16xi32>
      tpu.vector_store_idx %arg7[%parallel_loop3A_464], %parallel_loop3A_451 masked %parallel_loop3A_453 : memref<32768xf32, #tpu.memory_space<vmem>>[vector<16xi32>], vector<16xf32>, vector<16xi1>
      %parallel_loop3A_465 = arith.extui %parallel_loop3A_452 : vector<16xi1> to vector<16xi32>
      %parallel_loop3A_466 = arith.addi %parallel_loop3A_436, %parallel_loop3A_465 : vector<16xi32>
      %parallel_loop3A_467 = arith.extui %parallel_loop3A_453 : vector<16xi1> to vector<16xi32>
      %parallel_loop3A_468 = arith.addi %parallel_loop3A_437, %parallel_loop3A_467 : vector<16xi32>
      scf.yield %parallel_loop3A_466, %parallel_loop3A_468 : vector<16xi32>, vector<16xi32>
    } {sc.loop_unroll_factor = 1 : i64, sc.parallel_access}
    %dma_wait3A_137 = arith.constant 0 : i32
    %dma_wait3A_138 = tpu.memref_slice %arg4[%add3A_93, %dma_wait3A_137] : memref<128x32768xf32, #tpu.memory_space<hbm>> -> memref<1x32768xf32, #tpu.memory_space<hbm>>
    %dma_wait3A_139 = tpu.memref_squeeze %dma_wait3A_138 : memref<1x32768xf32, #tpu.memory_space<hbm>> -> memref<32768xf32, #tpu.memory_space<hbm>>
    %dma_wait3A_140 = arith.constant 0 : i32
    %dma_wait3A_141 = tpu.memref_slice %arg4[%add3A_93, %dma_wait3A_140] : memref<128x32768xf32, #tpu.memory_space<hbm>> -> memref<1x32768xf32, #tpu.memory_space<hbm>>
    %dma_wait3A_142 = tpu.memref_squeeze %dma_wait3A_141 : memref<1x32768xf32, #tpu.memory_space<hbm>> -> memref<32768xf32, #tpu.memory_space<hbm>>
    tpu.wait_dma2 semaphore(%arg11 : memref<!tpu.dma_semaphore, #tpu.memory_space<semaphore_mem>>) src(%arg5 : memref<32768xf32, #tpu.memory_space<vmem>>) dst(%dma_wait3A_142 : memref<32768xf32, #tpu.memory_space<hbm>>)
    %add3A_143 = arith.constant 1 : i32
    %add3A_144 = arith.addi %mul3A_2, %add3A_143 : i32
    %add3A_145 = arith.constant 1 : i32
    %add3A_146 = arith.addi %add3A_144, %add3A_145 : i32
    %dma_start3A_147 = arith.constant 0 : i32
    %dma_start3A_148 = tpu.memref_slice %arg2[%add3A_146, %dma_start3A_147] : memref<128x32768xf32, #tpu.memory_space<hbm>> -> memref<1x32768xf32, #tpu.memory_space<hbm>>
    %dma_start3A_149 = tpu.memref_squeeze %dma_start3A_148 : memref<1x32768xf32, #tpu.memory_space<hbm>> -> memref<32768xf32, #tpu.memory_space<hbm>>
    %dma_start3A_150 = arith.constant 0 : i32
    %dma_start3A_151 = tpu.memref_slice %arg2[%add3A_146, %dma_start3A_150] : memref<128x32768xf32, #tpu.memory_space<hbm>> -> memref<1x32768xf32, #tpu.memory_space<hbm>>
    %dma_start3A_152 = tpu.memref_squeeze %dma_start3A_151 : memref<1x32768xf32, #tpu.memory_space<hbm>> -> memref<32768xf32, #tpu.memory_space<hbm>>
    tpu.enqueue_dma source(%dma_start3A_152 : memref<32768xf32, #tpu.memory_space<hbm>>) target(%arg5 : memref<32768xf32, #tpu.memory_space<vmem>>) target_semaphore(%arg9 : memref<!tpu.dma_semaphore, #tpu.memory_space<semaphore_mem>>)
    %reduce_sum3A_153 = arith.constant true
    %reduce_sum3A_154 = vector.broadcast %reduce_sum3A_153 : i1 to vector<16xi1>
    %reduce_sum3A_155 = tpu.scan <sum>, %parallel_loop3A_136#0 masked %reduce_sum3A_154 : vector<16xi32>, vector<16xi1> -> vector<16xi32>
    %reduce_sum3A_156 = vector.extract %reduce_sum3A_155[15] : i32 from vector<16xi32>
    %reduce_sum3A_157 = arith.constant true
    %reduce_sum3A_158 = vector.broadcast %reduce_sum3A_157 : i1 to vector<16xi1>
    %reduce_sum3A_159 = tpu.scan <sum>, %parallel_loop3A_136#1 masked %reduce_sum3A_158 : vector<16xi32>, vector<16xi1> -> vector<16xi32>
    %reduce_sum3A_160 = vector.extract %reduce_sum3A_159[15] : i32 from vector<16xi32>
    %add3A_161 = arith.addi %reduce_sum3A_156, %reduce_sum3A_160 : i32
    %reduce_max3A_162 = arith.constant true
    %reduce_max3A_163 = vector.broadcast %reduce_max3A_162 : i1 to vector<16xi1>
    %reduce_max3A_164 = arith.constant -2147483648 : i32
    %reduce_max3A_165 = vector.broadcast %reduce_max3A_164 : i32 to vector<16xi32>
    %reduce_max3A_166 = arith.xori %parallel_loop3A_136#0, %reduce_max3A_165 : vector<16xi32>
    %reduce_max3A_167 = tpu.scan <max>, %reduce_max3A_166 masked %reduce_max3A_163 : vector<16xi32>, vector<16xi1> -> vector<16xi32>
    %reduce_max3A_168 = arith.xori %reduce_max3A_167, %reduce_max3A_165 : vector<16xi32>
    %reduce_max3A_169 = vector.extract %reduce_max3A_168[15] : i32 from vector<16xi32>
    %reduce_max3A_170 = arith.constant true
    %reduce_max3A_171 = vector.broadcast %reduce_max3A_170 : i1 to vector<16xi1>
    %reduce_max3A_172 = arith.constant -2147483648 : i32
    %reduce_max3A_173 = vector.broadcast %reduce_max3A_172 : i32 to vector<16xi32>
    %reduce_max3A_174 = arith.xori %parallel_loop3A_136#1, %reduce_max3A_173 : vector<16xi32>
    %reduce_max3A_175 = tpu.scan <max>, %reduce_max3A_174 masked %reduce_max3A_171 : vector<16xi32>, vector<16xi1> -> vector<16xi32>
    %reduce_max3A_176 = arith.xori %reduce_max3A_175, %reduce_max3A_173 : vector<16xi32>
    %reduce_max3A_177 = vector.extract %reduce_max3A_176[15] : i32 from vector<16xi32>
    %max3A_178 = arith.maxsi %reduce_max3A_169, %reduce_max3A_177 : i32
    %ge3A_179 = arith.constant 512 : i32
    %ge3A_180 = arith.cmpi sge, %add3A_161, %ge3A_179 : i32
    %add3A_181 = arith.constant 1 : i32
    %add3A_182 = arith.addi %max3A_178, %add3A_181 : i32
    %shift_right_logical3A_183 = arith.constant 1 : i32
    %shift_right_logical3A_184 = arith.shrui %add3A_182, %shift_right_logical3A_183 : i32
    %convert_element_type3A_185 = arith.extui %ge3A_180 : i1 to i32
    %cond3A_186 = arith.constant 0 : i32
    %cond3A_187 = arith.cmpi ne, %convert_element_type3A_185, %cond3A_186 : i32
    %cond3A_188 = scf.if %cond3A_187 -> (i32) {
      %broadcast_in_dim3A_435 = arith.constant 0 : i32
      %broadcast_in_dim3A_436 = vector.broadcast %broadcast_in_dim3A_435 : i32 to vector<16xi32>
      %parallel_loop3A_437 = arith.constant 0 : i32
      %parallel_loop3A_438 = arith.constant 1 : i32
      %parallel_loop3A_439 = scf.for %parallel_loop3A_453 = %parallel_loop3A_437 to %shift_right_logical3A_184 step %parallel_loop3A_438 iter_args(%parallel_loop3A_454 = %broadcast_in_dim3A_436) -> (vector<16xi32>)  : i32 {
        %parallel_loop3A_455 = arith.constant 2 : i32
        %parallel_loop3A_456 = arith.muli %parallel_loop3A_455, %parallel_loop3A_453 : i32
        %parallel_loop3A_457 = arith.constant 0 : i32
        %parallel_loop3A_458 = arith.addi %parallel_loop3A_456, %parallel_loop3A_457 : i32
        %parallel_loop3A_459 = arith.constant 4 : i32
        %parallel_loop3A_460 = arith.muli %parallel_loop3A_459, %parallel_loop3A_453 : i32
        %parallel_loop3A_461 = arith.constant 0 : i32
        %parallel_loop3A_462 = arith.addi %parallel_loop3A_460, %parallel_loop3A_461 : i32
        %parallel_loop3A_463 = arith.constant 16 : i32
        %parallel_loop3A_464 = arith.muli %parallel_loop3A_462, %parallel_loop3A_463 : i32
        %parallel_loop3A_465 = arith.index_cast %parallel_loop3A_464 : i32 to index
        %parallel_loop3A_466 = tpu.vector_load %arg7[%parallel_loop3A_465] {strides = array<i32>} : memref<32768xf32, #tpu.memory_space<vmem>>, vector<16xf32>,
        %parallel_loop3A_467 = vector.bitcast %parallel_loop3A_466 : vector<16xf32> to vector<16xi32>
        %parallel_loop3A_468 = arith.constant 31 : i32
        %parallel_loop3A_469 = vector.broadcast %parallel_loop3A_468 : i32 to vector<16xi32>
        %parallel_loop3A_470 = arith.shrsi %parallel_loop3A_467, %parallel_loop3A_469 : vector<16xi32>
        %parallel_loop3A_471 = arith.constant 2147483647 : i32
        %parallel_loop3A_472 = vector.broadcast %parallel_loop3A_471 : i32 to vector<16xi32>
        %parallel_loop3A_473 = arith.andi %parallel_loop3A_470, %parallel_loop3A_472 : vector<16xi32>
        %parallel_loop3A_474 = arith.xori %parallel_loop3A_467, %parallel_loop3A_473 : vector<16xi32>
        %parallel_loop3A_475 = vector.bitcast %parallel_loop3A_474 : vector<16xi32> to vector<16xi32>
        %parallel_loop3A_476 = arith.constant -2147483648 : i32
        %parallel_loop3A_477 = vector.broadcast %parallel_loop3A_476 : i32 to vector<16xi32>
        %parallel_loop3A_478 = arith.xori %parallel_loop3A_475, %parallel_loop3A_477 : vector<16xi32>
        %parallel_loop3A_479 = vector.broadcast %parallel_loop3A_458 : i32 to vector<16xi32>
        %parallel_loop3A_480 = arith.cmpi sgt, %parallel_loop3A_136#0, %parallel_loop3A_479 : vector<16xi32>
        %parallel_loop3A_481 = arith.constant 0 : i32
        %parallel_loop3A_482 = vector.broadcast %parallel_loop3A_481 : i32 to vector<16xi32>
        %parallel_loop3A_483 = arith.select %parallel_loop3A_480, %parallel_loop3A_478, %parallel_loop3A_482 : vector<16xi1>, vector<16xi32>
        %parallel_loop3A_484 = vector.bitcast %parallel_loop3A_483 : vector<16xi32> to vector<16xf32>
        %parallel_loop3A_485 = arith.index_cast %parallel_loop3A_464 : i32 to index
        %parallel_loop3A_486 = tpu.vector_load %arg7[%parallel_loop3A_485] {strides = array<i32>} : memref<32768xf32, #tpu.memory_space<vmem>>, vector<16xf32>,
        tpu.vector_store %arg7[%parallel_loop3A_485], %parallel_loop3A_484 {strides = array<i32>} : memref<32768xf32, #tpu.memory_space<vmem>>, vector<16xf32>,
        %parallel_loop3A_487 = arith.maxui %parallel_loop3A_454, %parallel_loop3A_483 : vector<16xi32>
        %parallel_loop3A_488 = arith.constant 2 : i32
        %parallel_loop3A_489 = arith.muli %parallel_loop3A_488, %parallel_loop3A_453 : i32
        %parallel_loop3A_490 = arith.constant 0 : i32
        %parallel_loop3A_491 = arith.addi %parallel_loop3A_489, %parallel_loop3A_490 : i32
        %parallel_loop3A_492 = arith.constant 4 : i32
        %parallel_loop3A_493 = arith.muli %parallel_loop3A_492, %parallel_loop3A_453 : i32
        %parallel_loop3A_494 = arith.constant 1 : i32
        %parallel_loop3A_495 = arith.addi %parallel_loop3A_493, %parallel_loop3A_494 : i32
        %parallel_loop3A_496 = arith.constant 16 : i32
        %parallel_loop3A_497 = arith.muli %parallel_loop3A_495, %parallel_loop3A_496 : i32
        %parallel_loop3A_498 = arith.index_cast %parallel_loop3A_497 : i32 to index
        %parallel_loop3A_499 = tpu.vector_load %arg7[%parallel_loop3A_498] {strides = array<i32>} : memref<32768xf32, #tpu.memory_space<vmem>>, vector<16xf32>,
        %parallel_loop3A_500 = vector.bitcast %parallel_loop3A_499 : vector<16xf32> to vector<16xi32>
        %parallel_loop3A_501 = arith.constant 31 : i32
        %parallel_loop3A_502 = vector.broadcast %parallel_loop3A_501 : i32 to vector<16xi32>
        %parallel_loop3A_503 = arith.shrsi %parallel_loop3A_500, %parallel_loop3A_502 : vector<16xi32>
        %parallel_loop3A_504 = arith.constant 2147483647 : i32
        %parallel_loop3A_505 = vector.broadcast %parallel_loop3A_504 : i32 to vector<16xi32>
        %parallel_loop3A_506 = arith.andi %parallel_loop3A_503, %parallel_loop3A_505 : vector<16xi32>
        %parallel_loop3A_507 = arith.xori %parallel_loop3A_500, %parallel_loop3A_506 : vector<16xi32>
        %parallel_loop3A_508 = vector.bitcast %parallel_loop3A_507 : vector<16xi32> to vector<16xi32>
        %parallel_loop3A_509 = arith.constant -2147483648 : i32
        %parallel_loop3A_510 = vector.broadcast %parallel_loop3A_509 : i32 to vector<16xi32>
        %parallel_loop3A_511 = arith.xori %parallel_loop3A_508, %parallel_loop3A_510 : vector<16xi32>
        %parallel_loop3A_512 = vector.broadcast %parallel_loop3A_491 : i32 to vector<16xi32>
        %parallel_loop3A_513 = arith.cmpi sgt, %parallel_loop3A_136#1, %parallel_loop3A_512 : vector<16xi32>
        %parallel_loop3A_514 = arith.constant 0 : i32
        %parallel_loop3A_515 = vector.broadcast %parallel_loop3A_514 : i32 to vector<16xi32>
        %parallel_loop3A_516 = arith.select %parallel_loop3A_513, %parallel_loop3A_511, %parallel_loop3A_515 : vector<16xi1>, vector<16xi32>
        %parallel_loop3A_517 = vector.bitcast %parallel_loop3A_516 : vector<16xi32> to vector<16xf32>
        %parallel_loop3A_518 = arith.index_cast %parallel_loop3A_497 : i32 to index
        %parallel_loop3A_519 = tpu.vector_load %arg7[%parallel_loop3A_518] {strides = array<i32>} : memref<32768xf32, #tpu.memory_space<vmem>>, vector<16xf32>,
        tpu.vector_store %arg7[%parallel_loop3A_518], %parallel_loop3A_517 {strides = array<i32>} : memref<32768xf32, #tpu.memory_space<vmem>>, vector<16xf32>,
        %parallel_loop3A_520 = arith.maxui %parallel_loop3A_487, %parallel_loop3A_516 : vector<16xi32>
        %parallel_loop3A_521 = arith.constant 2 : i32
        %parallel_loop3A_522 = arith.muli %parallel_loop3A_521, %parallel_loop3A_453 : i32
        %parallel_loop3A_523 = arith.constant 1 : i32
        %parallel_loop3A_524 = arith.addi %parallel_loop3A_522, %parallel_loop3A_523 : i32
        %parallel_loop3A_525 = arith.constant 4 : i32
        %parallel_loop3A_526 = arith.muli %parallel_loop3A_525, %parallel_loop3A_453 : i32
        %parallel_loop3A_527 = arith.constant 2 : i32
        %parallel_loop3A_528 = arith.addi %parallel_loop3A_526, %parallel_loop3A_527 : i32
        %parallel_loop3A_529 = arith.constant 16 : i32
        %parallel_loop3A_530 = arith.muli %parallel_loop3A_528, %parallel_loop3A_529 : i32
        %parallel_loop3A_531 = arith.index_cast %parallel_loop3A_530 : i32 to index
        %parallel_loop3A_532 = tpu.vector_load %arg7[%parallel_loop3A_531] {strides = array<i32>} : memref<32768xf32, #tpu.memory_space<vmem>>, vector<16xf32>,
        %parallel_loop3A_533 = vector.bitcast %parallel_loop3A_532 : vector<16xf32> to vector<16xi32>
        %parallel_loop3A_534 = arith.constant 31 : i32
        %parallel_loop3A_535 = vector.broadcast %parallel_loop3A_534 : i32 to vector<16xi32>
        %parallel_loop3A_536 = arith.shrsi %parallel_loop3A_533, %parallel_loop3A_535 : vector<16xi32>
        %parallel_loop3A_537 = arith.constant 2147483647 : i32
        %parallel_loop3A_538 = vector.broadcast %parallel_loop3A_537 : i32 to vector<16xi32>
        %parallel_loop3A_539 = arith.andi %parallel_loop3A_536, %parallel_loop3A_538 : vector<16xi32>
        %parallel_loop3A_540 = arith.xori %parallel_loop3A_533, %parallel_loop3A_539 : vector<16xi32>
        %parallel_loop3A_541 = vector.bitcast %parallel_loop3A_540 : vector<16xi32> to vector<16xi32>
        %parallel_loop3A_542 = arith.constant -2147483648 : i32
        %parallel_loop3A_543 = vector.broadcast %parallel_loop3A_542 : i32 to vector<16xi32>
        %parallel_loop3A_544 = arith.xori %parallel_loop3A_541, %parallel_loop3A_543 : vector<16xi32>
        %parallel_loop3A_545 = vector.broadcast %parallel_loop3A_524 : i32 to vector<16xi32>
        %parallel_loop3A_546 = arith.cmpi sgt, %parallel_loop3A_136#0, %parallel_loop3A_545 : vector<16xi32>
        %parallel_loop3A_547 = arith.constant 0 : i32
        %parallel_loop3A_548 = vector.broadcast %parallel_loop3A_547 : i32 to vector<16xi32>
        %parallel_loop3A_549 = arith.select %parallel_loop3A_546, %parallel_loop3A_544, %parallel_loop3A_548 : vector<16xi1>, vector<16xi32>
        %parallel_loop3A_550 = vector.bitcast %parallel_loop3A_549 : vector<16xi32> to vector<16xf32>
        %parallel_loop3A_551 = arith.index_cast %parallel_loop3A_530 : i32 to index
        %parallel_loop3A_552 = tpu.vector_load %arg7[%parallel_loop3A_551] {strides = array<i32>} : memref<32768xf32, #tpu.memory_space<vmem>>, vector<16xf32>,
        tpu.vector_store %arg7[%parallel_loop3A_551], %parallel_loop3A_550 {strides = array<i32>} : memref<32768xf32, #tpu.memory_space<vmem>>, vector<16xf32>,
        %parallel_loop3A_553 = arith.maxui %parallel_loop3A_520, %parallel_loop3A_549 : vector<16xi32>
        %parallel_loop3A_554 = arith.constant 2 : i32
        %parallel_loop3A_555 = arith.muli %parallel_loop3A_554, %parallel_loop3A_453 : i32
        %parallel_loop3A_556 = arith.constant 1 : i32
        %parallel_loop3A_557 = arith.addi %parallel_loop3A_555, %parallel_loop3A_556 : i32
        %parallel_loop3A_558 = arith.constant 4 : i32
        %parallel_loop3A_559 = arith.muli %parallel_loop3A_558, %parallel_loop3A_453 : i32
        %parallel_loop3A_560 = arith.constant 3 : i32
        %parallel_loop3A_561 = arith.addi %parallel_loop3A_559, %parallel_loop3A_560 : i32
        %parallel_loop3A_562 = arith.constant 16 : i32
        %parallel_loop3A_563 = arith.muli %parallel_loop3A_561, %parallel_loop3A_562 : i32
        %parallel_loop3A_564 = arith.index_cast %parallel_loop3A_563 : i32 to index
        %parallel_loop3A_565 = tpu.vector_load %arg7[%parallel_loop3A_564] {strides = array<i32>} : memref<32768xf32, #tpu.memory_space<vmem>>, vector<16xf32>,
        %parallel_loop3A_566 = vector.bitcast %parallel_loop3A_565 : vector<16xf32> to vector<16xi32>
        %parallel_loop3A_567 = arith.constant 31 : i32
        %parallel_loop3A_568 = vector.broadcast %parallel_loop3A_567 : i32 to vector<16xi32>
        %parallel_loop3A_569 = arith.shrsi %parallel_loop3A_566, %parallel_loop3A_568 : vector<16xi32>
        %parallel_loop3A_570 = arith.constant 2147483647 : i32
        %parallel_loop3A_571 = vector.broadcast %parallel_loop3A_570 : i32 to vector<16xi32>
        %parallel_loop3A_572 = arith.andi %parallel_loop3A_569, %parallel_loop3A_571 : vector<16xi32>
        %parallel_loop3A_573 = arith.xori %parallel_loop3A_566, %parallel_loop3A_572 : vector<16xi32>
        %parallel_loop3A_574 = vector.bitcast %parallel_loop3A_573 : vector<16xi32> to vector<16xi32>
        %parallel_loop3A_575 = arith.constant -2147483648 : i32
        %parallel_loop3A_576 = vector.broadcast %parallel_loop3A_575 : i32 to vector<16xi32>
        %parallel_loop3A_577 = arith.xori %parallel_loop3A_574, %parallel_loop3A_576 : vector<16xi32>
        %parallel_loop3A_578 = vector.broadcast %parallel_loop3A_557 : i32 to vector<16xi32>
        %parallel_loop3A_579 = arith.cmpi sgt, %parallel_loop3A_136#1, %parallel_loop3A_578 : vector<16xi32>
        %parallel_loop3A_580 = arith.constant 0 : i32
        %parallel_loop3A_581 = vector.broadcast %parallel_loop3A_580 : i32 to vector<16xi32>
        %parallel_loop3A_582 = arith.select %parallel_loop3A_579, %parallel_loop3A_577, %parallel_loop3A_581 : vector<16xi1>, vector<16xi32>
        %parallel_loop3A_583 = vector.bitcast %parallel_loop3A_582 : vector<16xi32> to vector<16xf32>
        %parallel_loop3A_584 = arith.index_cast %parallel_loop3A_563 : i32 to index
        %parallel_loop3A_585 = tpu.vector_load %arg7[%parallel_loop3A_584] {strides = array<i32>} : memref<32768xf32, #tpu.memory_space<vmem>>, vector<16xf32>,
        tpu.vector_store %arg7[%parallel_loop3A_584], %parallel_loop3A_583 {strides = array<i32>} : memref<32768xf32, #tpu.memory_space<vmem>>, vector<16xf32>,
        %parallel_loop3A_586 = arith.maxui %parallel_loop3A_553, %parallel_loop3A_582 : vector<16xi32>
        scf.yield %parallel_loop3A_586 : vector<16xi32>
      } {sc.loop_unroll_factor = 1 : i64, sc.parallel_access}
      %reduce_max3A_440 = arith.constant true
      %reduce_max3A_441 = vector.broadcast %reduce_max3A_440 : i1 to vector<16xi1>
      %reduce_max3A_442 = tpu.scan <max>, %parallel_loop3A_439 masked %reduce_max3A_441 : vector<16xi32>, vector<16xi1> -> vector<16xi32>
      %reduce_max3A_443 = vector.extract %reduce_max3A_442[15] : i32 from vector<16xi32>
      %scan3A_444 = arith.constant 512 : i32
      %scan3A_445 = arith.constant false
      %scan3A_446 = arith.constant 0 : i32
      %scan3A_447 = arith.constant 32 : i32
      %scan3A_448 = arith.addi %scan3A_446, %scan3A_447 : i32
      %scan3A_449 = arith.constant 1 : i32
      %scan3A_450:4 = scf.for %scan3A_453 = %scan3A_446 to %scan3A_448 step %scan3A_449 iter_args(%scan3A_454 = %select_n3A_117, %scan3A_455 = %reduce_max3A_443, %scan3A_456 = %scan3A_445, %scan3A_457 = %select_n3A_117) -> (i32, i32, i1, i32)  : i32 {
        %lt3A = arith.cmpi ult, %scan3A_454, %scan3A_455 : i32
        %not3A = arith.constant true
        %not3A_458 = arith.xori %scan3A_456, %not3A : i1
        %and3A_459 = arith.andi %lt3A, %not3A_458 : i1
        %sub3A = arith.subi %scan3A_455, %scan3A_454 : i32
        %shift_right_logical3A_460 = arith.constant 1 : i32
        %shift_right_logical3A_461 = arith.shrui %sub3A, %shift_right_logical3A_460 : i32
        %add3A_462 = arith.addi %scan3A_454, %shift_right_logical3A_461 : i32
        %and3A_463 = arith.constant 1 : i32
        %and3A_464 = arith.andi %sub3A, %and3A_463 : i32
        %add3A_465 = arith.addi %add3A_462, %and3A_464 : i32
        %jit3A = arith.constant 0 : i32
        %select_n3A_466 = arith.select %and3A_459, %shift_right_logical3A_184, %jit3A : i32
        %broadcast_in_dim3A_467 = vector.broadcast %add3A_465 : i32 to vector<16xi32>
        %broadcast_in_dim3A_468 = arith.constant 0 : i32
        %broadcast_in_dim3A_469 = vector.broadcast %broadcast_in_dim3A_468 : i32 to vector<16xi32>
        %parallel_loop3A_470 = arith.constant 0 : i32
        %parallel_loop3A_471 = arith.constant 1 : i32
        %parallel_loop3A_472:2 = scf.for %parallel_loop3A_491 = %parallel_loop3A_470 to %select_n3A_466 step %parallel_loop3A_471 iter_args(%parallel_loop3A_492 = %broadcast_in_dim3A_469, %parallel_loop3A_493 = %broadcast_in_dim3A_469) -> (vector<16xi32>, vector<16xi32>)  : i32 {
          %parallel_loop3A_494 = arith.constant 64 : i32
          %parallel_loop3A_495 = arith.muli %parallel_loop3A_491, %parallel_loop3A_494 : i32
          %parallel_loop3A_496 = arith.constant 0 : i32
          %parallel_loop3A_497 = arith.addi %parallel_loop3A_495, %parallel_loop3A_496 : i32
          %parallel_loop3A_498 = arith.index_cast %parallel_loop3A_497 : i32 to index
          %parallel_loop3A_499 = tpu.vector_load %arg7[%parallel_loop3A_498] {strides = array<i32>} : memref<32768xf32, #tpu.memory_space<vmem>>, vector<16xf32>,
          %parallel_loop3A_500 = vector.bitcast %parallel_loop3A_499 : vector<16xf32> to vector<16xi32>
          %parallel_loop3A_501 = arith.cmpi uge, %parallel_loop3A_500, %broadcast_in_dim3A_467 : vector<16xi32>
          %parallel_loop3A_502 = tpu.all_reduce %parallel_loop3A_501 {dim = 0 : i64, kind = #tpu.reduction_kind<sum>} : vector<16xi1> -> vector<16xi32>
          %parallel_loop3A_503 = arith.addi %parallel_loop3A_492, %parallel_loop3A_502 : vector<16xi32>
          %parallel_loop3A_504 = arith.constant 16 : i32
          %parallel_loop3A_505 = arith.addi %parallel_loop3A_495, %parallel_loop3A_504 : i32
          %parallel_loop3A_506 = arith.index_cast %parallel_loop3A_505 : i32 to index
          %parallel_loop3A_507 = tpu.vector_load %arg7[%parallel_loop3A_506] {strides = array<i32>} : memref<32768xf32, #tpu.memory_space<vmem>>, vector<16xf32>,
          %parallel_loop3A_508 = vector.bitcast %parallel_loop3A_507 : vector<16xf32> to vector<16xi32>
          %parallel_loop3A_509 = arith.cmpi uge, %parallel_loop3A_508, %broadcast_in_dim3A_467 : vector<16xi32>
          %parallel_loop3A_510 = tpu.all_reduce %parallel_loop3A_509 {dim = 0 : i64, kind = #tpu.reduction_kind<sum>} : vector<16xi1> -> vector<16xi32>
          %parallel_loop3A_511 = arith.addi %parallel_loop3A_493, %parallel_loop3A_510 : vector<16xi32>
          %parallel_loop3A_512 = arith.constant 32 : i32
          %parallel_loop3A_513 = arith.addi %parallel_loop3A_495, %parallel_loop3A_512 : i32
          %parallel_loop3A_514 = arith.index_cast %parallel_loop3A_513 : i32 to index
          %parallel_loop3A_515 = tpu.vector_load %arg7[%parallel_loop3A_514] {strides = array<i32>} : memref<32768xf32, #tpu.memory_space<vmem>>, vector<16xf32>,
          %parallel_loop3A_516 = vector.bitcast %parallel_loop3A_515 : vector<16xf32> to vector<16xi32>
          %parallel_loop3A_517 = arith.cmpi uge, %parallel_loop3A_516, %broadcast_in_dim3A_467 : vector<16xi32>
          %parallel_loop3A_518 = tpu.all_reduce %parallel_loop3A_517 {dim = 0 : i64, kind = #tpu.reduction_kind<sum>} : vector<16xi1> -> vector<16xi32>
          %parallel_loop3A_519 = arith.addi %parallel_loop3A_503, %parallel_loop3A_518 : vector<16xi32>
          %parallel_loop3A_520 = arith.constant 48 : i32
          %parallel_loop3A_521 = arith.addi %parallel_loop3A_495, %parallel_loop3A_520 : i32
          %parallel_loop3A_522 = arith.index_cast %parallel_loop3A_521 : i32 to index
          %parallel_loop3A_523 = tpu.vector_load %arg7[%parallel_loop3A_522] {strides = array<i32>} : memref<32768xf32, #tpu.memory_space<vmem>>, vector<16xf32>,
          %parallel_loop3A_524 = vector.bitcast %parallel_loop3A_523 : vector<16xf32> to vector<16xi32>
          %parallel_loop3A_525 = arith.cmpi uge, %parallel_loop3A_524, %broadcast_in_dim3A_467 : vector<16xi32>
          %parallel_loop3A_526 = tpu.all_reduce %parallel_loop3A_525 {dim = 0 : i64, kind = #tpu.reduction_kind<sum>} : vector<16xi1> -> vector<16xi32>
          %parallel_loop3A_527 = arith.addi %parallel_loop3A_511, %parallel_loop3A_526 : vector<16xi32>
          scf.yield %parallel_loop3A_519, %parallel_loop3A_527 : vector<16xi32>, vector<16xi32>
        } {sc.loop_unroll_factor = 1 : i64, sc.parallel_access}
        %add3A_473 = arith.addi %parallel_loop3A_472#0, %parallel_loop3A_472#1 : vector<16xi32>
        %reduce_max3A_474 = arith.constant true
        %reduce_max3A_475 = vector.broadcast %reduce_max3A_474 : i1 to vector<16xi1>
        %reduce_max3A_476 = arith.constant -2147483648 : i32
        %reduce_max3A_477 = vector.broadcast %reduce_max3A_476 : i32 to vector<16xi32>
        %reduce_max3A_478 = arith.xori %add3A_473, %reduce_max3A_477 : vector<16xi32>
        %reduce_max3A_479 = tpu.scan <max>, %reduce_max3A_478 masked %reduce_max3A_475 : vector<16xi32>, vector<16xi1> -> vector<16xi32>
        %reduce_max3A_480 = arith.xori %reduce_max3A_479, %reduce_max3A_477 : vector<16xi32>
        %reduce_max3A_481 = vector.extract %reduce_max3A_480[15] : i32 from vector<16xi32>
        %eq3A = arith.cmpi eq, %reduce_max3A_481, %scan3A_444 : i32
        %and3A_482 = arith.andi %and3A_459, %eq3A : i1
        %ge3A_483 = arith.cmpi sge, %reduce_max3A_481, %scan3A_444 : i32
        %select_n3A_484 = arith.select %ge3A_483, %add3A_465, %scan3A_454 : i32
        %select_n3A_485 = arith.select %and3A_459, %select_n3A_484, %scan3A_454 : i32
        %sub3A_486 = arith.constant 1 : i32
        %sub3A_487 = arith.subi %add3A_465, %sub3A_486 : i32
        %select_n3A_488 = arith.select %ge3A_483, %scan3A_455, %sub3A_487 : i32
        %select_n3A_489 = arith.select %and3A_459, %select_n3A_488, %scan3A_455 : i32
        %or3A = arith.ori %scan3A_456, %and3A_482 : i1
        %select_n3A_490 = arith.select %and3A_482, %add3A_465, %scan3A_457 : i32
        scf.yield %select_n3A_485, %select_n3A_489, %or3A, %select_n3A_490 : i32, i32, i1, i32
      }
      %scan3A_451 = arith.constant 32 : i32
      %select_n3A_452 = arith.select %scan3A_450#2, %scan3A_450#3, %scan3A_450#0 : i32
      scf.yield %select_n3A_452 : i32
    } else {
      %scan3A_435 = arith.constant 512 : i32
      %scan3A_436 = arith.constant 0 : i32
      %scan3A_437 = arith.constant -1 : i32
      %scan3A_438 = arith.constant false
      %scan3A_439 = arith.constant 0 : i32
      %scan3A_440 = arith.constant 0 : i32
      %scan3A_441 = arith.constant 32 : i32
      %scan3A_442 = arith.addi %scan3A_440, %scan3A_441 : i32
      %scan3A_443 = arith.constant 1 : i32
      %scan3A_444:4 = scf.for %scan3A_447 = %scan3A_440 to %scan3A_442 step %scan3A_443 iter_args(%scan3A_448 = %scan3A_436, %scan3A_449 = %scan3A_437, %scan3A_450 = %scan3A_438, %scan3A_451 = %scan3A_439) -> (i32, i32, i1, i32)  : i32 {
        %lt3A = arith.cmpi ult, %scan3A_448, %scan3A_449 : i32
        %not3A = arith.constant true
        %not3A_452 = arith.xori %scan3A_450, %not3A : i1
        %and3A_453 = arith.andi %lt3A, %not3A_452 : i1
        %sub3A = arith.subi %scan3A_449, %scan3A_448 : i32
        %shift_right_logical3A_454 = arith.constant 1 : i32
        %shift_right_logical3A_455 = arith.shrui %sub3A, %shift_right_logical3A_454 : i32
        %add3A_456 = arith.addi %scan3A_448, %shift_right_logical3A_455 : i32
        %and3A_457 = arith.constant 1 : i32
        %and3A_458 = arith.andi %sub3A, %and3A_457 : i32
        %add3A_459 = arith.addi %add3A_456, %and3A_458 : i32
        %jit3A = arith.constant 512 : i32
        %jit3A_460 = arith.constant 0 : i32
        %select_n3A_461 = arith.select %and3A_453, %jit3A, %jit3A_460 : i32
        %broadcast_in_dim3A_462 = vector.broadcast %add3A_459 : i32 to vector<16xi32>
        %broadcast_in_dim3A_463 = arith.constant 0 : i32
        %broadcast_in_dim3A_464 = vector.broadcast %broadcast_in_dim3A_463 : i32 to vector<16xi32>
        %parallel_loop3A_465 = arith.constant 0 : i32
        %parallel_loop3A_466 = arith.constant 1 : i32
        %parallel_loop3A_467:2 = scf.for %parallel_loop3A_486 = %parallel_loop3A_465 to %select_n3A_461 step %parallel_loop3A_466 iter_args(%parallel_loop3A_487 = %broadcast_in_dim3A_464, %parallel_loop3A_488 = %broadcast_in_dim3A_464) -> (vector<16xi32>, vector<16xi32>)  : i32 {
          %parallel_loop3A_489 = arith.constant 64 : i32
          %parallel_loop3A_490 = arith.muli %parallel_loop3A_486, %parallel_loop3A_489 : i32
          %parallel_loop3A_491 = arith.constant 0 : i32
          %parallel_loop3A_492 = arith.addi %parallel_loop3A_490, %parallel_loop3A_491 : i32
          %parallel_loop3A_493 = arith.index_cast %parallel_loop3A_492 : i32 to index
          %parallel_loop3A_494 = tpu.vector_load %arg6[%parallel_loop3A_493] {strides = array<i32>} : memref<32768xf32, #tpu.memory_space<vmem>>, vector<16xf32>,
          %parallel_loop3A_495 = vector.bitcast %parallel_loop3A_494 : vector<16xf32> to vector<16xi32>
          %parallel_loop3A_496 = arith.constant 31 : i32
          %parallel_loop3A_497 = vector.broadcast %parallel_loop3A_496 : i32 to vector<16xi32>
          %parallel_loop3A_498 = arith.shrsi %parallel_loop3A_495, %parallel_loop3A_497 : vector<16xi32>
          %parallel_loop3A_499 = arith.constant 2147483647 : i32
          %parallel_loop3A_500 = vector.broadcast %parallel_loop3A_499 : i32 to vector<16xi32>
          %parallel_loop3A_501 = arith.andi %parallel_loop3A_498, %parallel_loop3A_500 : vector<16xi32>
          %parallel_loop3A_502 = arith.xori %parallel_loop3A_495, %parallel_loop3A_501 : vector<16xi32>
          %parallel_loop3A_503 = vector.bitcast %parallel_loop3A_502 : vector<16xi32> to vector<16xi32>
          %parallel_loop3A_504 = arith.constant -2147483648 : i32
          %parallel_loop3A_505 = vector.broadcast %parallel_loop3A_504 : i32 to vector<16xi32>
          %parallel_loop3A_506 = arith.xori %parallel_loop3A_503, %parallel_loop3A_505 : vector<16xi32>
          %parallel_loop3A_507 = arith.cmpi uge, %parallel_loop3A_506, %broadcast_in_dim3A_462 : vector<16xi32>
          %parallel_loop3A_508 = tpu.all_reduce %parallel_loop3A_507 {dim = 0 : i64, kind = #tpu.reduction_kind<sum>} : vector<16xi1> -> vector<16xi32>
          %parallel_loop3A_509 = arith.addi %parallel_loop3A_487, %parallel_loop3A_508 : vector<16xi32>
          %parallel_loop3A_510 = arith.constant 16 : i32
          %parallel_loop3A_511 = arith.addi %parallel_loop3A_490, %parallel_loop3A_510 : i32
          %parallel_loop3A_512 = arith.index_cast %parallel_loop3A_511 : i32 to index
          %parallel_loop3A_513 = tpu.vector_load %arg6[%parallel_loop3A_512] {strides = array<i32>} : memref<32768xf32, #tpu.memory_space<vmem>>, vector<16xf32>,
          %parallel_loop3A_514 = vector.bitcast %parallel_loop3A_513 : vector<16xf32> to vector<16xi32>
          %parallel_loop3A_515 = arith.constant 31 : i32
          %parallel_loop3A_516 = vector.broadcast %parallel_loop3A_515 : i32 to vector<16xi32>
          %parallel_loop3A_517 = arith.shrsi %parallel_loop3A_514, %parallel_loop3A_516 : vector<16xi32>
          %parallel_loop3A_518 = arith.constant 2147483647 : i32
          %parallel_loop3A_519 = vector.broadcast %parallel_loop3A_518 : i32 to vector<16xi32>
          %parallel_loop3A_520 = arith.andi %parallel_loop3A_517, %parallel_loop3A_519 : vector<16xi32>
          %parallel_loop3A_521 = arith.xori %parallel_loop3A_514, %parallel_loop3A_520 : vector<16xi32>
          %parallel_loop3A_522 = vector.bitcast %parallel_loop3A_521 : vector<16xi32> to vector<16xi32>
          %parallel_loop3A_523 = arith.constant -2147483648 : i32
          %parallel_loop3A_524 = vector.broadcast %parallel_loop3A_523 : i32 to vector<16xi32>
          %parallel_loop3A_525 = arith.xori %parallel_loop3A_522, %parallel_loop3A_524 : vector<16xi32>
          %parallel_loop3A_526 = arith.cmpi uge, %parallel_loop3A_525, %broadcast_in_dim3A_462 : vector<16xi32>
          %parallel_loop3A_527 = tpu.all_reduce %parallel_loop3A_526 {dim = 0 : i64, kind = #tpu.reduction_kind<sum>} : vector<16xi1> -> vector<16xi32>
          %parallel_loop3A_528 = arith.addi %parallel_loop3A_488, %parallel_loop3A_527 : vector<16xi32>
          %parallel_loop3A_529 = arith.constant 32 : i32
          %parallel_loop3A_530 = arith.addi %parallel_loop3A_490, %parallel_loop3A_529 : i32
          %parallel_loop3A_531 = arith.index_cast %parallel_loop3A_530 : i32 to index
          %parallel_loop3A_532 = tpu.vector_load %arg6[%parallel_loop3A_531] {strides = array<i32>} : memref<32768xf32, #tpu.memory_space<vmem>>, vector<16xf32>,
          %parallel_loop3A_533 = vector.bitcast %parallel_loop3A_532 : vector<16xf32> to vector<16xi32>
          %parallel_loop3A_534 = arith.constant 31 : i32
          %parallel_loop3A_535 = vector.broadcast %parallel_loop3A_534 : i32 to vector<16xi32>
          %parallel_loop3A_536 = arith.shrsi %parallel_loop3A_533, %parallel_loop3A_535 : vector<16xi32>
          %parallel_loop3A_537 = arith.constant 2147483647 : i32
          %parallel_loop3A_538 = vector.broadcast %parallel_loop3A_537 : i32 to vector<16xi32>
          %parallel_loop3A_539 = arith.andi %parallel_loop3A_536, %parallel_loop3A_538 : vector<16xi32>
          %parallel_loop3A_540 = arith.xori %parallel_loop3A_533, %parallel_loop3A_539 : vector<16xi32>
          %parallel_loop3A_541 = vector.bitcast %parallel_loop3A_540 : vector<16xi32> to vector<16xi32>
          %parallel_loop3A_542 = arith.constant -2147483648 : i32
          %parallel_loop3A_543 = vector.broadcast %parallel_loop3A_542 : i32 to vector<16xi32>
          %parallel_loop3A_544 = arith.xori %parallel_loop3A_541, %parallel_loop3A_543 : vector<16xi32>
          %parallel_loop3A_545 = arith.cmpi uge, %parallel_loop3A_544, %broadcast_in_dim3A_462 : vector<16xi32>
          %parallel_loop3A_546 = tpu.all_reduce %parallel_loop3A_545 {dim = 0 : i64, kind = #tpu.reduction_kind<sum>} : vector<16xi1> -> vector<16xi32>
          %parallel_loop3A_547 = arith.addi %parallel_loop3A_509, %parallel_loop3A_546 : vector<16xi32>
          %parallel_loop3A_548 = arith.constant 48 : i32
          %parallel_loop3A_549 = arith.addi %parallel_loop3A_490, %parallel_loop3A_548 : i32
          %parallel_loop3A_550 = arith.index_cast %parallel_loop3A_549 : i32 to index
          %parallel_loop3A_551 = tpu.vector_load %arg6[%parallel_loop3A_550] {strides = array<i32>} : memref<32768xf32, #tpu.memory_space<vmem>>, vector<16xf32>,
          %parallel_loop3A_552 = vector.bitcast %parallel_loop3A_551 : vector<16xf32> to vector<16xi32>
          %parallel_loop3A_553 = arith.constant 31 : i32
          %parallel_loop3A_554 = vector.broadcast %parallel_loop3A_553 : i32 to vector<16xi32>
          %parallel_loop3A_555 = arith.shrsi %parallel_loop3A_552, %parallel_loop3A_554 : vector<16xi32>
          %parallel_loop3A_556 = arith.constant 2147483647 : i32
          %parallel_loop3A_557 = vector.broadcast %parallel_loop3A_556 : i32 to vector<16xi32>
          %parallel_loop3A_558 = arith.andi %parallel_loop3A_555, %parallel_loop3A_557 : vector<16xi32>
          %parallel_loop3A_559 = arith.xori %parallel_loop3A_552, %parallel_loop3A_558 : vector<16xi32>
          %parallel_loop3A_560 = vector.bitcast %parallel_loop3A_559 : vector<16xi32> to vector<16xi32>
          %parallel_loop3A_561 = arith.constant -2147483648 : i32
          %parallel_loop3A_562 = vector.broadcast %parallel_loop3A_561 : i32 to vector<16xi32>
          %parallel_loop3A_563 = arith.xori %parallel_loop3A_560, %parallel_loop3A_562 : vector<16xi32>
          %parallel_loop3A_564 = arith.cmpi uge, %parallel_loop3A_563, %broadcast_in_dim3A_462 : vector<16xi32>
          %parallel_loop3A_565 = tpu.all_reduce %parallel_loop3A_564 {dim = 0 : i64, kind = #tpu.reduction_kind<sum>} : vector<16xi1> -> vector<16xi32>
          %parallel_loop3A_566 = arith.addi %parallel_loop3A_528, %parallel_loop3A_565 : vector<16xi32>
          scf.yield %parallel_loop3A_547, %parallel_loop3A_566 : vector<16xi32>, vector<16xi32>
        } {sc.loop_unroll_factor = 1 : i64, sc.parallel_access}
        %add3A_468 = arith.addi %parallel_loop3A_467#0, %parallel_loop3A_467#1 : vector<16xi32>
        %reduce_max3A_469 = arith.constant true
        %reduce_max3A_470 = vector.broadcast %reduce_max3A_469 : i1 to vector<16xi1>
        %reduce_max3A_471 = arith.constant -2147483648 : i32
        %reduce_max3A_472 = vector.broadcast %reduce_max3A_471 : i32 to vector<16xi32>
        %reduce_max3A_473 = arith.xori %add3A_468, %reduce_max3A_472 : vector<16xi32>
        %reduce_max3A_474 = tpu.scan <max>, %reduce_max3A_473 masked %reduce_max3A_470 : vector<16xi32>, vector<16xi1> -> vector<16xi32>
        %reduce_max3A_475 = arith.xori %reduce_max3A_474, %reduce_max3A_472 : vector<16xi32>
        %reduce_max3A_476 = vector.extract %reduce_max3A_475[15] : i32 from vector<16xi32>
        %eq3A = arith.cmpi eq, %reduce_max3A_476, %scan3A_435 : i32
        %and3A_477 = arith.andi %and3A_453, %eq3A : i1
        %ge3A_478 = arith.cmpi sge, %reduce_max3A_476, %scan3A_435 : i32
        %select_n3A_479 = arith.select %ge3A_478, %add3A_459, %scan3A_448 : i32
        %select_n3A_480 = arith.select %and3A_453, %select_n3A_479, %scan3A_448 : i32
        %sub3A_481 = arith.constant 1 : i32
        %sub3A_482 = arith.subi %add3A_459, %sub3A_481 : i32
        %select_n3A_483 = arith.select %ge3A_478, %scan3A_449, %sub3A_482 : i32
        %select_n3A_484 = arith.select %and3A_453, %select_n3A_483, %scan3A_449 : i32
        %or3A = arith.ori %scan3A_450, %and3A_477 : i1
        %select_n3A_485 = arith.select %and3A_477, %add3A_459, %scan3A_451 : i32
        scf.yield %select_n3A_480, %select_n3A_484, %or3A, %select_n3A_485 : i32, i32, i1, i32
      }
      %scan3A_445 = arith.constant 32 : i32
      %select_n3A_446 = arith.select %scan3A_444#2, %scan3A_444#3, %scan3A_444#0 : i32
      scf.yield %select_n3A_446 : i32
    }
    %broadcast_in_dim3A_189 = vector.broadcast %cond3A_188 : i32 to vector<16xi32>
    %xor3A_190 = arith.constant -2147483648 : i32
    %xor3A_191 = vector.broadcast %xor3A_190 : i32 to vector<16xi32>
    %xor3A_192 = arith.xori %broadcast_in_dim3A_189, %xor3A_191 : vector<16xi32>
    %bitcast3A_193 = vector.bitcast %xor3A_192 : vector<16xi32> to vector<16xi32>
    %shift_right_arithmetic3A_194 = arith.constant 31 : i32
    %shift_right_arithmetic3A_195 = vector.broadcast %shift_right_arithmetic3A_194 : i32 to vector<16xi32>
    %shift_right_arithmetic3A_196 = arith.shrsi %bitcast3A_193, %shift_right_arithmetic3A_195 : vector<16xi32>
    %and3A_197 = arith.constant 2147483647 : i32
    %and3A_198 = vector.broadcast %and3A_197 : i32 to vector<16xi32>
    %and3A_199 = arith.andi %shift_right_arithmetic3A_196, %and3A_198 : vector<16xi32>
    %xor3A_200 = arith.xori %bitcast3A_193, %and3A_199 : vector<16xi32>
    %bitcast3A_201 = vector.bitcast %xor3A_200 : vector<16xi32> to vector<16xf32>
    %parallel_loop3A_202 = arith.constant 0 : i32
    %parallel_loop3A_203 = arith.constant 2048 : i32
    %parallel_loop3A_204 = arith.constant 1 : i32
    scf.for %parallel_loop3A_435 = %parallel_loop3A_202 to %parallel_loop3A_203 step %parallel_loop3A_204  : i32 {
      %parallel_loop3A_436 = arith.constant 16 : i32
      %parallel_loop3A_437 = arith.muli %parallel_loop3A_435, %parallel_loop3A_436 : i32
      %parallel_loop3A_438 = arith.index_cast %parallel_loop3A_437 : i32 to index
      %parallel_loop3A_439 = tpu.vector_load %arg6[%parallel_loop3A_438] {strides = array<i32>} : memref<32768xf32, #tpu.memory_space<vmem>>, vector<16xf32>,
      %parallel_loop3A_440 = arith.cmpf oge, %parallel_loop3A_439, %bitcast3A_201 : vector<16xf32>
      %parallel_loop3A_441 = arith.addf %parallel_loop3A_439, %get3A_3 : vector<16xf32>
      %parallel_loop3A_442 = arith.select %parallel_loop3A_440, %parallel_loop3A_441, %get3A_3 : vector<16xi1>, vector<16xf32>
      %parallel_loop3A_443 = arith.index_cast %parallel_loop3A_437 : i32 to index
      %parallel_loop3A_444 = tpu.vector_load %arg6[%parallel_loop3A_443] {strides = array<i32>} : memref<32768xf32, #tpu.memory_space<vmem>>, vector<16xf32>,
      tpu.vector_store %arg6[%parallel_loop3A_443], %parallel_loop3A_442 {strides = array<i32>} : memref<32768xf32, #tpu.memory_space<vmem>>, vector<16xf32>,
    } {sc.loop_unroll_factor = 4 : i64, sc.parallel_access}
    %add3A_205 = arith.constant 1 : i32
    %add3A_206 = arith.addi %mul3A_2, %add3A_205 : i32
    %dma_start3A_207 = arith.constant 0 : i32
    %dma_start3A_208 = tpu.memref_slice %arg4[%add3A_206, %dma_start3A_207] : memref<128x32768xf32, #tpu.memory_space<hbm>> -> memref<1x32768xf32, #tpu.memory_space<hbm>>
    %dma_start3A_209 = tpu.memref_squeeze %dma_start3A_208 : memref<1x32768xf32, #tpu.memory_space<hbm>> -> memref<32768xf32, #tpu.memory_space<hbm>>
    %dma_start3A_210 = arith.constant 0 : i32
    %dma_start3A_211 = tpu.memref_slice %arg4[%add3A_206, %dma_start3A_210] : memref<128x32768xf32, #tpu.memory_space<hbm>> -> memref<1x32768xf32, #tpu.memory_space<hbm>>
    %dma_start3A_212 = tpu.memref_squeeze %dma_start3A_211 : memref<1x32768xf32, #tpu.memory_space<hbm>> -> memref<32768xf32, #tpu.memory_space<hbm>>
    tpu.enqueue_dma source(%arg6 : memref<32768xf32, #tpu.memory_space<vmem>>) target(%dma_start3A_212 : memref<32768xf32, #tpu.memory_space<hbm>>) target_semaphore(%arg12 : memref<!tpu.dma_semaphore, #tpu.memory_space<semaphore_mem>>)
    %dma_wait3A_213 = arith.constant 0 : i32
    %dma_wait3A_214 = tpu.memref_slice %arg2[%add3A_146, %dma_wait3A_213] : memref<128x32768xf32, #tpu.memory_space<hbm>> -> memref<1x32768xf32, #tpu.memory_space<hbm>>
    %dma_wait3A_215 = tpu.memref_squeeze %dma_wait3A_214 : memref<1x32768xf32, #tpu.memory_space<hbm>> -> memref<32768xf32, #tpu.memory_space<hbm>>
    %dma_wait3A_216 = arith.constant 0 : i32
    %dma_wait3A_217 = tpu.memref_slice %arg2[%add3A_146, %dma_wait3A_216] : memref<128x32768xf32, #tpu.memory_space<hbm>> -> memref<1x32768xf32, #tpu.memory_space<hbm>>
    %dma_wait3A_218 = tpu.memref_squeeze %dma_wait3A_217 : memref<1x32768xf32, #tpu.memory_space<hbm>> -> memref<32768xf32, #tpu.memory_space<hbm>>
    tpu.wait_dma2 semaphore(%arg9 : memref<!tpu.dma_semaphore, #tpu.memory_space<semaphore_mem>>) src(%dma_wait3A_218 : memref<32768xf32, #tpu.memory_space<hbm>>) dst(%arg5 : memref<32768xf32, #tpu.memory_space<vmem>>)
    %scan3A_219 = arith.constant 16 : i32
    %scan3A_220 = arith.constant 0 : i32
    %scan3A_221 = arith.constant -1 : i32
    %scan3A_222 = arith.constant false
    %scan3A_223 = arith.constant 0 : i32
    %scan3A_224 = arith.constant 0 : i32
    %scan3A_225 = arith.constant 32 : i32
    %scan3A_226 = arith.addi %scan3A_224, %scan3A_225 : i32
    %scan3A_227 = arith.constant 1 : i32
    %scan3A_228:4 = scf.for %scan3A_435 = %scan3A_224 to %scan3A_226 step %scan3A_227 iter_args(%scan3A_436 = %scan3A_220, %scan3A_437 = %scan3A_221, %scan3A_438 = %scan3A_222, %scan3A_439 = %scan3A_223) -> (i32, i32, i1, i32)  : i32 {
      %lt3A = arith.cmpi ult, %scan3A_436, %scan3A_437 : i32
      %not3A = arith.constant true
      %not3A_440 = arith.xori %scan3A_438, %not3A : i1
      %and3A_441 = arith.andi %lt3A, %not3A_440 : i1
      %sub3A = arith.subi %scan3A_437, %scan3A_436 : i32
      %shift_right_logical3A_442 = arith.constant 1 : i32
      %shift_right_logical3A_443 = arith.shrui %sub3A, %shift_right_logical3A_442 : i32
      %add3A_444 = arith.addi %scan3A_436, %shift_right_logical3A_443 : i32
      %and3A_445 = arith.constant 1 : i32
      %and3A_446 = arith.andi %sub3A, %and3A_445 : i32
      %add3A_447 = arith.addi %add3A_444, %and3A_446 : i32
      %broadcast_in_dim3A_448 = vector.broadcast %add3A_447 : i32 to vector<16xi32>
      %jit3A = arith.constant 16 : i32
      %jit3A_449 = arith.constant 0 : i32
      %select_n3A_450 = arith.select %and3A_441, %jit3A, %jit3A_449 : i32
      %broadcast_in_dim3A_451 = arith.constant 0 : i32
      %broadcast_in_dim3A_452 = vector.broadcast %broadcast_in_dim3A_451 : i32 to vector<16xi32>
      %parallel_loop3A_453 = arith.constant 0 : i32
      %parallel_loop3A_454 = arith.constant 1 : i32
      %parallel_loop3A_455 = scf.for %parallel_loop3A_473 = %parallel_loop3A_453 to %select_n3A_450 step %parallel_loop3A_454 iter_args(%parallel_loop3A_474 = %broadcast_in_dim3A_452) -> (vector<16xi32>)  : i32 {
        %parallel_loop3A_475 = arith.constant 2048 : i32
        %parallel_loop3A_476 = arith.muli %parallel_loop3A_473, %parallel_loop3A_475 : i32
        %parallel_loop3A_477 = arith.index_cast %parallel_loop3A_476 : i32 to index
        %parallel_loop3A_478 = tpu.vector_load %arg5[%parallel_loop3A_477] {strides = array<i32>} : memref<32768xf32, #tpu.memory_space<vmem>>, vector<16xf32>,
        %parallel_loop3A_479 = vector.bitcast %parallel_loop3A_478 : vector<16xf32> to vector<16xi32>
        %parallel_loop3A_480 = arith.constant 31 : i32
        %parallel_loop3A_481 = vector.broadcast %parallel_loop3A_480 : i32 to vector<16xi32>
        %parallel_loop3A_482 = arith.shrsi %parallel_loop3A_479, %parallel_loop3A_481 : vector<16xi32>
        %parallel_loop3A_483 = arith.constant 2147483647 : i32
        %parallel_loop3A_484 = vector.broadcast %parallel_loop3A_483 : i32 to vector<16xi32>
        %parallel_loop3A_485 = arith.andi %parallel_loop3A_482, %parallel_loop3A_484 : vector<16xi32>
        %parallel_loop3A_486 = arith.xori %parallel_loop3A_479, %parallel_loop3A_485 : vector<16xi32>
        %parallel_loop3A_487 = vector.bitcast %parallel_loop3A_486 : vector<16xi32> to vector<16xi32>
        %parallel_loop3A_488 = arith.constant -2147483648 : i32
        %parallel_loop3A_489 = vector.broadcast %parallel_loop3A_488 : i32 to vector<16xi32>
        %parallel_loop3A_490 = arith.xori %parallel_loop3A_487, %parallel_loop3A_489 : vector<16xi32>
        %parallel_loop3A_491 = arith.cmpi uge, %parallel_loop3A_490, %broadcast_in_dim3A_448 : vector<16xi32>
        %parallel_loop3A_492 = tpu.all_reduce %parallel_loop3A_491 {dim = 0 : i64, kind = #tpu.reduction_kind<sum>} : vector<16xi1> -> vector<16xi32>
        %parallel_loop3A_493 = arith.addi %parallel_loop3A_474, %parallel_loop3A_492 : vector<16xi32>
        scf.yield %parallel_loop3A_493 : vector<16xi32>
      } {sc.loop_unroll_factor = 1 : i64, sc.parallel_access}
      %reduce_max3A_456 = arith.constant true
      %reduce_max3A_457 = vector.broadcast %reduce_max3A_456 : i1 to vector<16xi1>
      %reduce_max3A_458 = arith.constant -2147483648 : i32
      %reduce_max3A_459 = vector.broadcast %reduce_max3A_458 : i32 to vector<16xi32>
      %reduce_max3A_460 = arith.xori %parallel_loop3A_455, %reduce_max3A_459 : vector<16xi32>
      %reduce_max3A_461 = tpu.scan <max>, %reduce_max3A_460 masked %reduce_max3A_457 : vector<16xi32>, vector<16xi1> -> vector<16xi32>
      %reduce_max3A_462 = arith.xori %reduce_max3A_461, %reduce_max3A_459 : vector<16xi32>
      %reduce_max3A_463 = vector.extract %reduce_max3A_462[15] : i32 from vector<16xi32>
      %eq3A = arith.cmpi eq, %reduce_max3A_463, %scan3A_219 : i32
      %and3A_464 = arith.andi %and3A_441, %eq3A : i1
      %ge3A_465 = arith.cmpi sge, %reduce_max3A_463, %scan3A_219 : i32
      %select_n3A_466 = arith.select %ge3A_465, %add3A_447, %scan3A_436 : i32
      %select_n3A_467 = arith.select %and3A_441, %select_n3A_466, %scan3A_436 : i32
      %sub3A_468 = arith.constant 1 : i32
      %sub3A_469 = arith.subi %add3A_447, %sub3A_468 : i32
      %select_n3A_470 = arith.select %ge3A_465, %scan3A_437, %sub3A_469 : i32
      %select_n3A_471 = arith.select %and3A_441, %select_n3A_470, %scan3A_437 : i32
      %or3A = arith.ori %scan3A_438, %and3A_464 : i1
      %select_n3A_472 = arith.select %and3A_464, %add3A_447, %scan3A_439 : i32
      scf.yield %select_n3A_467, %select_n3A_471, %or3A, %select_n3A_472 : i32, i32, i1, i32
    }
    %scan3A_229 = arith.constant 32 : i32
    %select_n3A_230 = arith.select %scan3A_228#2, %scan3A_228#3, %scan3A_228#0 : i32
    %broadcast_in_dim3A_231 = vector.broadcast %select_n3A_230 : i32 to vector<16xi32>
    %xor3A_232 = arith.constant -2147483648 : i32
    %xor3A_233 = vector.broadcast %xor3A_232 : i32 to vector<16xi32>
    %xor3A_234 = arith.xori %broadcast_in_dim3A_231, %xor3A_233 : vector<16xi32>
    %bitcast3A_235 = vector.bitcast %xor3A_234 : vector<16xi32> to vector<16xi32>
    %shift_right_arithmetic3A_236 = arith.constant 31 : i32
    %shift_right_arithmetic3A_237 = vector.broadcast %shift_right_arithmetic3A_236 : i32 to vector<16xi32>
    %shift_right_arithmetic3A_238 = arith.shrsi %bitcast3A_235, %shift_right_arithmetic3A_237 : vector<16xi32>
    %and3A_239 = arith.constant 2147483647 : i32
    %and3A_240 = vector.broadcast %and3A_239 : i32 to vector<16xi32>
    %and3A_241 = arith.andi %shift_right_arithmetic3A_238, %and3A_240 : vector<16xi32>
    %xor3A_242 = arith.xori %bitcast3A_235, %and3A_241 : vector<16xi32>
    %bitcast3A_243 = vector.bitcast %xor3A_242 : vector<16xi32> to vector<16xf32>
    %broadcast_in_dim3A_244 = arith.constant 0 : i32
    %broadcast_in_dim3A_245 = vector.broadcast %broadcast_in_dim3A_244 : i32 to vector<16xi32>
    %parallel_loop3A_246 = arith.constant 0 : i32
    %parallel_loop3A_247 = arith.constant 1024 : i32
    %parallel_loop3A_248 = arith.constant 1 : i32
    %parallel_loop3A_249:2 = scf.for %parallel_loop3A_435 = %parallel_loop3A_246 to %parallel_loop3A_247 step %parallel_loop3A_248 iter_args(%parallel_loop3A_436 = %broadcast_in_dim3A_245, %parallel_loop3A_437 = %broadcast_in_dim3A_245) -> (vector<16xi32>, vector<16xi32>)  : i32 {
      %parallel_loop3A_438 = arith.constant 2 : i32
      %parallel_loop3A_439 = arith.muli %parallel_loop3A_438, %parallel_loop3A_435 : i32
      %parallel_loop3A_440 = arith.constant 16 : i32
      %parallel_loop3A_441 = arith.muli %parallel_loop3A_439, %parallel_loop3A_440 : i32
      %parallel_loop3A_442 = arith.index_cast %parallel_loop3A_441 : i32 to index
      %parallel_loop3A_443 = tpu.vector_load %arg5[%parallel_loop3A_442] {strides = array<i32>} : memref<32768xf32, #tpu.memory_space<vmem>>, vector<16xf32>,
      %parallel_loop3A_444 = arith.constant 2 : i32
      %parallel_loop3A_445 = arith.muli %parallel_loop3A_444, %parallel_loop3A_435 : i32
      %parallel_loop3A_446 = arith.constant 1 : i32
      %parallel_loop3A_447 = arith.addi %parallel_loop3A_445, %parallel_loop3A_446 : i32
      %parallel_loop3A_448 = arith.constant 16 : i32
      %parallel_loop3A_449 = arith.muli %parallel_loop3A_447, %parallel_loop3A_448 : i32
      %parallel_loop3A_450 = arith.index_cast %parallel_loop3A_449 : i32 to index
      %parallel_loop3A_451 = tpu.vector_load %arg5[%parallel_loop3A_450] {strides = array<i32>} : memref<32768xf32, #tpu.memory_space<vmem>>, vector<16xf32>,
      %parallel_loop3A_452 = arith.cmpf oge, %parallel_loop3A_443, %bitcast3A_243 : vector<16xf32>
      %parallel_loop3A_453 = arith.cmpf oge, %parallel_loop3A_451, %bitcast3A_243 : vector<16xf32>
      %parallel_loop3A_454 = arith.constant 32 : i32
      %parallel_loop3A_455 = vector.broadcast %parallel_loop3A_454 : i32 to vector<16xi32>
      %parallel_loop3A_456 = arith.muli %parallel_loop3A_436, %parallel_loop3A_455 : vector<16xi32>
      %parallel_loop3A_457 = arith.addi %parallel_loop3A_456, %iota3A : vector<16xi32>
      tpu.vector_store_idx %arg7[%parallel_loop3A_457], %parallel_loop3A_443 masked %parallel_loop3A_452 : memref<32768xf32, #tpu.memory_space<vmem>>[vector<16xi32>], vector<16xf32>, vector<16xi1>
      %parallel_loop3A_458 = arith.constant 32 : i32
      %parallel_loop3A_459 = vector.broadcast %parallel_loop3A_458 : i32 to vector<16xi32>
      %parallel_loop3A_460 = arith.muli %parallel_loop3A_437, %parallel_loop3A_459 : vector<16xi32>
      %parallel_loop3A_461 = arith.constant 16 : i32
      %parallel_loop3A_462 = vector.broadcast %parallel_loop3A_461 : i32 to vector<16xi32>
      %parallel_loop3A_463 = arith.addi %parallel_loop3A_460, %parallel_loop3A_462 : vector<16xi32>
      %parallel_loop3A_464 = arith.addi %parallel_loop3A_463, %iota3A : vector<16xi32>
      tpu.vector_store_idx %arg7[%parallel_loop3A_464], %parallel_loop3A_451 masked %parallel_loop3A_453 : memref<32768xf32, #tpu.memory_space<vmem>>[vector<16xi32>], vector<16xf32>, vector<16xi1>
      %parallel_loop3A_465 = arith.extui %parallel_loop3A_452 : vector<16xi1> to vector<16xi32>
      %parallel_loop3A_466 = arith.addi %parallel_loop3A_436, %parallel_loop3A_465 : vector<16xi32>
      %parallel_loop3A_467 = arith.extui %parallel_loop3A_453 : vector<16xi1> to vector<16xi32>
      %parallel_loop3A_468 = arith.addi %parallel_loop3A_437, %parallel_loop3A_467 : vector<16xi32>
      scf.yield %parallel_loop3A_466, %parallel_loop3A_468 : vector<16xi32>, vector<16xi32>
    } {sc.loop_unroll_factor = 1 : i64, sc.parallel_access}
    %dma_wait3A_250 = arith.constant 0 : i32
    %dma_wait3A_251 = tpu.memref_slice %arg4[%add3A_206, %dma_wait3A_250] : memref<128x32768xf32, #tpu.memory_space<hbm>> -> memref<1x32768xf32, #tpu.memory_space<hbm>>
    %dma_wait3A_252 = tpu.memref_squeeze %dma_wait3A_251 : memref<1x32768xf32, #tpu.memory_space<hbm>> -> memref<32768xf32, #tpu.memory_space<hbm>>
    %dma_wait3A_253 = arith.constant 0 : i32
    %dma_wait3A_254 = tpu.memref_slice %arg4[%add3A_206, %dma_wait3A_253] : memref<128x32768xf32, #tpu.memory_space<hbm>> -> memref<1x32768xf32, #tpu.memory_space<hbm>>
    %dma_wait3A_255 = tpu.memref_squeeze %dma_wait3A_254 : memref<1x32768xf32, #tpu.memory_space<hbm>> -> memref<32768xf32, #tpu.memory_space<hbm>>
    tpu.wait_dma2 semaphore(%arg12 : memref<!tpu.dma_semaphore, #tpu.memory_space<semaphore_mem>>) src(%arg6 : memref<32768xf32, #tpu.memory_space<vmem>>) dst(%dma_wait3A_255 : memref<32768xf32, #tpu.memory_space<hbm>>)
    %add3A_256 = arith.constant 2 : i32
    %add3A_257 = arith.addi %mul3A_2, %add3A_256 : i32
    %add3A_258 = arith.constant 1 : i32
    %add3A_259 = arith.addi %add3A_257, %add3A_258 : i32
    %dma_start3A_260 = arith.constant 0 : i32
    %dma_start3A_261 = tpu.memref_slice %arg2[%add3A_259, %dma_start3A_260] : memref<128x32768xf32, #tpu.memory_space<hbm>> -> memref<1x32768xf32, #tpu.memory_space<hbm>>
    %dma_start3A_262 = tpu.memref_squeeze %dma_start3A_261 : memref<1x32768xf32, #tpu.memory_space<hbm>> -> memref<32768xf32, #tpu.memory_space<hbm>>
    %dma_start3A_263 = arith.constant 0 : i32
    %dma_start3A_264 = tpu.memref_slice %arg2[%add3A_259, %dma_start3A_263] : memref<128x32768xf32, #tpu.memory_space<hbm>> -> memref<1x32768xf32, #tpu.memory_space<hbm>>
    %dma_start3A_265 = tpu.memref_squeeze %dma_start3A_264 : memref<1x32768xf32, #tpu.memory_space<hbm>> -> memref<32768xf32, #tpu.memory_space<hbm>>
    tpu.enqueue_dma source(%dma_start3A_265 : memref<32768xf32, #tpu.memory_space<hbm>>) target(%arg6 : memref<32768xf32, #tpu.memory_space<vmem>>) target_semaphore(%arg10 : memref<!tpu.dma_semaphore, #tpu.memory_space<semaphore_mem>>)
    %reduce_sum3A_266 = arith.constant true
    %reduce_sum3A_267 = vector.broadcast %reduce_sum3A_266 : i1 to vector<16xi1>
    %reduce_sum3A_268 = tpu.scan <sum>, %parallel_loop3A_249#0 masked %reduce_sum3A_267 : vector<16xi32>, vector<16xi1> -> vector<16xi32>
    %reduce_sum3A_269 = vector.extract %reduce_sum3A_268[15] : i32 from vector<16xi32>
    %reduce_sum3A_270 = arith.constant true
    %reduce_sum3A_271 = vector.broadcast %reduce_sum3A_270 : i1 to vector<16xi1>
    %reduce_sum3A_272 = tpu.scan <sum>, %parallel_loop3A_249#1 masked %reduce_sum3A_271 : vector<16xi32>, vector<16xi1> -> vector<16xi32>
    %reduce_sum3A_273 = vector.extract %reduce_sum3A_272[15] : i32 from vector<16xi32>
    %add3A_274 = arith.addi %reduce_sum3A_269, %reduce_sum3A_273 : i32
    %reduce_max3A_275 = arith.constant true
    %reduce_max3A_276 = vector.broadcast %reduce_max3A_275 : i1 to vector<16xi1>
    %reduce_max3A_277 = arith.constant -2147483648 : i32
    %reduce_max3A_278 = vector.broadcast %reduce_max3A_277 : i32 to vector<16xi32>
    %reduce_max3A_279 = arith.xori %parallel_loop3A_249#0, %reduce_max3A_278 : vector<16xi32>
    %reduce_max3A_280 = tpu.scan <max>, %reduce_max3A_279 masked %reduce_max3A_276 : vector<16xi32>, vector<16xi1> -> vector<16xi32>
    %reduce_max3A_281 = arith.xori %reduce_max3A_280, %reduce_max3A_278 : vector<16xi32>
    %reduce_max3A_282 = vector.extract %reduce_max3A_281[15] : i32 from vector<16xi32>
    %reduce_max3A_283 = arith.constant true
    %reduce_max3A_284 = vector.broadcast %reduce_max3A_283 : i1 to vector<16xi1>
    %reduce_max3A_285 = arith.constant -2147483648 : i32
    %reduce_max3A_286 = vector.broadcast %reduce_max3A_285 : i32 to vector<16xi32>
    %reduce_max3A_287 = arith.xori %parallel_loop3A_249#1, %reduce_max3A_286 : vector<16xi32>
    %reduce_max3A_288 = tpu.scan <max>, %reduce_max3A_287 masked %reduce_max3A_284 : vector<16xi32>, vector<16xi1> -> vector<16xi32>
    %reduce_max3A_289 = arith.xori %reduce_max3A_288, %reduce_max3A_286 : vector<16xi32>
    %reduce_max3A_290 = vector.extract %reduce_max3A_289[15] : i32 from vector<16xi32>
    %max3A_291 = arith.maxsi %reduce_max3A_282, %reduce_max3A_290 : i32
    %ge3A_292 = arith.constant 512 : i32
    %ge3A_293 = arith.cmpi sge, %add3A_274, %ge3A_292 : i32
    %add3A_294 = arith.constant 1 : i32
    %add3A_295 = arith.addi %max3A_291, %add3A_294 : i32
    %shift_right_logical3A_296 = arith.constant 1 : i32
    %shift_right_logical3A_297 = arith.shrui %add3A_295, %shift_right_logical3A_296 : i32
    %convert_element_type3A_298 = arith.extui %ge3A_293 : i1 to i32
    %cond3A_299 = arith.constant 0 : i32
    %cond3A_300 = arith.cmpi ne, %convert_element_type3A_298, %cond3A_299 : i32
    %cond3A_301 = scf.if %cond3A_300 -> (i32) {
      %broadcast_in_dim3A_435 = arith.constant 0 : i32
      %broadcast_in_dim3A_436 = vector.broadcast %broadcast_in_dim3A_435 : i32 to vector<16xi32>
      %parallel_loop3A_437 = arith.constant 0 : i32
      %parallel_loop3A_438 = arith.constant 1 : i32
      %parallel_loop3A_439 = scf.for %parallel_loop3A_453 = %parallel_loop3A_437 to %shift_right_logical3A_297 step %parallel_loop3A_438 iter_args(%parallel_loop3A_454 = %broadcast_in_dim3A_436) -> (vector<16xi32>)  : i32 {
        %parallel_loop3A_455 = arith.constant 2 : i32
        %parallel_loop3A_456 = arith.muli %parallel_loop3A_455, %parallel_loop3A_453 : i32
        %parallel_loop3A_457 = arith.constant 0 : i32
        %parallel_loop3A_458 = arith.addi %parallel_loop3A_456, %parallel_loop3A_457 : i32
        %parallel_loop3A_459 = arith.constant 4 : i32
        %parallel_loop3A_460 = arith.muli %parallel_loop3A_459, %parallel_loop3A_453 : i32
        %parallel_loop3A_461 = arith.constant 0 : i32
        %parallel_loop3A_462 = arith.addi %parallel_loop3A_460, %parallel_loop3A_461 : i32
        %parallel_loop3A_463 = arith.constant 16 : i32
        %parallel_loop3A_464 = arith.muli %parallel_loop3A_462, %parallel_loop3A_463 : i32
        %parallel_loop3A_465 = arith.index_cast %parallel_loop3A_464 : i32 to index
        %parallel_loop3A_466 = tpu.vector_load %arg7[%parallel_loop3A_465] {strides = array<i32>} : memref<32768xf32, #tpu.memory_space<vmem>>, vector<16xf32>,
        %parallel_loop3A_467 = vector.bitcast %parallel_loop3A_466 : vector<16xf32> to vector<16xi32>
        %parallel_loop3A_468 = arith.constant 31 : i32
        %parallel_loop3A_469 = vector.broadcast %parallel_loop3A_468 : i32 to vector<16xi32>
        %parallel_loop3A_470 = arith.shrsi %parallel_loop3A_467, %parallel_loop3A_469 : vector<16xi32>
        %parallel_loop3A_471 = arith.constant 2147483647 : i32
        %parallel_loop3A_472 = vector.broadcast %parallel_loop3A_471 : i32 to vector<16xi32>
        %parallel_loop3A_473 = arith.andi %parallel_loop3A_470, %parallel_loop3A_472 : vector<16xi32>
        %parallel_loop3A_474 = arith.xori %parallel_loop3A_467, %parallel_loop3A_473 : vector<16xi32>
        %parallel_loop3A_475 = vector.bitcast %parallel_loop3A_474 : vector<16xi32> to vector<16xi32>
        %parallel_loop3A_476 = arith.constant -2147483648 : i32
        %parallel_loop3A_477 = vector.broadcast %parallel_loop3A_476 : i32 to vector<16xi32>
        %parallel_loop3A_478 = arith.xori %parallel_loop3A_475, %parallel_loop3A_477 : vector<16xi32>
        %parallel_loop3A_479 = vector.broadcast %parallel_loop3A_458 : i32 to vector<16xi32>
        %parallel_loop3A_480 = arith.cmpi sgt, %parallel_loop3A_249#0, %parallel_loop3A_479 : vector<16xi32>
        %parallel_loop3A_481 = arith.constant 0 : i32
        %parallel_loop3A_482 = vector.broadcast %parallel_loop3A_481 : i32 to vector<16xi32>
        %parallel_loop3A_483 = arith.select %parallel_loop3A_480, %parallel_loop3A_478, %parallel_loop3A_482 : vector<16xi1>, vector<16xi32>
        %parallel_loop3A_484 = vector.bitcast %parallel_loop3A_483 : vector<16xi32> to vector<16xf32>
        %parallel_loop3A_485 = arith.index_cast %parallel_loop3A_464 : i32 to index
        %parallel_loop3A_486 = tpu.vector_load %arg7[%parallel_loop3A_485] {strides = array<i32>} : memref<32768xf32, #tpu.memory_space<vmem>>, vector<16xf32>,
        tpu.vector_store %arg7[%parallel_loop3A_485], %parallel_loop3A_484 {strides = array<i32>} : memref<32768xf32, #tpu.memory_space<vmem>>, vector<16xf32>,
        %parallel_loop3A_487 = arith.maxui %parallel_loop3A_454, %parallel_loop3A_483 : vector<16xi32>
        %parallel_loop3A_488 = arith.constant 2 : i32
        %parallel_loop3A_489 = arith.muli %parallel_loop3A_488, %parallel_loop3A_453 : i32
        %parallel_loop3A_490 = arith.constant 0 : i32
        %parallel_loop3A_491 = arith.addi %parallel_loop3A_489, %parallel_loop3A_490 : i32
        %parallel_loop3A_492 = arith.constant 4 : i32
        %parallel_loop3A_493 = arith.muli %parallel_loop3A_492, %parallel_loop3A_453 : i32
        %parallel_loop3A_494 = arith.constant 1 : i32
        %parallel_loop3A_495 = arith.addi %parallel_loop3A_493, %parallel_loop3A_494 : i32
        %parallel_loop3A_496 = arith.constant 16 : i32
        %parallel_loop3A_497 = arith.muli %parallel_loop3A_495, %parallel_loop3A_496 : i32
        %parallel_loop3A_498 = arith.index_cast %parallel_loop3A_497 : i32 to index
        %parallel_loop3A_499 = tpu.vector_load %arg7[%parallel_loop3A_498] {strides = array<i32>} : memref<32768xf32, #tpu.memory_space<vmem>>, vector<16xf32>,
        %parallel_loop3A_500 = vector.bitcast %parallel_loop3A_499 : vector<16xf32> to vector<16xi32>
        %parallel_loop3A_501 = arith.constant 31 : i32
        %parallel_loop3A_502 = vector.broadcast %parallel_loop3A_501 : i32 to vector<16xi32>
        %parallel_loop3A_503 = arith.shrsi %parallel_loop3A_500, %parallel_loop3A_502 : vector<16xi32>
        %parallel_loop3A_504 = arith.constant 2147483647 : i32
        %parallel_loop3A_505 = vector.broadcast %parallel_loop3A_504 : i32 to vector<16xi32>
        %parallel_loop3A_506 = arith.andi %parallel_loop3A_503, %parallel_loop3A_505 : vector<16xi32>
        %parallel_loop3A_507 = arith.xori %parallel_loop3A_500, %parallel_loop3A_506 : vector<16xi32>
        %parallel_loop3A_508 = vector.bitcast %parallel_loop3A_507 : vector<16xi32> to vector<16xi32>
        %parallel_loop3A_509 = arith.constant -2147483648 : i32
        %parallel_loop3A_510 = vector.broadcast %parallel_loop3A_509 : i32 to vector<16xi32>
        %parallel_loop3A_511 = arith.xori %parallel_loop3A_508, %parallel_loop3A_510 : vector<16xi32>
        %parallel_loop3A_512 = vector.broadcast %parallel_loop3A_491 : i32 to vector<16xi32>
        %parallel_loop3A_513 = arith.cmpi sgt, %parallel_loop3A_249#1, %parallel_loop3A_512 : vector<16xi32>
        %parallel_loop3A_514 = arith.constant 0 : i32
        %parallel_loop3A_515 = vector.broadcast %parallel_loop3A_514 : i32 to vector<16xi32>
        %parallel_loop3A_516 = arith.select %parallel_loop3A_513, %parallel_loop3A_511, %parallel_loop3A_515 : vector<16xi1>, vector<16xi32>
        %parallel_loop3A_517 = vector.bitcast %parallel_loop3A_516 : vector<16xi32> to vector<16xf32>
        %parallel_loop3A_518 = arith.index_cast %parallel_loop3A_497 : i32 to index
        %parallel_loop3A_519 = tpu.vector_load %arg7[%parallel_loop3A_518] {strides = array<i32>} : memref<32768xf32, #tpu.memory_space<vmem>>, vector<16xf32>,
        tpu.vector_store %arg7[%parallel_loop3A_518], %parallel_loop3A_517 {strides = array<i32>} : memref<32768xf32, #tpu.memory_space<vmem>>, vector<16xf32>,
        %parallel_loop3A_520 = arith.maxui %parallel_loop3A_487, %parallel_loop3A_516 : vector<16xi32>
        %parallel_loop3A_521 = arith.constant 2 : i32
        %parallel_loop3A_522 = arith.muli %parallel_loop3A_521, %parallel_loop3A_453 : i32
        %parallel_loop3A_523 = arith.constant 1 : i32
        %parallel_loop3A_524 = arith.addi %parallel_loop3A_522, %parallel_loop3A_523 : i32
        %parallel_loop3A_525 = arith.constant 4 : i32
        %parallel_loop3A_526 = arith.muli %parallel_loop3A_525, %parallel_loop3A_453 : i32
        %parallel_loop3A_527 = arith.constant 2 : i32
        %parallel_loop3A_528 = arith.addi %parallel_loop3A_526, %parallel_loop3A_527 : i32
        %parallel_loop3A_529 = arith.constant 16 : i32
        %parallel_loop3A_530 = arith.muli %parallel_loop3A_528, %parallel_loop3A_529 : i32
        %parallel_loop3A_531 = arith.index_cast %parallel_loop3A_530 : i32 to index
        %parallel_loop3A_532 = tpu.vector_load %arg7[%parallel_loop3A_531] {strides = array<i32>} : memref<32768xf32, #tpu.memory_space<vmem>>, vector<16xf32>,
        %parallel_loop3A_533 = vector.bitcast %parallel_loop3A_532 : vector<16xf32> to vector<16xi32>
        %parallel_loop3A_534 = arith.constant 31 : i32
        %parallel_loop3A_535 = vector.broadcast %parallel_loop3A_534 : i32 to vector<16xi32>
        %parallel_loop3A_536 = arith.shrsi %parallel_loop3A_533, %parallel_loop3A_535 : vector<16xi32>
        %parallel_loop3A_537 = arith.constant 2147483647 : i32
        %parallel_loop3A_538 = vector.broadcast %parallel_loop3A_537 : i32 to vector<16xi32>
        %parallel_loop3A_539 = arith.andi %parallel_loop3A_536, %parallel_loop3A_538 : vector<16xi32>
        %parallel_loop3A_540 = arith.xori %parallel_loop3A_533, %parallel_loop3A_539 : vector<16xi32>
        %parallel_loop3A_541 = vector.bitcast %parallel_loop3A_540 : vector<16xi32> to vector<16xi32>
        %parallel_loop3A_542 = arith.constant -2147483648 : i32
        %parallel_loop3A_543 = vector.broadcast %parallel_loop3A_542 : i32 to vector<16xi32>
        %parallel_loop3A_544 = arith.xori %parallel_loop3A_541, %parallel_loop3A_543 : vector<16xi32>
        %parallel_loop3A_545 = vector.broadcast %parallel_loop3A_524 : i32 to vector<16xi32>
        %parallel_loop3A_546 = arith.cmpi sgt, %parallel_loop3A_249#0, %parallel_loop3A_545 : vector<16xi32>
        %parallel_loop3A_547 = arith.constant 0 : i32
        %parallel_loop3A_548 = vector.broadcast %parallel_loop3A_547 : i32 to vector<16xi32>
        %parallel_loop3A_549 = arith.select %parallel_loop3A_546, %parallel_loop3A_544, %parallel_loop3A_548 : vector<16xi1>, vector<16xi32>
        %parallel_loop3A_550 = vector.bitcast %parallel_loop3A_549 : vector<16xi32> to vector<16xf32>
        %parallel_loop3A_551 = arith.index_cast %parallel_loop3A_530 : i32 to index
        %parallel_loop3A_552 = tpu.vector_load %arg7[%parallel_loop3A_551] {strides = array<i32>} : memref<32768xf32, #tpu.memory_space<vmem>>, vector<16xf32>,
        tpu.vector_store %arg7[%parallel_loop3A_551], %parallel_loop3A_550 {strides = array<i32>} : memref<32768xf32, #tpu.memory_space<vmem>>, vector<16xf32>,
        %parallel_loop3A_553 = arith.maxui %parallel_loop3A_520, %parallel_loop3A_549 : vector<16xi32>
        %parallel_loop3A_554 = arith.constant 2 : i32
        %parallel_loop3A_555 = arith.muli %parallel_loop3A_554, %parallel_loop3A_453 : i32
        %parallel_loop3A_556 = arith.constant 1 : i32
        %parallel_loop3A_557 = arith.addi %parallel_loop3A_555, %parallel_loop3A_556 : i32
        %parallel_loop3A_558 = arith.constant 4 : i32
        %parallel_loop3A_559 = arith.muli %parallel_loop3A_558, %parallel_loop3A_453 : i32
        %parallel_loop3A_560 = arith.constant 3 : i32
        %parallel_loop3A_561 = arith.addi %parallel_loop3A_559, %parallel_loop3A_560 : i32
        %parallel_loop3A_562 = arith.constant 16 : i32
        %parallel_loop3A_563 = arith.muli %parallel_loop3A_561, %parallel_loop3A_562 : i32
        %parallel_loop3A_564 = arith.index_cast %parallel_loop3A_563 : i32 to index
        %parallel_loop3A_565 = tpu.vector_load %arg7[%parallel_loop3A_564] {strides = array<i32>} : memref<32768xf32, #tpu.memory_space<vmem>>, vector<16xf32>,
        %parallel_loop3A_566 = vector.bitcast %parallel_loop3A_565 : vector<16xf32> to vector<16xi32>
        %parallel_loop3A_567 = arith.constant 31 : i32
        %parallel_loop3A_568 = vector.broadcast %parallel_loop3A_567 : i32 to vector<16xi32>
        %parallel_loop3A_569 = arith.shrsi %parallel_loop3A_566, %parallel_loop3A_568 : vector<16xi32>
        %parallel_loop3A_570 = arith.constant 2147483647 : i32
        %parallel_loop3A_571 = vector.broadcast %parallel_loop3A_570 : i32 to vector<16xi32>
        %parallel_loop3A_572 = arith.andi %parallel_loop3A_569, %parallel_loop3A_571 : vector<16xi32>
        %parallel_loop3A_573 = arith.xori %parallel_loop3A_566, %parallel_loop3A_572 : vector<16xi32>
        %parallel_loop3A_574 = vector.bitcast %parallel_loop3A_573 : vector<16xi32> to vector<16xi32>
        %parallel_loop3A_575 = arith.constant -2147483648 : i32
        %parallel_loop3A_576 = vector.broadcast %parallel_loop3A_575 : i32 to vector<16xi32>
        %parallel_loop3A_577 = arith.xori %parallel_loop3A_574, %parallel_loop3A_576 : vector<16xi32>
        %parallel_loop3A_578 = vector.broadcast %parallel_loop3A_557 : i32 to vector<16xi32>
        %parallel_loop3A_579 = arith.cmpi sgt, %parallel_loop3A_249#1, %parallel_loop3A_578 : vector<16xi32>
        %parallel_loop3A_580 = arith.constant 0 : i32
        %parallel_loop3A_581 = vector.broadcast %parallel_loop3A_580 : i32 to vector<16xi32>
        %parallel_loop3A_582 = arith.select %parallel_loop3A_579, %parallel_loop3A_577, %parallel_loop3A_581 : vector<16xi1>, vector<16xi32>
        %parallel_loop3A_583 = vector.bitcast %parallel_loop3A_582 : vector<16xi32> to vector<16xf32>
        %parallel_loop3A_584 = arith.index_cast %parallel_loop3A_563 : i32 to index
        %parallel_loop3A_585 = tpu.vector_load %arg7[%parallel_loop3A_584] {strides = array<i32>} : memref<32768xf32, #tpu.memory_space<vmem>>, vector<16xf32>,
        tpu.vector_store %arg7[%parallel_loop3A_584], %parallel_loop3A_583 {strides = array<i32>} : memref<32768xf32, #tpu.memory_space<vmem>>, vector<16xf32>,
        %parallel_loop3A_586 = arith.maxui %parallel_loop3A_553, %parallel_loop3A_582 : vector<16xi32>
        scf.yield %parallel_loop3A_586 : vector<16xi32>
      } {sc.loop_unroll_factor = 1 : i64, sc.parallel_access}
      %reduce_max3A_440 = arith.constant true
      %reduce_max3A_441 = vector.broadcast %reduce_max3A_440 : i1 to vector<16xi1>
      %reduce_max3A_442 = tpu.scan <max>, %parallel_loop3A_439 masked %reduce_max3A_441 : vector<16xi32>, vector<16xi1> -> vector<16xi32>
      %reduce_max3A_443 = vector.extract %reduce_max3A_442[15] : i32 from vector<16xi32>
      %scan3A_444 = arith.constant 512 : i32
      %scan3A_445 = arith.constant false
      %scan3A_446 = arith.constant 0 : i32
      %scan3A_447 = arith.constant 32 : i32
      %scan3A_448 = arith.addi %scan3A_446, %scan3A_447 : i32
      %scan3A_449 = arith.constant 1 : i32
      %scan3A_450:4 = scf.for %scan3A_453 = %scan3A_446 to %scan3A_448 step %scan3A_449 iter_args(%scan3A_454 = %select_n3A_230, %scan3A_455 = %reduce_max3A_443, %scan3A_456 = %scan3A_445, %scan3A_457 = %select_n3A_230) -> (i32, i32, i1, i32)  : i32 {
        %lt3A = arith.cmpi ult, %scan3A_454, %scan3A_455 : i32
        %not3A = arith.constant true
        %not3A_458 = arith.xori %scan3A_456, %not3A : i1
        %and3A_459 = arith.andi %lt3A, %not3A_458 : i1
        %sub3A = arith.subi %scan3A_455, %scan3A_454 : i32
        %shift_right_logical3A_460 = arith.constant 1 : i32
        %shift_right_logical3A_461 = arith.shrui %sub3A, %shift_right_logical3A_460 : i32
        %add3A_462 = arith.addi %scan3A_454, %shift_right_logical3A_461 : i32
        %and3A_463 = arith.constant 1 : i32
        %and3A_464 = arith.andi %sub3A, %and3A_463 : i32
        %add3A_465 = arith.addi %add3A_462, %and3A_464 : i32
        %jit3A = arith.constant 0 : i32
        %select_n3A_466 = arith.select %and3A_459, %shift_right_logical3A_297, %jit3A : i32
        %broadcast_in_dim3A_467 = vector.broadcast %add3A_465 : i32 to vector<16xi32>
        %broadcast_in_dim3A_468 = arith.constant 0 : i32
        %broadcast_in_dim3A_469 = vector.broadcast %broadcast_in_dim3A_468 : i32 to vector<16xi32>
        %parallel_loop3A_470 = arith.constant 0 : i32
        %parallel_loop3A_471 = arith.constant 1 : i32
        %parallel_loop3A_472:2 = scf.for %parallel_loop3A_491 = %parallel_loop3A_470 to %select_n3A_466 step %parallel_loop3A_471 iter_args(%parallel_loop3A_492 = %broadcast_in_dim3A_469, %parallel_loop3A_493 = %broadcast_in_dim3A_469) -> (vector<16xi32>, vector<16xi32>)  : i32 {
          %parallel_loop3A_494 = arith.constant 64 : i32
          %parallel_loop3A_495 = arith.muli %parallel_loop3A_491, %parallel_loop3A_494 : i32
          %parallel_loop3A_496 = arith.constant 0 : i32
          %parallel_loop3A_497 = arith.addi %parallel_loop3A_495, %parallel_loop3A_496 : i32
          %parallel_loop3A_498 = arith.index_cast %parallel_loop3A_497 : i32 to index
          %parallel_loop3A_499 = tpu.vector_load %arg7[%parallel_loop3A_498] {strides = array<i32>} : memref<32768xf32, #tpu.memory_space<vmem>>, vector<16xf32>,
          %parallel_loop3A_500 = vector.bitcast %parallel_loop3A_499 : vector<16xf32> to vector<16xi32>
          %parallel_loop3A_501 = arith.cmpi uge, %parallel_loop3A_500, %broadcast_in_dim3A_467 : vector<16xi32>
          %parallel_loop3A_502 = tpu.all_reduce %parallel_loop3A_501 {dim = 0 : i64, kind = #tpu.reduction_kind<sum>} : vector<16xi1> -> vector<16xi32>
          %parallel_loop3A_503 = arith.addi %parallel_loop3A_492, %parallel_loop3A_502 : vector<16xi32>
          %parallel_loop3A_504 = arith.constant 16 : i32
          %parallel_loop3A_505 = arith.addi %parallel_loop3A_495, %parallel_loop3A_504 : i32
          %parallel_loop3A_506 = arith.index_cast %parallel_loop3A_505 : i32 to index
          %parallel_loop3A_507 = tpu.vector_load %arg7[%parallel_loop3A_506] {strides = array<i32>} : memref<32768xf32, #tpu.memory_space<vmem>>, vector<16xf32>,
          %parallel_loop3A_508 = vector.bitcast %parallel_loop3A_507 : vector<16xf32> to vector<16xi32>
          %parallel_loop3A_509 = arith.cmpi uge, %parallel_loop3A_508, %broadcast_in_dim3A_467 : vector<16xi32>
          %parallel_loop3A_510 = tpu.all_reduce %parallel_loop3A_509 {dim = 0 : i64, kind = #tpu.reduction_kind<sum>} : vector<16xi1> -> vector<16xi32>
          %parallel_loop3A_511 = arith.addi %parallel_loop3A_493, %parallel_loop3A_510 : vector<16xi32>
          %parallel_loop3A_512 = arith.constant 32 : i32
          %parallel_loop3A_513 = arith.addi %parallel_loop3A_495, %parallel_loop3A_512 : i32
          %parallel_loop3A_514 = arith.index_cast %parallel_loop3A_513 : i32 to index
          %parallel_loop3A_515 = tpu.vector_load %arg7[%parallel_loop3A_514] {strides = array<i32>} : memref<32768xf32, #tpu.memory_space<vmem>>, vector<16xf32>,
          %parallel_loop3A_516 = vector.bitcast %parallel_loop3A_515 : vector<16xf32> to vector<16xi32>
          %parallel_loop3A_517 = arith.cmpi uge, %parallel_loop3A_516, %broadcast_in_dim3A_467 : vector<16xi32>
          %parallel_loop3A_518 = tpu.all_reduce %parallel_loop3A_517 {dim = 0 : i64, kind = #tpu.reduction_kind<sum>} : vector<16xi1> -> vector<16xi32>
          %parallel_loop3A_519 = arith.addi %parallel_loop3A_503, %parallel_loop3A_518 : vector<16xi32>
          %parallel_loop3A_520 = arith.constant 48 : i32
          %parallel_loop3A_521 = arith.addi %parallel_loop3A_495, %parallel_loop3A_520 : i32
          %parallel_loop3A_522 = arith.index_cast %parallel_loop3A_521 : i32 to index
          %parallel_loop3A_523 = tpu.vector_load %arg7[%parallel_loop3A_522] {strides = array<i32>} : memref<32768xf32, #tpu.memory_space<vmem>>, vector<16xf32>,
          %parallel_loop3A_524 = vector.bitcast %parallel_loop3A_523 : vector<16xf32> to vector<16xi32>
          %parallel_loop3A_525 = arith.cmpi uge, %parallel_loop3A_524, %broadcast_in_dim3A_467 : vector<16xi32>
          %parallel_loop3A_526 = tpu.all_reduce %parallel_loop3A_525 {dim = 0 : i64, kind = #tpu.reduction_kind<sum>} : vector<16xi1> -> vector<16xi32>
          %parallel_loop3A_527 = arith.addi %parallel_loop3A_511, %parallel_loop3A_526 : vector<16xi32>
          scf.yield %parallel_loop3A_519, %parallel_loop3A_527 : vector<16xi32>, vector<16xi32>
        } {sc.loop_unroll_factor = 1 : i64, sc.parallel_access}
        %add3A_473 = arith.addi %parallel_loop3A_472#0, %parallel_loop3A_472#1 : vector<16xi32>
        %reduce_max3A_474 = arith.constant true
        %reduce_max3A_475 = vector.broadcast %reduce_max3A_474 : i1 to vector<16xi1>
        %reduce_max3A_476 = arith.constant -2147483648 : i32
        %reduce_max3A_477 = vector.broadcast %reduce_max3A_476 : i32 to vector<16xi32>
        %reduce_max3A_478 = arith.xori %add3A_473, %reduce_max3A_477 : vector<16xi32>
        %reduce_max3A_479 = tpu.scan <max>, %reduce_max3A_478 masked %reduce_max3A_475 : vector<16xi32>, vector<16xi1> -> vector<16xi32>
        %reduce_max3A_480 = arith.xori %reduce_max3A_479, %reduce_max3A_477 : vector<16xi32>
        %reduce_max3A_481 = vector.extract %reduce_max3A_480[15] : i32 from vector<16xi32>
        %eq3A = arith.cmpi eq, %reduce_max3A_481, %scan3A_444 : i32
        %and3A_482 = arith.andi %and3A_459, %eq3A : i1
        %ge3A_483 = arith.cmpi sge, %reduce_max3A_481, %scan3A_444 : i32
        %select_n3A_484 = arith.select %ge3A_483, %add3A_465, %scan3A_454 : i32
        %select_n3A_485 = arith.select %and3A_459, %select_n3A_484, %scan3A_454 : i32
        %sub3A_486 = arith.constant 1 : i32
        %sub3A_487 = arith.subi %add3A_465, %sub3A_486 : i32
        %select_n3A_488 = arith.select %ge3A_483, %scan3A_455, %sub3A_487 : i32
        %select_n3A_489 = arith.select %and3A_459, %select_n3A_488, %scan3A_455 : i32
        %or3A = arith.ori %scan3A_456, %and3A_482 : i1
        %select_n3A_490 = arith.select %and3A_482, %add3A_465, %scan3A_457 : i32
        scf.yield %select_n3A_485, %select_n3A_489, %or3A, %select_n3A_490 : i32, i32, i1, i32
      }
      %scan3A_451 = arith.constant 32 : i32
      %select_n3A_452 = arith.select %scan3A_450#2, %scan3A_450#3, %scan3A_450#0 : i32
      scf.yield %select_n3A_452 : i32
    } else {
      %scan3A_435 = arith.constant 512 : i32
      %scan3A_436 = arith.constant 0 : i32
      %scan3A_437 = arith.constant -1 : i32
      %scan3A_438 = arith.constant false
      %scan3A_439 = arith.constant 0 : i32
      %scan3A_440 = arith.constant 0 : i32
      %scan3A_441 = arith.constant 32 : i32
      %scan3A_442 = arith.addi %scan3A_440, %scan3A_441 : i32
      %scan3A_443 = arith.constant 1 : i32
      %scan3A_444:4 = scf.for %scan3A_447 = %scan3A_440 to %scan3A_442 step %scan3A_443 iter_args(%scan3A_448 = %scan3A_436, %scan3A_449 = %scan3A_437, %scan3A_450 = %scan3A_438, %scan3A_451 = %scan3A_439) -> (i32, i32, i1, i32)  : i32 {
        %lt3A = arith.cmpi ult, %scan3A_448, %scan3A_449 : i32
        %not3A = arith.constant true
        %not3A_452 = arith.xori %scan3A_450, %not3A : i1
        %and3A_453 = arith.andi %lt3A, %not3A_452 : i1
        %sub3A = arith.subi %scan3A_449, %scan3A_448 : i32
        %shift_right_logical3A_454 = arith.constant 1 : i32
        %shift_right_logical3A_455 = arith.shrui %sub3A, %shift_right_logical3A_454 : i32
        %add3A_456 = arith.addi %scan3A_448, %shift_right_logical3A_455 : i32
        %and3A_457 = arith.constant 1 : i32
        %and3A_458 = arith.andi %sub3A, %and3A_457 : i32
        %add3A_459 = arith.addi %add3A_456, %and3A_458 : i32
        %jit3A = arith.constant 512 : i32
        %jit3A_460 = arith.constant 0 : i32
        %select_n3A_461 = arith.select %and3A_453, %jit3A, %jit3A_460 : i32
        %broadcast_in_dim3A_462 = vector.broadcast %add3A_459 : i32 to vector<16xi32>
        %broadcast_in_dim3A_463 = arith.constant 0 : i32
        %broadcast_in_dim3A_464 = vector.broadcast %broadcast_in_dim3A_463 : i32 to vector<16xi32>
        %parallel_loop3A_465 = arith.constant 0 : i32
        %parallel_loop3A_466 = arith.constant 1 : i32
        %parallel_loop3A_467:2 = scf.for %parallel_loop3A_486 = %parallel_loop3A_465 to %select_n3A_461 step %parallel_loop3A_466 iter_args(%parallel_loop3A_487 = %broadcast_in_dim3A_464, %parallel_loop3A_488 = %broadcast_in_dim3A_464) -> (vector<16xi32>, vector<16xi32>)  : i32 {
          %parallel_loop3A_489 = arith.constant 64 : i32
          %parallel_loop3A_490 = arith.muli %parallel_loop3A_486, %parallel_loop3A_489 : i32
          %parallel_loop3A_491 = arith.constant 0 : i32
          %parallel_loop3A_492 = arith.addi %parallel_loop3A_490, %parallel_loop3A_491 : i32
          %parallel_loop3A_493 = arith.index_cast %parallel_loop3A_492 : i32 to index
          %parallel_loop3A_494 = tpu.vector_load %arg5[%parallel_loop3A_493] {strides = array<i32>} : memref<32768xf32, #tpu.memory_space<vmem>>, vector<16xf32>,
          %parallel_loop3A_495 = vector.bitcast %parallel_loop3A_494 : vector<16xf32> to vector<16xi32>
          %parallel_loop3A_496 = arith.constant 31 : i32
          %parallel_loop3A_497 = vector.broadcast %parallel_loop3A_496 : i32 to vector<16xi32>
          %parallel_loop3A_498 = arith.shrsi %parallel_loop3A_495, %parallel_loop3A_497 : vector<16xi32>
          %parallel_loop3A_499 = arith.constant 2147483647 : i32
          %parallel_loop3A_500 = vector.broadcast %parallel_loop3A_499 : i32 to vector<16xi32>
          %parallel_loop3A_501 = arith.andi %parallel_loop3A_498, %parallel_loop3A_500 : vector<16xi32>
          %parallel_loop3A_502 = arith.xori %parallel_loop3A_495, %parallel_loop3A_501 : vector<16xi32>
          %parallel_loop3A_503 = vector.bitcast %parallel_loop3A_502 : vector<16xi32> to vector<16xi32>
          %parallel_loop3A_504 = arith.constant -2147483648 : i32
          %parallel_loop3A_505 = vector.broadcast %parallel_loop3A_504 : i32 to vector<16xi32>
          %parallel_loop3A_506 = arith.xori %parallel_loop3A_503, %parallel_loop3A_505 : vector<16xi32>
          %parallel_loop3A_507 = arith.cmpi uge, %parallel_loop3A_506, %broadcast_in_dim3A_462 : vector<16xi32>
          %parallel_loop3A_508 = tpu.all_reduce %parallel_loop3A_507 {dim = 0 : i64, kind = #tpu.reduction_kind<sum>} : vector<16xi1> -> vector<16xi32>
          %parallel_loop3A_509 = arith.addi %parallel_loop3A_487, %parallel_loop3A_508 : vector<16xi32>
          %parallel_loop3A_510 = arith.constant 16 : i32
          %parallel_loop3A_511 = arith.addi %parallel_loop3A_490, %parallel_loop3A_510 : i32
          %parallel_loop3A_512 = arith.index_cast %parallel_loop3A_511 : i32 to index
          %parallel_loop3A_513 = tpu.vector_load %arg5[%parallel_loop3A_512] {strides = array<i32>} : memref<32768xf32, #tpu.memory_space<vmem>>, vector<16xf32>,
          %parallel_loop3A_514 = vector.bitcast %parallel_loop3A_513 : vector<16xf32> to vector<16xi32>
          %parallel_loop3A_515 = arith.constant 31 : i32
          %parallel_loop3A_516 = vector.broadcast %parallel_loop3A_515 : i32 to vector<16xi32>
          %parallel_loop3A_517 = arith.shrsi %parallel_loop3A_514, %parallel_loop3A_516 : vector<16xi32>
          %parallel_loop3A_518 = arith.constant 2147483647 : i32
          %parallel_loop3A_519 = vector.broadcast %parallel_loop3A_518 : i32 to vector<16xi32>
          %parallel_loop3A_520 = arith.andi %parallel_loop3A_517, %parallel_loop3A_519 : vector<16xi32>
          %parallel_loop3A_521 = arith.xori %parallel_loop3A_514, %parallel_loop3A_520 : vector<16xi32>
          %parallel_loop3A_522 = vector.bitcast %parallel_loop3A_521 : vector<16xi32> to vector<16xi32>
          %parallel_loop3A_523 = arith.constant -2147483648 : i32
          %parallel_loop3A_524 = vector.broadcast %parallel_loop3A_523 : i32 to vector<16xi32>
          %parallel_loop3A_525 = arith.xori %parallel_loop3A_522, %parallel_loop3A_524 : vector<16xi32>
          %parallel_loop3A_526 = arith.cmpi uge, %parallel_loop3A_525, %broadcast_in_dim3A_462 : vector<16xi32>
          %parallel_loop3A_527 = tpu.all_reduce %parallel_loop3A_526 {dim = 0 : i64, kind = #tpu.reduction_kind<sum>} : vector<16xi1> -> vector<16xi32>
          %parallel_loop3A_528 = arith.addi %parallel_loop3A_488, %parallel_loop3A_527 : vector<16xi32>
          %parallel_loop3A_529 = arith.constant 32 : i32
          %parallel_loop3A_530 = arith.addi %parallel_loop3A_490, %parallel_loop3A_529 : i32
          %parallel_loop3A_531 = arith.index_cast %parallel_loop3A_530 : i32 to index
          %parallel_loop3A_532 = tpu.vector_load %arg5[%parallel_loop3A_531] {strides = array<i32>} : memref<32768xf32, #tpu.memory_space<vmem>>, vector<16xf32>,
          %parallel_loop3A_533 = vector.bitcast %parallel_loop3A_532 : vector<16xf32> to vector<16xi32>
          %parallel_loop3A_534 = arith.constant 31 : i32
          %parallel_loop3A_535 = vector.broadcast %parallel_loop3A_534 : i32 to vector<16xi32>
          %parallel_loop3A_536 = arith.shrsi %parallel_loop3A_533, %parallel_loop3A_535 : vector<16xi32>
          %parallel_loop3A_537 = arith.constant 2147483647 : i32
          %parallel_loop3A_538 = vector.broadcast %parallel_loop3A_537 : i32 to vector<16xi32>
          %parallel_loop3A_539 = arith.andi %parallel_loop3A_536, %parallel_loop3A_538 : vector<16xi32>
          %parallel_loop3A_540 = arith.xori %parallel_loop3A_533, %parallel_loop3A_539 : vector<16xi32>
          %parallel_loop3A_541 = vector.bitcast %parallel_loop3A_540 : vector<16xi32> to vector<16xi32>
          %parallel_loop3A_542 = arith.constant -2147483648 : i32
          %parallel_loop3A_543 = vector.broadcast %parallel_loop3A_542 : i32 to vector<16xi32>
          %parallel_loop3A_544 = arith.xori %parallel_loop3A_541, %parallel_loop3A_543 : vector<16xi32>
          %parallel_loop3A_545 = arith.cmpi uge, %parallel_loop3A_544, %broadcast_in_dim3A_462 : vector<16xi32>
          %parallel_loop3A_546 = tpu.all_reduce %parallel_loop3A_545 {dim = 0 : i64, kind = #tpu.reduction_kind<sum>} : vector<16xi1> -> vector<16xi32>
          %parallel_loop3A_547 = arith.addi %parallel_loop3A_509, %parallel_loop3A_546 : vector<16xi32>
          %parallel_loop3A_548 = arith.constant 48 : i32
          %parallel_loop3A_549 = arith.addi %parallel_loop3A_490, %parallel_loop3A_548 : i32
          %parallel_loop3A_550 = arith.index_cast %parallel_loop3A_549 : i32 to index
          %parallel_loop3A_551 = tpu.vector_load %arg5[%parallel_loop3A_550] {strides = array<i32>} : memref<32768xf32, #tpu.memory_space<vmem>>, vector<16xf32>,
          %parallel_loop3A_552 = vector.bitcast %parallel_loop3A_551 : vector<16xf32> to vector<16xi32>
          %parallel_loop3A_553 = arith.constant 31 : i32
          %parallel_loop3A_554 = vector.broadcast %parallel_loop3A_553 : i32 to vector<16xi32>
          %parallel_loop3A_555 = arith.shrsi %parallel_loop3A_552, %parallel_loop3A_554 : vector<16xi32>
          %parallel_loop3A_556 = arith.constant 2147483647 : i32
          %parallel_loop3A_557 = vector.broadcast %parallel_loop3A_556 : i32 to vector<16xi32>
          %parallel_loop3A_558 = arith.andi %parallel_loop3A_555, %parallel_loop3A_557 : vector<16xi32>
          %parallel_loop3A_559 = arith.xori %parallel_loop3A_552, %parallel_loop3A_558 : vector<16xi32>
          %parallel_loop3A_560 = vector.bitcast %parallel_loop3A_559 : vector<16xi32> to vector<16xi32>
          %parallel_loop3A_561 = arith.constant -2147483648 : i32
          %parallel_loop3A_562 = vector.broadcast %parallel_loop3A_561 : i32 to vector<16xi32>
          %parallel_loop3A_563 = arith.xori %parallel_loop3A_560, %parallel_loop3A_562 : vector<16xi32>
          %parallel_loop3A_564 = arith.cmpi uge, %parallel_loop3A_563, %broadcast_in_dim3A_462 : vector<16xi32>
          %parallel_loop3A_565 = tpu.all_reduce %parallel_loop3A_564 {dim = 0 : i64, kind = #tpu.reduction_kind<sum>} : vector<16xi1> -> vector<16xi32>
          %parallel_loop3A_566 = arith.addi %parallel_loop3A_528, %parallel_loop3A_565 : vector<16xi32>
          scf.yield %parallel_loop3A_547, %parallel_loop3A_566 : vector<16xi32>, vector<16xi32>
        } {sc.loop_unroll_factor = 1 : i64, sc.parallel_access}
        %add3A_468 = arith.addi %parallel_loop3A_467#0, %parallel_loop3A_467#1 : vector<16xi32>
        %reduce_max3A_469 = arith.constant true
        %reduce_max3A_470 = vector.broadcast %reduce_max3A_469 : i1 to vector<16xi1>
        %reduce_max3A_471 = arith.constant -2147483648 : i32
        %reduce_max3A_472 = vector.broadcast %reduce_max3A_471 : i32 to vector<16xi32>
        %reduce_max3A_473 = arith.xori %add3A_468, %reduce_max3A_472 : vector<16xi32>
        %reduce_max3A_474 = tpu.scan <max>, %reduce_max3A_473 masked %reduce_max3A_470 : vector<16xi32>, vector<16xi1> -> vector<16xi32>
        %reduce_max3A_475 = arith.xori %reduce_max3A_474, %reduce_max3A_472 : vector<16xi32>
        %reduce_max3A_476 = vector.extract %reduce_max3A_475[15] : i32 from vector<16xi32>
        %eq3A = arith.cmpi eq, %reduce_max3A_476, %scan3A_435 : i32
        %and3A_477 = arith.andi %and3A_453, %eq3A : i1
        %ge3A_478 = arith.cmpi sge, %reduce_max3A_476, %scan3A_435 : i32
        %select_n3A_479 = arith.select %ge3A_478, %add3A_459, %scan3A_448 : i32
        %select_n3A_480 = arith.select %and3A_453, %select_n3A_479, %scan3A_448 : i32
        %sub3A_481 = arith.constant 1 : i32
        %sub3A_482 = arith.subi %add3A_459, %sub3A_481 : i32
        %select_n3A_483 = arith.select %ge3A_478, %scan3A_449, %sub3A_482 : i32
        %select_n3A_484 = arith.select %and3A_453, %select_n3A_483, %scan3A_449 : i32
        %or3A = arith.ori %scan3A_450, %and3A_477 : i1
        %select_n3A_485 = arith.select %and3A_477, %add3A_459, %scan3A_451 : i32
        scf.yield %select_n3A_480, %select_n3A_484, %or3A, %select_n3A_485 : i32, i32, i1, i32
      }
      %scan3A_445 = arith.constant 32 : i32
      %select_n3A_446 = arith.select %scan3A_444#2, %scan3A_444#3, %scan3A_444#0 : i32
      scf.yield %select_n3A_446 : i32
    }
    %broadcast_in_dim3A_302 = vector.broadcast %cond3A_301 : i32 to vector<16xi32>
    %xor3A_303 = arith.constant -2147483648 : i32
    %xor3A_304 = vector.broadcast %xor3A_303 : i32 to vector<16xi32>
    %xor3A_305 = arith.xori %broadcast_in_dim3A_302, %xor3A_304 : vector<16xi32>
    %bitcast3A_306 = vector.bitcast %xor3A_305 : vector<16xi32> to vector<16xi32>
    %shift_right_arithmetic3A_307 = arith.constant 31 : i32
    %shift_right_arithmetic3A_308 = vector.broadcast %shift_right_arithmetic3A_307 : i32 to vector<16xi32>
    %shift_right_arithmetic3A_309 = arith.shrsi %bitcast3A_306, %shift_right_arithmetic3A_308 : vector<16xi32>
    %and3A_310 = arith.constant 2147483647 : i32
    %and3A_311 = vector.broadcast %and3A_310 : i32 to vector<16xi32>
    %and3A_312 = arith.andi %shift_right_arithmetic3A_309, %and3A_311 : vector<16xi32>
    %xor3A_313 = arith.xori %bitcast3A_306, %and3A_312 : vector<16xi32>
    %bitcast3A_314 = vector.bitcast %xor3A_313 : vector<16xi32> to vector<16xf32>
    %parallel_loop3A_315 = arith.constant 0 : i32
    %parallel_loop3A_316 = arith.constant 2048 : i32
    %parallel_loop3A_317 = arith.constant 1 : i32
    scf.for %parallel_loop3A_435 = %parallel_loop3A_315 to %parallel_loop3A_316 step %parallel_loop3A_317  : i32 {
      %parallel_loop3A_436 = arith.constant 16 : i32
      %parallel_loop3A_437 = arith.muli %parallel_loop3A_435, %parallel_loop3A_436 : i32
      %parallel_loop3A_438 = arith.index_cast %parallel_loop3A_437 : i32 to index
      %parallel_loop3A_439 = tpu.vector_load %arg5[%parallel_loop3A_438] {strides = array<i32>} : memref<32768xf32, #tpu.memory_space<vmem>>, vector<16xf32>,
      %parallel_loop3A_440 = arith.cmpf oge, %parallel_loop3A_439, %bitcast3A_314 : vector<16xf32>
      %parallel_loop3A_441 = arith.addf %parallel_loop3A_439, %get3A_3 : vector<16xf32>
      %parallel_loop3A_442 = arith.select %parallel_loop3A_440, %parallel_loop3A_441, %get3A_3 : vector<16xi1>, vector<16xf32>
      %parallel_loop3A_443 = arith.index_cast %parallel_loop3A_437 : i32 to index
      %parallel_loop3A_444 = tpu.vector_load %arg5[%parallel_loop3A_443] {strides = array<i32>} : memref<32768xf32, #tpu.memory_space<vmem>>, vector<16xf32>,
      tpu.vector_store %arg5[%parallel_loop3A_443], %parallel_loop3A_442 {strides = array<i32>} : memref<32768xf32, #tpu.memory_space<vmem>>, vector<16xf32>,
    } {sc.loop_unroll_factor = 4 : i64, sc.parallel_access}
    %add3A_318 = arith.constant 2 : i32
    %add3A_319 = arith.addi %mul3A_2, %add3A_318 : i32
    %dma_start3A_320 = arith.constant 0 : i32
    %dma_start3A_321 = tpu.memref_slice %arg4[%add3A_319, %dma_start3A_320] : memref<128x32768xf32, #tpu.memory_space<hbm>> -> memref<1x32768xf32, #tpu.memory_space<hbm>>
    %dma_start3A_322 = tpu.memref_squeeze %dma_start3A_321 : memref<1x32768xf32, #tpu.memory_space<hbm>> -> memref<32768xf32, #tpu.memory_space<hbm>>
    %dma_start3A_323 = arith.constant 0 : i32
    %dma_start3A_324 = tpu.memref_slice %arg4[%add3A_319, %dma_start3A_323] : memref<128x32768xf32, #tpu.memory_space<hbm>> -> memref<1x32768xf32, #tpu.memory_space<hbm>>
    %dma_start3A_325 = tpu.memref_squeeze %dma_start3A_324 : memref<1x32768xf32, #tpu.memory_space<hbm>> -> memref<32768xf32, #tpu.memory_space<hbm>>
    tpu.enqueue_dma source(%arg5 : memref<32768xf32, #tpu.memory_space<vmem>>) target(%dma_start3A_325 : memref<32768xf32, #tpu.memory_space<hbm>>) target_semaphore(%arg11 : memref<!tpu.dma_semaphore, #tpu.memory_space<semaphore_mem>>)
    %dma_wait3A_326 = arith.constant 0 : i32
    %dma_wait3A_327 = tpu.memref_slice %arg2[%add3A_259, %dma_wait3A_326] : memref<128x32768xf32, #tpu.memory_space<hbm>> -> memref<1x32768xf32, #tpu.memory_space<hbm>>
    %dma_wait3A_328 = tpu.memref_squeeze %dma_wait3A_327 : memref<1x32768xf32, #tpu.memory_space<hbm>> -> memref<32768xf32, #tpu.memory_space<hbm>>
    %dma_wait3A_329 = arith.constant 0 : i32
    %dma_wait3A_330 = tpu.memref_slice %arg2[%add3A_259, %dma_wait3A_329] : memref<128x32768xf32, #tpu.memory_space<hbm>> -> memref<1x32768xf32, #tpu.memory_space<hbm>>
    %dma_wait3A_331 = tpu.memref_squeeze %dma_wait3A_330 : memref<1x32768xf32, #tpu.memory_space<hbm>> -> memref<32768xf32, #tpu.memory_space<hbm>>
    tpu.wait_dma2 semaphore(%arg10 : memref<!tpu.dma_semaphore, #tpu.memory_space<semaphore_mem>>) src(%dma_wait3A_331 : memref<32768xf32, #tpu.memory_space<hbm>>) dst(%arg6 : memref<32768xf32, #tpu.memory_space<vmem>>)
    %scan3A_332 = arith.constant 16 : i32
    %scan3A_333 = arith.constant 0 : i32
    %scan3A_334 = arith.constant -1 : i32
    %scan3A_335 = arith.constant false
    %scan3A_336 = arith.constant 0 : i32
    %scan3A_337 = arith.constant 0 : i32
    %scan3A_338 = arith.constant 32 : i32
    %scan3A_339 = arith.addi %scan3A_337, %scan3A_338 : i32
    %scan3A_340 = arith.constant 1 : i32
    %scan3A_341:4 = scf.for %scan3A_435 = %scan3A_337 to %scan3A_339 step %scan3A_340 iter_args(%scan3A_436 = %scan3A_333, %scan3A_437 = %scan3A_334, %scan3A_438 = %scan3A_335, %scan3A_439 = %scan3A_336) -> (i32, i32, i1, i32)  : i32 {
      %lt3A = arith.cmpi ult, %scan3A_436, %scan3A_437 : i32
      %not3A = arith.constant true
      %not3A_440 = arith.xori %scan3A_438, %not3A : i1
      %and3A_441 = arith.andi %lt3A, %not3A_440 : i1
      %sub3A = arith.subi %scan3A_437, %scan3A_436 : i32
      %shift_right_logical3A_442 = arith.constant 1 : i32
      %shift_right_logical3A_443 = arith.shrui %sub3A, %shift_right_logical3A_442 : i32
      %add3A_444 = arith.addi %scan3A_436, %shift_right_logical3A_443 : i32
      %and3A_445 = arith.constant 1 : i32
      %and3A_446 = arith.andi %sub3A, %and3A_445 : i32
      %add3A_447 = arith.addi %add3A_444, %and3A_446 : i32
      %broadcast_in_dim3A_448 = vector.broadcast %add3A_447 : i32 to vector<16xi32>
      %jit3A = arith.constant 16 : i32
      %jit3A_449 = arith.constant 0 : i32
      %select_n3A_450 = arith.select %and3A_441, %jit3A, %jit3A_449 : i32
      %broadcast_in_dim3A_451 = arith.constant 0 : i32
      %broadcast_in_dim3A_452 = vector.broadcast %broadcast_in_dim3A_451 : i32 to vector<16xi32>
      %parallel_loop3A_453 = arith.constant 0 : i32
      %parallel_loop3A_454 = arith.constant 1 : i32
      %parallel_loop3A_455 = scf.for %parallel_loop3A_473 = %parallel_loop3A_453 to %select_n3A_450 step %parallel_loop3A_454 iter_args(%parallel_loop3A_474 = %broadcast_in_dim3A_452) -> (vector<16xi32>)  : i32 {
        %parallel_loop3A_475 = arith.constant 2048 : i32
        %parallel_loop3A_476 = arith.muli %parallel_loop3A_473, %parallel_loop3A_475 : i32
        %parallel_loop3A_477 = arith.index_cast %parallel_loop3A_476 : i32 to index
        %parallel_loop3A_478 = tpu.vector_load %arg6[%parallel_loop3A_477] {strides = array<i32>} : memref<32768xf32, #tpu.memory_space<vmem>>, vector<16xf32>,
        %parallel_loop3A_479 = vector.bitcast %parallel_loop3A_478 : vector<16xf32> to vector<16xi32>
        %parallel_loop3A_480 = arith.constant 31 : i32
        %parallel_loop3A_481 = vector.broadcast %parallel_loop3A_480 : i32 to vector<16xi32>
        %parallel_loop3A_482 = arith.shrsi %parallel_loop3A_479, %parallel_loop3A_481 : vector<16xi32>
        %parallel_loop3A_483 = arith.constant 2147483647 : i32
        %parallel_loop3A_484 = vector.broadcast %parallel_loop3A_483 : i32 to vector<16xi32>
        %parallel_loop3A_485 = arith.andi %parallel_loop3A_482, %parallel_loop3A_484 : vector<16xi32>
        %parallel_loop3A_486 = arith.xori %parallel_loop3A_479, %parallel_loop3A_485 : vector<16xi32>
        %parallel_loop3A_487 = vector.bitcast %parallel_loop3A_486 : vector<16xi32> to vector<16xi32>
        %parallel_loop3A_488 = arith.constant -2147483648 : i32
        %parallel_loop3A_489 = vector.broadcast %parallel_loop3A_488 : i32 to vector<16xi32>
        %parallel_loop3A_490 = arith.xori %parallel_loop3A_487, %parallel_loop3A_489 : vector<16xi32>
        %parallel_loop3A_491 = arith.cmpi uge, %parallel_loop3A_490, %broadcast_in_dim3A_448 : vector<16xi32>
        %parallel_loop3A_492 = tpu.all_reduce %parallel_loop3A_491 {dim = 0 : i64, kind = #tpu.reduction_kind<sum>} : vector<16xi1> -> vector<16xi32>
        %parallel_loop3A_493 = arith.addi %parallel_loop3A_474, %parallel_loop3A_492 : vector<16xi32>
        scf.yield %parallel_loop3A_493 : vector<16xi32>
      } {sc.loop_unroll_factor = 1 : i64, sc.parallel_access}
      %reduce_max3A_456 = arith.constant true
      %reduce_max3A_457 = vector.broadcast %reduce_max3A_456 : i1 to vector<16xi1>
      %reduce_max3A_458 = arith.constant -2147483648 : i32
      %reduce_max3A_459 = vector.broadcast %reduce_max3A_458 : i32 to vector<16xi32>
      %reduce_max3A_460 = arith.xori %parallel_loop3A_455, %reduce_max3A_459 : vector<16xi32>
      %reduce_max3A_461 = tpu.scan <max>, %reduce_max3A_460 masked %reduce_max3A_457 : vector<16xi32>, vector<16xi1> -> vector<16xi32>
      %reduce_max3A_462 = arith.xori %reduce_max3A_461, %reduce_max3A_459 : vector<16xi32>
      %reduce_max3A_463 = vector.extract %reduce_max3A_462[15] : i32 from vector<16xi32>
      %eq3A = arith.cmpi eq, %reduce_max3A_463, %scan3A_332 : i32
      %and3A_464 = arith.andi %and3A_441, %eq3A : i1
      %ge3A_465 = arith.cmpi sge, %reduce_max3A_463, %scan3A_332 : i32
      %select_n3A_466 = arith.select %ge3A_465, %add3A_447, %scan3A_436 : i32
      %select_n3A_467 = arith.select %and3A_441, %select_n3A_466, %scan3A_436 : i32
      %sub3A_468 = arith.constant 1 : i32
      %sub3A_469 = arith.subi %add3A_447, %sub3A_468 : i32
      %select_n3A_470 = arith.select %ge3A_465, %scan3A_437, %sub3A_469 : i32
      %select_n3A_471 = arith.select %and3A_441, %select_n3A_470, %scan3A_437 : i32
      %or3A = arith.ori %scan3A_438, %and3A_464 : i1
      %select_n3A_472 = arith.select %and3A_464, %add3A_447, %scan3A_439 : i32
      scf.yield %select_n3A_467, %select_n3A_471, %or3A, %select_n3A_472 : i32, i32, i1, i32
    }
    %scan3A_342 = arith.constant 32 : i32
    %select_n3A_343 = arith.select %scan3A_341#2, %scan3A_341#3, %scan3A_341#0 : i32
    %broadcast_in_dim3A_344 = vector.broadcast %select_n3A_343 : i32 to vector<16xi32>
    %xor3A_345 = arith.constant -2147483648 : i32
    %xor3A_346 = vector.broadcast %xor3A_345 : i32 to vector<16xi32>
    %xor3A_347 = arith.xori %broadcast_in_dim3A_344, %xor3A_346 : vector<16xi32>
    %bitcast3A_348 = vector.bitcast %xor3A_347 : vector<16xi32> to vector<16xi32>
    %shift_right_arithmetic3A_349 = arith.constant 31 : i32
    %shift_right_arithmetic3A_350 = vector.broadcast %shift_right_arithmetic3A_349 : i32 to vector<16xi32>
    %shift_right_arithmetic3A_351 = arith.shrsi %bitcast3A_348, %shift_right_arithmetic3A_350 : vector<16xi32>
    %and3A_352 = arith.constant 2147483647 : i32
    %and3A_353 = vector.broadcast %and3A_352 : i32 to vector<16xi32>
    %and3A_354 = arith.andi %shift_right_arithmetic3A_351, %and3A_353 : vector<16xi32>
    %xor3A_355 = arith.xori %bitcast3A_348, %and3A_354 : vector<16xi32>
    %bitcast3A_356 = vector.bitcast %xor3A_355 : vector<16xi32> to vector<16xf32>
    %broadcast_in_dim3A_357 = arith.constant 0 : i32
    %broadcast_in_dim3A_358 = vector.broadcast %broadcast_in_dim3A_357 : i32 to vector<16xi32>
    %parallel_loop3A_359 = arith.constant 0 : i32
    %parallel_loop3A_360 = arith.constant 1024 : i32
    %parallel_loop3A_361 = arith.constant 1 : i32
    %parallel_loop3A_362:2 = scf.for %parallel_loop3A_435 = %parallel_loop3A_359 to %parallel_loop3A_360 step %parallel_loop3A_361 iter_args(%parallel_loop3A_436 = %broadcast_in_dim3A_358, %parallel_loop3A_437 = %broadcast_in_dim3A_358) -> (vector<16xi32>, vector<16xi32>)  : i32 {
      %parallel_loop3A_438 = arith.constant 2 : i32
      %parallel_loop3A_439 = arith.muli %parallel_loop3A_438, %parallel_loop3A_435 : i32
      %parallel_loop3A_440 = arith.constant 16 : i32
      %parallel_loop3A_441 = arith.muli %parallel_loop3A_439, %parallel_loop3A_440 : i32
      %parallel_loop3A_442 = arith.index_cast %parallel_loop3A_441 : i32 to index
      %parallel_loop3A_443 = tpu.vector_load %arg6[%parallel_loop3A_442] {strides = array<i32>} : memref<32768xf32, #tpu.memory_space<vmem>>, vector<16xf32>,
      %parallel_loop3A_444 = arith.constant 2 : i32
      %parallel_loop3A_445 = arith.muli %parallel_loop3A_444, %parallel_loop3A_435 : i32
      %parallel_loop3A_446 = arith.constant 1 : i32
      %parallel_loop3A_447 = arith.addi %parallel_loop3A_445, %parallel_loop3A_446 : i32
      %parallel_loop3A_448 = arith.constant 16 : i32
      %parallel_loop3A_449 = arith.muli %parallel_loop3A_447, %parallel_loop3A_448 : i32
      %parallel_loop3A_450 = arith.index_cast %parallel_loop3A_449 : i32 to index
      %parallel_loop3A_451 = tpu.vector_load %arg6[%parallel_loop3A_450] {strides = array<i32>} : memref<32768xf32, #tpu.memory_space<vmem>>, vector<16xf32>,
      %parallel_loop3A_452 = arith.cmpf oge, %parallel_loop3A_443, %bitcast3A_356 : vector<16xf32>
      %parallel_loop3A_453 = arith.cmpf oge, %parallel_loop3A_451, %bitcast3A_356 : vector<16xf32>
      %parallel_loop3A_454 = arith.constant 32 : i32
      %parallel_loop3A_455 = vector.broadcast %parallel_loop3A_454 : i32 to vector<16xi32>
      %parallel_loop3A_456 = arith.muli %parallel_loop3A_436, %parallel_loop3A_455 : vector<16xi32>
      %parallel_loop3A_457 = arith.addi %parallel_loop3A_456, %iota3A : vector<16xi32>
      tpu.vector_store_idx %arg7[%parallel_loop3A_457], %parallel_loop3A_443 masked %parallel_loop3A_452 : memref<32768xf32, #tpu.memory_space<vmem>>[vector<16xi32>], vector<16xf32>, vector<16xi1>
      %parallel_loop3A_458 = arith.constant 32 : i32
      %parallel_loop3A_459 = vector.broadcast %parallel_loop3A_458 : i32 to vector<16xi32>
      %parallel_loop3A_460 = arith.muli %parallel_loop3A_437, %parallel_loop3A_459 : vector<16xi32>
      %parallel_loop3A_461 = arith.constant 16 : i32
      %parallel_loop3A_462 = vector.broadcast %parallel_loop3A_461 : i32 to vector<16xi32>
      %parallel_loop3A_463 = arith.addi %parallel_loop3A_460, %parallel_loop3A_462 : vector<16xi32>
      %parallel_loop3A_464 = arith.addi %parallel_loop3A_463, %iota3A : vector<16xi32>
      tpu.vector_store_idx %arg7[%parallel_loop3A_464], %parallel_loop3A_451 masked %parallel_loop3A_453 : memref<32768xf32, #tpu.memory_space<vmem>>[vector<16xi32>], vector<16xf32>, vector<16xi1>
      %parallel_loop3A_465 = arith.extui %parallel_loop3A_452 : vector<16xi1> to vector<16xi32>
      %parallel_loop3A_466 = arith.addi %parallel_loop3A_436, %parallel_loop3A_465 : vector<16xi32>
      %parallel_loop3A_467 = arith.extui %parallel_loop3A_453 : vector<16xi1> to vector<16xi32>
      %parallel_loop3A_468 = arith.addi %parallel_loop3A_437, %parallel_loop3A_467 : vector<16xi32>
      scf.yield %parallel_loop3A_466, %parallel_loop3A_468 : vector<16xi32>, vector<16xi32>
    } {sc.loop_unroll_factor = 1 : i64, sc.parallel_access}
    %reduce_sum3A_363 = arith.constant true
    %reduce_sum3A_364 = vector.broadcast %reduce_sum3A_363 : i1 to vector<16xi1>
    %reduce_sum3A_365 = tpu.scan <sum>, %parallel_loop3A_362#0 masked %reduce_sum3A_364 : vector<16xi32>, vector<16xi1> -> vector<16xi32>
    %reduce_sum3A_366 = vector.extract %reduce_sum3A_365[15] : i32 from vector<16xi32>
    %reduce_sum3A_367 = arith.constant true
    %reduce_sum3A_368 = vector.broadcast %reduce_sum3A_367 : i1 to vector<16xi1>
    %reduce_sum3A_369 = tpu.scan <sum>, %parallel_loop3A_362#1 masked %reduce_sum3A_368 : vector<16xi32>, vector<16xi1> -> vector<16xi32>
    %reduce_sum3A_370 = vector.extract %reduce_sum3A_369[15] : i32 from vector<16xi32>
    %add3A_371 = arith.addi %reduce_sum3A_366, %reduce_sum3A_370 : i32
    %reduce_max3A_372 = arith.constant true
    %reduce_max3A_373 = vector.broadcast %reduce_max3A_372 : i1 to vector<16xi1>
    %reduce_max3A_374 = arith.constant -2147483648 : i32
    %reduce_max3A_375 = vector.broadcast %reduce_max3A_374 : i32 to vector<16xi32>
    %reduce_max3A_376 = arith.xori %parallel_loop3A_362#0, %reduce_max3A_375 : vector<16xi32>
    %reduce_max3A_377 = tpu.scan <max>, %reduce_max3A_376 masked %reduce_max3A_373 : vector<16xi32>, vector<16xi1> -> vector<16xi32>
    %reduce_max3A_378 = arith.xori %reduce_max3A_377, %reduce_max3A_375 : vector<16xi32>
    %reduce_max3A_379 = vector.extract %reduce_max3A_378[15] : i32 from vector<16xi32>
    %reduce_max3A_380 = arith.constant true
    %reduce_max3A_381 = vector.broadcast %reduce_max3A_380 : i1 to vector<16xi1>
    %reduce_max3A_382 = arith.constant -2147483648 : i32
    %reduce_max3A_383 = vector.broadcast %reduce_max3A_382 : i32 to vector<16xi32>
    %reduce_max3A_384 = arith.xori %parallel_loop3A_362#1, %reduce_max3A_383 : vector<16xi32>
    %reduce_max3A_385 = tpu.scan <max>, %reduce_max3A_384 masked %reduce_max3A_381 : vector<16xi32>, vector<16xi1> -> vector<16xi32>
    %reduce_max3A_386 = arith.xori %reduce_max3A_385, %reduce_max3A_383 : vector<16xi32>
    %reduce_max3A_387 = vector.extract %reduce_max3A_386[15] : i32 from vector<16xi32>
    %max3A_388 = arith.maxsi %reduce_max3A_379, %reduce_max3A_387 : i32
    %ge3A_389 = arith.constant 512 : i32
    %ge3A_390 = arith.cmpi sge, %add3A_371, %ge3A_389 : i32
    %add3A_391 = arith.constant 1 : i32
    %add3A_392 = arith.addi %max3A_388, %add3A_391 : i32
    %shift_right_logical3A_393 = arith.constant 1 : i32
    %shift_right_logical3A_394 = arith.shrui %add3A_392, %shift_right_logical3A_393 : i32
    %convert_element_type3A_395 = arith.extui %ge3A_390 : i1 to i32
    %cond3A_396 = arith.constant 0 : i32
    %cond3A_397 = arith.cmpi ne, %convert_element_type3A_395, %cond3A_396 : i32
    %cond3A_398 = scf.if %cond3A_397 -> (i32) {
      %broadcast_in_dim3A_435 = arith.constant 0 : i32
      %broadcast_in_dim3A_436 = vector.broadcast %broadcast_in_dim3A_435 : i32 to vector<16xi32>
      %parallel_loop3A_437 = arith.constant 0 : i32
      %parallel_loop3A_438 = arith.constant 1 : i32
      %parallel_loop3A_439 = scf.for %parallel_loop3A_453 = %parallel_loop3A_437 to %shift_right_logical3A_394 step %parallel_loop3A_438 iter_args(%parallel_loop3A_454 = %broadcast_in_dim3A_436) -> (vector<16xi32>)  : i32 {
        %parallel_loop3A_455 = arith.constant 2 : i32
        %parallel_loop3A_456 = arith.muli %parallel_loop3A_455, %parallel_loop3A_453 : i32
        %parallel_loop3A_457 = arith.constant 0 : i32
        %parallel_loop3A_458 = arith.addi %parallel_loop3A_456, %parallel_loop3A_457 : i32
        %parallel_loop3A_459 = arith.constant 4 : i32
        %parallel_loop3A_460 = arith.muli %parallel_loop3A_459, %parallel_loop3A_453 : i32
        %parallel_loop3A_461 = arith.constant 0 : i32
        %parallel_loop3A_462 = arith.addi %parallel_loop3A_460, %parallel_loop3A_461 : i32
        %parallel_loop3A_463 = arith.constant 16 : i32
        %parallel_loop3A_464 = arith.muli %parallel_loop3A_462, %parallel_loop3A_463 : i32
        %parallel_loop3A_465 = arith.index_cast %parallel_loop3A_464 : i32 to index
        %parallel_loop3A_466 = tpu.vector_load %arg7[%parallel_loop3A_465] {strides = array<i32>} : memref<32768xf32, #tpu.memory_space<vmem>>, vector<16xf32>,
        %parallel_loop3A_467 = vector.bitcast %parallel_loop3A_466 : vector<16xf32> to vector<16xi32>
        %parallel_loop3A_468 = arith.constant 31 : i32
        %parallel_loop3A_469 = vector.broadcast %parallel_loop3A_468 : i32 to vector<16xi32>
        %parallel_loop3A_470 = arith.shrsi %parallel_loop3A_467, %parallel_loop3A_469 : vector<16xi32>
        %parallel_loop3A_471 = arith.constant 2147483647 : i32
        %parallel_loop3A_472 = vector.broadcast %parallel_loop3A_471 : i32 to vector<16xi32>
        %parallel_loop3A_473 = arith.andi %parallel_loop3A_470, %parallel_loop3A_472 : vector<16xi32>
        %parallel_loop3A_474 = arith.xori %parallel_loop3A_467, %parallel_loop3A_473 : vector<16xi32>
        %parallel_loop3A_475 = vector.bitcast %parallel_loop3A_474 : vector<16xi32> to vector<16xi32>
        %parallel_loop3A_476 = arith.constant -2147483648 : i32
        %parallel_loop3A_477 = vector.broadcast %parallel_loop3A_476 : i32 to vector<16xi32>
        %parallel_loop3A_478 = arith.xori %parallel_loop3A_475, %parallel_loop3A_477 : vector<16xi32>
        %parallel_loop3A_479 = vector.broadcast %parallel_loop3A_458 : i32 to vector<16xi32>
        %parallel_loop3A_480 = arith.cmpi sgt, %parallel_loop3A_362#0, %parallel_loop3A_479 : vector<16xi32>
        %parallel_loop3A_481 = arith.constant 0 : i32
        %parallel_loop3A_482 = vector.broadcast %parallel_loop3A_481 : i32 to vector<16xi32>
        %parallel_loop3A_483 = arith.select %parallel_loop3A_480, %parallel_loop3A_478, %parallel_loop3A_482 : vector<16xi1>, vector<16xi32>
        %parallel_loop3A_484 = vector.bitcast %parallel_loop3A_483 : vector<16xi32> to vector<16xf32>
        %parallel_loop3A_485 = arith.index_cast %parallel_loop3A_464 : i32 to index
        %parallel_loop3A_486 = tpu.vector_load %arg7[%parallel_loop3A_485] {strides = array<i32>} : memref<32768xf32, #tpu.memory_space<vmem>>, vector<16xf32>,
        tpu.vector_store %arg7[%parallel_loop3A_485], %parallel_loop3A_484 {strides = array<i32>} : memref<32768xf32, #tpu.memory_space<vmem>>, vector<16xf32>,
        %parallel_loop3A_487 = arith.maxui %parallel_loop3A_454, %parallel_loop3A_483 : vector<16xi32>
        %parallel_loop3A_488 = arith.constant 2 : i32
        %parallel_loop3A_489 = arith.muli %parallel_loop3A_488, %parallel_loop3A_453 : i32
        %parallel_loop3A_490 = arith.constant 0 : i32
        %parallel_loop3A_491 = arith.addi %parallel_loop3A_489, %parallel_loop3A_490 : i32
        %parallel_loop3A_492 = arith.constant 4 : i32
        %parallel_loop3A_493 = arith.muli %parallel_loop3A_492, %parallel_loop3A_453 : i32
        %parallel_loop3A_494 = arith.constant 1 : i32
        %parallel_loop3A_495 = arith.addi %parallel_loop3A_493, %parallel_loop3A_494 : i32
        %parallel_loop3A_496 = arith.constant 16 : i32
        %parallel_loop3A_497 = arith.muli %parallel_loop3A_495, %parallel_loop3A_496 : i32
        %parallel_loop3A_498 = arith.index_cast %parallel_loop3A_497 : i32 to index
        %parallel_loop3A_499 = tpu.vector_load %arg7[%parallel_loop3A_498] {strides = array<i32>} : memref<32768xf32, #tpu.memory_space<vmem>>, vector<16xf32>,
        %parallel_loop3A_500 = vector.bitcast %parallel_loop3A_499 : vector<16xf32> to vector<16xi32>
        %parallel_loop3A_501 = arith.constant 31 : i32
        %parallel_loop3A_502 = vector.broadcast %parallel_loop3A_501 : i32 to vector<16xi32>
        %parallel_loop3A_503 = arith.shrsi %parallel_loop3A_500, %parallel_loop3A_502 : vector<16xi32>
        %parallel_loop3A_504 = arith.constant 2147483647 : i32
        %parallel_loop3A_505 = vector.broadcast %parallel_loop3A_504 : i32 to vector<16xi32>
        %parallel_loop3A_506 = arith.andi %parallel_loop3A_503, %parallel_loop3A_505 : vector<16xi32>
        %parallel_loop3A_507 = arith.xori %parallel_loop3A_500, %parallel_loop3A_506 : vector<16xi32>
        %parallel_loop3A_508 = vector.bitcast %parallel_loop3A_507 : vector<16xi32> to vector<16xi32>
        %parallel_loop3A_509 = arith.constant -2147483648 : i32
        %parallel_loop3A_510 = vector.broadcast %parallel_loop3A_509 : i32 to vector<16xi32>
        %parallel_loop3A_511 = arith.xori %parallel_loop3A_508, %parallel_loop3A_510 : vector<16xi32>
        %parallel_loop3A_512 = vector.broadcast %parallel_loop3A_491 : i32 to vector<16xi32>
        %parallel_loop3A_513 = arith.cmpi sgt, %parallel_loop3A_362#1, %parallel_loop3A_512 : vector<16xi32>
        %parallel_loop3A_514 = arith.constant 0 : i32
        %parallel_loop3A_515 = vector.broadcast %parallel_loop3A_514 : i32 to vector<16xi32>
        %parallel_loop3A_516 = arith.select %parallel_loop3A_513, %parallel_loop3A_511, %parallel_loop3A_515 : vector<16xi1>, vector<16xi32>
        %parallel_loop3A_517 = vector.bitcast %parallel_loop3A_516 : vector<16xi32> to vector<16xf32>
        %parallel_loop3A_518 = arith.index_cast %parallel_loop3A_497 : i32 to index
        %parallel_loop3A_519 = tpu.vector_load %arg7[%parallel_loop3A_518] {strides = array<i32>} : memref<32768xf32, #tpu.memory_space<vmem>>, vector<16xf32>,
        tpu.vector_store %arg7[%parallel_loop3A_518], %parallel_loop3A_517 {strides = array<i32>} : memref<32768xf32, #tpu.memory_space<vmem>>, vector<16xf32>,
        %parallel_loop3A_520 = arith.maxui %parallel_loop3A_487, %parallel_loop3A_516 : vector<16xi32>
        %parallel_loop3A_521 = arith.constant 2 : i32
        %parallel_loop3A_522 = arith.muli %parallel_loop3A_521, %parallel_loop3A_453 : i32
        %parallel_loop3A_523 = arith.constant 1 : i32
        %parallel_loop3A_524 = arith.addi %parallel_loop3A_522, %parallel_loop3A_523 : i32
        %parallel_loop3A_525 = arith.constant 4 : i32
        %parallel_loop3A_526 = arith.muli %parallel_loop3A_525, %parallel_loop3A_453 : i32
        %parallel_loop3A_527 = arith.constant 2 : i32
        %parallel_loop3A_528 = arith.addi %parallel_loop3A_526, %parallel_loop3A_527 : i32
        %parallel_loop3A_529 = arith.constant 16 : i32
        %parallel_loop3A_530 = arith.muli %parallel_loop3A_528, %parallel_loop3A_529 : i32
        %parallel_loop3A_531 = arith.index_cast %parallel_loop3A_530 : i32 to index
        %parallel_loop3A_532 = tpu.vector_load %arg7[%parallel_loop3A_531] {strides = array<i32>} : memref<32768xf32, #tpu.memory_space<vmem>>, vector<16xf32>,
        %parallel_loop3A_533 = vector.bitcast %parallel_loop3A_532 : vector<16xf32> to vector<16xi32>
        %parallel_loop3A_534 = arith.constant 31 : i32
        %parallel_loop3A_535 = vector.broadcast %parallel_loop3A_534 : i32 to vector<16xi32>
        %parallel_loop3A_536 = arith.shrsi %parallel_loop3A_533, %parallel_loop3A_535 : vector<16xi32>
        %parallel_loop3A_537 = arith.constant 2147483647 : i32
        %parallel_loop3A_538 = vector.broadcast %parallel_loop3A_537 : i32 to vector<16xi32>
        %parallel_loop3A_539 = arith.andi %parallel_loop3A_536, %parallel_loop3A_538 : vector<16xi32>
        %parallel_loop3A_540 = arith.xori %parallel_loop3A_533, %parallel_loop3A_539 : vector<16xi32>
        %parallel_loop3A_541 = vector.bitcast %parallel_loop3A_540 : vector<16xi32> to vector<16xi32>
        %parallel_loop3A_542 = arith.constant -2147483648 : i32
        %parallel_loop3A_543 = vector.broadcast %parallel_loop3A_542 : i32 to vector<16xi32>
        %parallel_loop3A_544 = arith.xori %parallel_loop3A_541, %parallel_loop3A_543 : vector<16xi32>
        %parallel_loop3A_545 = vector.broadcast %parallel_loop3A_524 : i32 to vector<16xi32>
        %parallel_loop3A_546 = arith.cmpi sgt, %parallel_loop3A_362#0, %parallel_loop3A_545 : vector<16xi32>
        %parallel_loop3A_547 = arith.constant 0 : i32
        %parallel_loop3A_548 = vector.broadcast %parallel_loop3A_547 : i32 to vector<16xi32>
        %parallel_loop3A_549 = arith.select %parallel_loop3A_546, %parallel_loop3A_544, %parallel_loop3A_548 : vector<16xi1>, vector<16xi32>
        %parallel_loop3A_550 = vector.bitcast %parallel_loop3A_549 : vector<16xi32> to vector<16xf32>
        %parallel_loop3A_551 = arith.index_cast %parallel_loop3A_530 : i32 to index
        %parallel_loop3A_552 = tpu.vector_load %arg7[%parallel_loop3A_551] {strides = array<i32>} : memref<32768xf32, #tpu.memory_space<vmem>>, vector<16xf32>,
        tpu.vector_store %arg7[%parallel_loop3A_551], %parallel_loop3A_550 {strides = array<i32>} : memref<32768xf32, #tpu.memory_space<vmem>>, vector<16xf32>,
        %parallel_loop3A_553 = arith.maxui %parallel_loop3A_520, %parallel_loop3A_549 : vector<16xi32>
        %parallel_loop3A_554 = arith.constant 2 : i32
        %parallel_loop3A_555 = arith.muli %parallel_loop3A_554, %parallel_loop3A_453 : i32
        %parallel_loop3A_556 = arith.constant 1 : i32
        %parallel_loop3A_557 = arith.addi %parallel_loop3A_555, %parallel_loop3A_556 : i32
        %parallel_loop3A_558 = arith.constant 4 : i32
        %parallel_loop3A_559 = arith.muli %parallel_loop3A_558, %parallel_loop3A_453 : i32
        %parallel_loop3A_560 = arith.constant 3 : i32
        %parallel_loop3A_561 = arith.addi %parallel_loop3A_559, %parallel_loop3A_560 : i32
        %parallel_loop3A_562 = arith.constant 16 : i32
        %parallel_loop3A_563 = arith.muli %parallel_loop3A_561, %parallel_loop3A_562 : i32
        %parallel_loop3A_564 = arith.index_cast %parallel_loop3A_563 : i32 to index
        %parallel_loop3A_565 = tpu.vector_load %arg7[%parallel_loop3A_564] {strides = array<i32>} : memref<32768xf32, #tpu.memory_space<vmem>>, vector<16xf32>,
        %parallel_loop3A_566 = vector.bitcast %parallel_loop3A_565 : vector<16xf32> to vector<16xi32>
        %parallel_loop3A_567 = arith.constant 31 : i32
        %parallel_loop3A_568 = vector.broadcast %parallel_loop3A_567 : i32 to vector<16xi32>
        %parallel_loop3A_569 = arith.shrsi %parallel_loop3A_566, %parallel_loop3A_568 : vector<16xi32>
        %parallel_loop3A_570 = arith.constant 2147483647 : i32
        %parallel_loop3A_571 = vector.broadcast %parallel_loop3A_570 : i32 to vector<16xi32>
        %parallel_loop3A_572 = arith.andi %parallel_loop3A_569, %parallel_loop3A_571 : vector<16xi32>
        %parallel_loop3A_573 = arith.xori %parallel_loop3A_566, %parallel_loop3A_572 : vector<16xi32>
        %parallel_loop3A_574 = vector.bitcast %parallel_loop3A_573 : vector<16xi32> to vector<16xi32>
        %parallel_loop3A_575 = arith.constant -2147483648 : i32
        %parallel_loop3A_576 = vector.broadcast %parallel_loop3A_575 : i32 to vector<16xi32>
        %parallel_loop3A_577 = arith.xori %parallel_loop3A_574, %parallel_loop3A_576 : vector<16xi32>
        %parallel_loop3A_578 = vector.broadcast %parallel_loop3A_557 : i32 to vector<16xi32>
        %parallel_loop3A_579 = arith.cmpi sgt, %parallel_loop3A_362#1, %parallel_loop3A_578 : vector<16xi32>
        %parallel_loop3A_580 = arith.constant 0 : i32
        %parallel_loop3A_581 = vector.broadcast %parallel_loop3A_580 : i32 to vector<16xi32>
        %parallel_loop3A_582 = arith.select %parallel_loop3A_579, %parallel_loop3A_577, %parallel_loop3A_581 : vector<16xi1>, vector<16xi32>
        %parallel_loop3A_583 = vector.bitcast %parallel_loop3A_582 : vector<16xi32> to vector<16xf32>
        %parallel_loop3A_584 = arith.index_cast %parallel_loop3A_563 : i32 to index
        %parallel_loop3A_585 = tpu.vector_load %arg7[%parallel_loop3A_584] {strides = array<i32>} : memref<32768xf32, #tpu.memory_space<vmem>>, vector<16xf32>,
        tpu.vector_store %arg7[%parallel_loop3A_584], %parallel_loop3A_583 {strides = array<i32>} : memref<32768xf32, #tpu.memory_space<vmem>>, vector<16xf32>,
        %parallel_loop3A_586 = arith.maxui %parallel_loop3A_553, %parallel_loop3A_582 : vector<16xi32>
        scf.yield %parallel_loop3A_586 : vector<16xi32>
      } {sc.loop_unroll_factor = 1 : i64, sc.parallel_access}
      %reduce_max3A_440 = arith.constant true
      %reduce_max3A_441 = vector.broadcast %reduce_max3A_440 : i1 to vector<16xi1>
      %reduce_max3A_442 = tpu.scan <max>, %parallel_loop3A_439 masked %reduce_max3A_441 : vector<16xi32>, vector<16xi1> -> vector<16xi32>
      %reduce_max3A_443 = vector.extract %reduce_max3A_442[15] : i32 from vector<16xi32>
      %scan3A_444 = arith.constant 512 : i32
      %scan3A_445 = arith.constant false
      %scan3A_446 = arith.constant 0 : i32
      %scan3A_447 = arith.constant 32 : i32
      %scan3A_448 = arith.addi %scan3A_446, %scan3A_447 : i32
      %scan3A_449 = arith.constant 1 : i32
      %scan3A_450:4 = scf.for %scan3A_453 = %scan3A_446 to %scan3A_448 step %scan3A_449 iter_args(%scan3A_454 = %select_n3A_343, %scan3A_455 = %reduce_max3A_443, %scan3A_456 = %scan3A_445, %scan3A_457 = %select_n3A_343) -> (i32, i32, i1, i32)  : i32 {
        %lt3A = arith.cmpi ult, %scan3A_454, %scan3A_455 : i32
        %not3A = arith.constant true
        %not3A_458 = arith.xori %scan3A_456, %not3A : i1
        %and3A_459 = arith.andi %lt3A, %not3A_458 : i1
        %sub3A = arith.subi %scan3A_455, %scan3A_454 : i32
        %shift_right_logical3A_460 = arith.constant 1 : i32
        %shift_right_logical3A_461 = arith.shrui %sub3A, %shift_right_logical3A_460 : i32
        %add3A_462 = arith.addi %scan3A_454, %shift_right_logical3A_461 : i32
        %and3A_463 = arith.constant 1 : i32
        %and3A_464 = arith.andi %sub3A, %and3A_463 : i32
        %add3A_465 = arith.addi %add3A_462, %and3A_464 : i32
        %jit3A = arith.constant 0 : i32
        %select_n3A_466 = arith.select %and3A_459, %shift_right_logical3A_394, %jit3A : i32
        %broadcast_in_dim3A_467 = vector.broadcast %add3A_465 : i32 to vector<16xi32>
        %broadcast_in_dim3A_468 = arith.constant 0 : i32
        %broadcast_in_dim3A_469 = vector.broadcast %broadcast_in_dim3A_468 : i32 to vector<16xi32>
        %parallel_loop3A_470 = arith.constant 0 : i32
        %parallel_loop3A_471 = arith.constant 1 : i32
        %parallel_loop3A_472:2 = scf.for %parallel_loop3A_491 = %parallel_loop3A_470 to %select_n3A_466 step %parallel_loop3A_471 iter_args(%parallel_loop3A_492 = %broadcast_in_dim3A_469, %parallel_loop3A_493 = %broadcast_in_dim3A_469) -> (vector<16xi32>, vector<16xi32>)  : i32 {
          %parallel_loop3A_494 = arith.constant 64 : i32
          %parallel_loop3A_495 = arith.muli %parallel_loop3A_491, %parallel_loop3A_494 : i32
          %parallel_loop3A_496 = arith.constant 0 : i32
          %parallel_loop3A_497 = arith.addi %parallel_loop3A_495, %parallel_loop3A_496 : i32
          %parallel_loop3A_498 = arith.index_cast %parallel_loop3A_497 : i32 to index
          %parallel_loop3A_499 = tpu.vector_load %arg7[%parallel_loop3A_498] {strides = array<i32>} : memref<32768xf32, #tpu.memory_space<vmem>>, vector<16xf32>,
          %parallel_loop3A_500 = vector.bitcast %parallel_loop3A_499 : vector<16xf32> to vector<16xi32>
          %parallel_loop3A_501 = arith.cmpi uge, %parallel_loop3A_500, %broadcast_in_dim3A_467 : vector<16xi32>
          %parallel_loop3A_502 = tpu.all_reduce %parallel_loop3A_501 {dim = 0 : i64, kind = #tpu.reduction_kind<sum>} : vector<16xi1> -> vector<16xi32>
          %parallel_loop3A_503 = arith.addi %parallel_loop3A_492, %parallel_loop3A_502 : vector<16xi32>
          %parallel_loop3A_504 = arith.constant 16 : i32
          %parallel_loop3A_505 = arith.addi %parallel_loop3A_495, %parallel_loop3A_504 : i32
          %parallel_loop3A_506 = arith.index_cast %parallel_loop3A_505 : i32 to index
          %parallel_loop3A_507 = tpu.vector_load %arg7[%parallel_loop3A_506] {strides = array<i32>} : memref<32768xf32, #tpu.memory_space<vmem>>, vector<16xf32>,
          %parallel_loop3A_508 = vector.bitcast %parallel_loop3A_507 : vector<16xf32> to vector<16xi32>
          %parallel_loop3A_509 = arith.cmpi uge, %parallel_loop3A_508, %broadcast_in_dim3A_467 : vector<16xi32>
          %parallel_loop3A_510 = tpu.all_reduce %parallel_loop3A_509 {dim = 0 : i64, kind = #tpu.reduction_kind<sum>} : vector<16xi1> -> vector<16xi32>
          %parallel_loop3A_511 = arith.addi %parallel_loop3A_493, %parallel_loop3A_510 : vector<16xi32>
          %parallel_loop3A_512 = arith.constant 32 : i32
          %parallel_loop3A_513 = arith.addi %parallel_loop3A_495, %parallel_loop3A_512 : i32
          %parallel_loop3A_514 = arith.index_cast %parallel_loop3A_513 : i32 to index
          %parallel_loop3A_515 = tpu.vector_load %arg7[%parallel_loop3A_514] {strides = array<i32>} : memref<32768xf32, #tpu.memory_space<vmem>>, vector<16xf32>,
          %parallel_loop3A_516 = vector.bitcast %parallel_loop3A_515 : vector<16xf32> to vector<16xi32>
          %parallel_loop3A_517 = arith.cmpi uge, %parallel_loop3A_516, %broadcast_in_dim3A_467 : vector<16xi32>
          %parallel_loop3A_518 = tpu.all_reduce %parallel_loop3A_517 {dim = 0 : i64, kind = #tpu.reduction_kind<sum>} : vector<16xi1> -> vector<16xi32>
          %parallel_loop3A_519 = arith.addi %parallel_loop3A_503, %parallel_loop3A_518 : vector<16xi32>
          %parallel_loop3A_520 = arith.constant 48 : i32
          %parallel_loop3A_521 = arith.addi %parallel_loop3A_495, %parallel_loop3A_520 : i32
          %parallel_loop3A_522 = arith.index_cast %parallel_loop3A_521 : i32 to index
          %parallel_loop3A_523 = tpu.vector_load %arg7[%parallel_loop3A_522] {strides = array<i32>} : memref<32768xf32, #tpu.memory_space<vmem>>, vector<16xf32>,
          %parallel_loop3A_524 = vector.bitcast %parallel_loop3A_523 : vector<16xf32> to vector<16xi32>
          %parallel_loop3A_525 = arith.cmpi uge, %parallel_loop3A_524, %broadcast_in_dim3A_467 : vector<16xi32>
          %parallel_loop3A_526 = tpu.all_reduce %parallel_loop3A_525 {dim = 0 : i64, kind = #tpu.reduction_kind<sum>} : vector<16xi1> -> vector<16xi32>
          %parallel_loop3A_527 = arith.addi %parallel_loop3A_511, %parallel_loop3A_526 : vector<16xi32>
          scf.yield %parallel_loop3A_519, %parallel_loop3A_527 : vector<16xi32>, vector<16xi32>
        } {sc.loop_unroll_factor = 1 : i64, sc.parallel_access}
        %add3A_473 = arith.addi %parallel_loop3A_472#0, %parallel_loop3A_472#1 : vector<16xi32>
        %reduce_max3A_474 = arith.constant true
        %reduce_max3A_475 = vector.broadcast %reduce_max3A_474 : i1 to vector<16xi1>
        %reduce_max3A_476 = arith.constant -2147483648 : i32
        %reduce_max3A_477 = vector.broadcast %reduce_max3A_476 : i32 to vector<16xi32>
        %reduce_max3A_478 = arith.xori %add3A_473, %reduce_max3A_477 : vector<16xi32>
        %reduce_max3A_479 = tpu.scan <max>, %reduce_max3A_478 masked %reduce_max3A_475 : vector<16xi32>, vector<16xi1> -> vector<16xi32>
        %reduce_max3A_480 = arith.xori %reduce_max3A_479, %reduce_max3A_477 : vector<16xi32>
        %reduce_max3A_481 = vector.extract %reduce_max3A_480[15] : i32 from vector<16xi32>
        %eq3A = arith.cmpi eq, %reduce_max3A_481, %scan3A_444 : i32
        %and3A_482 = arith.andi %and3A_459, %eq3A : i1
        %ge3A_483 = arith.cmpi sge, %reduce_max3A_481, %scan3A_444 : i32
        %select_n3A_484 = arith.select %ge3A_483, %add3A_465, %scan3A_454 : i32
        %select_n3A_485 = arith.select %and3A_459, %select_n3A_484, %scan3A_454 : i32
        %sub3A_486 = arith.constant 1 : i32
        %sub3A_487 = arith.subi %add3A_465, %sub3A_486 : i32
        %select_n3A_488 = arith.select %ge3A_483, %scan3A_455, %sub3A_487 : i32
        %select_n3A_489 = arith.select %and3A_459, %select_n3A_488, %scan3A_455 : i32
        %or3A = arith.ori %scan3A_456, %and3A_482 : i1
        %select_n3A_490 = arith.select %and3A_482, %add3A_465, %scan3A_457 : i32
        scf.yield %select_n3A_485, %select_n3A_489, %or3A, %select_n3A_490 : i32, i32, i1, i32
      }
      %scan3A_451 = arith.constant 32 : i32
      %select_n3A_452 = arith.select %scan3A_450#2, %scan3A_450#3, %scan3A_450#0 : i32
      scf.yield %select_n3A_452 : i32
    } else {
      %scan3A_435 = arith.constant 512 : i32
      %scan3A_436 = arith.constant 0 : i32
      %scan3A_437 = arith.constant -1 : i32
      %scan3A_438 = arith.constant false
      %scan3A_439 = arith.constant 0 : i32
      %scan3A_440 = arith.constant 0 : i32
      %scan3A_441 = arith.constant 32 : i32
      %scan3A_442 = arith.addi %scan3A_440, %scan3A_441 : i32
      %scan3A_443 = arith.constant 1 : i32
      %scan3A_444:4 = scf.for %scan3A_447 = %scan3A_440 to %scan3A_442 step %scan3A_443 iter_args(%scan3A_448 = %scan3A_436, %scan3A_449 = %scan3A_437, %scan3A_450 = %scan3A_438, %scan3A_451 = %scan3A_439) -> (i32, i32, i1, i32)  : i32 {
        %lt3A = arith.cmpi ult, %scan3A_448, %scan3A_449 : i32
        %not3A = arith.constant true
        %not3A_452 = arith.xori %scan3A_450, %not3A : i1
        %and3A_453 = arith.andi %lt3A, %not3A_452 : i1
        %sub3A = arith.subi %scan3A_449, %scan3A_448 : i32
        %shift_right_logical3A_454 = arith.constant 1 : i32
        %shift_right_logical3A_455 = arith.shrui %sub3A, %shift_right_logical3A_454 : i32
        %add3A_456 = arith.addi %scan3A_448, %shift_right_logical3A_455 : i32
        %and3A_457 = arith.constant 1 : i32
        %and3A_458 = arith.andi %sub3A, %and3A_457 : i32
        %add3A_459 = arith.addi %add3A_456, %and3A_458 : i32
        %jit3A = arith.constant 512 : i32
        %jit3A_460 = arith.constant 0 : i32
        %select_n3A_461 = arith.select %and3A_453, %jit3A, %jit3A_460 : i32
        %broadcast_in_dim3A_462 = vector.broadcast %add3A_459 : i32 to vector<16xi32>
        %broadcast_in_dim3A_463 = arith.constant 0 : i32
        %broadcast_in_dim3A_464 = vector.broadcast %broadcast_in_dim3A_463 : i32 to vector<16xi32>
        %parallel_loop3A_465 = arith.constant 0 : i32
        %parallel_loop3A_466 = arith.constant 1 : i32
        %parallel_loop3A_467:2 = scf.for %parallel_loop3A_486 = %parallel_loop3A_465 to %select_n3A_461 step %parallel_loop3A_466 iter_args(%parallel_loop3A_487 = %broadcast_in_dim3A_464, %parallel_loop3A_488 = %broadcast_in_dim3A_464) -> (vector<16xi32>, vector<16xi32>)  : i32 {
          %parallel_loop3A_489 = arith.constant 64 : i32
          %parallel_loop3A_490 = arith.muli %parallel_loop3A_486, %parallel_loop3A_489 : i32
          %parallel_loop3A_491 = arith.constant 0 : i32
          %parallel_loop3A_492 = arith.addi %parallel_loop3A_490, %parallel_loop3A_491 : i32
          %parallel_loop3A_493 = arith.index_cast %parallel_loop3A_492 : i32 to index
          %parallel_loop3A_494 = tpu.vector_load %arg6[%parallel_loop3A_493] {strides = array<i32>} : memref<32768xf32, #tpu.memory_space<vmem>>, vector<16xf32>,
          %parallel_loop3A_495 = vector.bitcast %parallel_loop3A_494 : vector<16xf32> to vector<16xi32>
          %parallel_loop3A_496 = arith.constant 31 : i32
          %parallel_loop3A_497 = vector.broadcast %parallel_loop3A_496 : i32 to vector<16xi32>
          %parallel_loop3A_498 = arith.shrsi %parallel_loop3A_495, %parallel_loop3A_497 : vector<16xi32>
          %parallel_loop3A_499 = arith.constant 2147483647 : i32
          %parallel_loop3A_500 = vector.broadcast %parallel_loop3A_499 : i32 to vector<16xi32>
          %parallel_loop3A_501 = arith.andi %parallel_loop3A_498, %parallel_loop3A_500 : vector<16xi32>
          %parallel_loop3A_502 = arith.xori %parallel_loop3A_495, %parallel_loop3A_501 : vector<16xi32>
          %parallel_loop3A_503 = vector.bitcast %parallel_loop3A_502 : vector<16xi32> to vector<16xi32>
          %parallel_loop3A_504 = arith.constant -2147483648 : i32
          %parallel_loop3A_505 = vector.broadcast %parallel_loop3A_504 : i32 to vector<16xi32>
          %parallel_loop3A_506 = arith.xori %parallel_loop3A_503, %parallel_loop3A_505 : vector<16xi32>
          %parallel_loop3A_507 = arith.cmpi uge, %parallel_loop3A_506, %broadcast_in_dim3A_462 : vector<16xi32>
          %parallel_loop3A_508 = tpu.all_reduce %parallel_loop3A_507 {dim = 0 : i64, kind = #tpu.reduction_kind<sum>} : vector<16xi1> -> vector<16xi32>
          %parallel_loop3A_509 = arith.addi %parallel_loop3A_487, %parallel_loop3A_508 : vector<16xi32>
          %parallel_loop3A_510 = arith.constant 16 : i32
          %parallel_loop3A_511 = arith.addi %parallel_loop3A_490, %parallel_loop3A_510 : i32
          %parallel_loop3A_512 = arith.index_cast %parallel_loop3A_511 : i32 to index
          %parallel_loop3A_513 = tpu.vector_load %arg6[%parallel_loop3A_512] {strides = array<i32>} : memref<32768xf32, #tpu.memory_space<vmem>>, vector<16xf32>,
          %parallel_loop3A_514 = vector.bitcast %parallel_loop3A_513 : vector<16xf32> to vector<16xi32>
          %parallel_loop3A_515 = arith.constant 31 : i32
          %parallel_loop3A_516 = vector.broadcast %parallel_loop3A_515 : i32 to vector<16xi32>
          %parallel_loop3A_517 = arith.shrsi %parallel_loop3A_514, %parallel_loop3A_516 : vector<16xi32>
          %parallel_loop3A_518 = arith.constant 2147483647 : i32
          %parallel_loop3A_519 = vector.broadcast %parallel_loop3A_518 : i32 to vector<16xi32>
          %parallel_loop3A_520 = arith.andi %parallel_loop3A_517, %parallel_loop3A_519 : vector<16xi32>
          %parallel_loop3A_521 = arith.xori %parallel_loop3A_514, %parallel_loop3A_520 : vector<16xi32>
          %parallel_loop3A_522 = vector.bitcast %parallel_loop3A_521 : vector<16xi32> to vector<16xi32>
          %parallel_loop3A_523 = arith.constant -2147483648 : i32
          %parallel_loop3A_524 = vector.broadcast %parallel_loop3A_523 : i32 to vector<16xi32>
          %parallel_loop3A_525 = arith.xori %parallel_loop3A_522, %parallel_loop3A_524 : vector<16xi32>
          %parallel_loop3A_526 = arith.cmpi uge, %parallel_loop3A_525, %broadcast_in_dim3A_462 : vector<16xi32>
          %parallel_loop3A_527 = tpu.all_reduce %parallel_loop3A_526 {dim = 0 : i64, kind = #tpu.reduction_kind<sum>} : vector<16xi1> -> vector<16xi32>
          %parallel_loop3A_528 = arith.addi %parallel_loop3A_488, %parallel_loop3A_527 : vector<16xi32>
          %parallel_loop3A_529 = arith.constant 32 : i32
          %parallel_loop3A_530 = arith.addi %parallel_loop3A_490, %parallel_loop3A_529 : i32
          %parallel_loop3A_531 = arith.index_cast %parallel_loop3A_530 : i32 to index
          %parallel_loop3A_532 = tpu.vector_load %arg6[%parallel_loop3A_531] {strides = array<i32>} : memref<32768xf32, #tpu.memory_space<vmem>>, vector<16xf32>,
          %parallel_loop3A_533 = vector.bitcast %parallel_loop3A_532 : vector<16xf32> to vector<16xi32>
          %parallel_loop3A_534 = arith.constant 31 : i32
          %parallel_loop3A_535 = vector.broadcast %parallel_loop3A_534 : i32 to vector<16xi32>
          %parallel_loop3A_536 = arith.shrsi %parallel_loop3A_533, %parallel_loop3A_535 : vector<16xi32>
          %parallel_loop3A_537 = arith.constant 2147483647 : i32
          %parallel_loop3A_538 = vector.broadcast %parallel_loop3A_537 : i32 to vector<16xi32>
          %parallel_loop3A_539 = arith.andi %parallel_loop3A_536, %parallel_loop3A_538 : vector<16xi32>
          %parallel_loop3A_540 = arith.xori %parallel_loop3A_533, %parallel_loop3A_539 : vector<16xi32>
          %parallel_loop3A_541 = vector.bitcast %parallel_loop3A_540 : vector<16xi32> to vector<16xi32>
          %parallel_loop3A_542 = arith.constant -2147483648 : i32
          %parallel_loop3A_543 = vector.broadcast %parallel_loop3A_542 : i32 to vector<16xi32>
          %parallel_loop3A_544 = arith.xori %parallel_loop3A_541, %parallel_loop3A_543 : vector<16xi32>
          %parallel_loop3A_545 = arith.cmpi uge, %parallel_loop3A_544, %broadcast_in_dim3A_462 : vector<16xi32>
          %parallel_loop3A_546 = tpu.all_reduce %parallel_loop3A_545 {dim = 0 : i64, kind = #tpu.reduction_kind<sum>} : vector<16xi1> -> vector<16xi32>
          %parallel_loop3A_547 = arith.addi %parallel_loop3A_509, %parallel_loop3A_546 : vector<16xi32>
          %parallel_loop3A_548 = arith.constant 48 : i32
          %parallel_loop3A_549 = arith.addi %parallel_loop3A_490, %parallel_loop3A_548 : i32
          %parallel_loop3A_550 = arith.index_cast %parallel_loop3A_549 : i32 to index
          %parallel_loop3A_551 = tpu.vector_load %arg6[%parallel_loop3A_550] {strides = array<i32>} : memref<32768xf32, #tpu.memory_space<vmem>>, vector<16xf32>,
          %parallel_loop3A_552 = vector.bitcast %parallel_loop3A_551 : vector<16xf32> to vector<16xi32>
          %parallel_loop3A_553 = arith.constant 31 : i32
          %parallel_loop3A_554 = vector.broadcast %parallel_loop3A_553 : i32 to vector<16xi32>
          %parallel_loop3A_555 = arith.shrsi %parallel_loop3A_552, %parallel_loop3A_554 : vector<16xi32>
          %parallel_loop3A_556 = arith.constant 2147483647 : i32
          %parallel_loop3A_557 = vector.broadcast %parallel_loop3A_556 : i32 to vector<16xi32>
          %parallel_loop3A_558 = arith.andi %parallel_loop3A_555, %parallel_loop3A_557 : vector<16xi32>
          %parallel_loop3A_559 = arith.xori %parallel_loop3A_552, %parallel_loop3A_558 : vector<16xi32>
          %parallel_loop3A_560 = vector.bitcast %parallel_loop3A_559 : vector<16xi32> to vector<16xi32>
          %parallel_loop3A_561 = arith.constant -2147483648 : i32
          %parallel_loop3A_562 = vector.broadcast %parallel_loop3A_561 : i32 to vector<16xi32>
          %parallel_loop3A_563 = arith.xori %parallel_loop3A_560, %parallel_loop3A_562 : vector<16xi32>
          %parallel_loop3A_564 = arith.cmpi uge, %parallel_loop3A_563, %broadcast_in_dim3A_462 : vector<16xi32>
          %parallel_loop3A_565 = tpu.all_reduce %parallel_loop3A_564 {dim = 0 : i64, kind = #tpu.reduction_kind<sum>} : vector<16xi1> -> vector<16xi32>
          %parallel_loop3A_566 = arith.addi %parallel_loop3A_528, %parallel_loop3A_565 : vector<16xi32>
          scf.yield %parallel_loop3A_547, %parallel_loop3A_566 : vector<16xi32>, vector<16xi32>
        } {sc.loop_unroll_factor = 1 : i64, sc.parallel_access}
        %add3A_468 = arith.addi %parallel_loop3A_467#0, %parallel_loop3A_467#1 : vector<16xi32>
        %reduce_max3A_469 = arith.constant true
        %reduce_max3A_470 = vector.broadcast %reduce_max3A_469 : i1 to vector<16xi1>
        %reduce_max3A_471 = arith.constant -2147483648 : i32
        %reduce_max3A_472 = vector.broadcast %reduce_max3A_471 : i32 to vector<16xi32>
        %reduce_max3A_473 = arith.xori %add3A_468, %reduce_max3A_472 : vector<16xi32>
        %reduce_max3A_474 = tpu.scan <max>, %reduce_max3A_473 masked %reduce_max3A_470 : vector<16xi32>, vector<16xi1> -> vector<16xi32>
        %reduce_max3A_475 = arith.xori %reduce_max3A_474, %reduce_max3A_472 : vector<16xi32>
        %reduce_max3A_476 = vector.extract %reduce_max3A_475[15] : i32 from vector<16xi32>
        %eq3A = arith.cmpi eq, %reduce_max3A_476, %scan3A_435 : i32
        %and3A_477 = arith.andi %and3A_453, %eq3A : i1
        %ge3A_478 = arith.cmpi sge, %reduce_max3A_476, %scan3A_435 : i32
        %select_n3A_479 = arith.select %ge3A_478, %add3A_459, %scan3A_448 : i32
        %select_n3A_480 = arith.select %and3A_453, %select_n3A_479, %scan3A_448 : i32
        %sub3A_481 = arith.constant 1 : i32
        %sub3A_482 = arith.subi %add3A_459, %sub3A_481 : i32
        %select_n3A_483 = arith.select %ge3A_478, %scan3A_449, %sub3A_482 : i32
        %select_n3A_484 = arith.select %and3A_453, %select_n3A_483, %scan3A_449 : i32
        %or3A = arith.ori %scan3A_450, %and3A_477 : i1
        %select_n3A_485 = arith.select %and3A_477, %add3A_459, %scan3A_451 : i32
        scf.yield %select_n3A_480, %select_n3A_484, %or3A, %select_n3A_485 : i32, i32, i1, i32
      }
      %scan3A_445 = arith.constant 32 : i32
      %select_n3A_446 = arith.select %scan3A_444#2, %scan3A_444#3, %scan3A_444#0 : i32
      scf.yield %select_n3A_446 : i32
    }
    %broadcast_in_dim3A_399 = vector.broadcast %cond3A_398 : i32 to vector<16xi32>
    %xor3A_400 = arith.constant -2147483648 : i32
    %xor3A_401 = vector.broadcast %xor3A_400 : i32 to vector<16xi32>
    %xor3A_402 = arith.xori %broadcast_in_dim3A_399, %xor3A_401 : vector<16xi32>
    %bitcast3A_403 = vector.bitcast %xor3A_402 : vector<16xi32> to vector<16xi32>
    %shift_right_arithmetic3A_404 = arith.constant 31 : i32
    %shift_right_arithmetic3A_405 = vector.broadcast %shift_right_arithmetic3A_404 : i32 to vector<16xi32>
    %shift_right_arithmetic3A_406 = arith.shrsi %bitcast3A_403, %shift_right_arithmetic3A_405 : vector<16xi32>
    %and3A_407 = arith.constant 2147483647 : i32
    %and3A_408 = vector.broadcast %and3A_407 : i32 to vector<16xi32>
    %and3A_409 = arith.andi %shift_right_arithmetic3A_406, %and3A_408 : vector<16xi32>
    %xor3A_410 = arith.xori %bitcast3A_403, %and3A_409 : vector<16xi32>
    %bitcast3A_411 = vector.bitcast %xor3A_410 : vector<16xi32> to vector<16xf32>
    %parallel_loop3A_412 = arith.constant 0 : i32
    %parallel_loop3A_413 = arith.constant 2048 : i32
    %parallel_loop3A_414 = arith.constant 1 : i32
    scf.for %parallel_loop3A_435 = %parallel_loop3A_412 to %parallel_loop3A_413 step %parallel_loop3A_414  : i32 {
      %parallel_loop3A_436 = arith.constant 16 : i32
      %parallel_loop3A_437 = arith.muli %parallel_loop3A_435, %parallel_loop3A_436 : i32
      %parallel_loop3A_438 = arith.index_cast %parallel_loop3A_437 : i32 to index
      %parallel_loop3A_439 = tpu.vector_load %arg6[%parallel_loop3A_438] {strides = array<i32>} : memref<32768xf32, #tpu.memory_space<vmem>>, vector<16xf32>,
      %parallel_loop3A_440 = arith.cmpf oge, %parallel_loop3A_439, %bitcast3A_411 : vector<16xf32>
      %parallel_loop3A_441 = arith.addf %parallel_loop3A_439, %get3A_3 : vector<16xf32>
      %parallel_loop3A_442 = arith.select %parallel_loop3A_440, %parallel_loop3A_441, %get3A_3 : vector<16xi1>, vector<16xf32>
      %parallel_loop3A_443 = arith.index_cast %parallel_loop3A_437 : i32 to index
      %parallel_loop3A_444 = tpu.vector_load %arg6[%parallel_loop3A_443] {strides = array<i32>} : memref<32768xf32, #tpu.memory_space<vmem>>, vector<16xf32>,
      tpu.vector_store %arg6[%parallel_loop3A_443], %parallel_loop3A_442 {strides = array<i32>} : memref<32768xf32, #tpu.memory_space<vmem>>, vector<16xf32>,
    } {sc.loop_unroll_factor = 4 : i64, sc.parallel_access}
    %add3A_415 = arith.constant 3 : i32
    %add3A_416 = arith.addi %mul3A_2, %add3A_415 : i32
    %dma_start3A_417 = arith.constant 0 : i32
    %dma_start3A_418 = tpu.memref_slice %arg4[%add3A_416, %dma_start3A_417] : memref<128x32768xf32, #tpu.memory_space<hbm>> -> memref<1x32768xf32, #tpu.memory_space<hbm>>
    %dma_start3A_419 = tpu.memref_squeeze %dma_start3A_418 : memref<1x32768xf32, #tpu.memory_space<hbm>> -> memref<32768xf32, #tpu.memory_space<hbm>>
    %dma_start3A_420 = arith.constant 0 : i32
    %dma_start3A_421 = tpu.memref_slice %arg4[%add3A_416, %dma_start3A_420] : memref<128x32768xf32, #tpu.memory_space<hbm>> -> memref<1x32768xf32, #tpu.memory_space<hbm>>
    %dma_start3A_422 = tpu.memref_squeeze %dma_start3A_421 : memref<1x32768xf32, #tpu.memory_space<hbm>> -> memref<32768xf32, #tpu.memory_space<hbm>>
    tpu.enqueue_dma source(%arg6 : memref<32768xf32, #tpu.memory_space<vmem>>) target(%dma_start3A_422 : memref<32768xf32, #tpu.memory_space<hbm>>) target_semaphore(%arg12 : memref<!tpu.dma_semaphore, #tpu.memory_space<semaphore_mem>>)
    %dma_wait3A_423 = arith.constant 0 : i32
    %dma_wait3A_424 = tpu.memref_slice %arg4[%add3A_319, %dma_wait3A_423] : memref<128x32768xf32, #tpu.memory_space<hbm>> -> memref<1x32768xf32, #tpu.memory_space<hbm>>
    %dma_wait3A_425 = tpu.memref_squeeze %dma_wait3A_424 : memref<1x32768xf32, #tpu.memory_space<hbm>> -> memref<32768xf32, #tpu.memory_space<hbm>>
    %dma_wait3A_426 = arith.constant 0 : i32
    %dma_wait3A_427 = tpu.memref_slice %arg4[%add3A_319, %dma_wait3A_426] : memref<128x32768xf32, #tpu.memory_space<hbm>> -> memref<1x32768xf32, #tpu.memory_space<hbm>>
    %dma_wait3A_428 = tpu.memref_squeeze %dma_wait3A_427 : memref<1x32768xf32, #tpu.memory_space<hbm>> -> memref<32768xf32, #tpu.memory_space<hbm>>
    tpu.wait_dma2 semaphore(%arg11 : memref<!tpu.dma_semaphore, #tpu.memory_space<semaphore_mem>>) src(%arg5 : memref<32768xf32, #tpu.memory_space<vmem>>) dst(%dma_wait3A_428 : memref<32768xf32, #tpu.memory_space<hbm>>)
    %dma_wait3A_429 = arith.constant 0 : i32
    %dma_wait3A_430 = tpu.memref_slice %arg4[%add3A_416, %dma_wait3A_429] : memref<128x32768xf32, #tpu.memory_space<hbm>> -> memref<1x32768xf32, #tpu.memory_space<hbm>>
    %dma_wait3A_431 = tpu.memref_squeeze %dma_wait3A_430 : memref<1x32768xf32, #tpu.memory_space<hbm>> -> memref<32768xf32, #tpu.memory_space<hbm>>
    %dma_wait3A_432 = arith.constant 0 : i32
    %dma_wait3A_433 = tpu.memref_slice %arg4[%add3A_416, %dma_wait3A_432] : memref<128x32768xf32, #tpu.memory_space<hbm>> -> memref<1x32768xf32, #tpu.memory_space<hbm>>
    %dma_wait3A_434 = tpu.memref_squeeze %dma_wait3A_433 : memref<1x32768xf32, #tpu.memory_space<hbm>> -> memref<32768xf32, #tpu.memory_space<hbm>>
    tpu.wait_dma2 semaphore(%arg12 : memref<!tpu.dma_semaphore, #tpu.memory_space<semaphore_mem>>) src(%arg6 : memref<32768xf32, #tpu.memory_space<vmem>>) dst(%dma_wait3A_434 : memref<32768xf32, #tpu.memory_space<hbm>>)
    return
  }
}

</mosaic_0001>

<sc_bundles>
// kernel: kernel.3.cloned.1.call-start
scs
__scs_entry_jumppad:
0x0: {  	(pc) =	sbr.rel $0x88, $3  }
0x1: {  	(tag) =	ssettag $0x0;
	lr =	simm.s32 $0x1  }
0x2: {  	[smem:$0x3F9F] =	sst lr;
	_ =	strace $0xD0000000  }
0x3: {  	_ = 	snop  }
0x4: {  	_ = 	snop  }
0x5: {  	_ = 	snop  }
0x6: {  	_ = 	snop  }
0x7: {  	_ = 	snop  }
__scs_overlays_trampoline_lowered:
0x8: {  	[smem:$0x3FAE] =	sst s0  }
0x9: {  	[smem:$0x3FAF] =	sst s1  }
0xa: {  	[smem:$0x3FB0] =	sst s2  }
0xb: {  	[smem:$0x3FB1] =	sst s3  }
0xc: {  	[smem:$0x3FB2] =	sst s4  }
0xd: {  	[smem:$0x3FB3] =	sst s5  }
0xe: {  	[smem:$0x3FB4] =	sst s6  }
0xf: {  	[smem:$0x3FB5] =	sst s7  }
0x10: {  	[smem:$0x3FB6] =	sst s8  }
0x11: {  	[smem:$0x3FB7] =	sst s9;
	s0 =	simm.s32 @!p0 $0x0  }
0x12: {  	s1 =	sld [smem:$0x3F9D];
	s0 =	simm.s32 @p0 $0x1  }
0x13: {  	[smem:$0x3FB8] =	sst s0;
	s0 =	simm.s32 @!p1 $0x0  }
0x14: {  	s2 =	sld [smem:$0x3F9C];
	s0 =	simm.s32 @p1 $0x1  }
0x15: {  	[smem:$0x3FB9] =	sst s0;
	s0 =	simm.s32 @!p2 $0x0  }
0x16: {  	s3 =	sld [smem:$0x3FDB];
	s0 =	simm.s32 @p2 $0x1  }
0x17: {  	s4 =	simm.s32 $0x1BF5;
	[smem:$0x3FBB] =	sst s0  }
0x18: {  	s0 =	sld [smem:$0x3F9E];
	_ =	swait.ge [sflag:s4], $0x0  }
0x19: {  	s7 =	sld [smem:$0x3F9F]  }
0x1a: {  	s8 =	sadd.s32 $0xFFFFE003, lr  }
0x1b: {  	s9 =	sadd.s32 $0xFFFFFEF7, lr;
	s5 =	simm.s32 $0xFFFFFFFF;
	p2 =	slt.u32 s8, $0xFFFFF086  }
0x1c: {  	p1 =	slt.u32 s9, $0xF7A;
	s5 =	simm.s32 @!p2 $0x0  }
0x1d: {  	s5 =	simm.s32 @p1 $0x1;
	p0 =	seq.s32 s7, s2  }
0x1e: {  	s7 =	smul.u32 @!p0 $0xF7A, s2;
	p2 =	seq.s32 @!p0 s5, $0x0  }
0x1f: {  	s9 =	smul.u32 $0xF7A, s1;
	s8 =	simm.s32 @!p0 $0x1BF5;
	p2 =	por !p2, p0  }
0x20: {  	[sflag:s8] =	ssyncset.s32 @!p0 $0xFFFFF086;
	s6 =	sadd.s32 @!p0 s3, s7;
	s7 =	simm.s32 @!p0 $0x108  }
0x21: {  	s3 =	sadd.s32 s3, s9;
	s6 =	sadd.s32 @!p0 $0x88, s6;
	s7 =	simm.s32 @p2 $0x1082  }
0x22: {  	[simem:s7], [sflag:s8] =	dma.local @!p0 [hbm:s6], $0xF7A  }
0x23: {  	s9 =	sor.u32 $0xD0000000, s2;
	s6 =	simm.s32 $0x108;
	_ =	swait.ge @!p0 [sflag:s8], $0x0  }
0x24: {  	s3 =	sadd.s32 $0x88, s3;
	s6 =	simm.s32 @!p1 $0x1082;
	[sflag:s4] =	ssyncset.s32 $0xFFFFF086  }
0x25: {  	[simem:s6], [sflag:s4] =	dma.local [hbm:s3], $0xF7A  }
0x26: {  	[smem:$0x3F9F] =	sst s1;
	(tag) =	ssettag s2;
	_ =	strace s9  }
0x27: {  	s1 =	sld [smem:$0x3FAF]  }
0x28: {  	s2 =	sld [smem:$0x3FB0]  }
0x29: {  	s4 =	sld [smem:$0x3FB2]  }
0x2a: {  	p0 =	seq.s32 s5, $0x0;
	s5 =	sld [smem:$0x3FB3]  }
0x2b: {  	s6 =	sld [smem:$0x3FB4]  }
0x2c: {  	s7 =	sld [smem:$0x3FB5]  }
0x2d: {  	s3 =	simm.s32 $0x108;
	s8 =	sld [smem:$0x3FB6]  }
0x2e: {  	s3 =	simm.s32 @!p0 $0x1082;
	s9 =	sld [smem:$0x3FB7]  }
0x2f: {  	lr =	sadd.s32 s0, s3;
	s0 =	sld [smem:$0x3FAE]  }
0x30: {  	s3 =	sld [smem:$0x3FB1]  }
0x31: {  	[smem:$0x3FBA] =	sst s10  }
0x32: {  	s10 =	sld [smem:$0x3FB8];
	_ =	sdelay $0x3  }
0x33: {  	p0 =	seq.s32 s10, $0x1;
	s10 =	sld [smem:$0x3FBA];
	_ =	sdelay $0x3  }
0x34: {  	[smem:$0x3FBA] =	sst s10  }
0x35: {  	s10 =	sld [smem:$0x3FB9];
	_ =	sdelay $0x3  }
0x36: {  	p1 =	seq.s32 s10, $0x1;
	s10 =	sld [smem:$0x3FBA];
	_ =	sdelay $0x3  }
0x37: {  	[smem:$0x3FBA] =	sst s10  }
0x38: {  	s10 =	sld [smem:$0x3FBB]  }
0x39: {  	_ = 	snop;
	(pc) =	sbr.ind lr, $3  }
0x3a: {  	_ = 	snop  }
0x3b: {  	_ = 	snop  }
0x3c: {  	p2 =	seq.s32 s10, $0x1;
	s10 =	sld [smem:$0x3FBA]  }
0x3d: {  	_ =	shalt  }
0x3e: {  	_ =	shalt  }
0x3f: {  	_ =	shalt  }
0x40: {  	_ =	shalt  }
0x41: {  	_ =	shalt  }
0x42: {  	_ =	shalt  }
0x43: {  	_ =	shalt  }
0x44: {  	_ =	shalt  }
0x45: {  	_ =	shalt  }
0x46: {  	_ =	shalt  }
0x47: {  	_ =	shalt  }
0x48: {  	_ =	shalt  }
0x49: {  	_ =	shalt  }
0x4a: {  	_ =	shalt  }
0x4b: {  	_ =	shalt  }
0x4c: {  	_ =	shalt  }
0x4d: {  	_ =	shalt  }
0x4e: {  	_ =	shalt  }
0x4f: {  	_ =	shalt  }
0x50: {  	_ =	shalt  }
0x51: {  	_ =	shalt  }
0x52: {  	_ =	shalt  }
0x53: {  	_ =	shalt  }
0x54: {  	_ =	shalt  }
0x55: {  	_ =	shalt  }
0x56: {  	_ =	shalt  }
0x57: {  	_ =	shalt  }
0x58: {  	_ =	shalt  }
0x59: {  	_ =	shalt  }
0x5a: {  	_ =	shalt  }
0x5b: {  	_ =	shalt  }
0x5c: {  	_ =	shalt  }
0x5d: {  	_ =	shalt  }
0x5e: {  	_ =	shalt  }
0x5f: {  	_ =	shalt  }
0x60: {  	_ =	shalt  }
0x61: {  	_ =	shalt  }
0x62: {  	_ =	shalt  }
0x63: {  	_ =	shalt  }
0x64: {  	_ =	shalt  }
0x65: {  	_ =	shalt  }
0x66: {  	_ =	shalt  }
0x67: {  	_ =	shalt  }
0x68: {  	_ =	shalt  }
0x69: {  	_ =	shalt  }
0x6a: {  	_ =	shalt  }
0x6b: {  	_ =	shalt  }
0x6c: {  	_ =	shalt  }
0x6d: {  	_ =	shalt  }
0x6e: {  	_ =	shalt  }
0x6f: {  	_ =	shalt  }
0x70: {  	_ =	shalt  }
0x71: {  	_ =	shalt  }
0x72: {  	_ =	shalt  }
0x73: {  	_ =	shalt  }
0x74: {  	_ =	shalt  }
0x75: {  	_ =	shalt  }
0x76: {  	_ =	shalt  }
0x77: {  	_ =	shalt  }
0x78: {  	_ =	shalt  }
0x79: {  	_ =	shalt  }
0x7a: {  	_ =	shalt  }
0x7b: {  	_ =	shalt  }
0x7c: {  	_ =	shalt  }
0x7d: {  	_ =	shalt  }
0x7e: {  	_ =	shalt  }
0x7f: {  	_ =	shalt  }
0x80: {  	_ =	shalt  }
0x81: {  	_ =	shalt  }
0x82: {  	_ =	shalt  }
0x83: {  	_ =	shalt  }
0x84: {  	_ =	shalt  }
0x85: {  	_ =	shalt  }
0x86: {  	_ =	shalt  }
0x87: {  	_ =	shalt  }
.Lfunc_end0:
.L_simem_size_0:
called_computation_lowered:
.L_overlay_start_0:
0x88: {  	s2 =	sld [smem:$0x3FD9]  }
0x89: {  	s3 =	sld [smem:$0x3FFE];
	_ =	sdelay $0x1  }
0x8a: {  	s1 =	srdreg.scid  }
0x8b: {  	s0 =	sand.u32 $0x1, s1  }
0x8c: {  	s17 =	sshll.u32 s0, $0xA;
	s2 =	sadd.s32 s3, s2  }
0x8d: {  	s2 =	sadd.s32 s2, s17  }
0x8e: {  	[smem:$0x3FC6] =	sst s2  }
0x8f: {  	_ = 	snop  }
0x90: {  	s2 =	sld [smem:$0x3FC9]  }
0x91: {  	s18 =	sld [smem:$0x3FD0];
	(tm) =	ssettm $0x1  }
0x92: {  	s4 =	sld [smem:$0x3FFB];
	_ =	sdelay $0x3  }
0x93: {  	_ =	strace s4  }
0x94: {  	s4 =	sld [smem:$0x3FFC];
	_ =	sdelay $0x3  }
0x95: {  	_ =	strace s4  }
0x96: {  	s4 =	sld [smem:$0x3FFD];
	_ =	sdelay $0x3  }
0x97: {  	_ =	strace s4  }
0x98: {  	_ =	strace $0x8FFFFFFF  }
0x99: {  	s19 =	sld [smem:$0x3FDB];
	_ =	sdelay $0x1  }
0x9a: {  	s5 =	simm.s32 $_scs_section_size  }
0x9b: {  	s6 =	simm.s32 $_size__tile_overlayer_lowered;
	s7 =	simm.s32 $_tile_overlayer_lowered  }
0x9c: {  	s22 =	simm.s32 $0x1BFF;
	s21 =	sshll.u32 s7, $0x1;
	s4 =	sadd.s32 s5, s19  }
0x9d: {  	s8 =	simm.s32 $0x0;
	s20 =	sshll.u32 s6, $0x1;
	s6 =	sadd.s32 s21, s4  }
0x9e: {  	[timem:s8], [sflag:s22] =	dma.local [hbm:s6], s20  }
0x9f: {  	_ =	swait.ge [sflag:s22], s20  }
0xa0: {  	s5 =	ssub.s32 $0x0, s20;
	[sflag:s22] =	ssyncset.done $0x0  }
0xa1: {  	[sflag:s22] =	ssyncadd.s32 s5;
	_ =	sdelay $0x1  }
0xa2: {  	s23 =	simm.s32 $0x1B8B  }
0xa3: {  	_ =	swait.ge [sflag:s23], $0x1  }
0xa4: {  	[sflag:s23] =	ssyncset.done $0x0  }
0xa5: {  	s25 =	simm.s32 $0x1B8E;
	s24 =	sld [smem:$0x3FFE];
	[sflag:s23] =	ssyncadd.s32 $0xFFFFFFFF  }
0xa6: {  	s26 =	simm.s32 $execute0_lowered;
	[smem:$0x3FD2] =	sst s25  }
0xa7: {  	s6 =	sshll.u32 s26, $0x1;
	_ =	strace $0x80000046;
	[dreg:$0x1] =	wrdreg $0xFFFFFFFF  }
0xa8: {  	s28 =	simm.s32 $_size_execute0_lowered;
	s4 =	sadd.s32 s4, s6;
	[dreg:$0x0] =	wrdreg $0x0  }
0xa9: {  	s6 =	sshll.u32 s28, $0x1;
	[dreg:$0x2] =	wrdreg s4  }
0xaa: {  	[dreg:$0x3] =	wrdreg s6  }
0xab: {  	[dreg:$0x4] =	wrdreg $0xC0  }
0xac: {  	_ =	task [dreg:s8], $0x5FFFF  }
0xad: {  	[dreg:$0x1] =	wrdreg $0xFFFFFFFF  }
0xae: {  	[dreg:$0x0] =	wrdreg $0x60  }
0xaf: {  	[dreg:$0x2] =	wrdreg s2  }
0xb0: {  	[dreg:$0x3] =	wrdreg s24  }
0xb1: {  	[dreg:$0x4] =	wrdreg s18  }
0xb2: {  	[dreg:$0x5] =	wrdreg $0x9  }
0xb3: {  	_ =	task.clear_ibuf [dreg:s8], $0x6FFFF;
	_ =	strace $0x90000046  }
0xb4: {  	s29 =	simm.s32 $0x9;
	_ =	strace $0x80000048  }
0xb5: {  	_ =	swait.ge [sflag:s29], $0x1  }
0xb6: {  	[sflag:s29] =	ssyncadd.s32 $0xFFFFFFFF  }
0xb7: {  	_ =	strace $0x90000048  }
0xb8: {  	_ =	sfence  }
0xb9: {  	s30 =	sld [smem:$0x0];
	_ =	sdelay $0x2  }
0xba: {  	s31 =	sshll.u32 s1, $0xD;
	s1 =	sshrl.u32 s1, $0x2  }
0xbb: {  	s3 =	sand.u32 $0x4000, s31;
	s1 =	sadd.s32 s1, s30  }
0xbc: {  	s0 =	sor.u32 s3, s0;
	s1 =	sshll.u32 s1, $0x11  }
0xbd: {  	s0 =	sor.u32 s1, s0  }
0xbe: {  	s0 =	sadd.s32 $0x8F2B, s0  }
0xbf: {  	[sflag:s0] =	ssyncadd.remote.s32 $0x1  }
0xc0: {  	_ =	sfence.sel $0xFFFF  }
0xc1: {  	[dreg:$0x0] =	wrdreg $0xFFFFFFFF;
	(pc) =	sbr.abs _section_cstart, $3  }
0xc2: {  	[dreg:$0x1] =	wrdreg $0xFFFFFFFF  }
0xc3: {  	_ =	task.clear_ibuf [dreg:s8], $0x2FFFF;
	_ =	strace $0x9FFFFFFF  }
0xc4: {  	(tm) =	ssettm $0x7FFFFFFF  }
0xc5: {  	_ =	shalt  }
tec
execute0_lowered:
.L_overlay_start_1:
0x0: {  	(tag) =	ssettag $0x1  }
0x1: {  	s0 =	rddreg [dreg:$0x0]  }
0x2: {  	s3 =	rddreg [dreg:$0x1]  }
0x3: {  	s11 =	rddreg [dreg:$0x2];
	s2 =	simm.s32 $0x0  }
0x4: {  	s4 =	srdreg.scid;
	s1 =	stileid.u32;
	s14 =	simm.s32 $0x5  }
0x5: {  	s15 =	simm.s32 $0x80;
	s16 =	simm.s32 $0x400;
	s17 =	simm.s32 $0x1  }
0x6: {  	s18 =	simm.s32 $0x10000;
	s19 =	simm.s32 $0x8000;
	s20 =	simm.s32 $0x2  }
0x7: {  	s21 =	simm.s32 $0x3;
	s22 =	simm.s32 $0x4;
	s23 =	simm.s32 $0x0  }
0x8: {  	[smem:$0x7FF] =	sst s2;
	s4 =	sand.u32 $0x1, s4;
	s5 =	sshll.u32 s1, $0xE  }
0x9: {  	s7 =	sshll.u32 s1, $0x6;
	s6 =	sshll.u32 s4, $0x12;
	s5 =	sand.u32 $0x38000, s5  }
0xa: {  	s4 =	ssub.s32 $0x2, s4;
	s30 =	sand.u32 $0x40, s7;
	s5 =	sor.u32 s6, s5  }
0xb: {  	s3 =	sadd.s32 $0x400, s3;
	s31 =	sshrl.u32 s4, $0x1;
	s9 =	sor.u32 s30, s5  }
0xc: {  	_ =	strace $0x80000047;
	s12 =	ssub.s32 s4, s31;
	s4 =	sadd.s32 s0, s9  }
0xd: {  	s8 =	sor.u32 $0x10, s9;
	s6 =	sadd.s32 s11, s9;
	s10 =	sor.u32 $0x20, s9  }
0xe: {  	s13 =	sor.u32 $0x30, s9;
	s12 =	smax.u32 s12, $0x1;
	s5 =	sadd.s32 s0, s8  }
0xf: {  	v0 =	vlaneseq.u32;
	s7 =	sadd.s32 s0, s10;
	s8 =	sadd.s32 s11, s8;
	s9 =	sadd.s32 s0, s13  }
0x10: {  	v2 =	vimm.s32 $0x0;
	v3 =	vimm.s32 $0x80000000;
	v1 =	vor.u32 $0x10, v0;
	s10 =	sadd.s32 s11, s10;
	s11 =	sadd.s32 s11, s13;
	s13 =	simm.s32 $0x18000  }
.LBB2_1:
0x11: {  	[tilespmem:s13], [sflag:$0x5] =	stream.linear.gather [hbm4b:s3+s2], $0x80, $0x38;
	[tilespmem:$0x18080] =	vst v63  }
0x12: {  	_ =	swait.ge [sflag:s14], $0x80  }
0x13: {  	[sflag:s14] =	ssyncset.done $0x0  }
.Ltmp0:
0x14: {  	[sflag:s14] =	ssyncadd.s32 $0xFFFFFF80;
	(pc) =	sbr.rel .LBB2_2-.Ltmp0, $4  }
0x15: {  	v4 =	vld [tilespmem:$0x18000];
	[tilespmem:s2], [sflag:$0x1] =	stream.strided.gather [hbm4b:s4+s15], $0x8000, s16, s15, $0x38  }
0x16: {  	s25 =	simm.s32 $0xFFFFFFFF;
	_ =	swait.ge [sflag:s17], $0x8000  }
0x17: {  	p0 =	por $0x0, $0x0;
	s26 =	simm.s32 $0x0;
	[sflag:s17] =	ssyncset.done $0x0  }
0x18: {  	s24 =	simm.s32 $0x0;
	s28 =	simm.s32 $0x0;
	[sflag:s17] =	ssyncadd.s32 $0xFFFF8000  }
.LBB2_6:
0x19: {  	(xrf0) =	vmax.scan.msk.u32 $0xffff, v5;
	_ =	sdelay $0x5  }
0x1a: {  	v5, _, _ =	vpop (xrf0)  }
0x1b: {  	(v2sf) =	vpush v5, $0xF;
	_ =	sdelay $0xe  }
0x1c: {  	s0 =	spop (v2sf)  }
0x1d: {  	p2 =	seq.s32 s0, $0x80000010;
	p3 =	sgt.u32 s0, $0x8000000F;
	s0 =	smov.u32 s24  }
0x1e: {  	s0 =	smov.u32 @p3 s29  }
0x1f: {  	s28 =	sadd.s32 $0x1, s28;
	s24 =	smov.u32 @p1 s0;
	s0 =	sadd.s32 $0xFFFFFFFF, s29  }
0x20: {  	s0 =	smov.u32 @p3 s25;
	p3 =	seq.s32 s28, $0x20  }
.Ltmp1:
0x21: {  	_ = 	snop;
	(pc) =	sbr.rel @p3 .LBB2_7-.Ltmp1, $4  }
0x22: {  	_ = 	snop  }
0x23: {  	p2 =	por !p1, !p2  }
0x24: {  	p2 =	por !p2, !p2  }
0x25: {  	p0 =	por p0, p2;
	s26 =	smov.u32 @p2 s29;
	s25 =	smov.u32 @p1 s0  }
.LBB2_2:
0x26: {  	p1 =	sgt.u32 s25, s24;
	p2 =	por !p0, !p0  }
0x27: {  	p1 =	por !p1, !p2  }
0x28: {  	p1 =	por !p1, !p1  }
.Ltmp2:
0x29: {  	_ = 	snop;
	(pc) =	sbr.rel @!p1 .LBB2_6-.Ltmp2, $4  }
0x2a: {  	s0 =	ssub.s32 s25, s24  }
0x2b: {  	s29 =	sshrl.u32 s0, $0x1  }
0x2c: {  	s0 =	sand.u32 $0x1, s0;
	s29 =	sadd.s32 s24, s29  }
0x2d: {  	v5 =	vimm.s32 $0x80000000;
	s29 =	sadd.s32 s0, s29  }
0x2e: {  	s0 =	simm.s32 $0x0  }
0x2f: {  	v7 =	vld [tilespmem:s0+$0x0];
	_ =	sdelay $0x3  }
0x30: {  	s31 =	simm.s32 $0x800  }
0x31: {  	v8 =	vld [tilespmem:s31+$0x0];
	v9 =	vshra.s32 v7, $0x1F  }
0x32: {  	v9 =	vand.u32 $0x7FFFFFFF, v9  }
0x33: {  	v7 =	vxor.u32 v9, v7  }
0x34: {  	v5 =	vmov s29;
	v7 =	vxor.u32 $0x80000000, v7  }
0x35: {  	vm0 =	vge.u32 v7, v5  }
0x36: {  	v6 =	vimm.s32 $0x0;
	s30 =	simm.s32 $0x1000;
	s0 =	simm.s32 $0x2;
	v9 =	vshra.s32 v8, $0x1F;
	v7 =	vmpcnt.ones.xlane vm0  }
.LBB2_4:
0x37: {  	s0 =	sadd.s32 $0x1, s0  }
0x38: {  	v10 =	vld [tilespmem:s30+$0x0];
	v9 =	vand.u32 $0x7FFFFFFF, v9;
	v6 =	vadd.s32 v6, v7;
	p2 =	slt.u32 s0, $0xF  }
.Ltmp3:
0x39: {  	v7 =	vxor.u32 v9, v8;
	(pc) =	sbr.rel @p2 .LBB2_4-.Ltmp3, $4  }
0x3a: {  	v7 =	vxor.u32 $0x80000000, v7  }
0x3b: {  	vm0 =	vge.u32 v7, v5  }
0x3c: {  	v7 =	vmpcnt.ones.xlane vm0  }
0x3d: {  	s30 =	sadd.s32 $0x800, s30;
	v9 =	vshra.s32 v10, $0x1F;
	v8 =	vmov v10  }
0x3e: {  	v10 =	vld [tilespmem:s30+$0x0];
	_ =	sdelay $0x4  }
0x3f: {  	v9 =	vand.u32 $0x7FFFFFFF, v9;
	v11 =	vshra.s32 v10, $0x1F  }
0x40: {  	v8 =	vxor.u32 v9, v8;
	v61 =	vand.u32 $0x7FFFFFFF, v11  }
0x41: {  	v8 =	vxor.u32 $0x80000000, v8;
	v9 =	vxor.u32 v61, v10  }
0x42: {  	vm0 =	vge.u32 v8, v5;
	v62 =	vxor.u32 $0x80000000, v9  }
.Ltmp4:
0x43: {  	v63 =	vmpcnt.ones.xlane vm0;
	vm15 =	vge.u32 v62, v5;
	(pc) =	sbr.rel .LBB2_6-.Ltmp4, $4  }
0x44: {  	v5 =	vadd.s32 v6, v7;
	v6 =	vmpcnt.ones.xlane vm15  }
0x45: {  	v5 =	vadd.s32 v5, v63  }
0x46: {  	v5 =	vadd.s32 v5, v6  }
0x47: {  	v5 =	vxor.u32 $0x80000000, v5  }
.LBB2_7:
0x48: {  	s24 =	smov.u32 @p0 s26  }
0x49: {  	v5 =	vmov s24  }
0x4a: {  	s0 =	simm.s32 $0x0;
	v5 =	vxor.u32 $0x80000000, v5  }
0x4b: {  	v7 =	vld [tilespmem:s0+$0x0];
	v6 =	vbroadcast v5, $0x0  }
0x4c: {  	v8 =	vld [tilespmem:s0+$0x10]  }
0x4d: {  	v5 =	vshra.s32 v6, $0x1F  }
0x4e: {  	v9 =	vand.u32 $0x7FFFFFFF, v5  }
0x4f: {  	v5 =	vimm.s32 $0x0;
	v6 =	vxor.u32 v6, v9  }
0x50: {  	s31 =	simm.s32 $0x20;
	v11 =	vshll.u32 v5, $0x5;
	vm0 =	vge.f32 v7, v6  }
0x51: {  	v9 =	vld [tilespmem:s31+$0x0];
	vm1 =	vge.f32 v8, v6;
	v12 =	vor.u32 v0, v11  }
0x52: {  	v10 =	vld [tilespmem:s31+$0x10];
	v11 =	vor.u32 v1, v11  }
0x53: {  	v13 =	vsel vm0, $0x1, v2  }
0x54: {  	s25 =	simm.s32 $0x100;
	v14 =	vsel vm1, $0x1, v2;
	v13 =	vadd.s32 v13, v5  }
.LBB2_8:
0x55: {  	v15 =	vshll.u32 v13, $0x5  }
0x56: {  	s0 =	sshra.s32 s25, $0x2;
	[tilespmem:v12+s18+$0x0] =	vst.idx.msk vm0, v7;
	vm0 =	vge.f32 v9, v6;
	v5 =	vadd.s32 v14, v5;
	v7 =	vmov v9;
	p0 =	sne.s32 s25, $0x1FF80  }
.Ltmp5:
0x57: {  	s25 =	sadd.s32 $0x80, s25;
	v9 =	vld [tilespmem:s0+$0x0];
	v12 =	vor.u32 v0, v15;
	v14 =	vshll.u32 v5, $0x5;
	[tilespmem:v11+s18+$0x0] =	vst.idx.msk vm1, v8;
	vm1 =	vge.f32 v10, v6;
	(pc) =	sbr.rel @p0 .LBB2_8-.Ltmp5, $3  }
0x58: {  	v8 =	vmov v10;
	v11 =	vor.u32 v1, v14;
	v10 =	vld [tilespmem:s0+$0x10];
	_ =	sdelay $0x1  }
0x59: {  	v14 =	vsel vm0, $0x1, v2  }
0x5a: {  	v13 =	vadd.s32 v14, v13;
	v14 =	vsel vm1, $0x1, v2  }
0x5b: {  	vm2 =	vge.f32 v9, v6  }
0x5c: {  	vm3 =	vge.f32 v10, v6;
	v6 =	vsel vm2, $0x1, v2  }
0x5d: {  	v14 =	vadd.s32 v14, v5;
	v5 =	vadd.s32 v6, v13;
	v6 =	vsel vm3, $0x1, v2  }
0x5e: {  	v6 =	vadd.s32 v6, v14;
	(xrf0) =	vadd.scan.msk.s32 $0xffff, v5  }
0x5f: {  	(xrf0) =	vadd.scan.msk.s32 $0xffff, v6;
	_ =	sdelay $0x4  }
0x60: {  	v15 =	vxor.u32 $0x80000000, v5;
	v60, _, _ =	vpop (xrf0)  }
0x61: {  	v59 =	vxor.u32 $0x80000000, v6;
	(xrf0) =	vmax.scan.msk.u32 $0xffff, v15;
	v16, _, _ =	vpop (xrf0);
	(v2sf) =	vpush v60, $0xF  }
0x62: {  	(xrf0) =	vmax.scan.msk.u32 $0xffff, v59;
	(v2sf) =	vpush v16, $0xF;
	_ =	sdelay $0x4  }
0x63: {  	v61, _, _ =	vpop (xrf0)  }
0x64: {  	(v2sf) =	vpush v61, $0xF;
	v62, _, _ =	vpop (xrf0)  }
0x65: {  	(v2sf) =	vpush v62, $0xF;
	_ =	sdelay $0x4  }
0x66: {  	v63 =	vshll.u32 v13, $0x5  }
0x67: {  	v13 =	vor.u32 v0, v63;
	v14 =	vshll.u32 v14, $0x5  }
0x68: {  	v14 =	vor.u32 v1, v14;
	s0 =	spop (v2sf)  }
0x69: {  	s25 =	spop (v2sf)  }
0x6a: {  	[tilespmem:v12+s18+$0x0] =	vst.idx.msk vm0, v7;
	s25 =	sadd.s32 s0, s25  }
0x6b: {  	[tilespmem:v11+s18+$0x0] =	vst.idx.msk vm1, v8;
	p0 =	slt.s32 s25, $0x200  }
.Ltmp6:
0x6c: {  	[tilespmem:v13+s18+$0x0] =	vst.idx.msk vm2, v9;
	(pc) =	sbr.rel @p0 .LBB2_10-.Ltmp6, $4  }
0x6d: {  	[tilespmem:v14+s18+$0x0] =	vst.idx.msk vm3, v10  }
0x6e: {  	[tilespmem:s19], [sflag:$0x2] =	stream.strided.gather [hbm4b:s5+s15], $0x8000, s16, s15, $0x38;
	[tilespmem:$0x18080] =	vst v63  }
0x6f: {  	s0 =	spop (v2sf)  }
0x70: {  	s25 =	spop (v2sf)  }
0x71: {  	s0 =	sxor.u32 $0x80000000, s0;
	s25 =	sxor.u32 $0x80000000, s25  }
0x72: {  	p0 =	sgt.s32 s0, s25  }
0x73: {  	s25 =	smov.u32 @p0 s0  }
0x74: {  	s0 =	sadd.s32 $0x1, s25  }
0x75: {  	s25 =	sshrl.u32 s0, $0x1  }
0x76: {  	p0 =	seq.s32 s25, $0x0  }
.Ltmp7:
0x77: {  	_ = 	snop;
	(pc) =	sbr.rel @p0 .LBB2_76-.Ltmp7, $1  }
0x78: {  	_ =	sdelay $0x3  }
0x79: {  	p1 =	seq.s32 s25, $0x1  }
.Ltmp8:
0x7a: {  	_ = 	snop;
	(pc) =	sbr.rel @p1 .LBB2_81-.Ltmp8, $4  }
0x7b: {  	s26 =	simm.s32 $0x10020  }
0x7c: {  	v11 =	vld [tilespmem:s26+$0x10]  }
0x7d: {  	v9 =	vld [tilespmem:s26+$0x0]  }
0x7e: {  	v7 =	vimm.s32 $0x0;
	s29 =	simm.s32 $0x1;
	s0 =	sadd.s32 $0xFFFFFFFF, s25;
	p0 =	por $0x0, $0x0;
	v8 =	vld [tilespmem:s26+$0xFFFFFFE0]  }
0x7f: {  	v12 =	vld [tilespmem:s26+$0xFFFFFFF0];
	_ =	sdelay $0x1  }
0x80: {  	s28 =	simm.s32 $0x0;
	vm0 =	vgt.s32 v6, s29  }
0x81: {  	vm1 =	vgt.s32 v5, s29;
	vm2 =	vgt.s32 v5, s28;
	vm3 =	vgt.s32 v6, s28  }
0x82: {  	p1 =	seq.s32 s0, $0x1;
	v14 =	vshra.s32 v11, $0x1F;
	v13 =	vshra.s32 v9, $0x1F;
	v10 =	vshra.s32 v8, $0x1F  }
.Ltmp9:
0x83: {  	v14 =	vand.u32 $0x7FFFFFFF, v14;
	v10 =	vand.u32 $0x7FFFFFFF, v10;
	v15 =	vshra.s32 v12, $0x1F;
	(pc) =	sbr.rel @p1 .LBB2_83-.Ltmp9, $4  }
0x84: {  	s28 =	simm.s32 $0x10060;
	v13 =	vand.u32 $0x7FFFFFFF, v13;
	v8 =	vxor.u32 v10, v8;
	v15 =	vand.u32 $0x7FFFFFFF, v15  }
0x85: {  	v9 =	vxor.u32 v13, v9;
	v10 =	vld [tilespmem:s28+$0x10];
	v8 =	vxor.u32 $0x80000000, v8;
	v15 =	vxor.u32 v15, v12  }
0x86: {  	v12 =	vxor.u32 v14, v11;
	v11 =	vld [tilespmem:s28+$0x0];
	v14 =	vnsel vm2, $0x0, v8;
	v15 =	vxor.u32 $0x80000000, v15  }
0x87: {  	s31 =	sadd.s32 $0xFFFFFFFF, s0;
	p0 =	por $0x1, $0x1;
	s30 =	simm.s32 $0x1;
	v8 =	vld [tilespmem:s28+$0xFFFFFFE0];
	[tilespmem:s26+$0xFFFFFFE0] =	vst v14;
	v14 =	vmax.u32 v7, v14;
	v13 =	vnsel vm3, $0x0, v15;
	v15 =	vxor.u32 $0x80000000, v9  }
.LBB2_84:
0x88: {  	p1 =	seq.s32 s31, $0x1;
	v9 =	vld [tilespmem:s28+$0xFFFFFFF0];
	[tilespmem:s26+$0xFFFFFFF0] =	vst v13;
	v13 =	vmax.u32 v14, v13;
	v14 =	vnsel vm1, $0x0, v15;
	v12 =	vxor.u32 $0x80000000, v12  }
0x89: {  	s30 =	sadd.s32 $0x2, s30;
	[tilespmem:s26+$0x0] =	vst v14;
	v13 =	vmax.u32 v13, v14;
	v12 =	vnsel vm0, $0x0, v12  }
0x8a: {  	s0 =	sadd.s32 $0xFFFFFFFF, s30;
	vm0 =	vgt.s32 v6, s30;
	[tilespmem:s26+$0x10] =	vst v12;
	v13 =	vmax.u32 v13, v12;
	s26 =	smov.u32 s28  }
0x8b: {  	vm1 =	vgt.s32 v5, s30;
	vm2 =	vgt.s32 v5, s0;
	vm3 =	vgt.s32 v6, s0  }
0x8c: {  	v15 =	vshra.s32 v10, $0x1F;
	v14 =	vshra.s32 v11, $0x1F;
	v12 =	vshra.s32 v8, $0x1F  }
.Ltmp10:
0x8d: {  	v15 =	vand.u32 $0x7FFFFFFF, v15;
	v12 =	vand.u32 $0x7FFFFFFF, v12;
	v16 =	vshra.s32 v9, $0x1F;
	(pc) =	sbr.rel @!p1 .LBB2_84-.Ltmp10, $4  }
0x8e: {  	s28 =	sadd.s32 $0x40, s28;
	v14 =	vand.u32 $0x7FFFFFFF, v14;
	v8 =	vxor.u32 v12, v8;
	v12 =	vand.u32 $0x7FFFFFFF, v16  }
0x8f: {  	v8 =	vxor.u32 $0x80000000, v8;
	v9 =	vxor.u32 v12, v9;
	v12 =	vxor.u32 v15, v10;
	v10 =	vld [tilespmem:s28+$0x10]  }
0x90: {  	v16 =	vxor.u32 v14, v11;
	v15 =	vnsel vm2, $0x0, v8;
	v9 =	vxor.u32 $0x80000000, v9;
	v11 =	vld [tilespmem:s28+$0x0]  }
0x91: {  	s31 =	sadd.s32 $0xFFFFFFFF, s31;
	v8 =	vld [tilespmem:s28+$0xFFFFFFE0];
	[tilespmem:s26+$0xFFFFFFE0] =	vst v15;
	v14 =	vmax.u32 v13, v15;
	v13 =	vnsel vm3, $0x0, v9;
	v15 =	vxor.u32 $0x80000000, v16  }
0x92: {  	_ =	sdelay $0x2  }
0x93: {  	v9 =	vmov v11;
	v11 =	vmov v10  }
.LBB2_86:
0x94: {  	s0 =	sadd.s32 @p0 $0x2, s30;
	v10 =	vld [tilespmem:s28+$0xFFFFFFF0];
	v14 =	vmax.u32 @p0 v14, v13;
	v15 =	vnsel @p0 vm1, $0x0, v15  }
0x95: {  	v12 =	vxor.u32 @p0 $0x80000000, v12;
	v16 =	vshra.s32 v11, $0x1F;
	s29 =	smov.u32 @p0 s0;
	v14 =	vmax.u32 @p0 v14, v15  }
0x96: {  	v12 =	vnsel @p0 vm0, $0x0, v12;
	v16 =	vand.u32 $0x7FFFFFFF, v16;
	vm14 =	vgt.s32 v6, s29  }
0x97: {  	s0 =	sadd.s32 $0xFFFFFFFF, s29;
	v14 =	vmax.u32 @p0 v14, v12;
	vm3 =	vgt.s32 v5, s29;
	v63 =	vxor.u32 v16, v11  }
0x98: {  	vm15 =	vgt.s32 v5, s0;
	vm2 =	vgt.s32 v6, s0;
	v5 =	vshra.s32 v8, $0x1F  }
0x99: {  	v6 =	vshra.s32 v9, $0x1F;
	v5 =	vand.u32 $0x7FFFFFFF, v5;
	v62 =	vshra.s32 v10, $0x1F  }
0x9a: {  	[tilespmem:s26+$0xFFFFFFF0] =	vst @p0 v13;
	v7 =	vpsel p0, v14, v7;
	v5 =	vxor.u32 v5, v8;
	v8 =	vand.u32 $0x7FFFFFFF, v62  }
0x9b: {  	[tilespmem:s26+$0x0] =	vst @p0 v15;
	v6 =	vand.u32 $0x7FFFFFFF, v6;
	v5 =	vxor.u32 $0x80000000, v5;
	v8 =	vxor.u32 v8, v10  }
.Ltmp11:
0x9c: {  	[tilespmem:s26+$0x10] =	vst @p0 v12;
	v6 =	vxor.u32 v6, v9;
	v5 =	vnsel vm15, $0x0, v5;
	v8 =	vxor.u32 $0x80000000, v8;
	(pc) =	sbr.rel .LBB2_77-.Ltmp11, $4  }
0x9d: {  	v6 =	vxor.u32 $0x80000000, v6;
	[tilespmem:s28+$0xFFFFFFE0] =	vst v5;
	v5 =	vmax.u32 v7, v5;
	v7 =	vnsel vm2, $0x0, v8  }
0x9e: {  	v6 =	vnsel vm3, $0x0, v6;
	[tilespmem:s28+$0xFFFFFFF0] =	vst v7;
	v5 =	vmax.u32 v5, v7;
	v7 =	vxor.u32 $0x80000000, v63  }
0x9f: {  	[tilespmem:s28+$0x0] =	vst v6;
	v5 =	vmax.u32 v5, v6;
	v6 =	vnsel vm14, $0x0, v7  }
0xa0: {  	[tilespmem:s28+$0x10] =	vst v6;
	v5 =	vmax.u32 v5, v6  }
.LBB2_10:
.Ltmp12:
0xa1: {  	(pc) =	sbr.rel .LBB2_11-.Ltmp12, $3  }
0xa2: {  	_ =	sdelay $0x1  }
0xa3: {  	s25 =	simm.s32 $0xFFFFFFFF;
	p0 =	por $0x0, $0x0  }
0xa4: {  	s24 =	simm.s32 $0x0;
	s26 =	simm.s32 $0x0;
	s28 =	simm.s32 $0x0  }
.LBB2_15:
0xa5: {  	(xrf0) =	vmax.scan.msk.u32 $0xffff, v5;
	_ =	sdelay $0x5  }
0xa6: {  	v5, _, _ =	vpop (xrf0)  }
0xa7: {  	(v2sf) =	vpush v5, $0xF;
	_ =	sdelay $0xe  }
0xa8: {  	s0 =	spop (v2sf)  }
0xa9: {  	p2 =	seq.s32 s0, $0x80000200;
	p3 =	sgt.u32 s0, $0x800001FF;
	s0 =	smov.u32 s24  }
0xaa: {  	s0 =	smov.u32 @p3 s29  }
0xab: {  	s28 =	sadd.s32 $0x1, s28;
	s24 =	smov.u32 @p1 s0;
	s0 =	sadd.s32 $0xFFFFFFFF, s29  }
0xac: {  	s0 =	smov.u32 @p3 s25;
	p3 =	seq.s32 s28, $0x20  }
.Ltmp13:
0xad: {  	_ = 	snop;
	(pc) =	sbr.rel @p3 .LBB2_16-.Ltmp13, $4  }
0xae: {  	_ = 	snop  }
0xaf: {  	p2 =	por !p1, !p2  }
0xb0: {  	p2 =	por !p2, !p2  }
0xb1: {  	p0 =	por p0, p2;
	s26 =	smov.u32 @p2 s29;
	s25 =	smov.u32 @p1 s0  }
.LBB2_11:
0xb2: {  	p1 =	sgt.u32 s25, s24;
	p2 =	por !p0, !p0  }
0xb3: {  	p1 =	por !p1, !p2  }
0xb4: {  	p1 =	por !p1, !p1  }
.Ltmp14:
0xb5: {  	_ = 	snop;
	(pc) =	sbr.rel @!p1 .LBB2_15-.Ltmp14, $4  }
0xb6: {  	s0 =	ssub.s32 s25, s24  }
0xb7: {  	s29 =	sshrl.u32 s0, $0x1  }
0xb8: {  	s0 =	sand.u32 $0x1, s0;
	s29 =	sadd.s32 s24, s29  }
0xb9: {  	v5 =	vimm.s32 $0x80000000;
	s29 =	sadd.s32 s0, s29  }
0xba: {  	s0 =	simm.s32 $0x20  }
0xbb: {  	v8 =	vld [tilespmem:s0+$0x0]  }
0xbc: {  	v9 =	vld [tilespmem:s0+$0x10]  }
0xbd: {  	v10 =	vld [tilespmem:s0+$0xFFFFFFE0]  }
0xbe: {  	v11 =	vld [tilespmem:s0+$0xFFFFFFF0];
	_ =	sdelay $0x2  }
0xbf: {  	v5 =	vmov s29  }
0xc0: {  	v6 =	vimm.s32 $0x0;
	v7 =	vshra.s32 v8, $0x1F;
	v12 =	vshra.s32 v10, $0x1F  }
0xc1: {  	v13 =	vshra.s32 v11, $0x1F;
	v14 =	vshra.s32 v9, $0x1F;
	v12 =	vand.u32 $0x7FFFFFFF, v12  }
0xc2: {  	s30 =	simm.s32 $0x0;
	s31 =	simm.s32 $0x60;
	v15 =	vand.u32 $0x7FFFFFFF, v7;
	v14 =	vand.u32 $0x7FFFFFFF, v14;
	v7 =	vimm.s32 $0x0  }
.LBB2_13:
0xc3: {  	v13 =	vand.u32 $0x7FFFFFFF, v13;
	v15 =	vxor.u32 v15, v8;
	v8 =	vld [tilespmem:s31+$0x0];
	v14 =	vxor.u32 v14, v9  }
0xc4: {  	v12 =	vxor.u32 v12, v10;
	v9 =	vld [tilespmem:s31+$0x10];
	v11 =	vxor.u32 v13, v11;
	v13 =	vxor.u32 $0x80000000, v15  }
0xc5: {  	v12 =	vxor.u32 $0x80000000, v12;
	v14 =	vxor.u32 $0x80000000, v14;
	v10 =	vld [tilespmem:s31+$0xFFFFFFE0];
	v15 =	vxor.u32 $0x80000000, v11  }
0xc6: {  	s30 =	sadd.s32 $0x1, s30;
	vm0 =	vge.u32 v12, v5;
	vm2 =	vge.u32 v13, v5;
	v11 =	vld [tilespmem:s31+$0xFFFFFFF0];
	vm1 =	vge.u32 v15, v5  }
0xc7: {  	p2 =	slt.u32 s30, $0x1FF;
	v12 =	vmpcnt.ones.xlane vm0;
	vm0 =	vge.u32 v14, v5;
	v13 =	vmpcnt.ones.xlane vm1  }
.Ltmp15:
0xc8: {  	v14 =	vmpcnt.ones.xlane vm2;
	v15 =	vmpcnt.ones.xlane vm0;
	(pc) =	sbr.rel @p2 .LBB2_13-.Ltmp15, $4  }
0xc9: {  	v6 =	vadd.s32 v6, v12;
	v7 =	vadd.s32 v7, v13  }
0xca: {  	v16 =	vshra.s32 v8, $0x1F;
	v6 =	vadd.s32 v14, v6;
	v7 =	vadd.s32 v15, v7  }
0xcb: {  	v14 =	vshra.s32 v9, $0x1F;
	v12 =	vshra.s32 v10, $0x1F;
	v13 =	vshra.s32 v11, $0x1F  }
0xcc: {  	s31 =	sadd.s32 $0x40, s31;
	v15 =	vand.u32 $0x7FFFFFFF, v16;
	v14 =	vand.u32 $0x7FFFFFFF, v14;
	v12 =	vand.u32 $0x7FFFFFFF, v12  }
0xcd: {  	v13 =	vand.u32 $0x7FFFFFFF, v13;
	v8 =	vxor.u32 v15, v8;
	v9 =	vxor.u32 v14, v9  }
0xce: {  	v10 =	vxor.u32 v12, v10;
	v11 =	vxor.u32 v13, v11;
	v8 =	vxor.u32 $0x80000000, v8  }
0xcf: {  	v10 =	vxor.u32 $0x80000000, v10;
	v9 =	vxor.u32 $0x80000000, v9;
	v11 =	vxor.u32 $0x80000000, v11  }
0xd0: {  	vm0 =	vge.u32 v10, v5;
	vm2 =	vge.u32 v8, v5;
	vm1 =	vge.u32 v11, v5  }
0xd1: {  	vm15 =	vge.u32 v9, v5;
	v62 =	vmpcnt.ones.xlane vm0;
	v63 =	vmpcnt.ones.xlane vm1  }
.Ltmp16:
0xd2: {  	v5 =	vmpcnt.ones.xlane vm2;
	v9 =	vmpcnt.ones.xlane vm15;
	(pc) =	sbr.rel .LBB2_15-.Ltmp16, $4  }
0xd3: {  	v6 =	vadd.s32 v6, v62;
	v7 =	vadd.s32 v7, v63  }
0xd4: {  	v5 =	vadd.s32 v5, v6;
	v6 =	vadd.s32 v9, v7  }
0xd5: {  	v5 =	vadd.s32 v5, v6  }
0xd6: {  	v5 =	vxor.u32 $0x80000000, v5  }
.LBB2_16:
.Ltmp17:
0xd7: {  	(pc) =	sbr.rel .LBB2_17-.Ltmp17, $2  }
0xd8: {  	_ =	sdelay $0x2  }
0xd9: {  	s24 =	smov.u32 @p0 s26  }
.LBB2_76:
0xda: {  	v5 =	vimm.s32 $0x0  }
.LBB2_77:
0xdb: {  	(xrf0) =	vmax.scan.msk.u32 $0xffff, v5;
	_ =	sdelay $0x5  }
0xdc: {  	v5, _, _ =	vpop (xrf0)  }
0xdd: {  	(v2sf) =	vpush v5, $0xF;
	_ =	sdelay $0xa  }
.Ltmp18:
0xde: {  	_ = 	snop;
	(pc) =	sbr.rel .LBB2_78-.Ltmp18, $3  }
0xdf: {  	_ =	sdelay $0x1  }
0xe0: {  	s28 =	simm.s32 $0x0  }
0xe1: {  	p0 =	por $0x0, $0x0;
	s29 =	smov.u32 s24;
	s26 =	spop (v2sf)  }
.LBB2_79:
0xe2: {  	v5 =	vpsel p1, $0x80000000, v3  }
.LBB2_88:
0xe3: {  	(xrf0) =	vmax.scan.msk.u32 $0xffff, v5;
	_ =	sdelay $0x5  }
0xe4: {  	v5, _, _ =	vpop (xrf0)  }
0xe5: {  	(v2sf) =	vpush v5, $0xF;
	_ =	sdelay $0xe  }
0xe6: {  	s0 =	spop (v2sf)  }
0xe7: {  	p2 =	seq.s32 s0, $0x80000200;
	p3 =	sgt.u32 s0, $0x800001FF;
	s0 =	smov.u32 s24  }
0xe8: {  	s0 =	smov.u32 @p3 s30  }
0xe9: {  	s28 =	sadd.s32 $0x1, s28;
	s24 =	smov.u32 @p1 s0;
	s0 =	sadd.s32 $0xFFFFFFFF, s30  }
0xea: {  	s0 =	smov.u32 @p3 s26;
	p3 =	seq.s32 s28, $0x20  }
.Ltmp19:
0xeb: {  	_ = 	snop;
	(pc) =	sbr.rel @p3 .LBB2_89-.Ltmp19, $4  }
0xec: {  	_ = 	snop  }
0xed: {  	p2 =	por !p1, !p2  }
0xee: {  	p2 =	por !p2, !p2  }
0xef: {  	p0 =	por p0, p2;
	s29 =	smov.u32 @p2 s30;
	s26 =	smov.u32 @p1 s0  }
.LBB2_78:
0xf0: {  	p1 =	sgt.u32 s26, s24;
	p2 =	por !p0, !p0  }
0xf1: {  	p1 =	por !p1, !p2  }
0xf2: {  	p1 =	por !p1, !p1  }
0xf3: {  	p2 =	seq.s32 @p1 s25, $0x0  }
0xf4: {  	p2 =	por !p1, p2  }
.Ltmp20:
0xf5: {  	_ = 	snop;
	(pc) =	sbr.rel @p2 .LBB2_79-.Ltmp20, $4  }
0xf6: {  	s0 =	ssub.s32 s26, s24  }
0xf7: {  	s30 =	sshrl.u32 s0, $0x1  }
0xf8: {  	s0 =	sand.u32 $0x1, s0;
	s30 =	sadd.s32 s24, s30  }
0xf9: {  	s30 =	sadd.s32 s0, s30  }
0xfa: {  	s0 =	simm.s32 $0x10020  }
0xfb: {  	p2 =	seq.s32 s25, $0x1;
	v11 =	vld [tilespmem:s0+$0x0]  }
.Ltmp21:
0xfc: {  	v7 =	vld [tilespmem:s0+$0xFFFFFFE0];
	(pc) =	sbr.rel @p2 .LBB2_92-.Ltmp21, $3  }
0xfd: {  	v10 =	vld [tilespmem:s0+$0xFFFFFFF0]  }
0xfe: {  	v8 =	vld [tilespmem:s0+$0x10];
	_ =	sdelay $0x1  }
0xff: {  	v5 =	vmov s30;
	v6 =	vimm.s32 $0x0;
	s31 =	sadd.s32 $0xFFFFFFFF, s25;
	v9 =	vimm.s32 $0x0;
	s0 =	simm.s32 $0x10060  }
.LBB2_91:
0x100: {  	v12 =	vld [tilespmem:s0+$0x0];
	p2 =	seq.s32 s31, $0x1  }
.Ltmp22:
0x101: {  	vm0 =	vge.u32 v7, v5;
	vm2 =	vge.u32 v11, v5;
	v7 =	vld [tilespmem:s0+$0xFFFFFFE0];
	vm1 =	vge.u32 v10, v5;
	(pc) =	sbr.rel @!p2 .LBB2_91-.Ltmp22, $4  }
0x102: {  	s31 =	sadd.s32 $0xFFFFFFFF, s31;
	v16 =	vmpcnt.ones.xlane vm0;
	v10 =	vld [tilespmem:s0+$0xFFFFFFF0];
	v13 =	vmpcnt.ones.xlane vm1;
	vm0 =	vge.u32 v8, v5  }
0x103: {  	v14 =	vmpcnt.ones.xlane vm2;
	v8 =	vld [tilespmem:s0+$0x10];
	v15 =	vmpcnt.ones.xlane vm0  }
0x104: {  	v6 =	vadd.s32 v6, v16;
	v9 =	vadd.s32 v9, v13  }
0x105: {  	s0 =	sadd.s32 $0x40, s0;
	v6 =	vadd.s32 v14, v6;
	v9 =	vadd.s32 v15, v9;
	v11 =	vmov v12  }
.LBB2_92:
0x106: {  	_ = 	snop  }
0x107: {  	vm0 =	vge.u32 v7, v5;
	vm2 =	vge.u32 v11, v5;
	vm1 =	vge.u32 v10, v5  }
0x108: {  	v7 =	vmpcnt.ones.xlane vm0;
	v10 =	vmpcnt.ones.xlane vm1;
	vm15 =	vge.u32 v8, v5  }
0x109: {  	v5 =	vmpcnt.ones.xlane vm2;
	v8 =	vmpcnt.ones.xlane vm15  }
0x10a: {  	v6 =	vadd.s32 v6, v7;
	v7 =	vadd.s32 v9, v10  }
0x10b: {  	v5 =	vadd.s32 v5, v6;
	v6 =	vadd.s32 v8, v7  }
.Ltmp23:
0x10c: {  	(pc) =	sbr.rel .LBB2_88-.Ltmp23, $3  }
0x10d: {  	_ =	sdelay $0x1  }
0x10e: {  	v5 =	vadd.s32 v5, v6  }
0x10f: {  	v5 =	vxor.u32 $0x80000000, v5  }
.LBB2_89:
0x110: {  	s24 =	smov.u32 @p0 s29  }
.LBB2_17:
0x111: {  	s25 =	simm.s32 $0x20  }
0x112: {  	v5 =	vmov s24;
	v8 =	vld [tilespmem:s25+$0xFFFFFFE0]  }
0x113: {  	v5 =	vxor.u32 $0x80000000, v5;
	v7 =	vld [tilespmem:s25+$0x10]  }
0x114: {  	v9 =	vld [tilespmem:s25+$0x0];
	v5 =	vbroadcast v5, $0x0  }
0x115: {  	v10 =	vld [tilespmem:s25+$0xFFFFFFF0]  }
0x116: {  	v6 =	vshra.s32 v5, $0x1F  }
0x117: {  	v6 =	vand.u32 $0x7FFFFFFF, v6  }
0x118: {  	s24 =	simm.s32 $0x60;
	v5 =	vxor.u32 v5, v6;
	v11 =	vadd.f32 v7, v4  }
0x119: {  	v6 =	vld [tilespmem:s24+$0xFFFFFFE0];
	v12 =	vadd.f32 v9, v4;
	v13 =	vadd.f32 v8, v4;
	vm1 =	vge.f32 v7, v5  }
0x11a: {  	v14 =	vadd.f32 v10, v4;
	vm0 =	vge.f32 v9, v5;
	v7 =	vld [tilespmem:s24+$0x10];
	v11 =	vsel vm1, v11, v4  }
0x11b: {  	v9 =	vld [tilespmem:s24+$0x0];
	vm15 =	vge.f32 v8, v5;
	vm2 =	vge.f32 v10, v5;
	v12 =	vsel vm0, v12, v4;
	[tilespmem:s25+$0x10] =	vst v11  }
0x11c: {  	s28 =	simm.s32 $0x4;
	s26 =	simm.s32 $0x60;
	v8 =	vld [tilespmem:s24+$0xFFFFFFF0];
	v10 =	vsel vm15, v13, v4;
	v11 =	vsel vm2, v14, v4;
	[tilespmem:s25+$0x0] =	vst v12  }
.LBB2_18:
0x11d: {  	s28 =	sadd.s32 $0x4, s28  }
0x11e: {  	s24 =	sadd.s32 $0x40, s24;
	[tilespmem:s25+$0xFFFFFFF0] =	vst v11;
	v11 =	vmov v6;
	p0 =	slt.u32 s28, $0x7FC  }
.Ltmp24:
0x11f: {  	v6 =	vld [tilespmem:s24+$0xFFFFFFE0];
	v12 =	vadd.f32 v7, v4;
	[tilespmem:s25+$0xFFFFFFE0] =	vst v10;
	s25 =	smov.u32 s26;
	(pc) =	sbr.rel @p0 .LBB2_18-.Ltmp24, $4  }
0x120: {  	vm1 =	vge.f32 v7, v5;
	s26 =	smov.u32 s24;
	vm0 =	vge.f32 v9, v5;
	v10 =	vadd.f32 v9, v4;
	v7 =	vld [tilespmem:s24+$0x10]  }
0x121: {  	v13 =	vadd.f32 v11, v4;
	v9 =	vld [tilespmem:s24+$0x0];
	v14 =	vadd.f32 v8, v4;
	v12 =	vsel vm1, v12, v4  }
0x122: {  	vm1 =	vge.f32 v11, v5;
	vm2 =	vge.f32 v8, v5;
	v8 =	vld [tilespmem:s24+$0xFFFFFFF0];
	v15 =	vsel vm0, v10, v4;
	[tilespmem:s25+$0x10] =	vst v12  }
0x123: {  	v10 =	vsel vm1, v13, v4;
	v11 =	vsel vm2, v14, v4;
	[tilespmem:s25+$0x0] =	vst v15  }
0x124: {  	v63 =	vadd.f32 v6, v4  }
0x125: {  	[tilespmem:s25+$0xFFFFFFF0] =	vst v11;
	vm15 =	vge.f32 v6, v5;
	v12 =	vadd.f32 v7, v4  }
0x126: {  	[tilespmem:s25+$0xFFFFFFE0] =	vst v10;
	vm0 =	vge.f32 v7, v5;
	v7 =	vadd.f32 v9, v4;
	v6 =	vsel vm15, v63, v4  }
0x127: {  	vm1 =	vge.f32 v9, v5;
	v61 =	vadd.f32 v8, v4;
	v62 =	vsel vm0, v12, v4;
	[tilespmem:s26+$0xFFFFFFE0] =	vst v6  }
0x128: {  	vm14 =	vge.f32 v8, v5;
	v7 =	vsel vm1, v7, v4;
	[tilespmem:s26+$0x10] =	vst v62  }
0x129: {  	v5 =	vsel vm14, v61, v4;
	[tilespmem:s26+$0x0] =	vst v7  }
.Ltmp25:
0x12a: {  	s24 =	simm.s32 $0x0;
	[tilespmem:s26+$0xFFFFFFF0] =	vst v5;
	(pc) =	sbr.rel .LBB2_20-.Ltmp25, $4  }
0x12b: {  	[hbm4b:s6+s15] =	stream.strided.scatter [tilespmem:s24], [sflag:$0x3], $0x8000, s16, s15, $0x38;
	[tilespmem:$0x18080] =	vst v63  }
0x12c: {  	_ =	swait.ge [sflag:s20], $0x8000  }
0x12d: {  	s25 =	simm.s32 $0xFFFFFFFF;
	p0 =	por $0x0, $0x0;
	[sflag:s20] =	ssyncset.done $0x0  }
0x12e: {  	s28 =	simm.s32 $0x0;
	s26 =	simm.s32 $0x0;
	[sflag:s20] =	ssyncadd.s32 $0xFFFF8000  }
.LBB2_24:
0x12f: {  	(xrf0) =	vmax.scan.msk.u32 $0xffff, v5;
	_ =	sdelay $0x5  }
0x130: {  	v5, _, _ =	vpop (xrf0)  }
0x131: {  	(v2sf) =	vpush v5, $0xF;
	_ =	sdelay $0xe  }
0x132: {  	s0 =	spop (v2sf)  }
0x133: {  	p2 =	seq.s32 s0, $0x80000010;
	p3 =	sgt.u32 s0, $0x8000000F;
	s0 =	smov.u32 s24  }
0x134: {  	s0 =	smov.u32 @p3 s29  }
0x135: {  	s28 =	sadd.s32 $0x1, s28;
	s24 =	smov.u32 @p1 s0;
	s0 =	sadd.s32 $0xFFFFFFFF, s29  }
0x136: {  	s0 =	smov.u32 @p3 s25;
	p3 =	seq.s32 s28, $0x20  }
.Ltmp26:
0x137: {  	_ = 	snop;
	(pc) =	sbr.rel @p3 .LBB2_25-.Ltmp26, $4  }
0x138: {  	_ = 	snop  }
0x139: {  	p2 =	por !p1, !p2  }
0x13a: {  	p2 =	por !p2, !p2  }
0x13b: {  	p0 =	por p0, p2;
	s26 =	smov.u32 @p2 s29;
	s25 =	smov.u32 @p1 s0  }
.LBB2_20:
0x13c: {  	p1 =	sgt.u32 s25, s24;
	p2 =	por !p0, !p0  }
0x13d: {  	p1 =	por !p1, !p2  }
0x13e: {  	p1 =	por !p1, !p1  }
.Ltmp27:
0x13f: {  	_ = 	snop;
	(pc) =	sbr.rel @!p1 .LBB2_24-.Ltmp27, $4  }
0x140: {  	s0 =	ssub.s32 s25, s24  }
0x141: {  	s29 =	sshrl.u32 s0, $0x1  }
0x142: {  	s0 =	sand.u32 $0x1, s0;
	s29 =	sadd.s32 s24, s29  }
0x143: {  	v5 =	vimm.s32 $0x80000000;
	s29 =	sadd.s32 s0, s29  }
0x144: {  	s0 =	simm.s32 $0x8000  }
0x145: {  	v7 =	vld [tilespmem:s0+$0x0];
	_ =	sdelay $0x3  }
0x146: {  	s31 =	simm.s32 $0x8800  }
0x147: {  	v8 =	vld [tilespmem:s31+$0x0];
	v9 =	vshra.s32 v7, $0x1F  }
0x148: {  	v9 =	vand.u32 $0x7FFFFFFF, v9  }
0x149: {  	v7 =	vxor.u32 v9, v7  }
0x14a: {  	v5 =	vmov s29;
	v7 =	vxor.u32 $0x80000000, v7  }
0x14b: {  	vm0 =	vge.u32 v7, v5  }
0x14c: {  	v6 =	vimm.s32 $0x0;
	s30 =	simm.s32 $0x9000;
	s0 =	simm.s32 $0x2;
	v9 =	vshra.s32 v8, $0x1F;
	v7 =	vmpcnt.ones.xlane vm0  }
.LBB2_22:
0x14d: {  	s0 =	sadd.s32 $0x1, s0  }
0x14e: {  	v10 =	vld [tilespmem:s30+$0x0];
	v9 =	vand.u32 $0x7FFFFFFF, v9;
	v6 =	vadd.s32 v6, v7;
	p2 =	slt.u32 s0, $0xF  }
.Ltmp28:
0x14f: {  	v7 =	vxor.u32 v9, v8;
	(pc) =	sbr.rel @p2 .LBB2_22-.Ltmp28, $4  }
0x150: {  	v7 =	vxor.u32 $0x80000000, v7  }
0x151: {  	vm0 =	vge.u32 v7, v5  }
0x152: {  	v7 =	vmpcnt.ones.xlane vm0  }
0x153: {  	s30 =	sadd.s32 $0x800, s30;
	v9 =	vshra.s32 v10, $0x1F;
	v8 =	vmov v10  }
0x154: {  	v10 =	vld [tilespmem:s30+$0x0];
	_ =	sdelay $0x4  }
0x155: {  	v9 =	vand.u32 $0x7FFFFFFF, v9;
	v11 =	vshra.s32 v10, $0x1F  }
0x156: {  	v8 =	vxor.u32 v9, v8;
	v61 =	vand.u32 $0x7FFFFFFF, v11  }
0x157: {  	v8 =	vxor.u32 $0x80000000, v8;
	v9 =	vxor.u32 v61, v10  }
0x158: {  	vm0 =	vge.u32 v8, v5;
	v62 =	vxor.u32 $0x80000000, v9  }
.Ltmp29:
0x159: {  	v63 =	vmpcnt.ones.xlane vm0;
	vm15 =	vge.u32 v62, v5;
	(pc) =	sbr.rel .LBB2_24-.Ltmp29, $4  }
0x15a: {  	v5 =	vadd.s32 v6, v7;
	v6 =	vmpcnt.ones.xlane vm15  }
0x15b: {  	v5 =	vadd.s32 v5, v63  }
0x15c: {  	v5 =	vadd.s32 v5, v6  }
0x15d: {  	v5 =	vxor.u32 $0x80000000, v5  }
.LBB2_25:
0x15e: {  	s24 =	smov.u32 @p0 s26  }
0x15f: {  	v5 =	vmov s24  }
0x160: {  	s0 =	simm.s32 $0x0;
	v5 =	vxor.u32 $0x80000000, v5  }
0x161: {  	v7 =	vbroadcast v5, $0x0;
	v5 =	vld [tilespmem:s0+$0x8000]  }
0x162: {  	v6 =	vld [tilespmem:s0+$0x8010]  }
0x163: {  	v8 =	vshra.s32 v7, $0x1F  }
0x164: {  	v8 =	vand.u32 $0x7FFFFFFF, v8  }
0x165: {  	v9 =	vimm.s32 $0x0;
	v7 =	vxor.u32 v7, v8  }
0x166: {  	s25 =	simm.s32 $0x20;
	v10 =	vshll.u32 v9, $0x5;
	vm0 =	vge.f32 v5, v7  }
0x167: {  	v13 =	vor.u32 v0, v10;
	v8 =	vld [tilespmem:s25+$0x8000];
	vm1 =	vge.f32 v6, v7  }
0x168: {  	v11 =	vld [tilespmem:s25+$0x8010];
	v12 =	vor.u32 v1, v10  }
0x169: {  	v14 =	vsel vm0, $0x1, v2  }
0x16a: {  	s0 =	simm.s32 $0x100;
	v10 =	vadd.s32 v14, v9;
	v14 =	vsel vm1, $0x1, v2  }
.LBB2_26:
0x16b: {  	v15 =	vshll.u32 v10, $0x5  }
0x16c: {  	s25 =	sshra.s32 s0, $0x2;
	[tilespmem:v13+s18+$0x0] =	vst.idx.msk vm0, v5;
	vm0 =	vge.f32 v8, v7;
	v9 =	vadd.s32 v14, v9;
	v5 =	vmov v8;
	p0 =	sne.s32 s0, $0x1FF80  }
.Ltmp30:
0x16d: {  	s0 =	sadd.s32 $0x80, s0;
	v8 =	vld [tilespmem:s25+$0x8000];
	v13 =	vor.u32 v0, v15;
	v14 =	vshll.u32 v9, $0x5;
	[tilespmem:v12+s18+$0x0] =	vst.idx.msk vm1, v6;
	vm1 =	vge.f32 v11, v7;
	(pc) =	sbr.rel @p0 .LBB2_26-.Ltmp30, $3  }
0x16e: {  	v6 =	vmov v11;
	v12 =	vor.u32 v1, v14;
	v11 =	vld [tilespmem:s25+$0x8010];
	_ =	sdelay $0x1  }
0x16f: {  	v14 =	vsel vm0, $0x1, v2  }
0x170: {  	v10 =	vadd.s32 v14, v10;
	v14 =	vsel vm1, $0x1, v2  }
0x171: {  	_ = 	snop  }
0x172: {  	vm2 =	vge.f32 v8, v7;
	v15 =	vshll.u32 v10, $0x5;
	v9 =	vadd.s32 v14, v9  }
0x173: {  	vm3 =	vge.f32 v11, v7;
	v7 =	vor.u32 v0, v15;
	v14 =	vshll.u32 v9, $0x5  }
0x174: {  	v14 =	vor.u32 v1, v14;
	_ =	sdelay $0x1  }
0x175: {  	[tilespmem:v13+s18+$0x0] =	vst.idx.msk vm0, v5  }
0x176: {  	[tilespmem:v12+s18+$0x0] =	vst.idx.msk vm1, v6  }
0x177: {  	[tilespmem:v7+s18+$0x0] =	vst.idx.msk vm2, v8  }
0x178: {  	v5 =	vsel vm2, $0x1, v2;
	[tilespmem:v14+s18+$0x0] =	vst.idx.msk vm3, v11  }
0x179: {  	v5 =	vadd.s32 v5, v10;
	v6 =	vsel vm3, $0x1, v2;
	_ =	swait.ge [sflag:s21], $0x8000  }
0x17a: {  	v6 =	vadd.s32 v6, v9;
	(xrf0) =	vadd.scan.msk.s32 $0xffff, v5  }
0x17b: {  	(xrf0) =	vadd.scan.msk.s32 $0xffff, v6  }
0x17c: {  	v7 =	vxor.u32 $0x80000000, v5  }
0x17d: {  	(xrf0) =	vmax.scan.msk.u32 $0xffff, v7;
	v7 =	vxor.u32 $0x80000000, v6;
	_ =	sdelay $0x2  }
0x17e: {  	(xrf0) =	vmax.scan.msk.u32 $0xffff, v7;
	v7, _, _ =	vpop (xrf0)  }
0x17f: {  	v8, _, _ =	vpop (xrf0);
	(v2sf) =	vpush v7, $0xF  }
0x180: {  	(v2sf) =	vpush v8, $0xF;
	_ =	sdelay $0x4  }
0x181: {  	v7, _, _ =	vpop (xrf0)  }
0x182: {  	(v2sf) =	vpush v7, $0xF;
	v7, _, _ =	vpop (xrf0)  }
0x183: {  	(v2sf) =	vpush v7, $0xF;
	_ =	sdelay $0x6  }
0x184: {  	s0 =	spop (v2sf)  }
0x185: {  	s26 =	spop (v2sf)  }
0x186: {  	s26 =	sadd.s32 s0, s26  }
0x187: {  	p0 =	slt.s32 s26, $0x200  }
.Ltmp31:
0x188: {  	[sflag:s21] =	ssyncset.done $0x0;
	(pc) =	sbr.rel @p0 .LBB2_28-.Ltmp31, $4  }
0x189: {  	s25 =	simm.s32 $0x0;
	[sflag:s21] =	ssyncadd.s32 $0xFFFF8000  }
0x18a: {  	[tilespmem:s25], [sflag:$0x1] =	stream.strided.gather [hbm4b:s7+s15], $0x8000, s16, s15, $0x38;
	[tilespmem:$0x18080] =	vst v63  }
0x18b: {  	s0 =	spop (v2sf)  }
0x18c: {  	s26 =	spop (v2sf)  }
0x18d: {  	s0 =	sxor.u32 $0x80000000, s0;
	s25 =	sxor.u32 $0x80000000, s26  }
0x18e: {  	p0 =	sgt.s32 s0, s25  }
0x18f: {  	s25 =	smov.u32 @p0 s0  }
0x190: {  	s0 =	sadd.s32 $0x1, s25  }
0x191: {  	s25 =	sshrl.u32 s0, $0x1  }
0x192: {  	p0 =	seq.s32 s25, $0x0  }
.Ltmp32:
0x193: {  	_ = 	snop;
	(pc) =	sbr.rel @p0 .LBB2_94-.Ltmp32, $1  }
0x194: {  	_ =	sdelay $0x3  }
0x195: {  	p1 =	seq.s32 s25, $0x1  }
.Ltmp33:
0x196: {  	_ = 	snop;
	(pc) =	sbr.rel @p1 .LBB2_99-.Ltmp33, $4  }
0x197: {  	s26 =	simm.s32 $0x10020  }
0x198: {  	v11 =	vld [tilespmem:s26+$0x10]  }
0x199: {  	v9 =	vld [tilespmem:s26+$0x0]  }
0x19a: {  	v7 =	vimm.s32 $0x0;
	s29 =	simm.s32 $0x1;
	s0 =	sadd.s32 $0xFFFFFFFF, s25;
	p0 =	por $0x0, $0x0;
	v8 =	vld [tilespmem:s26+$0xFFFFFFE0]  }
0x19b: {  	v12 =	vld [tilespmem:s26+$0xFFFFFFF0];
	_ =	sdelay $0x1  }
0x19c: {  	s28 =	simm.s32 $0x0;
	vm0 =	vgt.s32 v6, s29  }
0x19d: {  	vm1 =	vgt.s32 v5, s29;
	vm2 =	vgt.s32 v5, s28;
	vm3 =	vgt.s32 v6, s28  }
0x19e: {  	p1 =	seq.s32 s0, $0x1;
	v14 =	vshra.s32 v11, $0x1F;
	v13 =	vshra.s32 v9, $0x1F;
	v10 =	vshra.s32 v8, $0x1F  }
.Ltmp34:
0x19f: {  	v14 =	vand.u32 $0x7FFFFFFF, v14;
	v10 =	vand.u32 $0x7FFFFFFF, v10;
	v15 =	vshra.s32 v12, $0x1F;
	(pc) =	sbr.rel @p1 .LBB2_101-.Ltmp34, $4  }
0x1a0: {  	s28 =	simm.s32 $0x10060;
	v13 =	vand.u32 $0x7FFFFFFF, v13;
	v8 =	vxor.u32 v10, v8;
	v15 =	vand.u32 $0x7FFFFFFF, v15  }
0x1a1: {  	v9 =	vxor.u32 v13, v9;
	v10 =	vld [tilespmem:s28+$0x10];
	v8 =	vxor.u32 $0x80000000, v8;
	v15 =	vxor.u32 v15, v12  }
0x1a2: {  	v12 =	vxor.u32 v14, v11;
	v11 =	vld [tilespmem:s28+$0x0];
	v14 =	vnsel vm2, $0x0, v8;
	v15 =	vxor.u32 $0x80000000, v15  }
0x1a3: {  	s31 =	sadd.s32 $0xFFFFFFFF, s0;
	p0 =	por $0x1, $0x1;
	s30 =	simm.s32 $0x1;
	v8 =	vld [tilespmem:s28+$0xFFFFFFE0];
	[tilespmem:s26+$0xFFFFFFE0] =	vst v14;
	v14 =	vmax.u32 v7, v14;
	v13 =	vnsel vm3, $0x0, v15;
	v15 =	vxor.u32 $0x80000000, v9  }
.LBB2_102:
0x1a4: {  	p1 =	seq.s32 s31, $0x1;
	v9 =	vld [tilespmem:s28+$0xFFFFFFF0];
	[tilespmem:s26+$0xFFFFFFF0] =	vst v13;
	v13 =	vmax.u32 v14, v13;
	v14 =	vnsel vm1, $0x0, v15;
	v12 =	vxor.u32 $0x80000000, v12  }
0x1a5: {  	s30 =	sadd.s32 $0x2, s30;
	[tilespmem:s26+$0x0] =	vst v14;
	v13 =	vmax.u32 v13, v14;
	v12 =	vnsel vm0, $0x0, v12  }
0x1a6: {  	s0 =	sadd.s32 $0xFFFFFFFF, s30;
	vm0 =	vgt.s32 v6, s30;
	[tilespmem:s26+$0x10] =	vst v12;
	v13 =	vmax.u32 v13, v12;
	s26 =	smov.u32 s28  }
0x1a7: {  	vm1 =	vgt.s32 v5, s30;
	vm2 =	vgt.s32 v5, s0;
	vm3 =	vgt.s32 v6, s0  }
0x1a8: {  	v15 =	vshra.s32 v10, $0x1F;
	v14 =	vshra.s32 v11, $0x1F;
	v12 =	vshra.s32 v8, $0x1F  }
.Ltmp35:
0x1a9: {  	v15 =	vand.u32 $0x7FFFFFFF, v15;
	v12 =	vand.u32 $0x7FFFFFFF, v12;
	v16 =	vshra.s32 v9, $0x1F;
	(pc) =	sbr.rel @!p1 .LBB2_102-.Ltmp35, $4  }
0x1aa: {  	s28 =	sadd.s32 $0x40, s28;
	v14 =	vand.u32 $0x7FFFFFFF, v14;
	v8 =	vxor.u32 v12, v8;
	v12 =	vand.u32 $0x7FFFFFFF, v16  }
0x1ab: {  	v8 =	vxor.u32 $0x80000000, v8;
	v9 =	vxor.u32 v12, v9;
	v12 =	vxor.u32 v15, v10;
	v10 =	vld [tilespmem:s28+$0x10]  }
0x1ac: {  	v16 =	vxor.u32 v14, v11;
	v15 =	vnsel vm2, $0x0, v8;
	v9 =	vxor.u32 $0x80000000, v9;
	v11 =	vld [tilespmem:s28+$0x0]  }
0x1ad: {  	s31 =	sadd.s32 $0xFFFFFFFF, s31;
	v8 =	vld [tilespmem:s28+$0xFFFFFFE0];
	[tilespmem:s26+$0xFFFFFFE0] =	vst v15;
	v14 =	vmax.u32 v13, v15;
	v13 =	vnsel vm3, $0x0, v9;
	v15 =	vxor.u32 $0x80000000, v16  }
0x1ae: {  	_ =	sdelay $0x2  }
0x1af: {  	v9 =	vmov v11;
	v11 =	vmov v10  }
.LBB2_104:
0x1b0: {  	s0 =	sadd.s32 @p0 $0x2, s30;
	v10 =	vld [tilespmem:s28+$0xFFFFFFF0];
	v14 =	vmax.u32 @p0 v14, v13;
	v15 =	vnsel @p0 vm1, $0x0, v15  }
0x1b1: {  	v12 =	vxor.u32 @p0 $0x80000000, v12;
	v16 =	vshra.s32 v11, $0x1F;
	s29 =	smov.u32 @p0 s0;
	v14 =	vmax.u32 @p0 v14, v15  }
0x1b2: {  	v12 =	vnsel @p0 vm0, $0x0, v12;
	v16 =	vand.u32 $0x7FFFFFFF, v16;
	vm14 =	vgt.s32 v6, s29  }
0x1b3: {  	s0 =	sadd.s32 $0xFFFFFFFF, s29;
	v14 =	vmax.u32 @p0 v14, v12;
	vm3 =	vgt.s32 v5, s29;
	v63 =	vxor.u32 v16, v11  }
0x1b4: {  	vm15 =	vgt.s32 v5, s0;
	vm2 =	vgt.s32 v6, s0;
	v5 =	vshra.s32 v8, $0x1F  }
0x1b5: {  	v6 =	vshra.s32 v9, $0x1F;
	v5 =	vand.u32 $0x7FFFFFFF, v5;
	v62 =	vshra.s32 v10, $0x1F  }
0x1b6: {  	[tilespmem:s26+$0xFFFFFFF0] =	vst @p0 v13;
	v7 =	vpsel p0, v14, v7;
	v5 =	vxor.u32 v5, v8;
	v8 =	vand.u32 $0x7FFFFFFF, v62  }
0x1b7: {  	[tilespmem:s26+$0x0] =	vst @p0 v15;
	v6 =	vand.u32 $0x7FFFFFFF, v6;
	v5 =	vxor.u32 $0x80000000, v5;
	v8 =	vxor.u32 v8, v10  }
.Ltmp36:
0x1b8: {  	[tilespmem:s26+$0x10] =	vst @p0 v12;
	v6 =	vxor.u32 v6, v9;
	v5 =	vnsel vm15, $0x0, v5;
	v8 =	vxor.u32 $0x80000000, v8;
	(pc) =	sbr.rel .LBB2_95-.Ltmp36, $4  }
0x1b9: {  	v6 =	vxor.u32 $0x80000000, v6;
	[tilespmem:s28+$0xFFFFFFE0] =	vst v5;
	v5 =	vmax.u32 v7, v5;
	v7 =	vnsel vm2, $0x0, v8  }
0x1ba: {  	v6 =	vnsel vm3, $0x0, v6;
	[tilespmem:s28+$0xFFFFFFF0] =	vst v7;
	v5 =	vmax.u32 v5, v7;
	v7 =	vxor.u32 $0x80000000, v63  }
0x1bb: {  	[tilespmem:s28+$0x0] =	vst v6;
	v5 =	vmax.u32 v5, v6;
	v6 =	vnsel vm14, $0x0, v7  }
0x1bc: {  	[tilespmem:s28+$0x10] =	vst v6;
	v5 =	vmax.u32 v5, v6  }
.LBB2_28:
.Ltmp37:
0x1bd: {  	(pc) =	sbr.rel .LBB2_29-.Ltmp37, $3  }
0x1be: {  	_ =	sdelay $0x1  }
0x1bf: {  	s24 =	simm.s32 $0xFFFFFFFF  }
0x1c0: {  	p0 =	por $0x0, $0x0;
	s26 =	simm.s32 $0x0;
	s28 =	simm.s32 $0x0  }
.LBB2_33:
0x1c1: {  	(xrf0) =	vmax.scan.msk.u32 $0xffff, v5;
	_ =	sdelay $0x5  }
0x1c2: {  	v5, _, _ =	vpop (xrf0)  }
0x1c3: {  	(v2sf) =	vpush v5, $0xF;
	_ =	sdelay $0xe  }
0x1c4: {  	s0 =	spop (v2sf)  }
0x1c5: {  	p2 =	seq.s32 s0, $0x80000200;
	p3 =	sgt.u32 s0, $0x800001FF;
	s0 =	smov.u32 s25  }
0x1c6: {  	s0 =	smov.u32 @p3 s29  }
0x1c7: {  	s28 =	sadd.s32 $0x1, s28;
	s25 =	smov.u32 @p1 s0;
	s0 =	sadd.s32 $0xFFFFFFFF, s29  }
0x1c8: {  	s0 =	smov.u32 @p3 s24;
	p3 =	seq.s32 s28, $0x20  }
.Ltmp38:
0x1c9: {  	_ = 	snop;
	(pc) =	sbr.rel @p3 .LBB2_34-.Ltmp38, $4  }
0x1ca: {  	_ = 	snop  }
0x1cb: {  	p2 =	por !p1, !p2  }
0x1cc: {  	p2 =	por !p2, !p2  }
0x1cd: {  	p0 =	por p0, p2;
	s26 =	smov.u32 @p2 s29;
	s24 =	smov.u32 @p1 s0  }
.LBB2_29:
0x1ce: {  	p1 =	sgt.u32 s24, s25;
	p2 =	por !p0, !p0  }
0x1cf: {  	p1 =	por !p1, !p2  }
0x1d0: {  	p1 =	por !p1, !p1  }
.Ltmp39:
0x1d1: {  	_ = 	snop;
	(pc) =	sbr.rel @!p1 .LBB2_33-.Ltmp39, $4  }
0x1d2: {  	s0 =	ssub.s32 s24, s25  }
0x1d3: {  	s29 =	sshrl.u32 s0, $0x1  }
0x1d4: {  	s0 =	sand.u32 $0x1, s0;
	s29 =	sadd.s32 s25, s29  }
0x1d5: {  	v5 =	vimm.s32 $0x80000000;
	s29 =	sadd.s32 s0, s29  }
0x1d6: {  	s0 =	simm.s32 $0x8020  }
0x1d7: {  	v8 =	vld [tilespmem:s0+$0x0]  }
0x1d8: {  	v9 =	vld [tilespmem:s0+$0x10]  }
0x1d9: {  	v10 =	vld [tilespmem:s0+$0xFFFFFFE0]  }
0x1da: {  	v11 =	vld [tilespmem:s0+$0xFFFFFFF0];
	_ =	sdelay $0x2  }
0x1db: {  	v5 =	vmov s29  }
0x1dc: {  	v6 =	vimm.s32 $0x0;
	v7 =	vshra.s32 v8, $0x1F;
	v12 =	vshra.s32 v10, $0x1F  }
0x1dd: {  	v13 =	vshra.s32 v11, $0x1F;
	v14 =	vshra.s32 v9, $0x1F;
	v12 =	vand.u32 $0x7FFFFFFF, v12  }
0x1de: {  	s30 =	simm.s32 $0x0;
	s31 =	simm.s32 $0x8060;
	v15 =	vand.u32 $0x7FFFFFFF, v7;
	v14 =	vand.u32 $0x7FFFFFFF, v14;
	v7 =	vimm.s32 $0x0  }
.LBB2_31:
0x1df: {  	v13 =	vand.u32 $0x7FFFFFFF, v13;
	v15 =	vxor.u32 v15, v8;
	v8 =	vld [tilespmem:s31+$0x0];
	v14 =	vxor.u32 v14, v9  }
0x1e0: {  	v12 =	vxor.u32 v12, v10;
	v9 =	vld [tilespmem:s31+$0x10];
	v11 =	vxor.u32 v13, v11;
	v13 =	vxor.u32 $0x80000000, v15  }
0x1e1: {  	v12 =	vxor.u32 $0x80000000, v12;
	v14 =	vxor.u32 $0x80000000, v14;
	v10 =	vld [tilespmem:s31+$0xFFFFFFE0];
	v15 =	vxor.u32 $0x80000000, v11  }
0x1e2: {  	s30 =	sadd.s32 $0x1, s30;
	vm0 =	vge.u32 v12, v5;
	vm2 =	vge.u32 v13, v5;
	v11 =	vld [tilespmem:s31+$0xFFFFFFF0];
	vm1 =	vge.u32 v15, v5  }
0x1e3: {  	p2 =	slt.u32 s30, $0x1FF;
	v12 =	vmpcnt.ones.xlane vm0;
	vm0 =	vge.u32 v14, v5;
	v13 =	vmpcnt.ones.xlane vm1  }
.Ltmp40:
0x1e4: {  	v14 =	vmpcnt.ones.xlane vm2;
	v15 =	vmpcnt.ones.xlane vm0;
	(pc) =	sbr.rel @p2 .LBB2_31-.Ltmp40, $4  }
0x1e5: {  	v6 =	vadd.s32 v6, v12;
	v7 =	vadd.s32 v7, v13  }
0x1e6: {  	v16 =	vshra.s32 v8, $0x1F;
	v6 =	vadd.s32 v14, v6;
	v7 =	vadd.s32 v15, v7  }
0x1e7: {  	v14 =	vshra.s32 v9, $0x1F;
	v12 =	vshra.s32 v10, $0x1F;
	v13 =	vshra.s32 v11, $0x1F  }
0x1e8: {  	s31 =	sadd.s32 $0x40, s31;
	v15 =	vand.u32 $0x7FFFFFFF, v16;
	v14 =	vand.u32 $0x7FFFFFFF, v14;
	v12 =	vand.u32 $0x7FFFFFFF, v12  }
0x1e9: {  	v13 =	vand.u32 $0x7FFFFFFF, v13;
	v8 =	vxor.u32 v15, v8;
	v9 =	vxor.u32 v14, v9  }
0x1ea: {  	v10 =	vxor.u32 v12, v10;
	v11 =	vxor.u32 v13, v11;
	v8 =	vxor.u32 $0x80000000, v8  }
0x1eb: {  	v10 =	vxor.u32 $0x80000000, v10;
	v9 =	vxor.u32 $0x80000000, v9;
	v11 =	vxor.u32 $0x80000000, v11  }
0x1ec: {  	vm0 =	vge.u32 v10, v5;
	vm2 =	vge.u32 v8, v5;
	vm1 =	vge.u32 v11, v5  }
0x1ed: {  	vm15 =	vge.u32 v9, v5;
	v62 =	vmpcnt.ones.xlane vm0;
	v63 =	vmpcnt.ones.xlane vm1  }
.Ltmp41:
0x1ee: {  	v5 =	vmpcnt.ones.xlane vm2;
	v9 =	vmpcnt.ones.xlane vm15;
	(pc) =	sbr.rel .LBB2_33-.Ltmp41, $4  }
0x1ef: {  	v6 =	vadd.s32 v6, v62;
	v7 =	vadd.s32 v7, v63  }
0x1f0: {  	v5 =	vadd.s32 v5, v6;
	v6 =	vadd.s32 v9, v7  }
0x1f1: {  	v5 =	vadd.s32 v5, v6  }
0x1f2: {  	v5 =	vxor.u32 $0x80000000, v5  }
.LBB2_34:
.Ltmp42:
0x1f3: {  	(pc) =	sbr.rel .LBB2_35-.Ltmp42, $3  }
0x1f4: {  	_ =	sdelay $0x1  }
0x1f5: {  	s25 =	smov.u32 @p0 s26  }
0x1f6: {  	s24 =	smov.u32 s25  }
.LBB2_94:
0x1f7: {  	v5 =	vimm.s32 $0x0  }
.LBB2_95:
0x1f8: {  	(xrf0) =	vmax.scan.msk.u32 $0xffff, v5;
	_ =	sdelay $0x5  }
0x1f9: {  	v5, _, _ =	vpop (xrf0)  }
0x1fa: {  	(v2sf) =	vpush v5, $0xF;
	_ =	sdelay $0xa  }
.Ltmp43:
0x1fb: {  	_ = 	snop;
	(pc) =	sbr.rel .LBB2_96-.Ltmp43, $3  }
0x1fc: {  	_ =	sdelay $0x1  }
0x1fd: {  	s28 =	simm.s32 $0x0  }
0x1fe: {  	p0 =	por $0x0, $0x0;
	s29 =	smov.u32 s24;
	s26 =	spop (v2sf)  }
.LBB2_97:
0x1ff: {  	v5 =	vpsel p1, $0x80000000, v3  }
.LBB2_106:
0x200: {  	(xrf0) =	vmax.scan.msk.u32 $0xffff, v5;
	_ =	sdelay $0x5  }
0x201: {  	v5, _, _ =	vpop (xrf0)  }
0x202: {  	(v2sf) =	vpush v5, $0xF;
	_ =	sdelay $0xe  }
0x203: {  	s0 =	spop (v2sf)  }
0x204: {  	p2 =	seq.s32 s0, $0x80000200;
	p3 =	sgt.u32 s0, $0x800001FF;
	s0 =	smov.u32 s24  }
0x205: {  	s0 =	smov.u32 @p3 s30  }
0x206: {  	s28 =	sadd.s32 $0x1, s28;
	s24 =	smov.u32 @p1 s0;
	s0 =	sadd.s32 $0xFFFFFFFF, s30  }
0x207: {  	s0 =	smov.u32 @p3 s26;
	p3 =	seq.s32 s28, $0x20  }
.Ltmp44:
0x208: {  	_ = 	snop;
	(pc) =	sbr.rel @p3 .LBB2_107-.Ltmp44, $4  }
0x209: {  	_ = 	snop  }
0x20a: {  	p2 =	por !p1, !p2  }
0x20b: {  	p2 =	por !p2, !p2  }
0x20c: {  	p0 =	por p0, p2;
	s29 =	smov.u32 @p2 s30;
	s26 =	smov.u32 @p1 s0  }
.LBB2_96:
0x20d: {  	p1 =	sgt.u32 s26, s24;
	p2 =	por !p0, !p0  }
0x20e: {  	p1 =	por !p1, !p2  }
0x20f: {  	p1 =	por !p1, !p1  }
0x210: {  	p2 =	seq.s32 @p1 s25, $0x0  }
0x211: {  	p2 =	por !p1, p2  }
.Ltmp45:
0x212: {  	_ = 	snop;
	(pc) =	sbr.rel @p2 .LBB2_97-.Ltmp45, $4  }
0x213: {  	s0 =	ssub.s32 s26, s24  }
0x214: {  	s30 =	sshrl.u32 s0, $0x1  }
0x215: {  	s0 =	sand.u32 $0x1, s0;
	s30 =	sadd.s32 s24, s30  }
0x216: {  	s30 =	sadd.s32 s0, s30  }
0x217: {  	s0 =	simm.s32 $0x10020  }
0x218: {  	p2 =	seq.s32 s25, $0x1;
	v11 =	vld [tilespmem:s0+$0x0]  }
.Ltmp46:
0x219: {  	v7 =	vld [tilespmem:s0+$0xFFFFFFE0];
	(pc) =	sbr.rel @p2 .LBB2_110-.Ltmp46, $3  }
0x21a: {  	v10 =	vld [tilespmem:s0+$0xFFFFFFF0]  }
0x21b: {  	v8 =	vld [tilespmem:s0+$0x10];
	_ =	sdelay $0x1  }
0x21c: {  	v5 =	vmov s30;
	v6 =	vimm.s32 $0x0;
	s31 =	sadd.s32 $0xFFFFFFFF, s25;
	v9 =	vimm.s32 $0x0;
	s0 =	simm.s32 $0x10060  }
.LBB2_109:
0x21d: {  	v12 =	vld [tilespmem:s0+$0x0];
	p2 =	seq.s32 s31, $0x1  }
.Ltmp47:
0x21e: {  	vm0 =	vge.u32 v7, v5;
	vm2 =	vge.u32 v11, v5;
	v7 =	vld [tilespmem:s0+$0xFFFFFFE0];
	vm1 =	vge.u32 v10, v5;
	(pc) =	sbr.rel @!p2 .LBB2_109-.Ltmp47, $4  }
0x21f: {  	s31 =	sadd.s32 $0xFFFFFFFF, s31;
	v16 =	vmpcnt.ones.xlane vm0;
	v10 =	vld [tilespmem:s0+$0xFFFFFFF0];
	v13 =	vmpcnt.ones.xlane vm1;
	vm0 =	vge.u32 v8, v5  }
0x220: {  	v14 =	vmpcnt.ones.xlane vm2;
	v8 =	vld [tilespmem:s0+$0x10];
	v15 =	vmpcnt.ones.xlane vm0  }
0x221: {  	v6 =	vadd.s32 v6, v16;
	v9 =	vadd.s32 v9, v13  }
0x222: {  	s0 =	sadd.s32 $0x40, s0;
	v6 =	vadd.s32 v14, v6;
	v9 =	vadd.s32 v15, v9;
	v11 =	vmov v12  }
.LBB2_110:
0x223: {  	_ = 	snop  }
0x224: {  	vm0 =	vge.u32 v7, v5;
	vm2 =	vge.u32 v11, v5;
	vm1 =	vge.u32 v10, v5  }
0x225: {  	v7 =	vmpcnt.ones.xlane vm0;
	v10 =	vmpcnt.ones.xlane vm1;
	vm15 =	vge.u32 v8, v5  }
0x226: {  	v5 =	vmpcnt.ones.xlane vm2;
	v8 =	vmpcnt.ones.xlane vm15  }
0x227: {  	v6 =	vadd.s32 v6, v7;
	v7 =	vadd.s32 v9, v10  }
0x228: {  	v5 =	vadd.s32 v5, v6;
	v6 =	vadd.s32 v8, v7  }
.Ltmp48:
0x229: {  	(pc) =	sbr.rel .LBB2_106-.Ltmp48, $3  }
0x22a: {  	_ =	sdelay $0x1  }
0x22b: {  	v5 =	vadd.s32 v5, v6  }
0x22c: {  	v5 =	vxor.u32 $0x80000000, v5  }
.LBB2_107:
0x22d: {  	s24 =	smov.u32 @p0 s29  }
.LBB2_35:
0x22e: {  	s25 =	simm.s32 $0x8020  }
0x22f: {  	v5 =	vmov s24;
	v8 =	vld [tilespmem:s25+$0xFFFFFFE0]  }
0x230: {  	v5 =	vxor.u32 $0x80000000, v5;
	v7 =	vld [tilespmem:s25+$0x10]  }
0x231: {  	v9 =	vld [tilespmem:s25+$0x0];
	v5 =	vbroadcast v5, $0x0  }
0x232: {  	v10 =	vld [tilespmem:s25+$0xFFFFFFF0]  }
0x233: {  	v6 =	vshra.s32 v5, $0x1F  }
0x234: {  	v6 =	vand.u32 $0x7FFFFFFF, v6  }
0x235: {  	s24 =	simm.s32 $0x8060;
	v5 =	vxor.u32 v5, v6;
	v11 =	vadd.f32 v7, v4  }
0x236: {  	v6 =	vld [tilespmem:s24+$0xFFFFFFE0];
	v12 =	vadd.f32 v9, v4;
	v13 =	vadd.f32 v8, v4;
	vm1 =	vge.f32 v7, v5  }
0x237: {  	v14 =	vadd.f32 v10, v4;
	vm0 =	vge.f32 v9, v5;
	v7 =	vld [tilespmem:s24+$0x10];
	v11 =	vsel vm1, v11, v4  }
0x238: {  	v9 =	vld [tilespmem:s24+$0x0];
	vm15 =	vge.f32 v8, v5;
	vm2 =	vge.f32 v10, v5;
	v12 =	vsel vm0, v12, v4;
	[tilespmem:s25+$0x10] =	vst v11  }
0x239: {  	s28 =	simm.s32 $0x4;
	s26 =	simm.s32 $0x8060;
	v8 =	vld [tilespmem:s24+$0xFFFFFFF0];
	v10 =	vsel vm15, v13, v4;
	v11 =	vsel vm2, v14, v4;
	[tilespmem:s25+$0x0] =	vst v12  }
.LBB2_36:
0x23a: {  	s28 =	sadd.s32 $0x4, s28  }
0x23b: {  	s24 =	sadd.s32 $0x40, s24;
	[tilespmem:s25+$0xFFFFFFF0] =	vst v11;
	v11 =	vmov v6;
	p0 =	slt.u32 s28, $0x7FC  }
.Ltmp49:
0x23c: {  	v6 =	vld [tilespmem:s24+$0xFFFFFFE0];
	v12 =	vadd.f32 v7, v4;
	[tilespmem:s25+$0xFFFFFFE0] =	vst v10;
	s25 =	smov.u32 s26;
	(pc) =	sbr.rel @p0 .LBB2_36-.Ltmp49, $4  }
0x23d: {  	vm1 =	vge.f32 v7, v5;
	s26 =	smov.u32 s24;
	vm0 =	vge.f32 v9, v5;
	v10 =	vadd.f32 v9, v4;
	v7 =	vld [tilespmem:s24+$0x10]  }
0x23e: {  	v13 =	vadd.f32 v11, v4;
	v9 =	vld [tilespmem:s24+$0x0];
	v14 =	vadd.f32 v8, v4;
	v12 =	vsel vm1, v12, v4  }
0x23f: {  	vm1 =	vge.f32 v11, v5;
	vm2 =	vge.f32 v8, v5;
	v8 =	vld [tilespmem:s24+$0xFFFFFFF0];
	v15 =	vsel vm0, v10, v4;
	[tilespmem:s25+$0x10] =	vst v12  }
0x240: {  	v10 =	vsel vm1, v13, v4;
	v11 =	vsel vm2, v14, v4;
	[tilespmem:s25+$0x0] =	vst v15  }
0x241: {  	v63 =	vadd.f32 v6, v4  }
0x242: {  	[tilespmem:s25+$0xFFFFFFF0] =	vst v11;
	vm15 =	vge.f32 v6, v5;
	v12 =	vadd.f32 v7, v4  }
0x243: {  	[tilespmem:s25+$0xFFFFFFE0] =	vst v10;
	vm0 =	vge.f32 v7, v5;
	v7 =	vadd.f32 v9, v4;
	v6 =	vsel vm15, v63, v4  }
0x244: {  	vm1 =	vge.f32 v9, v5;
	v61 =	vadd.f32 v8, v4;
	v62 =	vsel vm0, v12, v4;
	[tilespmem:s26+$0xFFFFFFE0] =	vst v6  }
0x245: {  	vm14 =	vge.f32 v8, v5;
	v7 =	vsel vm1, v7, v4;
	[tilespmem:s26+$0x10] =	vst v62  }
0x246: {  	v5 =	vsel vm14, v61, v4;
	[tilespmem:s26+$0x0] =	vst v7  }
.Ltmp50:
0x247: {  	[tilespmem:s26+$0xFFFFFFF0] =	vst v5;
	(pc) =	sbr.rel .LBB2_38-.Ltmp50, $4  }
0x248: {  	[hbm4b:s8+s15] =	stream.strided.scatter [tilespmem:s19], [sflag:$0x4], $0x8000, s16, s15, $0x38;
	[tilespmem:$0x18080] =	vst v63  }
0x249: {  	s25 =	simm.s32 $0xFFFFFFFF;
	_ =	swait.ge [sflag:s17], $0x8000  }
0x24a: {  	p0 =	por $0x0, $0x0;
	s24 =	simm.s32 $0x0;
	[sflag:s17] =	ssyncset.done $0x0  }
0x24b: {  	s28 =	simm.s32 $0x0;
	s26 =	simm.s32 $0x0;
	[sflag:s17] =	ssyncadd.s32 $0xFFFF8000  }
.LBB2_42:
0x24c: {  	(xrf0) =	vmax.scan.msk.u32 $0xffff, v5;
	_ =	sdelay $0x5  }
0x24d: {  	v5, _, _ =	vpop (xrf0)  }
0x24e: {  	(v2sf) =	vpush v5, $0xF;
	_ =	sdelay $0xe  }
0x24f: {  	s0 =	spop (v2sf)  }
0x250: {  	p2 =	seq.s32 s0, $0x80000010;
	p3 =	sgt.u32 s0, $0x8000000F;
	s0 =	smov.u32 s24  }
0x251: {  	s0 =	smov.u32 @p3 s29  }
0x252: {  	s28 =	sadd.s32 $0x1, s28;
	s24 =	smov.u32 @p1 s0;
	s0 =	sadd.s32 $0xFFFFFFFF, s29  }
0x253: {  	s0 =	smov.u32 @p3 s25;
	p3 =	seq.s32 s28, $0x20  }
.Ltmp51:
0x254: {  	_ = 	snop;
	(pc) =	sbr.rel @p3 .LBB2_43-.Ltmp51, $4  }
0x255: {  	_ = 	snop  }
0x256: {  	p2 =	por !p1, !p2  }
0x257: {  	p2 =	por !p2, !p2  }
0x258: {  	p0 =	por p0, p2;
	s26 =	smov.u32 @p2 s29;
	s25 =	smov.u32 @p1 s0  }
.LBB2_38:
0x259: {  	p1 =	sgt.u32 s25, s24;
	p2 =	por !p0, !p0  }
0x25a: {  	p1 =	por !p1, !p2  }
0x25b: {  	p1 =	por !p1, !p1  }
.Ltmp52:
0x25c: {  	_ = 	snop;
	(pc) =	sbr.rel @!p1 .LBB2_42-.Ltmp52, $4  }
0x25d: {  	s0 =	ssub.s32 s25, s24  }
0x25e: {  	s29 =	sshrl.u32 s0, $0x1  }
0x25f: {  	s0 =	sand.u32 $0x1, s0;
	s29 =	sadd.s32 s24, s29  }
0x260: {  	v5 =	vimm.s32 $0x80000000;
	s29 =	sadd.s32 s0, s29  }
0x261: {  	s0 =	simm.s32 $0x0  }
0x262: {  	v7 =	vld [tilespmem:s0+$0x0];
	_ =	sdelay $0x3  }
0x263: {  	s31 =	simm.s32 $0x800  }
0x264: {  	v8 =	vld [tilespmem:s31+$0x0];
	v9 =	vshra.s32 v7, $0x1F  }
0x265: {  	v9 =	vand.u32 $0x7FFFFFFF, v9  }
0x266: {  	v7 =	vxor.u32 v9, v7  }
0x267: {  	v5 =	vmov s29;
	v7 =	vxor.u32 $0x80000000, v7  }
0x268: {  	vm0 =	vge.u32 v7, v5  }
0x269: {  	v6 =	vimm.s32 $0x0;
	s30 =	simm.s32 $0x1000;
	s0 =	simm.s32 $0x2;
	v9 =	vshra.s32 v8, $0x1F;
	v7 =	vmpcnt.ones.xlane vm0  }
.LBB2_40:
0x26a: {  	s0 =	sadd.s32 $0x1, s0  }
0x26b: {  	v10 =	vld [tilespmem:s30+$0x0];
	v9 =	vand.u32 $0x7FFFFFFF, v9;
	v6 =	vadd.s32 v6, v7;
	p2 =	slt.u32 s0, $0xF  }
.Ltmp53:
0x26c: {  	v7 =	vxor.u32 v9, v8;
	(pc) =	sbr.rel @p2 .LBB2_40-.Ltmp53, $4  }
0x26d: {  	v7 =	vxor.u32 $0x80000000, v7  }
0x26e: {  	vm0 =	vge.u32 v7, v5  }
0x26f: {  	v7 =	vmpcnt.ones.xlane vm0  }
0x270: {  	s30 =	sadd.s32 $0x800, s30;
	v9 =	vshra.s32 v10, $0x1F;
	v8 =	vmov v10  }
0x271: {  	v10 =	vld [tilespmem:s30+$0x0];
	_ =	sdelay $0x4  }
0x272: {  	v9 =	vand.u32 $0x7FFFFFFF, v9;
	v11 =	vshra.s32 v10, $0x1F  }
0x273: {  	v8 =	vxor.u32 v9, v8;
	v61 =	vand.u32 $0x7FFFFFFF, v11  }
0x274: {  	v8 =	vxor.u32 $0x80000000, v8;
	v9 =	vxor.u32 v61, v10  }
0x275: {  	vm0 =	vge.u32 v8, v5;
	v62 =	vxor.u32 $0x80000000, v9  }
.Ltmp54:
0x276: {  	v63 =	vmpcnt.ones.xlane vm0;
	vm15 =	vge.u32 v62, v5;
	(pc) =	sbr.rel .LBB2_42-.Ltmp54, $4  }
0x277: {  	v5 =	vadd.s32 v6, v7;
	v6 =	vmpcnt.ones.xlane vm15  }
0x278: {  	v5 =	vadd.s32 v5, v63  }
0x279: {  	v5 =	vadd.s32 v5, v6  }
0x27a: {  	v5 =	vxor.u32 $0x80000000, v5  }
.LBB2_43:
0x27b: {  	s24 =	smov.u32 @p0 s26  }
0x27c: {  	v5 =	vmov s24  }
0x27d: {  	s0 =	simm.s32 $0x0;
	v5 =	vxor.u32 $0x80000000, v5  }
0x27e: {  	v7 =	vbroadcast v5, $0x0;
	v5 =	vld [tilespmem:s0+$0x0]  }
0x27f: {  	v6 =	vld [tilespmem:s0+$0x10]  }
0x280: {  	v8 =	vshra.s32 v7, $0x1F  }
0x281: {  	v8 =	vand.u32 $0x7FFFFFFF, v8  }
0x282: {  	v9 =	vimm.s32 $0x0;
	v7 =	vxor.u32 v7, v8  }
0x283: {  	s25 =	simm.s32 $0x20;
	v10 =	vshll.u32 v9, $0x5;
	vm0 =	vge.f32 v5, v7  }
0x284: {  	v13 =	vor.u32 v0, v10;
	v8 =	vld [tilespmem:s25+$0x0];
	vm1 =	vge.f32 v6, v7  }
0x285: {  	v11 =	vld [tilespmem:s25+$0x10];
	v12 =	vor.u32 v1, v10  }
0x286: {  	v14 =	vsel vm0, $0x1, v2  }
0x287: {  	s0 =	simm.s32 $0x100;
	v10 =	vadd.s32 v14, v9;
	v14 =	vsel vm1, $0x1, v2  }
.LBB2_44:
0x288: {  	v15 =	vshll.u32 v10, $0x5  }
0x289: {  	s25 =	sshra.s32 s0, $0x2;
	[tilespmem:v13+s18+$0x0] =	vst.idx.msk vm0, v5;
	vm0 =	vge.f32 v8, v7;
	v9 =	vadd.s32 v14, v9;
	v5 =	vmov v8;
	p0 =	sne.s32 s0, $0x1FF80  }
.Ltmp55:
0x28a: {  	s0 =	sadd.s32 $0x80, s0;
	v8 =	vld [tilespmem:s25+$0x0];
	v13 =	vor.u32 v0, v15;
	v14 =	vshll.u32 v9, $0x5;
	[tilespmem:v12+s18+$0x0] =	vst.idx.msk vm1, v6;
	vm1 =	vge.f32 v11, v7;
	(pc) =	sbr.rel @p0 .LBB2_44-.Ltmp55, $3  }
0x28b: {  	v6 =	vmov v11;
	v12 =	vor.u32 v1, v14;
	v11 =	vld [tilespmem:s25+$0x10];
	_ =	sdelay $0x1  }
0x28c: {  	v14 =	vsel vm0, $0x1, v2  }
0x28d: {  	v10 =	vadd.s32 v14, v10;
	v14 =	vsel vm1, $0x1, v2  }
0x28e: {  	_ = 	snop  }
0x28f: {  	vm2 =	vge.f32 v8, v7;
	v15 =	vshll.u32 v10, $0x5;
	v9 =	vadd.s32 v14, v9  }
0x290: {  	vm3 =	vge.f32 v11, v7;
	v7 =	vor.u32 v0, v15;
	v14 =	vshll.u32 v9, $0x5  }
0x291: {  	v14 =	vor.u32 v1, v14;
	_ =	sdelay $0x1  }
0x292: {  	[tilespmem:v13+s18+$0x0] =	vst.idx.msk vm0, v5  }
0x293: {  	[tilespmem:v12+s18+$0x0] =	vst.idx.msk vm1, v6  }
0x294: {  	[tilespmem:v7+s18+$0x0] =	vst.idx.msk vm2, v8  }
0x295: {  	v5 =	vsel vm2, $0x1, v2;
	[tilespmem:v14+s18+$0x0] =	vst.idx.msk vm3, v11  }
0x296: {  	v5 =	vadd.s32 v5, v10;
	v6 =	vsel vm3, $0x1, v2;
	_ =	swait.ge [sflag:s22], $0x8000  }
0x297: {  	v6 =	vadd.s32 v6, v9;
	(xrf0) =	vadd.scan.msk.s32 $0xffff, v5  }
0x298: {  	(xrf0) =	vadd.scan.msk.s32 $0xffff, v6  }
0x299: {  	v7 =	vxor.u32 $0x80000000, v5  }
0x29a: {  	(xrf0) =	vmax.scan.msk.u32 $0xffff, v7;
	v7 =	vxor.u32 $0x80000000, v6;
	_ =	sdelay $0x2  }
0x29b: {  	(xrf0) =	vmax.scan.msk.u32 $0xffff, v7;
	v7, _, _ =	vpop (xrf0)  }
0x29c: {  	v8, _, _ =	vpop (xrf0);
	(v2sf) =	vpush v7, $0xF  }
0x29d: {  	(v2sf) =	vpush v8, $0xF;
	_ =	sdelay $0x4  }
0x29e: {  	v7, _, _ =	vpop (xrf0)  }
0x29f: {  	(v2sf) =	vpush v7, $0xF;
	v7, _, _ =	vpop (xrf0)  }
0x2a0: {  	(v2sf) =	vpush v7, $0xF;
	_ =	sdelay $0x6  }
0x2a1: {  	s0 =	spop (v2sf)  }
0x2a2: {  	s25 =	spop (v2sf)  }
0x2a3: {  	s25 =	sadd.s32 s0, s25  }
0x2a4: {  	p0 =	slt.s32 s25, $0x200  }
.Ltmp56:
0x2a5: {  	[sflag:s22] =	ssyncset.done $0x0;
	(pc) =	sbr.rel @p0 .LBB2_46-.Ltmp56, $4  }
0x2a6: {  	[sflag:s22] =	ssyncadd.s32 $0xFFFF8000  }
0x2a7: {  	[tilespmem:s19], [sflag:$0x2] =	stream.strided.gather [hbm4b:s9+s15], $0x8000, s16, s15, $0x38;
	[tilespmem:$0x18080] =	vst v63  }
0x2a8: {  	s0 =	spop (v2sf)  }
0x2a9: {  	s25 =	spop (v2sf)  }
0x2aa: {  	s0 =	sxor.u32 $0x80000000, s0;
	s25 =	sxor.u32 $0x80000000, s25  }
0x2ab: {  	p0 =	sgt.s32 s0, s25  }
0x2ac: {  	s25 =	smov.u32 @p0 s0  }
0x2ad: {  	s0 =	sadd.s32 $0x1, s25  }
0x2ae: {  	s25 =	sshrl.u32 s0, $0x1  }
0x2af: {  	p0 =	seq.s32 s25, $0x0  }
.Ltmp57:
0x2b0: {  	_ = 	snop;
	(pc) =	sbr.rel @p0 .LBB2_112-.Ltmp57, $1  }
0x2b1: {  	_ =	sdelay $0x3  }
0x2b2: {  	p1 =	seq.s32 s25, $0x1  }
.Ltmp58:
0x2b3: {  	_ = 	snop;
	(pc) =	sbr.rel @p1 .LBB2_117-.Ltmp58, $4  }
0x2b4: {  	s26 =	simm.s32 $0x10020  }
0x2b5: {  	v11 =	vld [tilespmem:s26+$0x10]  }
0x2b6: {  	v9 =	vld [tilespmem:s26+$0x0]  }
0x2b7: {  	v7 =	vimm.s32 $0x0;
	s29 =	simm.s32 $0x1;
	s0 =	sadd.s32 $0xFFFFFFFF, s25;
	p0 =	por $0x0, $0x0;
	v8 =	vld [tilespmem:s26+$0xFFFFFFE0]  }
0x2b8: {  	v12 =	vld [tilespmem:s26+$0xFFFFFFF0];
	_ =	sdelay $0x1  }
0x2b9: {  	s28 =	simm.s32 $0x0;
	vm0 =	vgt.s32 v6, s29  }
0x2ba: {  	vm1 =	vgt.s32 v5, s29;
	vm2 =	vgt.s32 v5, s28;
	vm3 =	vgt.s32 v6, s28  }
0x2bb: {  	p1 =	seq.s32 s0, $0x1;
	v14 =	vshra.s32 v11, $0x1F;
	v13 =	vshra.s32 v9, $0x1F;
	v10 =	vshra.s32 v8, $0x1F  }
.Ltmp59:
0x2bc: {  	v14 =	vand.u32 $0x7FFFFFFF, v14;
	v10 =	vand.u32 $0x7FFFFFFF, v10;
	v15 =	vshra.s32 v12, $0x1F;
	(pc) =	sbr.rel @p1 .LBB2_119-.Ltmp59, $4  }
0x2bd: {  	s28 =	simm.s32 $0x10060;
	v13 =	vand.u32 $0x7FFFFFFF, v13;
	v8 =	vxor.u32 v10, v8;
	v15 =	vand.u32 $0x7FFFFFFF, v15  }
0x2be: {  	v9 =	vxor.u32 v13, v9;
	v10 =	vld [tilespmem:s28+$0x10];
	v8 =	vxor.u32 $0x80000000, v8;
	v15 =	vxor.u32 v15, v12  }
0x2bf: {  	v12 =	vxor.u32 v14, v11;
	v11 =	vld [tilespmem:s28+$0x0];
	v14 =	vnsel vm2, $0x0, v8;
	v15 =	vxor.u32 $0x80000000, v15  }
0x2c0: {  	s31 =	sadd.s32 $0xFFFFFFFF, s0;
	p0 =	por $0x1, $0x1;
	s30 =	simm.s32 $0x1;
	v8 =	vld [tilespmem:s28+$0xFFFFFFE0];
	[tilespmem:s26+$0xFFFFFFE0] =	vst v14;
	v14 =	vmax.u32 v7, v14;
	v13 =	vnsel vm3, $0x0, v15;
	v15 =	vxor.u32 $0x80000000, v9  }
.LBB2_120:
0x2c1: {  	p1 =	seq.s32 s31, $0x1;
	v9 =	vld [tilespmem:s28+$0xFFFFFFF0];
	[tilespmem:s26+$0xFFFFFFF0] =	vst v13;
	v13 =	vmax.u32 v14, v13;
	v14 =	vnsel vm1, $0x0, v15;
	v12 =	vxor.u32 $0x80000000, v12  }
0x2c2: {  	s30 =	sadd.s32 $0x2, s30;
	[tilespmem:s26+$0x0] =	vst v14;
	v13 =	vmax.u32 v13, v14;
	v12 =	vnsel vm0, $0x0, v12  }
0x2c3: {  	s0 =	sadd.s32 $0xFFFFFFFF, s30;
	vm0 =	vgt.s32 v6, s30;
	[tilespmem:s26+$0x10] =	vst v12;
	v13 =	vmax.u32 v13, v12;
	s26 =	smov.u32 s28  }
0x2c4: {  	vm1 =	vgt.s32 v5, s30;
	vm2 =	vgt.s32 v5, s0;
	vm3 =	vgt.s32 v6, s0  }
0x2c5: {  	v15 =	vshra.s32 v10, $0x1F;
	v14 =	vshra.s32 v11, $0x1F;
	v12 =	vshra.s32 v8, $0x1F  }
.Ltmp60:
0x2c6: {  	v15 =	vand.u32 $0x7FFFFFFF, v15;
	v12 =	vand.u32 $0x7FFFFFFF, v12;
	v16 =	vshra.s32 v9, $0x1F;
	(pc) =	sbr.rel @!p1 .LBB2_120-.Ltmp60, $4  }
0x2c7: {  	s28 =	sadd.s32 $0x40, s28;
	v14 =	vand.u32 $0x7FFFFFFF, v14;
	v8 =	vxor.u32 v12, v8;
	v12 =	vand.u32 $0x7FFFFFFF, v16  }
0x2c8: {  	v8 =	vxor.u32 $0x80000000, v8;
	v9 =	vxor.u32 v12, v9;
	v12 =	vxor.u32 v15, v10;
	v10 =	vld [tilespmem:s28+$0x10]  }
0x2c9: {  	v16 =	vxor.u32 v14, v11;
	v15 =	vnsel vm2, $0x0, v8;
	v9 =	vxor.u32 $0x80000000, v9;
	v11 =	vld [tilespmem:s28+$0x0]  }
0x2ca: {  	s31 =	sadd.s32 $0xFFFFFFFF, s31;
	v8 =	vld [tilespmem:s28+$0xFFFFFFE0];
	[tilespmem:s26+$0xFFFFFFE0] =	vst v15;
	v14 =	vmax.u32 v13, v15;
	v13 =	vnsel vm3, $0x0, v9;
	v15 =	vxor.u32 $0x80000000, v16  }
0x2cb: {  	_ =	sdelay $0x2  }
0x2cc: {  	v9 =	vmov v11;
	v11 =	vmov v10  }
.LBB2_122:
0x2cd: {  	s0 =	sadd.s32 @p0 $0x2, s30;
	v10 =	vld [tilespmem:s28+$0xFFFFFFF0];
	v14 =	vmax.u32 @p0 v14, v13;
	v15 =	vnsel @p0 vm1, $0x0, v15  }
0x2ce: {  	v12 =	vxor.u32 @p0 $0x80000000, v12;
	v16 =	vshra.s32 v11, $0x1F;
	s29 =	smov.u32 @p0 s0;
	v14 =	vmax.u32 @p0 v14, v15  }
0x2cf: {  	v12 =	vnsel @p0 vm0, $0x0, v12;
	v16 =	vand.u32 $0x7FFFFFFF, v16;
	vm14 =	vgt.s32 v6, s29  }
0x2d0: {  	s0 =	sadd.s32 $0xFFFFFFFF, s29;
	v14 =	vmax.u32 @p0 v14, v12;
	vm3 =	vgt.s32 v5, s29;
	v63 =	vxor.u32 v16, v11  }
0x2d1: {  	vm15 =	vgt.s32 v5, s0;
	vm2 =	vgt.s32 v6, s0;
	v5 =	vshra.s32 v8, $0x1F  }
0x2d2: {  	v6 =	vshra.s32 v9, $0x1F;
	v5 =	vand.u32 $0x7FFFFFFF, v5;
	v62 =	vshra.s32 v10, $0x1F  }
0x2d3: {  	[tilespmem:s26+$0xFFFFFFF0] =	vst @p0 v13;
	v7 =	vpsel p0, v14, v7;
	v5 =	vxor.u32 v5, v8;
	v8 =	vand.u32 $0x7FFFFFFF, v62  }
0x2d4: {  	[tilespmem:s26+$0x0] =	vst @p0 v15;
	v6 =	vand.u32 $0x7FFFFFFF, v6;
	v5 =	vxor.u32 $0x80000000, v5;
	v8 =	vxor.u32 v8, v10  }
.Ltmp61:
0x2d5: {  	[tilespmem:s26+$0x10] =	vst @p0 v12;
	v6 =	vxor.u32 v6, v9;
	v5 =	vnsel vm15, $0x0, v5;
	v8 =	vxor.u32 $0x80000000, v8;
	(pc) =	sbr.rel .LBB2_113-.Ltmp61, $4  }
0x2d6: {  	v6 =	vxor.u32 $0x80000000, v6;
	[tilespmem:s28+$0xFFFFFFE0] =	vst v5;
	v5 =	vmax.u32 v7, v5;
	v7 =	vnsel vm2, $0x0, v8  }
0x2d7: {  	v6 =	vnsel vm3, $0x0, v6;
	[tilespmem:s28+$0xFFFFFFF0] =	vst v7;
	v5 =	vmax.u32 v5, v7;
	v7 =	vxor.u32 $0x80000000, v63  }
0x2d8: {  	[tilespmem:s28+$0x0] =	vst v6;
	v5 =	vmax.u32 v5, v6;
	v6 =	vnsel vm14, $0x0, v7  }
0x2d9: {  	[tilespmem:s28+$0x10] =	vst v6;
	v5 =	vmax.u32 v5, v6  }
.LBB2_46:
.Ltmp62:
0x2da: {  	(pc) =	sbr.rel .LBB2_47-.Ltmp62, $3  }
0x2db: {  	_ =	sdelay $0x1  }
0x2dc: {  	s25 =	simm.s32 $0xFFFFFFFF;
	p0 =	por $0x0, $0x0  }
0x2dd: {  	s24 =	simm.s32 $0x0;
	s26 =	simm.s32 $0x0;
	s28 =	simm.s32 $0x0  }
.LBB2_51:
0x2de: {  	(xrf0) =	vmax.scan.msk.u32 $0xffff, v5;
	_ =	sdelay $0x5  }
0x2df: {  	v5, _, _ =	vpop (xrf0)  }
0x2e0: {  	(v2sf) =	vpush v5, $0xF;
	_ =	sdelay $0xe  }
0x2e1: {  	s0 =	spop (v2sf)  }
0x2e2: {  	p2 =	seq.s32 s0, $0x80000200;
	p3 =	sgt.u32 s0, $0x800001FF;
	s0 =	smov.u32 s24  }
0x2e3: {  	s0 =	smov.u32 @p3 s29  }
0x2e4: {  	s28 =	sadd.s32 $0x1, s28;
	s24 =	smov.u32 @p1 s0;
	s0 =	sadd.s32 $0xFFFFFFFF, s29  }
0x2e5: {  	s0 =	smov.u32 @p3 s25;
	p3 =	seq.s32 s28, $0x20  }
.Ltmp63:
0x2e6: {  	_ = 	snop;
	(pc) =	sbr.rel @p3 .LBB2_52-.Ltmp63, $4  }
0x2e7: {  	_ = 	snop  }
0x2e8: {  	p2 =	por !p1, !p2  }
0x2e9: {  	p2 =	por !p2, !p2  }
0x2ea: {  	p0 =	por p0, p2;
	s26 =	smov.u32 @p2 s29;
	s25 =	smov.u32 @p1 s0  }
.LBB2_47:
0x2eb: {  	p1 =	sgt.u32 s25, s24;
	p2 =	por !p0, !p0  }
0x2ec: {  	p1 =	por !p1, !p2  }
0x2ed: {  	p1 =	por !p1, !p1  }
.Ltmp64:
0x2ee: {  	_ = 	snop;
	(pc) =	sbr.rel @!p1 .LBB2_51-.Ltmp64, $4  }
0x2ef: {  	s0 =	ssub.s32 s25, s24  }
0x2f0: {  	s29 =	sshrl.u32 s0, $0x1  }
0x2f1: {  	s0 =	sand.u32 $0x1, s0;
	s29 =	sadd.s32 s24, s29  }
0x2f2: {  	v5 =	vimm.s32 $0x80000000;
	s29 =	sadd.s32 s0, s29  }
0x2f3: {  	s0 =	simm.s32 $0x20  }
0x2f4: {  	v8 =	vld [tilespmem:s0+$0x0]  }
0x2f5: {  	v9 =	vld [tilespmem:s0+$0x10]  }
0x2f6: {  	v10 =	vld [tilespmem:s0+$0xFFFFFFE0]  }
0x2f7: {  	v11 =	vld [tilespmem:s0+$0xFFFFFFF0];
	_ =	sdelay $0x2  }
0x2f8: {  	v5 =	vmov s29  }
0x2f9: {  	v6 =	vimm.s32 $0x0;
	v7 =	vshra.s32 v8, $0x1F;
	v12 =	vshra.s32 v10, $0x1F  }
0x2fa: {  	v13 =	vshra.s32 v11, $0x1F;
	v14 =	vshra.s32 v9, $0x1F;
	v12 =	vand.u32 $0x7FFFFFFF, v12  }
0x2fb: {  	s30 =	simm.s32 $0x0;
	s31 =	simm.s32 $0x60;
	v15 =	vand.u32 $0x7FFFFFFF, v7;
	v14 =	vand.u32 $0x7FFFFFFF, v14;
	v7 =	vimm.s32 $0x0  }
.LBB2_49:
0x2fc: {  	v13 =	vand.u32 $0x7FFFFFFF, v13;
	v15 =	vxor.u32 v15, v8;
	v8 =	vld [tilespmem:s31+$0x0];
	v14 =	vxor.u32 v14, v9  }
0x2fd: {  	v12 =	vxor.u32 v12, v10;
	v9 =	vld [tilespmem:s31+$0x10];
	v11 =	vxor.u32 v13, v11;
	v13 =	vxor.u32 $0x80000000, v15  }
0x2fe: {  	v12 =	vxor.u32 $0x80000000, v12;
	v14 =	vxor.u32 $0x80000000, v14;
	v10 =	vld [tilespmem:s31+$0xFFFFFFE0];
	v15 =	vxor.u32 $0x80000000, v11  }
0x2ff: {  	s30 =	sadd.s32 $0x1, s30;
	vm0 =	vge.u32 v12, v5;
	vm2 =	vge.u32 v13, v5;
	v11 =	vld [tilespmem:s31+$0xFFFFFFF0];
	vm1 =	vge.u32 v15, v5  }
0x300: {  	p2 =	slt.u32 s30, $0x1FF;
	v12 =	vmpcnt.ones.xlane vm0;
	vm0 =	vge.u32 v14, v5;
	v13 =	vmpcnt.ones.xlane vm1  }
.Ltmp65:
0x301: {  	v14 =	vmpcnt.ones.xlane vm2;
	v15 =	vmpcnt.ones.xlane vm0;
	(pc) =	sbr.rel @p2 .LBB2_49-.Ltmp65, $4  }
0x302: {  	v6 =	vadd.s32 v6, v12;
	v7 =	vadd.s32 v7, v13  }
0x303: {  	v16 =	vshra.s32 v8, $0x1F;
	v6 =	vadd.s32 v14, v6;
	v7 =	vadd.s32 v15, v7  }
0x304: {  	v14 =	vshra.s32 v9, $0x1F;
	v12 =	vshra.s32 v10, $0x1F;
	v13 =	vshra.s32 v11, $0x1F  }
0x305: {  	s31 =	sadd.s32 $0x40, s31;
	v15 =	vand.u32 $0x7FFFFFFF, v16;
	v14 =	vand.u32 $0x7FFFFFFF, v14;
	v12 =	vand.u32 $0x7FFFFFFF, v12  }
0x306: {  	v13 =	vand.u32 $0x7FFFFFFF, v13;
	v8 =	vxor.u32 v15, v8;
	v9 =	vxor.u32 v14, v9  }
0x307: {  	v10 =	vxor.u32 v12, v10;
	v11 =	vxor.u32 v13, v11;
	v8 =	vxor.u32 $0x80000000, v8  }
0x308: {  	v10 =	vxor.u32 $0x80000000, v10;
	v9 =	vxor.u32 $0x80000000, v9;
	v11 =	vxor.u32 $0x80000000, v11  }
0x309: {  	vm0 =	vge.u32 v10, v5;
	vm2 =	vge.u32 v8, v5;
	vm1 =	vge.u32 v11, v5  }
0x30a: {  	vm15 =	vge.u32 v9, v5;
	v62 =	vmpcnt.ones.xlane vm0;
	v63 =	vmpcnt.ones.xlane vm1  }
.Ltmp66:
0x30b: {  	v5 =	vmpcnt.ones.xlane vm2;
	v9 =	vmpcnt.ones.xlane vm15;
	(pc) =	sbr.rel .LBB2_51-.Ltmp66, $4  }
0x30c: {  	v6 =	vadd.s32 v6, v62;
	v7 =	vadd.s32 v7, v63  }
0x30d: {  	v5 =	vadd.s32 v5, v6;
	v6 =	vadd.s32 v9, v7  }
0x30e: {  	v5 =	vadd.s32 v5, v6  }
0x30f: {  	v5 =	vxor.u32 $0x80000000, v5  }
.LBB2_52:
.Ltmp67:
0x310: {  	(pc) =	sbr.rel .LBB2_53-.Ltmp67, $2  }
0x311: {  	_ =	sdelay $0x2  }
0x312: {  	s24 =	smov.u32 @p0 s26  }
.LBB2_112:
0x313: {  	v5 =	vimm.s32 $0x0  }
.LBB2_113:
0x314: {  	(xrf0) =	vmax.scan.msk.u32 $0xffff, v5;
	_ =	sdelay $0x5  }
0x315: {  	v5, _, _ =	vpop (xrf0)  }
0x316: {  	(v2sf) =	vpush v5, $0xF;
	_ =	sdelay $0xa  }
.Ltmp68:
0x317: {  	_ = 	snop;
	(pc) =	sbr.rel .LBB2_114-.Ltmp68, $3  }
0x318: {  	_ =	sdelay $0x1  }
0x319: {  	s28 =	simm.s32 $0x0  }
0x31a: {  	p0 =	por $0x0, $0x0;
	s29 =	smov.u32 s24;
	s26 =	spop (v2sf)  }
.LBB2_115:
0x31b: {  	v5 =	vpsel p1, $0x80000000, v3  }
.LBB2_124:
0x31c: {  	(xrf0) =	vmax.scan.msk.u32 $0xffff, v5;
	_ =	sdelay $0x5  }
0x31d: {  	v5, _, _ =	vpop (xrf0)  }
0x31e: {  	(v2sf) =	vpush v5, $0xF;
	_ =	sdelay $0xe  }
0x31f: {  	s0 =	spop (v2sf)  }
0x320: {  	p2 =	seq.s32 s0, $0x80000200;
	p3 =	sgt.u32 s0, $0x800001FF;
	s0 =	smov.u32 s24  }
0x321: {  	s0 =	smov.u32 @p3 s30  }
0x322: {  	s28 =	sadd.s32 $0x1, s28;
	s24 =	smov.u32 @p1 s0;
	s0 =	sadd.s32 $0xFFFFFFFF, s30  }
0x323: {  	s0 =	smov.u32 @p3 s26;
	p3 =	seq.s32 s28, $0x20  }
.Ltmp69:
0x324: {  	_ = 	snop;
	(pc) =	sbr.rel @p3 .LBB2_125-.Ltmp69, $4  }
0x325: {  	_ = 	snop  }
0x326: {  	p2 =	por !p1, !p2  }
0x327: {  	p2 =	por !p2, !p2  }
0x328: {  	p0 =	por p0, p2;
	s29 =	smov.u32 @p2 s30;
	s26 =	smov.u32 @p1 s0  }
.LBB2_114:
0x329: {  	p1 =	sgt.u32 s26, s24;
	p2 =	por !p0, !p0  }
0x32a: {  	p1 =	por !p1, !p2  }
0x32b: {  	p1 =	por !p1, !p1  }
0x32c: {  	p2 =	seq.s32 @p1 s25, $0x0  }
0x32d: {  	p2 =	por !p1, p2  }
.Ltmp70:
0x32e: {  	_ = 	snop;
	(pc) =	sbr.rel @p2 .LBB2_115-.Ltmp70, $4  }
0x32f: {  	s0 =	ssub.s32 s26, s24  }
0x330: {  	s30 =	sshrl.u32 s0, $0x1  }
0x331: {  	s0 =	sand.u32 $0x1, s0;
	s30 =	sadd.s32 s24, s30  }
0x332: {  	s30 =	sadd.s32 s0, s30  }
0x333: {  	s0 =	simm.s32 $0x10020  }
0x334: {  	p2 =	seq.s32 s25, $0x1;
	v11 =	vld [tilespmem:s0+$0x0]  }
.Ltmp71:
0x335: {  	v7 =	vld [tilespmem:s0+$0xFFFFFFE0];
	(pc) =	sbr.rel @p2 .LBB2_128-.Ltmp71, $3  }
0x336: {  	v10 =	vld [tilespmem:s0+$0xFFFFFFF0]  }
0x337: {  	v8 =	vld [tilespmem:s0+$0x10];
	_ =	sdelay $0x1  }
0x338: {  	v5 =	vmov s30;
	v6 =	vimm.s32 $0x0;
	s31 =	sadd.s32 $0xFFFFFFFF, s25;
	v9 =	vimm.s32 $0x0;
	s0 =	simm.s32 $0x10060  }
.LBB2_127:
0x339: {  	v12 =	vld [tilespmem:s0+$0x0];
	p2 =	seq.s32 s31, $0x1  }
.Ltmp72:
0x33a: {  	vm0 =	vge.u32 v7, v5;
	vm2 =	vge.u32 v11, v5;
	v7 =	vld [tilespmem:s0+$0xFFFFFFE0];
	vm1 =	vge.u32 v10, v5;
	(pc) =	sbr.rel @!p2 .LBB2_127-.Ltmp72, $4  }
0x33b: {  	s31 =	sadd.s32 $0xFFFFFFFF, s31;
	v16 =	vmpcnt.ones.xlane vm0;
	v10 =	vld [tilespmem:s0+$0xFFFFFFF0];
	v13 =	vmpcnt.ones.xlane vm1;
	vm0 =	vge.u32 v8, v5  }
0x33c: {  	v14 =	vmpcnt.ones.xlane vm2;
	v8 =	vld [tilespmem:s0+$0x10];
	v15 =	vmpcnt.ones.xlane vm0  }
0x33d: {  	v6 =	vadd.s32 v6, v16;
	v9 =	vadd.s32 v9, v13  }
0x33e: {  	s0 =	sadd.s32 $0x40, s0;
	v6 =	vadd.s32 v14, v6;
	v9 =	vadd.s32 v15, v9;
	v11 =	vmov v12  }
.LBB2_128:
0x33f: {  	_ = 	snop  }
0x340: {  	vm0 =	vge.u32 v7, v5;
	vm2 =	vge.u32 v11, v5;
	vm1 =	vge.u32 v10, v5  }
0x341: {  	v7 =	vmpcnt.ones.xlane vm0;
	v10 =	vmpcnt.ones.xlane vm1;
	vm15 =	vge.u32 v8, v5  }
0x342: {  	v5 =	vmpcnt.ones.xlane vm2;
	v8 =	vmpcnt.ones.xlane vm15  }
0x343: {  	v6 =	vadd.s32 v6, v7;
	v7 =	vadd.s32 v9, v10  }
0x344: {  	v5 =	vadd.s32 v5, v6;
	v6 =	vadd.s32 v8, v7  }
.Ltmp73:
0x345: {  	(pc) =	sbr.rel .LBB2_124-.Ltmp73, $3  }
0x346: {  	_ =	sdelay $0x1  }
0x347: {  	v5 =	vadd.s32 v5, v6  }
0x348: {  	v5 =	vxor.u32 $0x80000000, v5  }
.LBB2_125:
0x349: {  	s24 =	smov.u32 @p0 s29  }
.LBB2_53:
0x34a: {  	s25 =	simm.s32 $0x20  }
0x34b: {  	v5 =	vmov s24;
	v8 =	vld [tilespmem:s25+$0xFFFFFFE0]  }
0x34c: {  	v5 =	vxor.u32 $0x80000000, v5;
	v7 =	vld [tilespmem:s25+$0x10]  }
0x34d: {  	v9 =	vld [tilespmem:s25+$0x0];
	v5 =	vbroadcast v5, $0x0  }
0x34e: {  	v10 =	vld [tilespmem:s25+$0xFFFFFFF0]  }
0x34f: {  	v6 =	vshra.s32 v5, $0x1F  }
0x350: {  	v6 =	vand.u32 $0x7FFFFFFF, v6  }
0x351: {  	s24 =	simm.s32 $0x60;
	v5 =	vxor.u32 v5, v6;
	v11 =	vadd.f32 v7, v4  }
0x352: {  	v6 =	vld [tilespmem:s24+$0xFFFFFFE0];
	v12 =	vadd.f32 v9, v4;
	v13 =	vadd.f32 v8, v4;
	vm1 =	vge.f32 v7, v5  }
0x353: {  	v14 =	vadd.f32 v10, v4;
	vm0 =	vge.f32 v9, v5;
	v7 =	vld [tilespmem:s24+$0x10];
	v11 =	vsel vm1, v11, v4  }
0x354: {  	v9 =	vld [tilespmem:s24+$0x0];
	vm15 =	vge.f32 v8, v5;
	vm2 =	vge.f32 v10, v5;
	v12 =	vsel vm0, v12, v4;
	[tilespmem:s25+$0x10] =	vst v11  }
0x355: {  	s28 =	simm.s32 $0x4;
	s26 =	simm.s32 $0x60;
	v8 =	vld [tilespmem:s24+$0xFFFFFFF0];
	v10 =	vsel vm15, v13, v4;
	v11 =	vsel vm2, v14, v4;
	[tilespmem:s25+$0x0] =	vst v12  }
.LBB2_54:
0x356: {  	s28 =	sadd.s32 $0x4, s28  }
0x357: {  	s24 =	sadd.s32 $0x40, s24;
	[tilespmem:s25+$0xFFFFFFF0] =	vst v11;
	v11 =	vmov v6;
	p0 =	slt.u32 s28, $0x7FC  }
.Ltmp74:
0x358: {  	v6 =	vld [tilespmem:s24+$0xFFFFFFE0];
	v12 =	vadd.f32 v7, v4;
	[tilespmem:s25+$0xFFFFFFE0] =	vst v10;
	s25 =	smov.u32 s26;
	(pc) =	sbr.rel @p0 .LBB2_54-.Ltmp74, $4  }
0x359: {  	vm1 =	vge.f32 v7, v5;
	s26 =	smov.u32 s24;
	vm0 =	vge.f32 v9, v5;
	v10 =	vadd.f32 v9, v4;
	v7 =	vld [tilespmem:s24+$0x10]  }
0x35a: {  	v13 =	vadd.f32 v11, v4;
	v9 =	vld [tilespmem:s24+$0x0];
	v14 =	vadd.f32 v8, v4;
	v12 =	vsel vm1, v12, v4  }
0x35b: {  	vm1 =	vge.f32 v11, v5;
	vm2 =	vge.f32 v8, v5;
	v8 =	vld [tilespmem:s24+$0xFFFFFFF0];
	v15 =	vsel vm0, v10, v4;
	[tilespmem:s25+$0x10] =	vst v12  }
0x35c: {  	v10 =	vsel vm1, v13, v4;
	v11 =	vsel vm2, v14, v4;
	[tilespmem:s25+$0x0] =	vst v15  }
0x35d: {  	v63 =	vadd.f32 v6, v4  }
0x35e: {  	[tilespmem:s25+$0xFFFFFFF0] =	vst v11;
	vm15 =	vge.f32 v6, v5;
	v12 =	vadd.f32 v7, v4  }
0x35f: {  	[tilespmem:s25+$0xFFFFFFE0] =	vst v10;
	vm0 =	vge.f32 v7, v5;
	v7 =	vadd.f32 v9, v4;
	v6 =	vsel vm15, v63, v4  }
0x360: {  	vm1 =	vge.f32 v9, v5;
	v61 =	vadd.f32 v8, v4;
	v62 =	vsel vm0, v12, v4;
	[tilespmem:s26+$0xFFFFFFE0] =	vst v6  }
0x361: {  	vm14 =	vge.f32 v8, v5;
	v7 =	vsel vm1, v7, v4;
	[tilespmem:s26+$0x10] =	vst v62  }
0x362: {  	v5 =	vsel vm14, v61, v4;
	[tilespmem:s26+$0x0] =	vst v7  }
.Ltmp75:
0x363: {  	s24 =	simm.s32 $0x0;
	[tilespmem:s26+$0xFFFFFFF0] =	vst v5;
	(pc) =	sbr.rel .LBB2_56-.Ltmp75, $4  }
0x364: {  	[hbm4b:s10+s15] =	stream.strided.scatter [tilespmem:s24], [sflag:$0x3], $0x8000, s16, s15, $0x38;
	[tilespmem:$0x18080] =	vst v63  }
0x365: {  	_ =	swait.ge [sflag:s20], $0x8000  }
0x366: {  	s25 =	simm.s32 $0xFFFFFFFF;
	p0 =	por $0x0, $0x0;
	[sflag:s20] =	ssyncset.done $0x0  }
0x367: {  	s28 =	simm.s32 $0x0;
	s26 =	simm.s32 $0x0;
	[sflag:s20] =	ssyncadd.s32 $0xFFFF8000  }
.LBB2_60:
0x368: {  	(xrf0) =	vmax.scan.msk.u32 $0xffff, v5;
	_ =	sdelay $0x5  }
0x369: {  	v5, _, _ =	vpop (xrf0)  }
0x36a: {  	(v2sf) =	vpush v5, $0xF;
	_ =	sdelay $0xe  }
0x36b: {  	s0 =	spop (v2sf)  }
0x36c: {  	p2 =	seq.s32 s0, $0x80000010;
	p3 =	sgt.u32 s0, $0x8000000F;
	s0 =	smov.u32 s24  }
0x36d: {  	s0 =	smov.u32 @p3 s29  }
0x36e: {  	s28 =	sadd.s32 $0x1, s28;
	s24 =	smov.u32 @p1 s0;
	s0 =	sadd.s32 $0xFFFFFFFF, s29  }
0x36f: {  	s0 =	smov.u32 @p3 s25;
	p3 =	seq.s32 s28, $0x20  }
.Ltmp76:
0x370: {  	_ = 	snop;
	(pc) =	sbr.rel @p3 .LBB2_61-.Ltmp76, $4  }
0x371: {  	_ = 	snop  }
0x372: {  	p2 =	por !p1, !p2  }
0x373: {  	p2 =	por !p2, !p2  }
0x374: {  	p0 =	por p0, p2;
	s26 =	smov.u32 @p2 s29;
	s25 =	smov.u32 @p1 s0  }
.LBB2_56:
0x375: {  	p1 =	sgt.u32 s25, s24;
	p2 =	por !p0, !p0  }
0x376: {  	p1 =	por !p1, !p2  }
0x377: {  	p1 =	por !p1, !p1  }
.Ltmp77:
0x378: {  	_ = 	snop;
	(pc) =	sbr.rel @!p1 .LBB2_60-.Ltmp77, $4  }
0x379: {  	s0 =	ssub.s32 s25, s24  }
0x37a: {  	s29 =	sshrl.u32 s0, $0x1  }
0x37b: {  	s0 =	sand.u32 $0x1, s0;
	s29 =	sadd.s32 s24, s29  }
0x37c: {  	v5 =	vimm.s32 $0x80000000;
	s29 =	sadd.s32 s0, s29  }
0x37d: {  	s0 =	simm.s32 $0x8000  }
0x37e: {  	v7 =	vld [tilespmem:s0+$0x0];
	_ =	sdelay $0x3  }
0x37f: {  	s31 =	simm.s32 $0x8800  }
0x380: {  	v8 =	vld [tilespmem:s31+$0x0];
	v9 =	vshra.s32 v7, $0x1F  }
0x381: {  	v9 =	vand.u32 $0x7FFFFFFF, v9  }
0x382: {  	v7 =	vxor.u32 v9, v7  }
0x383: {  	v5 =	vmov s29;
	v7 =	vxor.u32 $0x80000000, v7  }
0x384: {  	vm0 =	vge.u32 v7, v5  }
0x385: {  	v6 =	vimm.s32 $0x0;
	s30 =	simm.s32 $0x9000;
	s0 =	simm.s32 $0x2;
	v9 =	vshra.s32 v8, $0x1F;
	v7 =	vmpcnt.ones.xlane vm0  }
.LBB2_58:
0x386: {  	s0 =	sadd.s32 $0x1, s0  }
0x387: {  	v10 =	vld [tilespmem:s30+$0x0];
	v9 =	vand.u32 $0x7FFFFFFF, v9;
	v6 =	vadd.s32 v6, v7;
	p2 =	slt.u32 s0, $0xF  }
.Ltmp78:
0x388: {  	v7 =	vxor.u32 v9, v8;
	(pc) =	sbr.rel @p2 .LBB2_58-.Ltmp78, $4  }
0x389: {  	v7 =	vxor.u32 $0x80000000, v7  }
0x38a: {  	vm0 =	vge.u32 v7, v5  }
0x38b: {  	v7 =	vmpcnt.ones.xlane vm0  }
0x38c: {  	s30 =	sadd.s32 $0x800, s30;
	v9 =	vshra.s32 v10, $0x1F;
	v8 =	vmov v10  }
0x38d: {  	v10 =	vld [tilespmem:s30+$0x0];
	_ =	sdelay $0x4  }
0x38e: {  	v9 =	vand.u32 $0x7FFFFFFF, v9;
	v11 =	vshra.s32 v10, $0x1F  }
0x38f: {  	v8 =	vxor.u32 v9, v8;
	v61 =	vand.u32 $0x7FFFFFFF, v11  }
0x390: {  	v8 =	vxor.u32 $0x80000000, v8;
	v9 =	vxor.u32 v61, v10  }
0x391: {  	vm0 =	vge.u32 v8, v5;
	v62 =	vxor.u32 $0x80000000, v9  }
.Ltmp79:
0x392: {  	v63 =	vmpcnt.ones.xlane vm0;
	vm15 =	vge.u32 v62, v5;
	(pc) =	sbr.rel .LBB2_60-.Ltmp79, $4  }
0x393: {  	v5 =	vadd.s32 v6, v7;
	v6 =	vmpcnt.ones.xlane vm15  }
0x394: {  	v5 =	vadd.s32 v5, v63  }
0x395: {  	v5 =	vadd.s32 v5, v6  }
0x396: {  	v5 =	vxor.u32 $0x80000000, v5  }
.LBB2_61:
0x397: {  	s24 =	smov.u32 @p0 s26  }
0x398: {  	v5 =	vmov s24  }
0x399: {  	s0 =	simm.s32 $0x0;
	v5 =	vxor.u32 $0x80000000, v5  }
0x39a: {  	v7 =	vld [tilespmem:s0+$0x8000];
	v6 =	vbroadcast v5, $0x0  }
0x39b: {  	v8 =	vld [tilespmem:s0+$0x8010]  }
0x39c: {  	v5 =	vshra.s32 v6, $0x1F  }
0x39d: {  	v9 =	vand.u32 $0x7FFFFFFF, v5  }
0x39e: {  	v5 =	vimm.s32 $0x0;
	v6 =	vxor.u32 v6, v9  }
0x39f: {  	s25 =	simm.s32 $0x20;
	v11 =	vshll.u32 v5, $0x5;
	vm0 =	vge.f32 v7, v6  }
0x3a0: {  	v9 =	vld [tilespmem:s25+$0x8000];
	vm1 =	vge.f32 v8, v6;
	v12 =	vor.u32 v0, v11  }
0x3a1: {  	v10 =	vld [tilespmem:s25+$0x8010];
	v11 =	vor.u32 v1, v11  }
0x3a2: {  	v13 =	vsel vm0, $0x1, v2  }
0x3a3: {  	s0 =	simm.s32 $0x100;
	v14 =	vsel vm1, $0x1, v2;
	v13 =	vadd.s32 v13, v5  }
.LBB2_62:
0x3a4: {  	v15 =	vshll.u32 v13, $0x5  }
0x3a5: {  	s25 =	sshra.s32 s0, $0x2;
	[tilespmem:v12+s18+$0x0] =	vst.idx.msk vm0, v7;
	vm0 =	vge.f32 v9, v6;
	v5 =	vadd.s32 v14, v5;
	v7 =	vmov v9;
	p0 =	sne.s32 s0, $0x1FF80  }
.Ltmp80:
0x3a6: {  	s0 =	sadd.s32 $0x80, s0;
	v9 =	vld [tilespmem:s25+$0x8000];
	v12 =	vor.u32 v0, v15;
	v14 =	vshll.u32 v5, $0x5;
	[tilespmem:v11+s18+$0x0] =	vst.idx.msk vm1, v8;
	vm1 =	vge.f32 v10, v6;
	(pc) =	sbr.rel @p0 .LBB2_62-.Ltmp80, $3  }
0x3a7: {  	v8 =	vmov v10;
	v11 =	vor.u32 v1, v14;
	v10 =	vld [tilespmem:s25+$0x8010];
	_ =	sdelay $0x1  }
0x3a8: {  	v14 =	vsel vm0, $0x1, v2  }
0x3a9: {  	v13 =	vadd.s32 v14, v13;
	v14 =	vsel vm1, $0x1, v2  }
0x3aa: {  	vm2 =	vge.f32 v9, v6  }
0x3ab: {  	vm3 =	vge.f32 v10, v6;
	v6 =	vsel vm2, $0x1, v2  }
0x3ac: {  	v14 =	vadd.s32 v14, v5;
	v5 =	vadd.s32 v6, v13;
	v6 =	vsel vm3, $0x1, v2  }
0x3ad: {  	v6 =	vadd.s32 v6, v14;
	(xrf0) =	vadd.scan.msk.s32 $0xffff, v5  }
0x3ae: {  	(xrf0) =	vadd.scan.msk.s32 $0xffff, v6;
	_ =	sdelay $0x4  }
0x3af: {  	v15 =	vxor.u32 $0x80000000, v5;
	v60, _, _ =	vpop (xrf0)  }
0x3b0: {  	v59 =	vxor.u32 $0x80000000, v6;
	(xrf0) =	vmax.scan.msk.u32 $0xffff, v15;
	v16, _, _ =	vpop (xrf0);
	(v2sf) =	vpush v60, $0xF  }
0x3b1: {  	(xrf0) =	vmax.scan.msk.u32 $0xffff, v59;
	(v2sf) =	vpush v16, $0xF;
	_ =	sdelay $0x4  }
0x3b2: {  	v61, _, _ =	vpop (xrf0)  }
0x3b3: {  	(v2sf) =	vpush v61, $0xF;
	v62, _, _ =	vpop (xrf0)  }
0x3b4: {  	(v2sf) =	vpush v62, $0xF;
	_ =	sdelay $0x6  }
0x3b5: {  	s0 =	spop (v2sf)  }
0x3b6: {  	v63 =	vshll.u32 v13, $0x5;
	s25 =	spop (v2sf)  }
0x3b7: {  	v13 =	vor.u32 v0, v63;
	v14 =	vshll.u32 v14, $0x5;
	s25 =	sadd.s32 s0, s25  }
0x3b8: {  	v14 =	vor.u32 v1, v14;
	p0 =	slt.s32 s25, $0x200  }
.Ltmp81:
0x3b9: {  	_ = 	snop;
	(pc) =	sbr.rel @p0 .LBB2_64-.Ltmp81, $4  }
0x3ba: {  	[tilespmem:v12+s18+$0x0] =	vst.idx.msk vm0, v7  }
0x3bb: {  	[tilespmem:v11+s18+$0x0] =	vst.idx.msk vm1, v8  }
0x3bc: {  	[tilespmem:v13+s18+$0x0] =	vst.idx.msk vm2, v9;
	s0 =	spop (v2sf)  }
0x3bd: {  	[tilespmem:v14+s18+$0x0] =	vst.idx.msk vm3, v10;
	s25 =	spop (v2sf)  }
0x3be: {  	s0 =	sxor.u32 $0x80000000, s0;
	s25 =	sxor.u32 $0x80000000, s25  }
0x3bf: {  	p0 =	sgt.s32 s0, s25  }
0x3c0: {  	s25 =	smov.u32 @p0 s0  }
0x3c1: {  	s0 =	sadd.s32 $0x1, s25  }
0x3c2: {  	s25 =	sshrl.u32 s0, $0x1  }
0x3c3: {  	p0 =	seq.s32 s25, $0x0  }
.Ltmp82:
0x3c4: {  	_ = 	snop;
	(pc) =	sbr.rel @p0 .LBB2_130-.Ltmp82, $1  }
0x3c5: {  	_ =	sdelay $0x3  }
0x3c6: {  	p1 =	seq.s32 s25, $0x1  }
.Ltmp83:
0x3c7: {  	_ = 	snop;
	(pc) =	sbr.rel @p1 .LBB2_135-.Ltmp83, $4  }
0x3c8: {  	s26 =	simm.s32 $0x10020  }
0x3c9: {  	v11 =	vld [tilespmem:s26+$0x10]  }
0x3ca: {  	v9 =	vld [tilespmem:s26+$0x0]  }
0x3cb: {  	v7 =	vimm.s32 $0x0;
	s29 =	simm.s32 $0x1;
	s0 =	sadd.s32 $0xFFFFFFFF, s25;
	p0 =	por $0x0, $0x0;
	v8 =	vld [tilespmem:s26+$0xFFFFFFE0]  }
0x3cc: {  	v12 =	vld [tilespmem:s26+$0xFFFFFFF0];
	_ =	sdelay $0x1  }
0x3cd: {  	s28 =	simm.s32 $0x0;
	vm0 =	vgt.s32 v6, s29  }
0x3ce: {  	vm1 =	vgt.s32 v5, s29;
	vm2 =	vgt.s32 v5, s28;
	vm3 =	vgt.s32 v6, s28  }
0x3cf: {  	p1 =	seq.s32 s0, $0x1;
	v14 =	vshra.s32 v11, $0x1F;
	v13 =	vshra.s32 v9, $0x1F;
	v10 =	vshra.s32 v8, $0x1F  }
.Ltmp84:
0x3d0: {  	v14 =	vand.u32 $0x7FFFFFFF, v14;
	v10 =	vand.u32 $0x7FFFFFFF, v10;
	v15 =	vshra.s32 v12, $0x1F;
	(pc) =	sbr.rel @p1 .LBB2_137-.Ltmp84, $4  }
0x3d1: {  	s28 =	simm.s32 $0x10060;
	v13 =	vand.u32 $0x7FFFFFFF, v13;
	v8 =	vxor.u32 v10, v8;
	v15 =	vand.u32 $0x7FFFFFFF, v15  }
0x3d2: {  	v9 =	vxor.u32 v13, v9;
	v10 =	vld [tilespmem:s28+$0x10];
	v8 =	vxor.u32 $0x80000000, v8;
	v15 =	vxor.u32 v15, v12  }
0x3d3: {  	v12 =	vxor.u32 v14, v11;
	v11 =	vld [tilespmem:s28+$0x0];
	v14 =	vnsel vm2, $0x0, v8;
	v15 =	vxor.u32 $0x80000000, v15  }
0x3d4: {  	s31 =	sadd.s32 $0xFFFFFFFF, s0;
	p0 =	por $0x1, $0x1;
	s30 =	simm.s32 $0x1;
	v8 =	vld [tilespmem:s28+$0xFFFFFFE0];
	[tilespmem:s26+$0xFFFFFFE0] =	vst v14;
	v14 =	vmax.u32 v7, v14;
	v13 =	vnsel vm3, $0x0, v15;
	v15 =	vxor.u32 $0x80000000, v9  }
.LBB2_138:
0x3d5: {  	p1 =	seq.s32 s31, $0x1;
	v9 =	vld [tilespmem:s28+$0xFFFFFFF0];
	[tilespmem:s26+$0xFFFFFFF0] =	vst v13;
	v13 =	vmax.u32 v14, v13;
	v14 =	vnsel vm1, $0x0, v15;
	v12 =	vxor.u32 $0x80000000, v12  }
0x3d6: {  	s30 =	sadd.s32 $0x2, s30;
	[tilespmem:s26+$0x0] =	vst v14;
	v13 =	vmax.u32 v13, v14;
	v12 =	vnsel vm0, $0x0, v12  }
0x3d7: {  	s0 =	sadd.s32 $0xFFFFFFFF, s30;
	vm0 =	vgt.s32 v6, s30;
	[tilespmem:s26+$0x10] =	vst v12;
	v13 =	vmax.u32 v13, v12;
	s26 =	smov.u32 s28  }
0x3d8: {  	vm1 =	vgt.s32 v5, s30;
	vm2 =	vgt.s32 v5, s0;
	vm3 =	vgt.s32 v6, s0  }
0x3d9: {  	v15 =	vshra.s32 v10, $0x1F;
	v14 =	vshra.s32 v11, $0x1F;
	v12 =	vshra.s32 v8, $0x1F  }
.Ltmp85:
0x3da: {  	v15 =	vand.u32 $0x7FFFFFFF, v15;
	v12 =	vand.u32 $0x7FFFFFFF, v12;
	v16 =	vshra.s32 v9, $0x1F;
	(pc) =	sbr.rel @!p1 .LBB2_138-.Ltmp85, $4  }
0x3db: {  	s28 =	sadd.s32 $0x40, s28;
	v14 =	vand.u32 $0x7FFFFFFF, v14;
	v8 =	vxor.u32 v12, v8;
	v12 =	vand.u32 $0x7FFFFFFF, v16  }
0x3dc: {  	v8 =	vxor.u32 $0x80000000, v8;
	v9 =	vxor.u32 v12, v9;
	v12 =	vxor.u32 v15, v10;
	v10 =	vld [tilespmem:s28+$0x10]  }
0x3dd: {  	v16 =	vxor.u32 v14, v11;
	v15 =	vnsel vm2, $0x0, v8;
	v9 =	vxor.u32 $0x80000000, v9;
	v11 =	vld [tilespmem:s28+$0x0]  }
0x3de: {  	s31 =	sadd.s32 $0xFFFFFFFF, s31;
	v8 =	vld [tilespmem:s28+$0xFFFFFFE0];
	[tilespmem:s26+$0xFFFFFFE0] =	vst v15;
	v14 =	vmax.u32 v13, v15;
	v13 =	vnsel vm3, $0x0, v9;
	v15 =	vxor.u32 $0x80000000, v16  }
0x3df: {  	_ =	sdelay $0x2  }
0x3e0: {  	v9 =	vmov v11;
	v11 =	vmov v10  }
.LBB2_140:
0x3e1: {  	s0 =	sadd.s32 @p0 $0x2, s30;
	v10 =	vld [tilespmem:s28+$0xFFFFFFF0];
	v14 =	vmax.u32 @p0 v14, v13;
	v15 =	vnsel @p0 vm1, $0x0, v15  }
0x3e2: {  	v12 =	vxor.u32 @p0 $0x80000000, v12;
	v16 =	vshra.s32 v11, $0x1F;
	s29 =	smov.u32 @p0 s0;
	v14 =	vmax.u32 @p0 v14, v15  }
0x3e3: {  	v12 =	vnsel @p0 vm0, $0x0, v12;
	v16 =	vand.u32 $0x7FFFFFFF, v16;
	vm14 =	vgt.s32 v6, s29  }
0x3e4: {  	s0 =	sadd.s32 $0xFFFFFFFF, s29;
	v14 =	vmax.u32 @p0 v14, v12;
	vm3 =	vgt.s32 v5, s29;
	v63 =	vxor.u32 v16, v11  }
0x3e5: {  	vm15 =	vgt.s32 v5, s0;
	vm2 =	vgt.s32 v6, s0;
	v5 =	vshra.s32 v8, $0x1F  }
0x3e6: {  	v6 =	vshra.s32 v9, $0x1F;
	v5 =	vand.u32 $0x7FFFFFFF, v5;
	v62 =	vshra.s32 v10, $0x1F  }
0x3e7: {  	[tilespmem:s26+$0xFFFFFFF0] =	vst @p0 v13;
	v7 =	vpsel p0, v14, v7;
	v5 =	vxor.u32 v5, v8;
	v8 =	vand.u32 $0x7FFFFFFF, v62  }
0x3e8: {  	[tilespmem:s26+$0x0] =	vst @p0 v15;
	v6 =	vand.u32 $0x7FFFFFFF, v6;
	v5 =	vxor.u32 $0x80000000, v5;
	v8 =	vxor.u32 v8, v10  }
.Ltmp86:
0x3e9: {  	[tilespmem:s26+$0x10] =	vst @p0 v12;
	v6 =	vxor.u32 v6, v9;
	v5 =	vnsel vm15, $0x0, v5;
	v8 =	vxor.u32 $0x80000000, v8;
	(pc) =	sbr.rel .LBB2_131-.Ltmp86, $4  }
0x3ea: {  	v6 =	vxor.u32 $0x80000000, v6;
	[tilespmem:s28+$0xFFFFFFE0] =	vst v5;
	v5 =	vmax.u32 v7, v5;
	v7 =	vnsel vm2, $0x0, v8  }
0x3eb: {  	v6 =	vnsel vm3, $0x0, v6;
	[tilespmem:s28+$0xFFFFFFF0] =	vst v7;
	v5 =	vmax.u32 v5, v7;
	v7 =	vxor.u32 $0x80000000, v63  }
0x3ec: {  	[tilespmem:s28+$0x0] =	vst v6;
	v5 =	vmax.u32 v5, v6;
	v6 =	vnsel vm14, $0x0, v7  }
0x3ed: {  	[tilespmem:s28+$0x10] =	vst v6;
	v5 =	vmax.u32 v5, v6  }
.LBB2_64:
.Ltmp87:
0x3ee: {  	(pc) =	sbr.rel .LBB2_65-.Ltmp87, $3  }
0x3ef: {  	_ =	sdelay $0x1  }
0x3f0: {  	s25 =	simm.s32 $0xFFFFFFFF;
	p0 =	por $0x0, $0x0  }
0x3f1: {  	s24 =	simm.s32 $0x0;
	s26 =	simm.s32 $0x0;
	s28 =	simm.s32 $0x0  }
.LBB2_69:
0x3f2: {  	(xrf0) =	vmax.scan.msk.u32 $0xffff, v5;
	_ =	sdelay $0x5  }
0x3f3: {  	v5, _, _ =	vpop (xrf0)  }
0x3f4: {  	(v2sf) =	vpush v5, $0xF;
	_ =	sdelay $0xe  }
0x3f5: {  	s0 =	spop (v2sf)  }
0x3f6: {  	p2 =	seq.s32 s0, $0x80000200;
	p3 =	sgt.u32 s0, $0x800001FF;
	s0 =	smov.u32 s24  }
0x3f7: {  	s0 =	smov.u32 @p3 s29  }
0x3f8: {  	s28 =	sadd.s32 $0x1, s28;
	s24 =	smov.u32 @p1 s0;
	s0 =	sadd.s32 $0xFFFFFFFF, s29  }
0x3f9: {  	s0 =	smov.u32 @p3 s25;
	p3 =	seq.s32 s28, $0x20  }
.Ltmp88:
0x3fa: {  	_ = 	snop;
	(pc) =	sbr.rel @p3 .LBB2_70-.Ltmp88, $4  }
0x3fb: {  	_ = 	snop  }
0x3fc: {  	p2 =	por !p1, !p2  }
0x3fd: {  	p2 =	por !p2, !p2  }
0x3fe: {  	p0 =	por p0, p2;
	s26 =	smov.u32 @p2 s29;
	s25 =	smov.u32 @p1 s0  }
.LBB2_65:
0x3ff: {  	p1 =	sgt.u32 s25, s24;
	p2 =	por !p0, !p0  }
0x400: {  	p1 =	por !p1, !p2  }
0x401: {  	p1 =	por !p1, !p1  }
.Ltmp89:
0x402: {  	_ = 	snop;
	(pc) =	sbr.rel @!p1 .LBB2_69-.Ltmp89, $4  }
0x403: {  	s0 =	ssub.s32 s25, s24  }
0x404: {  	s29 =	sshrl.u32 s0, $0x1  }
0x405: {  	s0 =	sand.u32 $0x1, s0;
	s29 =	sadd.s32 s24, s29  }
0x406: {  	v5 =	vimm.s32 $0x80000000;
	s29 =	sadd.s32 s0, s29  }
0x407: {  	s0 =	simm.s32 $0x8020  }
0x408: {  	v8 =	vld [tilespmem:s0+$0x0]  }
0x409: {  	v9 =	vld [tilespmem:s0+$0x10]  }
0x40a: {  	v10 =	vld [tilespmem:s0+$0xFFFFFFE0]  }
0x40b: {  	v11 =	vld [tilespmem:s0+$0xFFFFFFF0];
	_ =	sdelay $0x2  }
0x40c: {  	v5 =	vmov s29  }
0x40d: {  	v6 =	vimm.s32 $0x0;
	v7 =	vshra.s32 v8, $0x1F;
	v12 =	vshra.s32 v10, $0x1F  }
0x40e: {  	v13 =	vshra.s32 v11, $0x1F;
	v14 =	vshra.s32 v9, $0x1F;
	v12 =	vand.u32 $0x7FFFFFFF, v12  }
0x40f: {  	s30 =	simm.s32 $0x0;
	s31 =	simm.s32 $0x8060;
	v15 =	vand.u32 $0x7FFFFFFF, v7;
	v14 =	vand.u32 $0x7FFFFFFF, v14;
	v7 =	vimm.s32 $0x0  }
.LBB2_67:
0x410: {  	v13 =	vand.u32 $0x7FFFFFFF, v13;
	v15 =	vxor.u32 v15, v8;
	v8 =	vld [tilespmem:s31+$0x0];
	v14 =	vxor.u32 v14, v9  }
0x411: {  	v12 =	vxor.u32 v12, v10;
	v9 =	vld [tilespmem:s31+$0x10];
	v11 =	vxor.u32 v13, v11;
	v13 =	vxor.u32 $0x80000000, v15  }
0x412: {  	v12 =	vxor.u32 $0x80000000, v12;
	v14 =	vxor.u32 $0x80000000, v14;
	v10 =	vld [tilespmem:s31+$0xFFFFFFE0];
	v15 =	vxor.u32 $0x80000000, v11  }
0x413: {  	s30 =	sadd.s32 $0x1, s30;
	vm0 =	vge.u32 v12, v5;
	vm2 =	vge.u32 v13, v5;
	v11 =	vld [tilespmem:s31+$0xFFFFFFF0];
	vm1 =	vge.u32 v15, v5  }
0x414: {  	p2 =	slt.u32 s30, $0x1FF;
	v12 =	vmpcnt.ones.xlane vm0;
	vm0 =	vge.u32 v14, v5;
	v13 =	vmpcnt.ones.xlane vm1  }
.Ltmp90:
0x415: {  	v14 =	vmpcnt.ones.xlane vm2;
	v15 =	vmpcnt.ones.xlane vm0;
	(pc) =	sbr.rel @p2 .LBB2_67-.Ltmp90, $4  }
0x416: {  	v6 =	vadd.s32 v6, v12;
	v7 =	vadd.s32 v7, v13  }
0x417: {  	v16 =	vshra.s32 v8, $0x1F;
	v6 =	vadd.s32 v14, v6;
	v7 =	vadd.s32 v15, v7  }
0x418: {  	v14 =	vshra.s32 v9, $0x1F;
	v12 =	vshra.s32 v10, $0x1F;
	v13 =	vshra.s32 v11, $0x1F  }
0x419: {  	s31 =	sadd.s32 $0x40, s31;
	v15 =	vand.u32 $0x7FFFFFFF, v16;
	v14 =	vand.u32 $0x7FFFFFFF, v14;
	v12 =	vand.u32 $0x7FFFFFFF, v12  }
0x41a: {  	v13 =	vand.u32 $0x7FFFFFFF, v13;
	v8 =	vxor.u32 v15, v8;
	v9 =	vxor.u32 v14, v9  }
0x41b: {  	v10 =	vxor.u32 v12, v10;
	v11 =	vxor.u32 v13, v11;
	v8 =	vxor.u32 $0x80000000, v8  }
0x41c: {  	v10 =	vxor.u32 $0x80000000, v10;
	v9 =	vxor.u32 $0x80000000, v9;
	v11 =	vxor.u32 $0x80000000, v11  }
0x41d: {  	vm0 =	vge.u32 v10, v5;
	vm2 =	vge.u32 v8, v5;
	vm1 =	vge.u32 v11, v5  }
0x41e: {  	vm15 =	vge.u32 v9, v5;
	v62 =	vmpcnt.ones.xlane vm0;
	v63 =	vmpcnt.ones.xlane vm1  }
.Ltmp91:
0x41f: {  	v5 =	vmpcnt.ones.xlane vm2;
	v9 =	vmpcnt.ones.xlane vm15;
	(pc) =	sbr.rel .LBB2_69-.Ltmp91, $4  }
0x420: {  	v6 =	vadd.s32 v6, v62;
	v7 =	vadd.s32 v7, v63  }
0x421: {  	v5 =	vadd.s32 v5, v6;
	v6 =	vadd.s32 v9, v7  }
0x422: {  	v5 =	vadd.s32 v5, v6  }
0x423: {  	v5 =	vxor.u32 $0x80000000, v5  }
.LBB2_70:
.Ltmp92:
0x424: {  	(pc) =	sbr.rel .LBB2_71-.Ltmp92, $2  }
0x425: {  	_ =	sdelay $0x2  }
0x426: {  	s24 =	smov.u32 @p0 s26  }
.LBB2_130:
0x427: {  	v5 =	vimm.s32 $0x0  }
.LBB2_131:
0x428: {  	(xrf0) =	vmax.scan.msk.u32 $0xffff, v5;
	_ =	sdelay $0x5  }
0x429: {  	v5, _, _ =	vpop (xrf0)  }
0x42a: {  	(v2sf) =	vpush v5, $0xF;
	_ =	sdelay $0xa  }
.Ltmp93:
0x42b: {  	_ = 	snop;
	(pc) =	sbr.rel .LBB2_132-.Ltmp93, $3  }
0x42c: {  	_ =	sdelay $0x1  }
0x42d: {  	s28 =	simm.s32 $0x0  }
0x42e: {  	p0 =	por $0x0, $0x0;
	s29 =	smov.u32 s24;
	s26 =	spop (v2sf)  }
.LBB2_133:
0x42f: {  	v5 =	vpsel p1, $0x80000000, v3  }
.LBB2_142:
0x430: {  	(xrf0) =	vmax.scan.msk.u32 $0xffff, v5;
	_ =	sdelay $0x5  }
0x431: {  	v5, _, _ =	vpop (xrf0)  }
0x432: {  	(v2sf) =	vpush v5, $0xF;
	_ =	sdelay $0xe  }
0x433: {  	s0 =	spop (v2sf)  }
0x434: {  	p2 =	seq.s32 s0, $0x80000200;
	p3 =	sgt.u32 s0, $0x800001FF;
	s0 =	smov.u32 s24  }
0x435: {  	s0 =	smov.u32 @p3 s30  }
0x436: {  	s28 =	sadd.s32 $0x1, s28;
	s24 =	smov.u32 @p1 s0;
	s0 =	sadd.s32 $0xFFFFFFFF, s30  }
0x437: {  	s0 =	smov.u32 @p3 s26;
	p3 =	seq.s32 s28, $0x20  }
.Ltmp94:
0x438: {  	_ = 	snop;
	(pc) =	sbr.rel @p3 .LBB2_143-.Ltmp94, $4  }
0x439: {  	_ = 	snop  }
0x43a: {  	p2 =	por !p1, !p2  }
0x43b: {  	p2 =	por !p2, !p2  }
0x43c: {  	p0 =	por p0, p2;
	s29 =	smov.u32 @p2 s30;
	s26 =	smov.u32 @p1 s0  }
.LBB2_132:
0x43d: {  	p1 =	sgt.u32 s26, s24;
	p2 =	por !p0, !p0  }
0x43e: {  	p1 =	por !p1, !p2  }
0x43f: {  	p1 =	por !p1, !p1  }
0x440: {  	p2 =	seq.s32 @p1 s25, $0x0  }
0x441: {  	p2 =	por !p1, p2  }
.Ltmp95:
0x442: {  	_ = 	snop;
	(pc) =	sbr.rel @p2 .LBB2_133-.Ltmp95, $4  }
0x443: {  	s0 =	ssub.s32 s26, s24  }
0x444: {  	s30 =	sshrl.u32 s0, $0x1  }
0x445: {  	s0 =	sand.u32 $0x1, s0;
	s30 =	sadd.s32 s24, s30  }
0x446: {  	s30 =	sadd.s32 s0, s30  }
0x447: {  	s0 =	simm.s32 $0x10020  }
0x448: {  	p2 =	seq.s32 s25, $0x1;
	v11 =	vld [tilespmem:s0+$0x0]  }
.Ltmp96:
0x449: {  	v7 =	vld [tilespmem:s0+$0xFFFFFFE0];
	(pc) =	sbr.rel @p2 .LBB2_146-.Ltmp96, $3  }
0x44a: {  	v10 =	vld [tilespmem:s0+$0xFFFFFFF0]  }
0x44b: {  	v8 =	vld [tilespmem:s0+$0x10];
	_ =	sdelay $0x1  }
0x44c: {  	v5 =	vmov s30;
	v6 =	vimm.s32 $0x0;
	s31 =	sadd.s32 $0xFFFFFFFF, s25;
	v9 =	vimm.s32 $0x0;
	s0 =	simm.s32 $0x10060  }
.LBB2_145:
0x44d: {  	v12 =	vld [tilespmem:s0+$0x0];
	p2 =	seq.s32 s31, $0x1  }
.Ltmp97:
0x44e: {  	vm0 =	vge.u32 v7, v5;
	vm2 =	vge.u32 v11, v5;
	v7 =	vld [tilespmem:s0+$0xFFFFFFE0];
	vm1 =	vge.u32 v10, v5;
	(pc) =	sbr.rel @!p2 .LBB2_145-.Ltmp97, $4  }
0x44f: {  	s31 =	sadd.s32 $0xFFFFFFFF, s31;
	v16 =	vmpcnt.ones.xlane vm0;
	v10 =	vld [tilespmem:s0+$0xFFFFFFF0];
	v13 =	vmpcnt.ones.xlane vm1;
	vm0 =	vge.u32 v8, v5  }
0x450: {  	v14 =	vmpcnt.ones.xlane vm2;
	v8 =	vld [tilespmem:s0+$0x10];
	v15 =	vmpcnt.ones.xlane vm0  }
0x451: {  	v6 =	vadd.s32 v6, v16;
	v9 =	vadd.s32 v9, v13  }
0x452: {  	s0 =	sadd.s32 $0x40, s0;
	v6 =	vadd.s32 v14, v6;
	v9 =	vadd.s32 v15, v9;
	v11 =	vmov v12  }
.LBB2_146:
0x453: {  	_ = 	snop  }
0x454: {  	vm0 =	vge.u32 v7, v5;
	vm2 =	vge.u32 v11, v5;
	vm1 =	vge.u32 v10, v5  }
0x455: {  	v7 =	vmpcnt.ones.xlane vm0;
	v10 =	vmpcnt.ones.xlane vm1;
	vm15 =	vge.u32 v8, v5  }
0x456: {  	v5 =	vmpcnt.ones.xlane vm2;
	v8 =	vmpcnt.ones.xlane vm15  }
0x457: {  	v6 =	vadd.s32 v6, v7;
	v7 =	vadd.s32 v9, v10  }
0x458: {  	v5 =	vadd.s32 v5, v6;
	v6 =	vadd.s32 v8, v7  }
.Ltmp98:
0x459: {  	(pc) =	sbr.rel .LBB2_142-.Ltmp98, $3  }
0x45a: {  	_ =	sdelay $0x1  }
0x45b: {  	v5 =	vadd.s32 v5, v6  }
0x45c: {  	v5 =	vxor.u32 $0x80000000, v5  }
.LBB2_143:
0x45d: {  	s24 =	smov.u32 @p0 s29  }
.LBB2_71:
0x45e: {  	s25 =	simm.s32 $0x8020  }
0x45f: {  	v5 =	vmov s24;
	v8 =	vld [tilespmem:s25+$0xFFFFFFE0]  }
0x460: {  	v5 =	vxor.u32 $0x80000000, v5;
	v7 =	vld [tilespmem:s25+$0x10]  }
0x461: {  	v9 =	vld [tilespmem:s25+$0x0];
	v5 =	vbroadcast v5, $0x0  }
0x462: {  	v10 =	vld [tilespmem:s25+$0xFFFFFFF0]  }
0x463: {  	v6 =	vshra.s32 v5, $0x1F  }
0x464: {  	v6 =	vand.u32 $0x7FFFFFFF, v6  }
0x465: {  	s24 =	simm.s32 $0x8060;
	v5 =	vxor.u32 v5, v6;
	v11 =	vadd.f32 v7, v4  }
0x466: {  	v6 =	vld [tilespmem:s24+$0xFFFFFFE0];
	v12 =	vadd.f32 v9, v4;
	v13 =	vadd.f32 v8, v4;
	vm1 =	vge.f32 v7, v5  }
0x467: {  	v14 =	vadd.f32 v10, v4;
	vm0 =	vge.f32 v9, v5;
	v7 =	vld [tilespmem:s24+$0x10];
	v11 =	vsel vm1, v11, v4  }
0x468: {  	v9 =	vld [tilespmem:s24+$0x0];
	vm15 =	vge.f32 v8, v5;
	vm2 =	vge.f32 v10, v5;
	v12 =	vsel vm0, v12, v4;
	[tilespmem:s25+$0x10] =	vst v11  }
0x469: {  	s28 =	simm.s32 $0x4;
	s26 =	simm.s32 $0x8060;
	v8 =	vld [tilespmem:s24+$0xFFFFFFF0];
	v10 =	vsel vm15, v13, v4;
	v11 =	vsel vm2, v14, v4;
	[tilespmem:s25+$0x0] =	vst v12  }
.LBB2_72:
0x46a: {  	s28 =	sadd.s32 $0x4, s28  }
0x46b: {  	s24 =	sadd.s32 $0x40, s24;
	[tilespmem:s25+$0xFFFFFFF0] =	vst v11;
	v11 =	vmov v6;
	p0 =	slt.u32 s28, $0x7FC  }
.Ltmp99:
0x46c: {  	v6 =	vld [tilespmem:s24+$0xFFFFFFE0];
	v12 =	vadd.f32 v7, v4;
	[tilespmem:s25+$0xFFFFFFE0] =	vst v10;
	s25 =	smov.u32 s26;
	(pc) =	sbr.rel @p0 .LBB2_72-.Ltmp99, $4  }
0x46d: {  	vm1 =	vge.f32 v7, v5;
	s26 =	smov.u32 s24;
	vm0 =	vge.f32 v9, v5;
	v10 =	vadd.f32 v9, v4;
	v7 =	vld [tilespmem:s24+$0x10]  }
0x46e: {  	v13 =	vadd.f32 v11, v4;
	v9 =	vld [tilespmem:s24+$0x0];
	v14 =	vadd.f32 v8, v4;
	v12 =	vsel vm1, v12, v4  }
0x46f: {  	vm1 =	vge.f32 v11, v5;
	vm2 =	vge.f32 v8, v5;
	v8 =	vld [tilespmem:s24+$0xFFFFFFF0];
	v15 =	vsel vm0, v10, v4;
	[tilespmem:s25+$0x10] =	vst v12  }
0x470: {  	v10 =	vsel vm1, v13, v4;
	v11 =	vsel vm2, v14, v4;
	[tilespmem:s25+$0x0] =	vst v15  }
0x471: {  	_ = 	snop  }
0x472: {  	v12 =	vadd.f32 v7, v4  }
0x473: {  	[tilespmem:s25+$0xFFFFFFF0] =	vst v11;
	vm0 =	vge.f32 v7, v5;
	v60 =	vadd.f32 v9, v4  }
0x474: {  	[tilespmem:s25+$0xFFFFFFE0] =	vst v10;
	vm1 =	vge.f32 v9, v5;
	v61 =	vadd.f32 v8, v4;
	v62 =	vsel vm0, v12, v4  }
0x475: {  	v63 =	vadd.f32 v6, v4;
	vm14 =	vge.f32 v8, v5;
	v7 =	vsel vm1, v60, v4;
	[tilespmem:s26+$0x10] =	vst v62  }
0x476: {  	vm15 =	vge.f32 v6, v5;
	v5 =	vsel vm14, v61, v4;
	[tilespmem:s26+$0x0] =	vst v7  }
0x477: {  	v4 =	vsel vm15, v63, v4;
	[tilespmem:s26+$0xFFFFFFF0] =	vst v5  }
0x478: {  	s23 =	sadd.s32 $0x1, s23;
	[tilespmem:s26+$0xFFFFFFE0] =	vst v4  }
0x479: {  	[hbm4b:s11+s15] =	stream.strided.scatter [tilespmem:s19], [sflag:$0x4], $0x8000, s16, s15, $0x38;
	[tilespmem:$0x18080] =	vst v63  }
0x47a: {  	p0 =	sne.s32 s23, s12;
	_ =	swait.ge [sflag:s21], $0x8000  }
.Ltmp100:
0x47b: {  	[sflag:s21] =	ssyncset.done $0x0;
	(pc) =	sbr.rel @p0 .LBB2_1-.Ltmp100, $4  }
.Ltmp101:
0x47c: {  	[sflag:s21] =	ssyncadd.s32 $0xFFFF8000;
	(pc) =	sbr.rel @!p0 .LBB2_74-.Ltmp101, $4  }
0x47d: {  	_ =	swait.ge [sflag:s22], $0x8000  }
0x47e: {  	[sflag:s22] =	ssyncset.done $0x0  }
0x47f: {  	[sflag:s22] =	ssyncadd.s32 $0xFFFF8000  }
0x480: {  	_ = 	snop  }
.LBB2_81:
.Ltmp102:
0x481: {  	(pc) =	sbr.rel .LBB2_86-.Ltmp102, $2  }
0x482: {  	_ =	sdelay $0x2  }
0x483: {  	s28 =	simm.s32 $0x10020;
	s30 =	simm.s32 $0x1  }
.LBB2_99:
.Ltmp103:
0x484: {  	(pc) =	sbr.rel .LBB2_104-.Ltmp103, $2  }
0x485: {  	_ =	sdelay $0x2  }
0x486: {  	s28 =	simm.s32 $0x10020;
	s30 =	simm.s32 $0x1  }
.LBB2_117:
.Ltmp104:
0x487: {  	(pc) =	sbr.rel .LBB2_122-.Ltmp104, $2  }
0x488: {  	_ =	sdelay $0x2  }
0x489: {  	s28 =	simm.s32 $0x10020;
	s30 =	simm.s32 $0x1  }
.LBB2_135:
.Ltmp105:
0x48a: {  	(pc) =	sbr.rel .LBB2_140-.Ltmp105, $2  }
0x48b: {  	_ =	sdelay $0x2  }
0x48c: {  	s28 =	simm.s32 $0x10020;
	s30 =	simm.s32 $0x1  }
.LBB2_83:
.Ltmp106:
0x48d: {  	(pc) =	sbr.rel .LBB2_86-.Ltmp106, $2  }
0x48e: {  	_ =	sdelay $0x2  }
0x48f: {  	s30 =	simm.s32 $0x1;
	v9 =	vmov v11;
	v11 =	vmov v10  }
.LBB2_101:
.Ltmp107:
0x490: {  	(pc) =	sbr.rel .LBB2_104-.Ltmp107, $2  }
0x491: {  	_ =	sdelay $0x2  }
0x492: {  	s30 =	simm.s32 $0x1;
	v9 =	vmov v11;
	v11 =	vmov v10  }
.LBB2_119:
.Ltmp108:
0x493: {  	(pc) =	sbr.rel .LBB2_122-.Ltmp108, $2  }
0x494: {  	_ =	sdelay $0x2  }
0x495: {  	s30 =	simm.s32 $0x1;
	v9 =	vmov v11;
	v11 =	vmov v10  }
.LBB2_137:
.Ltmp109:
0x496: {  	(pc) =	sbr.rel .LBB2_140-.Ltmp109, $2  }
0x497: {  	_ =	sdelay $0x2  }
0x498: {  	s30 =	simm.s32 $0x1;
	v9 =	vmov v11;
	v11 =	vmov v10  }
.LBB2_74:
0x499: {  	_ =	sfence.sel $0x180000  }
0x49a: {  	[bflag:$0x0] =	sbarrier.arrive $0xFFFF  }
0x49b: {  	_ =	strace $0x90000047  }
0x49c: {  	[bflag:$0x2] =	sbarrier.arrive $0xFFFF  }
0x49d: {  	p0 =	sne.s32 s1, $0x0;
	s0 =	rddreg [dreg:$0x3]  }
0x49e: {  	s0 =	sadd.s32 @!p0 $0x100000, s0  }
0x49f: {  	[sflag:s0] =	ssyncadd.tile.s32 @!p0 $0x1;
	_ =	shalt  }
.Lfunc_end2:
_tile_overlayer_lowered:
.L_overlay_start_2:
0x4a0: {  	(tag) =	ssettag $0x2  }
0x4a1: {  	s0 =	rddreg [dreg:$0x0];
	s2 =	stileid.u32  }
0x4a2: {  	s1 =	rddreg [dreg:$0x1];
	p0 =	sne.s32 s2, $0x0  }
0x4a3: {  	s3 =	rddreg [dreg:$0x2];
	[bflag:$0x3] =	sbarrier.arrive $0xFFFF;
	s2 =	simm.s32 @!p0 $0x1C05  }
0x4a4: {  	[timem:s3], [sflag:s2] =	dma.local @!p0 [hbm:s0], s1  }
0x4a5: {  	s0 =	simm.s32 @!p0 $0x5  }
0x4a6: {  	_ =	swait.ge @!p0 [sflag:s0], s1  }
0x4a7: {  	s1 =	ssub.s32 @!p0 $0x0, s1;
	[sflag:s0] =	ssyncset.done @!p0 $0x0  }
0x4a8: {  	[sflag:s0] =	ssyncadd.s32 @!p0 s1  }
0x4a9: {  	[bflag:$0x3] =	sbarrier.arrive $0xFFFF  }
0x4aa: {  	_ =	shalt  }

</sc_bundles>
